<compile_context>
chip_gen: v7x
topology: tpu7x:2x2x1
jax: 0.10.2.dev20260603
libtpu: 0.0.44.dev20260713+nightly
codegen_flags: <defaults>
</compile_context>

<pallas_src>
import functools

import jax
import jax.numpy as jnp
from jax import lax
from jax.experimental import pallas as pl
from jax.experimental.pallas import tpu as pltpu
from jax.experimental.pallas import tpu_sc as plsc

VOCAB = 1000000
EMBED_DIM = 64
BATCH = 16384
HIST = 50
TOTAL = BATCH * HIST

NUM_CORES = 2
NUM_SUBCORES = 16
NUM_WORKERS = NUM_CORES * NUM_SUBCORES

RPB = 128
CBLK = BATCH // RPB
NBLOCKS = TOTAL // RPB
BPW = NBLOCKS // NUM_WORKERS
PER_WORKER = BPW * RPB
NBUF = 2

_mesh = plsc.VectorSubcoreMesh(core_axis_name="c", subcore_axis_name="s")


@functools.partial(
    pl.kernel,
    out_type=jax.ShapeDtypeStruct((HIST * 8, CBLK, 8, 128), jnp.float32),
    mesh=_mesh,
    scratch_types=[
        pltpu.VMEM((PER_WORKER,), jnp.int32),
        pltpu.VMEM((3, RPB, EMBED_DIM), jnp.float32),
        pltpu.VMEM((NBUF, 8, 8, 129), jnp.float32),
        pltpu.SemaphoreType.DMA,
        pltpu.SemaphoreType.DMA,
    ],
    compiler_params=pltpu.CompilerParams(
        use_tc_tiling_on_sc=False, needs_layout_passes=False
    ),
)
def _embed_lookup(idx_hbm, table_hbm, out_hbm, idx_v, rows_v, tbuf_v, gsem, osem):
    wid = lax.axis_index("s") * NUM_CORES + lax.axis_index("c")
    base_block = wid * BPW

    pltpu.sync_copy(idx_hbm.at[pl.ds(wid * PER_WORKER, PER_WORKER)], idx_v)

    lane = lax.iota(jnp.int32, 16)

    def fire_gather(b, s):
        pltpu.async_copy(
            table_hbm.at[idx_v.at[pl.ds(b * RPB, RPB)]], rows_v.at[s], gsem
        )

    def wait_gather(s):
        pltpu.make_async_copy(
            table_hbm.at[pl.ds(0, RPB)], rows_v.at[s], gsem
        ).wait()

    def out_dst(bg):
        i1 = bg // CBLK
        c = bg % CBLK
        return out_hbm.at[pl.ds(i1 * 8, 8), c]

    def tbuf_src(s):
        return tbuf_v.at[s, pl.ds(0, 8), pl.ds(0, 8), pl.ds(0, 128)]

    def fire_out(b, s):
        pltpu.async_copy(tbuf_src(s), out_dst(base_block + b), osem)

    def wait_out(s):
        pltpu.make_async_copy(tbuf_src(s), out_dst(base_block), osem).wait()

    rvec = [(lane + k * 16) // 8 for k in range(EMBED_DIM // 16)]
    drvec = [(lane + k * 16) % 8 for k in range(EMBED_DIM // 16)]

    def transpose_block(sr, st):
        sv = jnp.full((16,), st, jnp.int32)

        @plsc.parallel_loop(0, RPB, step=1, unroll=8)
        def _(j):
            jv = jnp.full((16,), j, jnp.int32)
            for k in range(EMBED_DIM // 16):
                vec = rows_v[sr, j, pl.ds(k * 16, 16)]
                plsc.store_scatter(tbuf_v, [sv, rvec[k], drvec[k], jv], vec)

    def step(b, sr, st):
        @pl.when(b + 2 < BPW)
        def _():
            fire_gather(b + 2, (sr + 2) % 3)

        wait_gather(sr)

        @pl.when(b >= NBUF)
        def _():
            wait_out(st)

        transpose_block(sr, st)
        fire_out(b, st)

    fire_gather(0, 0)
    fire_gather(1, 1)

    def body(g, carry):
        for u in range(6):
            step(6 * g + u, u % 3, u % 2)
        return carry

    lax.fori_loop(0, BPW // 6, body, 0)

    for b in range(BPW - BPW % 6, BPW):
        step(b, b % 3, b % 2)

    wait_out(0)
    wait_out(1)


def kernel(x, table):
    idx = x.T.reshape(-1).astype(jnp.int32)
    buf = _embed_lookup(idx, table)
    return (
        buf.reshape(HIST, 8, CBLK, 8, 128)
        .transpose(2, 4, 0, 1, 3)
        .reshape(BATCH, HIST, EMBED_DIM)
    )

# --- scband reference (transcript-rebuilt; emitter-appended) ---
"""Pipeline reference for scband-bnode-embedding-10866267259387 (READ-ONLY COPY).

The authoritative reference and input builder live on the scoring server;
editing this copy changes nothing except your own understanding.
"""

import jax, jax.numpy as jnp
import numpy as np

VOCAB = 1000000
EMBED_DIM = 64
BATCH = 16384
HIST = 50
DROPOUT_P = 0.0


def setup_inputs(seed: int = 0) -> dict:
    key = jax.random.key(seed)
    k_tab, k_idx = jax.random.split(key)
    # Pretrained embedding table passed to BnodeEmbedding.__init__
    table = jax.random.normal(k_tab, (VOCAB, EMBED_DIM), dtype=jnp.float32) * 0.02
    x = jax.random.randint(k_idx, (BATCH, HIST), 0, VOCAB, dtype=jnp.int64)
    return {"x": x, "table": table}


def reference(x, table):
    # BnodeEmbedding.forward with p == 0: pure embedding lookup.
    # (Dropout2d/Dropout branches are no-ops since self.p == 0.)
    out = jnp.take(table, x, axis=0)  # [BATCH, HIST, EMBED_DIM]
    return out

if __name__ == "__main__":
    import jax
    _d = setup_inputs()
    print(jax.jit(kernel)(*tuple(_d.values())))

</pallas_src>

<mosaic_0001>
#map = affine_map<(d0, d1) -> (0)>
#map1 = affine_map<(d0, d1) -> (0, 0)>
#map2 = affine_map<(d0, d1) -> (0, 0, 0, 0)>
module attributes {stable_mosaic.version = 14 : i64} {
  func.func @_embed_lookup(%arg0: i32, %arg1: i32, %arg2: memref<819200xi32, #tpu.memory_space<hbm>>, %arg3: memref<1000000x64xf32, #tpu.memory_space<hbm>>, %arg4: memref<400x128x8x128xf32, #tpu.memory_space<hbm>>, %arg5: memref<25600xi32, #tpu.memory_space<vmem>>, %arg6: memref<3x128x64xf32, #tpu.memory_space<vmem>>, %arg7: memref<2x8x8x129xf32, #tpu.memory_space<vmem>>, %arg8: memref<!tpu.dma_semaphore, #tpu.memory_space<semaphore_mem>>, %arg9: memref<!tpu.dma_semaphore, #tpu.memory_space<semaphore_mem>>) attributes {dimension_semantics = [#tpu.dimension_semantics<core_parallel>, #tpu.dimension_semantics<subcore_parallel>], iteration_bounds = array<i64: 2, 16>, scalar_prefetch = 0 : i64, scratch_operands = 5 : i64, tpu.core_type = #tpu.core_type<sc_vector_subcore>, window_params = [{transform_indices = #map}, {transform_indices = #map1}, {transform_indices = #map2}]} {
    %mul3A = arith.constant 2 : i32
    %mul3A_0 = arith.muli %arg1, %mul3A : i32
    %add3A = arith.addi %mul3A_0, %arg0 : i32
    %mul3A_1 = arith.constant 200 : i32
    %mul3A_2 = arith.muli %add3A, %mul3A_1 : i32
    %mul3A_3 = arith.constant 25600 : i32
    %mul3A_4 = arith.muli %add3A, %mul3A_3 : i32
    "tpu.region"() ({
      %run_scoped3A = tpu.sem_alloc : memref<!tpu.dma_semaphore, #tpu.memory_space<semaphore_mem>>
      %dma_start3A_662 = tpu.memref_slice %arg2[%mul3A_4] : memref<819200xi32, #tpu.memory_space<hbm>> -> memref<25600xi32, #tpu.memory_space<hbm>>
      %dma_start3A_663 = tpu.memref_slice %arg2[%mul3A_4] : memref<819200xi32, #tpu.memory_space<hbm>> -> memref<25600xi32, #tpu.memory_space<hbm>>
      tpu.enqueue_dma source(%dma_start3A_663 : memref<25600xi32, #tpu.memory_space<hbm>>) target(%arg5 : memref<25600xi32, #tpu.memory_space<vmem>>) target_semaphore(%run_scoped3A : memref<!tpu.dma_semaphore, #tpu.memory_space<semaphore_mem>>)
      %dma_wait3A_664 = tpu.memref_slice %arg2[%mul3A_4] : memref<819200xi32, #tpu.memory_space<hbm>> -> memref<25600xi32, #tpu.memory_space<hbm>>
      %dma_wait3A_665 = tpu.memref_slice %arg2[%mul3A_4] : memref<819200xi32, #tpu.memory_space<hbm>> -> memref<25600xi32, #tpu.memory_space<hbm>>
      tpu.wait_dma2 semaphore(%run_scoped3A : memref<!tpu.dma_semaphore, #tpu.memory_space<semaphore_mem>>) src(%dma_wait3A_665 : memref<25600xi32, #tpu.memory_space<hbm>>) dst(%arg5 : memref<25600xi32, #tpu.memory_space<vmem>>)
      tpu.yield
    }) : () -> ()
    %iota3A = tpu.iota {dimensions = array<i32: 0>} : vector<16xi32>
    %add3A_5 = arith.constant 0 : i32
    %add3A_6 = vector.broadcast %add3A_5 : i32 to vector<16xi32>
    %add3A_7 = arith.addi %iota3A, %add3A_6 : vector<16xi32>
    %jit3A = arith.constant 8 : i32
    %div3A = vector.broadcast %jit3A : i32 to vector<16xi32>
    %div3A_8 = arith.divsi %add3A_7, %div3A : vector<16xi32>
    %sign3A = arith.constant 0 : i32
    %sign3A_9 = vector.broadcast %sign3A : i32 to vector<16xi32>
    %sign3A_10 = arith.cmpi sgt, %add3A_7, %sign3A_9 : vector<16xi32>
    %sign3A_11 = arith.extui %sign3A_10 : vector<16xi1> to vector<16xi32>
    %sign3A_12 = arith.constant 0 : i32
    %sign3A_13 = vector.broadcast %sign3A_12 : i32 to vector<16xi32>
    %sign3A_14 = arith.cmpi slt, %add3A_7, %sign3A_13 : vector<16xi32>
    %sign3A_15 = arith.extui %sign3A_14 : vector<16xi1> to vector<16xi32>
    %sign3A_16 = arith.subi %sign3A_11, %sign3A_15 : vector<16xi32>
    %sign3A_17 = arith.constant 0 : i32
    %sign3A_18 = arith.cmpi sgt, %jit3A, %sign3A_17 : i32
    %sign3A_19 = arith.extui %sign3A_18 : i1 to i32
    %sign3A_20 = arith.constant 0 : i32
    %sign3A_21 = arith.cmpi slt, %jit3A, %sign3A_20 : i32
    %sign3A_22 = arith.extui %sign3A_21 : i1 to i32
    %sign3A_23 = arith.subi %sign3A_19, %sign3A_22 : i32
    %ne3A = vector.broadcast %sign3A_23 : i32 to vector<16xi32>
    %ne3A_24 = arith.cmpi ne, %sign3A_16, %ne3A : vector<16xi32>
    %rem3A = vector.broadcast %jit3A : i32 to vector<16xi32>
    %rem3A_25 = arith.remsi %add3A_7, %rem3A : vector<16xi32>
    %ne3A_26 = arith.constant 0 : i32
    %ne3A_27 = vector.broadcast %ne3A_26 : i32 to vector<16xi32>
    %ne3A_28 = arith.cmpi ne, %rem3A_25, %ne3A_27 : vector<16xi32>
    %and3A = arith.andi %ne3A_24, %ne3A_28 : vector<16xi1>
    %sub3A = arith.constant 1 : i32
    %sub3A_29 = vector.broadcast %sub3A : i32 to vector<16xi32>
    %sub3A_30 = arith.subi %div3A_8, %sub3A_29 : vector<16xi32>
    %select_n3A = arith.select %and3A, %sub3A_30, %div3A_8 : vector<16xi1>, vector<16xi32>
    %add3A_31 = arith.constant 16 : i32
    %add3A_32 = vector.broadcast %add3A_31 : i32 to vector<16xi32>
    %add3A_33 = arith.addi %iota3A, %add3A_32 : vector<16xi32>
    %jit3A_34 = arith.constant 8 : i32
    %div3A_35 = vector.broadcast %jit3A_34 : i32 to vector<16xi32>
    %div3A_36 = arith.divsi %add3A_33, %div3A_35 : vector<16xi32>
    %sign3A_37 = arith.constant 0 : i32
    %sign3A_38 = vector.broadcast %sign3A_37 : i32 to vector<16xi32>
    %sign3A_39 = arith.cmpi sgt, %add3A_33, %sign3A_38 : vector<16xi32>
    %sign3A_40 = arith.extui %sign3A_39 : vector<16xi1> to vector<16xi32>
    %sign3A_41 = arith.constant 0 : i32
    %sign3A_42 = vector.broadcast %sign3A_41 : i32 to vector<16xi32>
    %sign3A_43 = arith.cmpi slt, %add3A_33, %sign3A_42 : vector<16xi32>
    %sign3A_44 = arith.extui %sign3A_43 : vector<16xi1> to vector<16xi32>
    %sign3A_45 = arith.subi %sign3A_40, %sign3A_44 : vector<16xi32>
    %sign3A_46 = arith.constant 0 : i32
    %sign3A_47 = arith.cmpi sgt, %jit3A_34, %sign3A_46 : i32
    %sign3A_48 = arith.extui %sign3A_47 : i1 to i32
    %sign3A_49 = arith.constant 0 : i32
    %sign3A_50 = arith.cmpi slt, %jit3A_34, %sign3A_49 : i32
    %sign3A_51 = arith.extui %sign3A_50 : i1 to i32
    %sign3A_52 = arith.subi %sign3A_48, %sign3A_51 : i32
    %ne3A_53 = vector.broadcast %sign3A_52 : i32 to vector<16xi32>
    %ne3A_54 = arith.cmpi ne, %sign3A_45, %ne3A_53 : vector<16xi32>
    %rem3A_55 = vector.broadcast %jit3A_34 : i32 to vector<16xi32>
    %rem3A_56 = arith.remsi %add3A_33, %rem3A_55 : vector<16xi32>
    %ne3A_57 = arith.constant 0 : i32
    %ne3A_58 = vector.broadcast %ne3A_57 : i32 to vector<16xi32>
    %ne3A_59 = arith.cmpi ne, %rem3A_56, %ne3A_58 : vector<16xi32>
    %and3A_60 = arith.andi %ne3A_54, %ne3A_59 : vector<16xi1>
    %sub3A_61 = arith.constant 1 : i32
    %sub3A_62 = vector.broadcast %sub3A_61 : i32 to vector<16xi32>
    %sub3A_63 = arith.subi %div3A_36, %sub3A_62 : vector<16xi32>
    %select_n3A_64 = arith.select %and3A_60, %sub3A_63, %div3A_36 : vector<16xi1>, vector<16xi32>
    %add3A_65 = arith.constant 32 : i32
    %add3A_66 = vector.broadcast %add3A_65 : i32 to vector<16xi32>
    %add3A_67 = arith.addi %iota3A, %add3A_66 : vector<16xi32>
    %jit3A_68 = arith.constant 8 : i32
    %div3A_69 = vector.broadcast %jit3A_68 : i32 to vector<16xi32>
    %div3A_70 = arith.divsi %add3A_67, %div3A_69 : vector<16xi32>
    %sign3A_71 = arith.constant 0 : i32
    %sign3A_72 = vector.broadcast %sign3A_71 : i32 to vector<16xi32>
    %sign3A_73 = arith.cmpi sgt, %add3A_67, %sign3A_72 : vector<16xi32>
    %sign3A_74 = arith.extui %sign3A_73 : vector<16xi1> to vector<16xi32>
    %sign3A_75 = arith.constant 0 : i32
    %sign3A_76 = vector.broadcast %sign3A_75 : i32 to vector<16xi32>
    %sign3A_77 = arith.cmpi slt, %add3A_67, %sign3A_76 : vector<16xi32>
    %sign3A_78 = arith.extui %sign3A_77 : vector<16xi1> to vector<16xi32>
    %sign3A_79 = arith.subi %sign3A_74, %sign3A_78 : vector<16xi32>
    %sign3A_80 = arith.constant 0 : i32
    %sign3A_81 = arith.cmpi sgt, %jit3A_68, %sign3A_80 : i32
    %sign3A_82 = arith.extui %sign3A_81 : i1 to i32
    %sign3A_83 = arith.constant 0 : i32
    %sign3A_84 = arith.cmpi slt, %jit3A_68, %sign3A_83 : i32
    %sign3A_85 = arith.extui %sign3A_84 : i1 to i32
    %sign3A_86 = arith.subi %sign3A_82, %sign3A_85 : i32
    %ne3A_87 = vector.broadcast %sign3A_86 : i32 to vector<16xi32>
    %ne3A_88 = arith.cmpi ne, %sign3A_79, %ne3A_87 : vector<16xi32>
    %rem3A_89 = vector.broadcast %jit3A_68 : i32 to vector<16xi32>
    %rem3A_90 = arith.remsi %add3A_67, %rem3A_89 : vector<16xi32>
    %ne3A_91 = arith.constant 0 : i32
    %ne3A_92 = vector.broadcast %ne3A_91 : i32 to vector<16xi32>
    %ne3A_93 = arith.cmpi ne, %rem3A_90, %ne3A_92 : vector<16xi32>
    %and3A_94 = arith.andi %ne3A_88, %ne3A_93 : vector<16xi1>
    %sub3A_95 = arith.constant 1 : i32
    %sub3A_96 = vector.broadcast %sub3A_95 : i32 to vector<16xi32>
    %sub3A_97 = arith.subi %div3A_70, %sub3A_96 : vector<16xi32>
    %select_n3A_98 = arith.select %and3A_94, %sub3A_97, %div3A_70 : vector<16xi1>, vector<16xi32>
    %add3A_99 = arith.constant 48 : i32
    %add3A_100 = vector.broadcast %add3A_99 : i32 to vector<16xi32>
    %add3A_101 = arith.addi %iota3A, %add3A_100 : vector<16xi32>
    %jit3A_102 = arith.constant 8 : i32
    %div3A_103 = vector.broadcast %jit3A_102 : i32 to vector<16xi32>
    %div3A_104 = arith.divsi %add3A_101, %div3A_103 : vector<16xi32>
    %sign3A_105 = arith.constant 0 : i32
    %sign3A_106 = vector.broadcast %sign3A_105 : i32 to vector<16xi32>
    %sign3A_107 = arith.cmpi sgt, %add3A_101, %sign3A_106 : vector<16xi32>
    %sign3A_108 = arith.extui %sign3A_107 : vector<16xi1> to vector<16xi32>
    %sign3A_109 = arith.constant 0 : i32
    %sign3A_110 = vector.broadcast %sign3A_109 : i32 to vector<16xi32>
    %sign3A_111 = arith.cmpi slt, %add3A_101, %sign3A_110 : vector<16xi32>
    %sign3A_112 = arith.extui %sign3A_111 : vector<16xi1> to vector<16xi32>
    %sign3A_113 = arith.subi %sign3A_108, %sign3A_112 : vector<16xi32>
    %sign3A_114 = arith.constant 0 : i32
    %sign3A_115 = arith.cmpi sgt, %jit3A_102, %sign3A_114 : i32
    %sign3A_116 = arith.extui %sign3A_115 : i1 to i32
    %sign3A_117 = arith.constant 0 : i32
    %sign3A_118 = arith.cmpi slt, %jit3A_102, %sign3A_117 : i32
    %sign3A_119 = arith.extui %sign3A_118 : i1 to i32
    %sign3A_120 = arith.subi %sign3A_116, %sign3A_119 : i32
    %ne3A_121 = vector.broadcast %sign3A_120 : i32 to vector<16xi32>
    %ne3A_122 = arith.cmpi ne, %sign3A_113, %ne3A_121 : vector<16xi32>
    %rem3A_123 = vector.broadcast %jit3A_102 : i32 to vector<16xi32>
    %rem3A_124 = arith.remsi %add3A_101, %rem3A_123 : vector<16xi32>
    %ne3A_125 = arith.constant 0 : i32
    %ne3A_126 = vector.broadcast %ne3A_125 : i32 to vector<16xi32>
    %ne3A_127 = arith.cmpi ne, %rem3A_124, %ne3A_126 : vector<16xi32>
    %and3A_128 = arith.andi %ne3A_122, %ne3A_127 : vector<16xi1>
    %sub3A_129 = arith.constant 1 : i32
    %sub3A_130 = vector.broadcast %sub3A_129 : i32 to vector<16xi32>
    %sub3A_131 = arith.subi %div3A_104, %sub3A_130 : vector<16xi32>
    %select_n3A_132 = arith.select %and3A_128, %sub3A_131, %div3A_104 : vector<16xi1>, vector<16xi32>
    %add3A_133 = arith.constant 0 : i32
    %add3A_134 = vector.broadcast %add3A_133 : i32 to vector<16xi32>
    %add3A_135 = arith.addi %iota3A, %add3A_134 : vector<16xi32>
    %jit3A_136 = arith.constant 8 : i32
    %eq3A = arith.constant 0 : i32
    %eq3A_137 = arith.cmpi eq, %jit3A_136, %eq3A : i32
    %jit3A_138 = arith.constant 1 : i32
    %select_n3A_139 = arith.select %eq3A_137, %jit3A_138, %jit3A_136 : i32
    %rem3A_140 = vector.broadcast %select_n3A_139 : i32 to vector<16xi32>
    %rem3A_141 = arith.remsi %add3A_135, %rem3A_140 : vector<16xi32>
    %ne3A_142 = arith.constant 0 : i32
    %ne3A_143 = vector.broadcast %ne3A_142 : i32 to vector<16xi32>
    %ne3A_144 = arith.cmpi ne, %rem3A_141, %ne3A_143 : vector<16xi32>
    %lt3A = arith.constant 0 : i32
    %lt3A_145 = vector.broadcast %lt3A : i32 to vector<16xi32>
    %lt3A_146 = arith.cmpi slt, %rem3A_141, %lt3A_145 : vector<16xi32>
    %lt3A_147 = arith.constant 0 : i32
    %lt3A_148 = arith.cmpi slt, %select_n3A_139, %lt3A_147 : i32
    %ne3A_149 = vector.broadcast %lt3A_148 : i1 to vector<16xi1>
    %ne3A_150 = vector.broadcast %ne3A_149 : vector<16xi1> to vector<16xi1>
    %ne3A_151 = arith.xori %lt3A_146, %ne3A_150 : vector<16xi1>
    %and3A_152 = arith.andi %ne3A_151, %ne3A_144 : vector<16xi1>
    %add3A_153 = vector.broadcast %select_n3A_139 : i32 to vector<16xi32>
    %add3A_154 = arith.addi %rem3A_141, %add3A_153 : vector<16xi32>
    %select_n3A_155 = arith.select %and3A_152, %add3A_154, %rem3A_141 : vector<16xi1>, vector<16xi32>
    %add3A_156 = arith.constant 16 : i32
    %add3A_157 = vector.broadcast %add3A_156 : i32 to vector<16xi32>
    %add3A_158 = arith.addi %iota3A, %add3A_157 : vector<16xi32>
    %jit3A_159 = arith.constant 8 : i32
    %eq3A_160 = arith.constant 0 : i32
    %eq3A_161 = arith.cmpi eq, %jit3A_159, %eq3A_160 : i32
    %jit3A_162 = arith.constant 1 : i32
    %select_n3A_163 = arith.select %eq3A_161, %jit3A_162, %jit3A_159 : i32
    %rem3A_164 = vector.broadcast %select_n3A_163 : i32 to vector<16xi32>
    %rem3A_165 = arith.remsi %add3A_158, %rem3A_164 : vector<16xi32>
    %ne3A_166 = arith.constant 0 : i32
    %ne3A_167 = vector.broadcast %ne3A_166 : i32 to vector<16xi32>
    %ne3A_168 = arith.cmpi ne, %rem3A_165, %ne3A_167 : vector<16xi32>
    %lt3A_169 = arith.constant 0 : i32
    %lt3A_170 = vector.broadcast %lt3A_169 : i32 to vector<16xi32>
    %lt3A_171 = arith.cmpi slt, %rem3A_165, %lt3A_170 : vector<16xi32>
    %lt3A_172 = arith.constant 0 : i32
    %lt3A_173 = arith.cmpi slt, %select_n3A_163, %lt3A_172 : i32
    %ne3A_174 = vector.broadcast %lt3A_173 : i1 to vector<16xi1>
    %ne3A_175 = vector.broadcast %ne3A_174 : vector<16xi1> to vector<16xi1>
    %ne3A_176 = arith.xori %lt3A_171, %ne3A_175 : vector<16xi1>
    %and3A_177 = arith.andi %ne3A_176, %ne3A_168 : vector<16xi1>
    %add3A_178 = vector.broadcast %select_n3A_163 : i32 to vector<16xi32>
    %add3A_179 = arith.addi %rem3A_165, %add3A_178 : vector<16xi32>
    %select_n3A_180 = arith.select %and3A_177, %add3A_179, %rem3A_165 : vector<16xi1>, vector<16xi32>
    %add3A_181 = arith.constant 32 : i32
    %add3A_182 = vector.broadcast %add3A_181 : i32 to vector<16xi32>
    %add3A_183 = arith.addi %iota3A, %add3A_182 : vector<16xi32>
    %jit3A_184 = arith.constant 8 : i32
    %eq3A_185 = arith.constant 0 : i32
    %eq3A_186 = arith.cmpi eq, %jit3A_184, %eq3A_185 : i32
    %jit3A_187 = arith.constant 1 : i32
    %select_n3A_188 = arith.select %eq3A_186, %jit3A_187, %jit3A_184 : i32
    %rem3A_189 = vector.broadcast %select_n3A_188 : i32 to vector<16xi32>
    %rem3A_190 = arith.remsi %add3A_183, %rem3A_189 : vector<16xi32>
    %ne3A_191 = arith.constant 0 : i32
    %ne3A_192 = vector.broadcast %ne3A_191 : i32 to vector<16xi32>
    %ne3A_193 = arith.cmpi ne, %rem3A_190, %ne3A_192 : vector<16xi32>
    %lt3A_194 = arith.constant 0 : i32
    %lt3A_195 = vector.broadcast %lt3A_194 : i32 to vector<16xi32>
    %lt3A_196 = arith.cmpi slt, %rem3A_190, %lt3A_195 : vector<16xi32>
    %lt3A_197 = arith.constant 0 : i32
    %lt3A_198 = arith.cmpi slt, %select_n3A_188, %lt3A_197 : i32
    %ne3A_199 = vector.broadcast %lt3A_198 : i1 to vector<16xi1>
    %ne3A_200 = vector.broadcast %ne3A_199 : vector<16xi1> to vector<16xi1>
    %ne3A_201 = arith.xori %lt3A_196, %ne3A_200 : vector<16xi1>
    %and3A_202 = arith.andi %ne3A_201, %ne3A_193 : vector<16xi1>
    %add3A_203 = vector.broadcast %select_n3A_188 : i32 to vector<16xi32>
    %add3A_204 = arith.addi %rem3A_190, %add3A_203 : vector<16xi32>
    %select_n3A_205 = arith.select %and3A_202, %add3A_204, %rem3A_190 : vector<16xi1>, vector<16xi32>
    %add3A_206 = arith.constant 48 : i32
    %add3A_207 = vector.broadcast %add3A_206 : i32 to vector<16xi32>
    %add3A_208 = arith.addi %iota3A, %add3A_207 : vector<16xi32>
    %jit3A_209 = arith.constant 8 : i32
    %eq3A_210 = arith.constant 0 : i32
    %eq3A_211 = arith.cmpi eq, %jit3A_209, %eq3A_210 : i32
    %jit3A_212 = arith.constant 1 : i32
    %select_n3A_213 = arith.select %eq3A_211, %jit3A_212, %jit3A_209 : i32
    %rem3A_214 = vector.broadcast %select_n3A_213 : i32 to vector<16xi32>
    %rem3A_215 = arith.remsi %add3A_208, %rem3A_214 : vector<16xi32>
    %ne3A_216 = arith.constant 0 : i32
    %ne3A_217 = vector.broadcast %ne3A_216 : i32 to vector<16xi32>
    %ne3A_218 = arith.cmpi ne, %rem3A_215, %ne3A_217 : vector<16xi32>
    %lt3A_219 = arith.constant 0 : i32
    %lt3A_220 = vector.broadcast %lt3A_219 : i32 to vector<16xi32>
    %lt3A_221 = arith.cmpi slt, %rem3A_215, %lt3A_220 : vector<16xi32>
    %lt3A_222 = arith.constant 0 : i32
    %lt3A_223 = arith.cmpi slt, %select_n3A_213, %lt3A_222 : i32
    %ne3A_224 = vector.broadcast %lt3A_223 : i1 to vector<16xi1>
    %ne3A_225 = vector.broadcast %ne3A_224 : vector<16xi1> to vector<16xi1>
    %ne3A_226 = arith.xori %lt3A_221, %ne3A_225 : vector<16xi1>
    %and3A_227 = arith.andi %ne3A_226, %ne3A_218 : vector<16xi1>
    %add3A_228 = vector.broadcast %select_n3A_213 : i32 to vector<16xi32>
    %add3A_229 = arith.addi %rem3A_215, %add3A_228 : vector<16xi32>
    %select_n3A_230 = arith.select %and3A_227, %add3A_229, %rem3A_215 : vector<16xi1>, vector<16xi32>
    %dma_start3A = arith.constant 0 : i32
    %dma_start3A_231 = arith.constant 0 : i32
    %dma_start3A_232 = arith.constant 0 : i32
    %dma_start3A_233 = tpu.memref_slice %arg6[%dma_start3A, %dma_start3A_231, %dma_start3A_232] : memref<3x128x64xf32, #tpu.memory_space<vmem>> -> memref<1x128x64xf32, #tpu.memory_space<vmem>>
    %dma_start3A_234 = tpu.memref_squeeze %dma_start3A_233 : memref<1x128x64xf32, #tpu.memory_space<vmem>> -> memref<128x64xf32, #tpu.memory_space<vmem>>
    %dma_start3A_235 = arith.constant 0 : i32
    %dma_start3A_236 = tpu.memref_slice %arg5[%dma_start3A_235] : memref<25600xi32, #tpu.memory_space<vmem>> -> memref<128xi32, #tpu.memory_space<vmem>>
    %dma_start3A_237 = arith.constant 0 : i32
    %dma_start3A_238 = arith.constant 0 : i32
    %dma_start3A_239 = tpu.memref_slice %arg3[%dma_start3A_237, %dma_start3A_238] : memref<1000000x64xf32, #tpu.memory_space<hbm>> -> memref<1000000x64xf32, #tpu.memory_space<hbm>>
    tpu.enqueue_indirect_dma source(%dma_start3A_239 : memref<1000000x64xf32, #tpu.memory_space<hbm>>) target(%dma_start3A_234 : memref<128x64xf32, #tpu.memory_space<vmem>>) offsets(%dma_start3A_236 : memref<128xi32, #tpu.memory_space<vmem>>) semaphore(%arg8 : memref<!tpu.dma_semaphore, #tpu.memory_space<semaphore_mem>>)
    %dma_start3A_240 = arith.constant 1 : i32
    %dma_start3A_241 = arith.constant 0 : i32
    %dma_start3A_242 = arith.constant 0 : i32
    %dma_start3A_243 = tpu.memref_slice %arg6[%dma_start3A_240, %dma_start3A_241, %dma_start3A_242] : memref<3x128x64xf32, #tpu.memory_space<vmem>> -> memref<1x128x64xf32, #tpu.memory_space<vmem>>
    %dma_start3A_244 = tpu.memref_squeeze %dma_start3A_243 : memref<1x128x64xf32, #tpu.memory_space<vmem>> -> memref<128x64xf32, #tpu.memory_space<vmem>>
    %dma_start3A_245 = arith.constant 128 : i32
    %dma_start3A_246 = tpu.memref_slice %arg5[%dma_start3A_245] : memref<25600xi32, #tpu.memory_space<vmem>> -> memref<128xi32, #tpu.memory_space<vmem>>
    %dma_start3A_247 = arith.constant 0 : i32
    %dma_start3A_248 = arith.constant 0 : i32
    %dma_start3A_249 = tpu.memref_slice %arg3[%dma_start3A_247, %dma_start3A_248] : memref<1000000x64xf32, #tpu.memory_space<hbm>> -> memref<1000000x64xf32, #tpu.memory_space<hbm>>
    tpu.enqueue_indirect_dma source(%dma_start3A_249 : memref<1000000x64xf32, #tpu.memory_space<hbm>>) target(%dma_start3A_244 : memref<128x64xf32, #tpu.memory_space<vmem>>) offsets(%dma_start3A_246 : memref<128xi32, #tpu.memory_space<vmem>>) semaphore(%arg8 : memref<!tpu.dma_semaphore, #tpu.memory_space<semaphore_mem>>)
    %scan3A = arith.constant 0 : i32
    %scan3A_250 = arith.constant 0 : i32
    %scan3A_251 = arith.constant 33 : i32
    %scan3A_252 = arith.addi %scan3A_250, %scan3A_251 : i32
    %scan3A_253 = arith.constant 1 : i32
    scf.for %scan3A_662 = %scan3A_250 to %scan3A_252 step %scan3A_253  : i32 {
      %mul3A_663 = arith.constant 6 : i32
      %mul3A_664 = arith.muli %mul3A_663, %scan3A_662 : i32
      %add3A_665 = arith.constant 0 : i32
      %add3A_666 = arith.addi %mul3A_664, %add3A_665 : i32
      %add3A_667 = arith.constant 2 : i32
      %add3A_668 = arith.addi %add3A_666, %add3A_667 : i32
      %lt3A_669 = arith.constant 200 : i32
      %lt3A_670 = arith.cmpi slt, %add3A_668, %lt3A_669 : i32
      %convert_element_type3A = arith.extui %lt3A_670 : i1 to i32
      %cond3A = arith.constant 0 : i32
      %cond3A_671 = arith.cmpi ne, %convert_element_type3A, %cond3A : i32
      scf.if %cond3A_671 {
        %add3A_1248 = arith.constant 2 : i32
        %add3A_1249 = arith.addi %add3A_666, %add3A_1248 : i32
        %mul3A_1250 = arith.constant 128 : i32
        %mul3A_1251 = arith.muli %add3A_1249, %mul3A_1250 : i32
        %dma_start3A_1252 = arith.constant 2 : i32
        %dma_start3A_1253 = arith.constant 0 : i32
        %dma_start3A_1254 = arith.constant 0 : i32
        %dma_start3A_1255 = tpu.memref_slice %arg6[%dma_start3A_1252, %dma_start3A_1253, %dma_start3A_1254] : memref<3x128x64xf32, #tpu.memory_space<vmem>> -> memref<1x128x64xf32, #tpu.memory_space<vmem>>
        %dma_start3A_1256 = tpu.memref_squeeze %dma_start3A_1255 : memref<1x128x64xf32, #tpu.memory_space<vmem>> -> memref<128x64xf32, #tpu.memory_space<vmem>>
        %dma_start3A_1257 = tpu.memref_slice %arg5[%mul3A_1251] : memref<25600xi32, #tpu.memory_space<vmem>> -> memref<128xi32, #tpu.memory_space<vmem>>
        %dma_start3A_1258 = arith.constant 0 : i32
        %dma_start3A_1259 = arith.constant 0 : i32
        %dma_start3A_1260 = tpu.memref_slice %arg3[%dma_start3A_1258, %dma_start3A_1259] : memref<1000000x64xf32, #tpu.memory_space<hbm>> -> memref<1000000x64xf32, #tpu.memory_space<hbm>>
        tpu.enqueue_indirect_dma source(%dma_start3A_1260 : memref<1000000x64xf32, #tpu.memory_space<hbm>>) target(%dma_start3A_1256 : memref<128x64xf32, #tpu.memory_space<vmem>>) offsets(%dma_start3A_1257 : memref<128xi32, #tpu.memory_space<vmem>>) semaphore(%arg8 : memref<!tpu.dma_semaphore, #tpu.memory_space<semaphore_mem>>)
      } else {
      }
      %dma_wait3A_672 = arith.constant 0 : i32
      %dma_wait3A_673 = arith.constant 0 : i32
      %dma_wait3A_674 = arith.constant 0 : i32
      %dma_wait3A_675 = tpu.memref_slice %arg6[%dma_wait3A_672, %dma_wait3A_673, %dma_wait3A_674] : memref<3x128x64xf32, #tpu.memory_space<vmem>> -> memref<1x128x64xf32, #tpu.memory_space<vmem>>
      %dma_wait3A_676 = tpu.memref_squeeze %dma_wait3A_675 : memref<1x128x64xf32, #tpu.memory_space<vmem>> -> memref<128x64xf32, #tpu.memory_space<vmem>>
      %dma_wait3A_677 = arith.constant 0 : i32
      %dma_wait3A_678 = arith.constant 0 : i32
      %dma_wait3A_679 = tpu.memref_slice %arg3[%dma_wait3A_677, %dma_wait3A_678] : memref<1000000x64xf32, #tpu.memory_space<hbm>> -> memref<128x64xf32, #tpu.memory_space<hbm>>
      %dma_wait3A_680 = arith.constant 0 : i32
      %dma_wait3A_681 = arith.constant 0 : i32
      %dma_wait3A_682 = tpu.memref_slice %arg6[%dma_wait3A_672, %dma_wait3A_680, %dma_wait3A_681] : memref<3x128x64xf32, #tpu.memory_space<vmem>> -> memref<1x128x64xf32, #tpu.memory_space<vmem>>
      %dma_wait3A_683 = tpu.memref_squeeze %dma_wait3A_682 : memref<1x128x64xf32, #tpu.memory_space<vmem>> -> memref<128x64xf32, #tpu.memory_space<vmem>>
      %dma_wait3A_684 = arith.constant 0 : i32
      %dma_wait3A_685 = arith.constant 0 : i32
      %dma_wait3A_686 = tpu.memref_slice %arg3[%dma_wait3A_684, %dma_wait3A_685] : memref<1000000x64xf32, #tpu.memory_space<hbm>> -> memref<128x64xf32, #tpu.memory_space<hbm>>
      tpu.wait_dma2 semaphore(%arg8 : memref<!tpu.dma_semaphore, #tpu.memory_space<semaphore_mem>>) src(%dma_wait3A_686 : memref<128x64xf32, #tpu.memory_space<hbm>>) dst(%dma_wait3A_683 : memref<128x64xf32, #tpu.memory_space<vmem>>)
      %ge3A = arith.constant 2 : i32
      %ge3A_687 = arith.cmpi sge, %add3A_666, %ge3A : i32
      %convert_element_type3A_688 = arith.extui %ge3A_687 : i1 to i32
      %cond3A_689 = arith.constant 0 : i32
      %cond3A_690 = arith.cmpi ne, %convert_element_type3A_688, %cond3A_689 : i32
      scf.if %cond3A_690 {
        %jit3A_1248 = arith.constant 128 : i32
        %div3A_1249 = arith.divsi %mul3A_2, %jit3A_1248 : i32
        %sign3A_1250 = arith.constant 0 : i32
        %sign3A_1251 = arith.cmpi sgt, %mul3A_2, %sign3A_1250 : i32
        %sign3A_1252 = arith.extui %sign3A_1251 : i1 to i32
        %sign3A_1253 = arith.constant 0 : i32
        %sign3A_1254 = arith.cmpi slt, %mul3A_2, %sign3A_1253 : i32
        %sign3A_1255 = arith.extui %sign3A_1254 : i1 to i32
        %sign3A_1256 = arith.subi %sign3A_1252, %sign3A_1255 : i32
        %sign3A_1257 = arith.constant 0 : i32
        %sign3A_1258 = arith.cmpi sgt, %jit3A_1248, %sign3A_1257 : i32
        %sign3A_1259 = arith.extui %sign3A_1258 : i1 to i32
        %sign3A_1260 = arith.constant 0 : i32
        %sign3A_1261 = arith.cmpi slt, %jit3A_1248, %sign3A_1260 : i32
        %sign3A_1262 = arith.extui %sign3A_1261 : i1 to i32
        %sign3A_1263 = arith.subi %sign3A_1259, %sign3A_1262 : i32
        %ne3A_1264 = arith.cmpi ne, %sign3A_1256, %sign3A_1263 : i32
        %rem3A_1265 = arith.remsi %mul3A_2, %jit3A_1248 : i32
        %ne3A_1266 = arith.constant 0 : i32
        %ne3A_1267 = arith.cmpi ne, %rem3A_1265, %ne3A_1266 : i32
        %and3A_1268 = arith.andi %ne3A_1264, %ne3A_1267 : i1
        %sub3A_1269 = arith.constant 1 : i32
        %sub3A_1270 = arith.subi %div3A_1249, %sub3A_1269 : i32
        %select_n3A_1271 = arith.select %and3A_1268, %sub3A_1270, %div3A_1249 : i32
        %jit3A_1272 = arith.constant 128 : i32
        %eq3A_1273 = arith.constant 0 : i32
        %eq3A_1274 = arith.cmpi eq, %jit3A_1272, %eq3A_1273 : i32
        %jit3A_1275 = arith.constant 1 : i32
        %select_n3A_1276 = arith.select %eq3A_1274, %jit3A_1275, %jit3A_1272 : i32
        %rem3A_1277 = arith.remsi %mul3A_2, %select_n3A_1276 : i32
        %ne3A_1278 = arith.constant 0 : i32
        %ne3A_1279 = arith.cmpi ne, %rem3A_1277, %ne3A_1278 : i32
        %lt3A_1280 = arith.constant 0 : i32
        %lt3A_1281 = arith.cmpi slt, %rem3A_1277, %lt3A_1280 : i32
        %lt3A_1282 = arith.constant 0 : i32
        %lt3A_1283 = arith.cmpi slt, %select_n3A_1276, %lt3A_1282 : i32
        %ne3A_1284 = arith.xori %lt3A_1281, %lt3A_1283 : i1
        %and3A_1285 = arith.andi %ne3A_1284, %ne3A_1279 : i1
        %add3A_1286 = arith.addi %rem3A_1277, %select_n3A_1276 : i32
        %select_n3A_1287 = arith.select %and3A_1285, %add3A_1286, %rem3A_1277 : i32
        %mul3A_1288 = arith.constant 8 : i32
        %mul3A_1289 = arith.muli %select_n3A_1271, %mul3A_1288 : i32
        %dma_wait3A_1290 = arith.constant 0 : i32
        %dma_wait3A_1291 = arith.constant 0 : i32
        %dma_wait3A_1292 = arith.constant 0 : i32
        %dma_wait3A_1293 = arith.constant 0 : i32
        %dma_wait3A_1294 = tpu.memref_slice %arg7[%dma_wait3A_1290, %dma_wait3A_1291, %dma_wait3A_1292, %dma_wait3A_1293] : memref<2x8x8x129xf32, #tpu.memory_space<vmem>> -> memref<1x8x8x128xf32, #tpu.memory_space<vmem>>
        %dma_wait3A_1295 = tpu.memref_squeeze %dma_wait3A_1294 : memref<1x8x8x128xf32, #tpu.memory_space<vmem>> -> memref<8x8x128xf32, #tpu.memory_space<vmem>>
        %dma_wait3A_1296 = arith.constant 0 : i32
        %dma_wait3A_1297 = arith.constant 0 : i32
        %dma_wait3A_1298 = tpu.memref_slice %arg4[%mul3A_1289, %select_n3A_1287, %dma_wait3A_1296, %dma_wait3A_1297] : memref<400x128x8x128xf32, #tpu.memory_space<hbm>> -> memref<8x1x8x128xf32, #tpu.memory_space<hbm>>
        %dma_wait3A_1299 = tpu.memref_squeeze %dma_wait3A_1298 : memref<8x1x8x128xf32, #tpu.memory_space<hbm>> -> memref<8x8x128xf32, #tpu.memory_space<hbm>>
        %dma_wait3A_1300 = arith.constant 0 : i32
        %dma_wait3A_1301 = arith.constant 0 : i32
        %dma_wait3A_1302 = tpu.memref_slice %arg4[%mul3A_1289, %select_n3A_1287, %dma_wait3A_1300, %dma_wait3A_1301] : memref<400x128x8x128xf32, #tpu.memory_space<hbm>> -> memref<8x1x8x128xf32, #tpu.memory_space<hbm>>
        %dma_wait3A_1303 = tpu.memref_squeeze %dma_wait3A_1302 : memref<8x1x8x128xf32, #tpu.memory_space<hbm>> -> memref<8x8x128xf32, #tpu.memory_space<hbm>>
        %dma_wait3A_1304 = arith.constant 0 : i32
        %dma_wait3A_1305 = arith.constant 0 : i32
        %dma_wait3A_1306 = arith.constant 0 : i32
        %dma_wait3A_1307 = tpu.memref_slice %arg7[%dma_wait3A_1290, %dma_wait3A_1304, %dma_wait3A_1305, %dma_wait3A_1306] : memref<2x8x8x129xf32, #tpu.memory_space<vmem>> -> memref<1x8x8x128xf32, #tpu.memory_space<vmem>>
        %dma_wait3A_1308 = tpu.memref_squeeze %dma_wait3A_1307 : memref<1x8x8x128xf32, #tpu.memory_space<vmem>> -> memref<8x8x128xf32, #tpu.memory_space<vmem>>
        tpu.wait_dma2 semaphore(%arg9 : memref<!tpu.dma_semaphore, #tpu.memory_space<semaphore_mem>>) src(%dma_wait3A_1308 : memref<8x8x128xf32, #tpu.memory_space<vmem>>) dst(%dma_wait3A_1303 : memref<8x8x128xf32, #tpu.memory_space<hbm>>)
      } else {
      }
      %broadcast_in_dim3A_691 = arith.constant 0 : i32
      %broadcast_in_dim3A_692 = vector.broadcast %broadcast_in_dim3A_691 : i32 to vector<16xi32>
      %parallel_loop3A_693 = arith.constant 0 : i32
      %parallel_loop3A_694 = arith.constant 128 : i32
      %parallel_loop3A_695 = arith.constant 1 : i32
      scf.for %parallel_loop3A_1248 = %parallel_loop3A_693 to %parallel_loop3A_694 step %parallel_loop3A_695  : i32 {
        %parallel_loop3A_1249 = vector.broadcast %parallel_loop3A_1248 : i32 to vector<16xi32>
        %parallel_loop3A_1250 = arith.constant 0 : i32
        %parallel_loop3A_1251 = arith.index_cast %parallel_loop3A_1250 : i32 to index
        %parallel_loop3A_1252 = arith.index_cast %parallel_loop3A_1248 : i32 to index
        %parallel_loop3A_1253 = arith.constant 0 : index
        %parallel_loop3A_1254 = tpu.vector_load %arg6[%parallel_loop3A_1251, %parallel_loop3A_1252, %parallel_loop3A_1253] {strides = array<i32>} : memref<3x128x64xf32, #tpu.memory_space<vmem>>, vector<16xf32>,
        tpu.vector_store_idx %arg7[%broadcast_in_dim3A_692, %select_n3A, %select_n3A_155, %parallel_loop3A_1249], %parallel_loop3A_1254 : memref<2x8x8x129xf32, #tpu.memory_space<vmem>>[vector<16xi32>, vector<16xi32>, vector<16xi32>, vector<16xi32>], vector<16xf32>,
        %parallel_loop3A_1255 = arith.constant 0 : i32
        %parallel_loop3A_1256 = arith.index_cast %parallel_loop3A_1255 : i32 to index
        %parallel_loop3A_1257 = arith.index_cast %parallel_loop3A_1248 : i32 to index
        %parallel_loop3A_1258 = arith.constant 16 : index
        %parallel_loop3A_1259 = tpu.vector_load %arg6[%parallel_loop3A_1256, %parallel_loop3A_1257, %parallel_loop3A_1258] {strides = array<i32>} : memref<3x128x64xf32, #tpu.memory_space<vmem>>, vector<16xf32>,
        tpu.vector_store_idx %arg7[%broadcast_in_dim3A_692, %select_n3A_64, %select_n3A_180, %parallel_loop3A_1249], %parallel_loop3A_1259 : memref<2x8x8x129xf32, #tpu.memory_space<vmem>>[vector<16xi32>, vector<16xi32>, vector<16xi32>, vector<16xi32>], vector<16xf32>,
        %parallel_loop3A_1260 = arith.constant 0 : i32
        %parallel_loop3A_1261 = arith.index_cast %parallel_loop3A_1260 : i32 to index
        %parallel_loop3A_1262 = arith.index_cast %parallel_loop3A_1248 : i32 to index
        %parallel_loop3A_1263 = arith.constant 32 : index
        %parallel_loop3A_1264 = tpu.vector_load %arg6[%parallel_loop3A_1261, %parallel_loop3A_1262, %parallel_loop3A_1263] {strides = array<i32>} : memref<3x128x64xf32, #tpu.memory_space<vmem>>, vector<16xf32>,
        tpu.vector_store_idx %arg7[%broadcast_in_dim3A_692, %select_n3A_98, %select_n3A_205, %parallel_loop3A_1249], %parallel_loop3A_1264 : memref<2x8x8x129xf32, #tpu.memory_space<vmem>>[vector<16xi32>, vector<16xi32>, vector<16xi32>, vector<16xi32>], vector<16xf32>,
        %parallel_loop3A_1265 = arith.constant 0 : i32
        %parallel_loop3A_1266 = arith.index_cast %parallel_loop3A_1265 : i32 to index
        %parallel_loop3A_1267 = arith.index_cast %parallel_loop3A_1248 : i32 to index
        %parallel_loop3A_1268 = arith.constant 48 : index
        %parallel_loop3A_1269 = tpu.vector_load %arg6[%parallel_loop3A_1266, %parallel_loop3A_1267, %parallel_loop3A_1268] {strides = array<i32>} : memref<3x128x64xf32, #tpu.memory_space<vmem>>, vector<16xf32>,
        tpu.vector_store_idx %arg7[%broadcast_in_dim3A_692, %select_n3A_132, %select_n3A_230, %parallel_loop3A_1249], %parallel_loop3A_1269 : memref<2x8x8x129xf32, #tpu.memory_space<vmem>>[vector<16xi32>, vector<16xi32>, vector<16xi32>, vector<16xi32>], vector<16xf32>,
      } {sc.loop_unroll_factor = 8 : i64, sc.parallel_access}
      %add3A_696 = arith.addi %mul3A_2, %add3A_666 : i32
      %jit3A_697 = arith.constant 128 : i32
      %div3A_698 = arith.divsi %add3A_696, %jit3A_697 : i32
      %sign3A_699 = arith.constant 0 : i32
      %sign3A_700 = arith.cmpi sgt, %add3A_696, %sign3A_699 : i32
      %sign3A_701 = arith.extui %sign3A_700 : i1 to i32
      %sign3A_702 = arith.constant 0 : i32
      %sign3A_703 = arith.cmpi slt, %add3A_696, %sign3A_702 : i32
      %sign3A_704 = arith.extui %sign3A_703 : i1 to i32
      %sign3A_705 = arith.subi %sign3A_701, %sign3A_704 : i32
      %sign3A_706 = arith.constant 0 : i32
      %sign3A_707 = arith.cmpi sgt, %jit3A_697, %sign3A_706 : i32
      %sign3A_708 = arith.extui %sign3A_707 : i1 to i32
      %sign3A_709 = arith.constant 0 : i32
      %sign3A_710 = arith.cmpi slt, %jit3A_697, %sign3A_709 : i32
      %sign3A_711 = arith.extui %sign3A_710 : i1 to i32
      %sign3A_712 = arith.subi %sign3A_708, %sign3A_711 : i32
      %ne3A_713 = arith.cmpi ne, %sign3A_705, %sign3A_712 : i32
      %rem3A_714 = arith.remsi %add3A_696, %jit3A_697 : i32
      %ne3A_715 = arith.constant 0 : i32
      %ne3A_716 = arith.cmpi ne, %rem3A_714, %ne3A_715 : i32
      %and3A_717 = arith.andi %ne3A_713, %ne3A_716 : i1
      %sub3A_718 = arith.constant 1 : i32
      %sub3A_719 = arith.subi %div3A_698, %sub3A_718 : i32
      %select_n3A_720 = arith.select %and3A_717, %sub3A_719, %div3A_698 : i32
      %jit3A_721 = arith.constant 128 : i32
      %eq3A_722 = arith.constant 0 : i32
      %eq3A_723 = arith.cmpi eq, %jit3A_721, %eq3A_722 : i32
      %jit3A_724 = arith.constant 1 : i32
      %select_n3A_725 = arith.select %eq3A_723, %jit3A_724, %jit3A_721 : i32
      %rem3A_726 = arith.remsi %add3A_696, %select_n3A_725 : i32
      %ne3A_727 = arith.constant 0 : i32
      %ne3A_728 = arith.cmpi ne, %rem3A_726, %ne3A_727 : i32
      %lt3A_729 = arith.constant 0 : i32
      %lt3A_730 = arith.cmpi slt, %rem3A_726, %lt3A_729 : i32
      %lt3A_731 = arith.constant 0 : i32
      %lt3A_732 = arith.cmpi slt, %select_n3A_725, %lt3A_731 : i32
      %ne3A_733 = arith.xori %lt3A_730, %lt3A_732 : i1
      %and3A_734 = arith.andi %ne3A_733, %ne3A_728 : i1
      %add3A_735 = arith.addi %rem3A_726, %select_n3A_725 : i32
      %select_n3A_736 = arith.select %and3A_734, %add3A_735, %rem3A_726 : i32
      %mul3A_737 = arith.constant 8 : i32
      %mul3A_738 = arith.muli %select_n3A_720, %mul3A_737 : i32
      %dma_start3A_739 = arith.constant 0 : i32
      %dma_start3A_740 = arith.constant 0 : i32
      %dma_start3A_741 = arith.constant 0 : i32
      %dma_start3A_742 = arith.constant 0 : i32
      %dma_start3A_743 = tpu.memref_slice %arg7[%dma_start3A_739, %dma_start3A_740, %dma_start3A_741, %dma_start3A_742] : memref<2x8x8x129xf32, #tpu.memory_space<vmem>> -> memref<1x8x8x128xf32, #tpu.memory_space<vmem>>
      %dma_start3A_744 = tpu.memref_squeeze %dma_start3A_743 : memref<1x8x8x128xf32, #tpu.memory_space<vmem>> -> memref<8x8x128xf32, #tpu.memory_space<vmem>>
      %dma_start3A_745 = arith.constant 0 : i32
      %dma_start3A_746 = arith.constant 0 : i32
      %dma_start3A_747 = tpu.memref_slice %arg4[%mul3A_738, %select_n3A_736, %dma_start3A_745, %dma_start3A_746] : memref<400x128x8x128xf32, #tpu.memory_space<hbm>> -> memref<8x1x8x128xf32, #tpu.memory_space<hbm>>
      %dma_start3A_748 = tpu.memref_squeeze %dma_start3A_747 : memref<8x1x8x128xf32, #tpu.memory_space<hbm>> -> memref<8x8x128xf32, #tpu.memory_space<hbm>>
      %dma_start3A_749 = arith.constant 0 : i32
      %dma_start3A_750 = arith.constant 0 : i32
      %dma_start3A_751 = tpu.memref_slice %arg4[%mul3A_738, %select_n3A_736, %dma_start3A_749, %dma_start3A_750] : memref<400x128x8x128xf32, #tpu.memory_space<hbm>> -> memref<8x1x8x128xf32, #tpu.memory_space<hbm>>
      %dma_start3A_752 = tpu.memref_squeeze %dma_start3A_751 : memref<8x1x8x128xf32, #tpu.memory_space<hbm>> -> memref<8x8x128xf32, #tpu.memory_space<hbm>>
      %dma_start3A_753 = arith.constant 0 : i32
      %dma_start3A_754 = arith.constant 0 : i32
      %dma_start3A_755 = arith.constant 0 : i32
      %dma_start3A_756 = tpu.memref_slice %arg7[%dma_start3A_739, %dma_start3A_753, %dma_start3A_754, %dma_start3A_755] : memref<2x8x8x129xf32, #tpu.memory_space<vmem>> -> memref<1x8x8x128xf32, #tpu.memory_space<vmem>>
      %dma_start3A_757 = tpu.memref_squeeze %dma_start3A_756 : memref<1x8x8x128xf32, #tpu.memory_space<vmem>> -> memref<8x8x128xf32, #tpu.memory_space<vmem>>
      tpu.enqueue_dma source(%dma_start3A_757 : memref<8x8x128xf32, #tpu.memory_space<vmem>>) target(%dma_start3A_752 : memref<8x8x128xf32, #tpu.memory_space<hbm>>) target_semaphore(%arg9 : memref<!tpu.dma_semaphore, #tpu.memory_space<semaphore_mem>>)
      %mul3A_758 = arith.constant 6 : i32
      %mul3A_759 = arith.muli %mul3A_758, %scan3A_662 : i32
      %add3A_760 = arith.constant 1 : i32
      %add3A_761 = arith.addi %mul3A_759, %add3A_760 : i32
      %add3A_762 = arith.constant 2 : i32
      %add3A_763 = arith.addi %add3A_761, %add3A_762 : i32
      %lt3A_764 = arith.constant 200 : i32
      %lt3A_765 = arith.cmpi slt, %add3A_763, %lt3A_764 : i32
      %convert_element_type3A_766 = arith.extui %lt3A_765 : i1 to i32
      %cond3A_767 = arith.constant 0 : i32
      %cond3A_768 = arith.cmpi ne, %convert_element_type3A_766, %cond3A_767 : i32
      scf.if %cond3A_768 {
        %add3A_1248 = arith.constant 2 : i32
        %add3A_1249 = arith.addi %add3A_761, %add3A_1248 : i32
        %mul3A_1250 = arith.constant 128 : i32
        %mul3A_1251 = arith.muli %add3A_1249, %mul3A_1250 : i32
        %dma_start3A_1252 = arith.constant 0 : i32
        %dma_start3A_1253 = arith.constant 0 : i32
        %dma_start3A_1254 = arith.constant 0 : i32
        %dma_start3A_1255 = tpu.memref_slice %arg6[%dma_start3A_1252, %dma_start3A_1253, %dma_start3A_1254] : memref<3x128x64xf32, #tpu.memory_space<vmem>> -> memref<1x128x64xf32, #tpu.memory_space<vmem>>
        %dma_start3A_1256 = tpu.memref_squeeze %dma_start3A_1255 : memref<1x128x64xf32, #tpu.memory_space<vmem>> -> memref<128x64xf32, #tpu.memory_space<vmem>>
        %dma_start3A_1257 = tpu.memref_slice %arg5[%mul3A_1251] : memref<25600xi32, #tpu.memory_space<vmem>> -> memref<128xi32, #tpu.memory_space<vmem>>
        %dma_start3A_1258 = arith.constant 0 : i32
        %dma_start3A_1259 = arith.constant 0 : i32
        %dma_start3A_1260 = tpu.memref_slice %arg3[%dma_start3A_1258, %dma_start3A_1259] : memref<1000000x64xf32, #tpu.memory_space<hbm>> -> memref<1000000x64xf32, #tpu.memory_space<hbm>>
        tpu.enqueue_indirect_dma source(%dma_start3A_1260 : memref<1000000x64xf32, #tpu.memory_space<hbm>>) target(%dma_start3A_1256 : memref<128x64xf32, #tpu.memory_space<vmem>>) offsets(%dma_start3A_1257 : memref<128xi32, #tpu.memory_space<vmem>>) semaphore(%arg8 : memref<!tpu.dma_semaphore, #tpu.memory_space<semaphore_mem>>)
      } else {
      }
      %dma_wait3A_769 = arith.constant 1 : i32
      %dma_wait3A_770 = arith.constant 0 : i32
      %dma_wait3A_771 = arith.constant 0 : i32
      %dma_wait3A_772 = tpu.memref_slice %arg6[%dma_wait3A_769, %dma_wait3A_770, %dma_wait3A_771] : memref<3x128x64xf32, #tpu.memory_space<vmem>> -> memref<1x128x64xf32, #tpu.memory_space<vmem>>
      %dma_wait3A_773 = tpu.memref_squeeze %dma_wait3A_772 : memref<1x128x64xf32, #tpu.memory_space<vmem>> -> memref<128x64xf32, #tpu.memory_space<vmem>>
      %dma_wait3A_774 = arith.constant 0 : i32
      %dma_wait3A_775 = arith.constant 0 : i32
      %dma_wait3A_776 = tpu.memref_slice %arg3[%dma_wait3A_774, %dma_wait3A_775] : memref<1000000x64xf32, #tpu.memory_space<hbm>> -> memref<128x64xf32, #tpu.memory_space<hbm>>
      %dma_wait3A_777 = arith.constant 0 : i32
      %dma_wait3A_778 = arith.constant 0 : i32
      %dma_wait3A_779 = tpu.memref_slice %arg6[%dma_wait3A_769, %dma_wait3A_777, %dma_wait3A_778] : memref<3x128x64xf32, #tpu.memory_space<vmem>> -> memref<1x128x64xf32, #tpu.memory_space<vmem>>
      %dma_wait3A_780 = tpu.memref_squeeze %dma_wait3A_779 : memref<1x128x64xf32, #tpu.memory_space<vmem>> -> memref<128x64xf32, #tpu.memory_space<vmem>>
      %dma_wait3A_781 = arith.constant 0 : i32
      %dma_wait3A_782 = arith.constant 0 : i32
      %dma_wait3A_783 = tpu.memref_slice %arg3[%dma_wait3A_781, %dma_wait3A_782] : memref<1000000x64xf32, #tpu.memory_space<hbm>> -> memref<128x64xf32, #tpu.memory_space<hbm>>
      tpu.wait_dma2 semaphore(%arg8 : memref<!tpu.dma_semaphore, #tpu.memory_space<semaphore_mem>>) src(%dma_wait3A_783 : memref<128x64xf32, #tpu.memory_space<hbm>>) dst(%dma_wait3A_780 : memref<128x64xf32, #tpu.memory_space<vmem>>)
      %ge3A_784 = arith.constant 2 : i32
      %ge3A_785 = arith.cmpi sge, %add3A_761, %ge3A_784 : i32
      %convert_element_type3A_786 = arith.extui %ge3A_785 : i1 to i32
      %cond3A_787 = arith.constant 0 : i32
      %cond3A_788 = arith.cmpi ne, %convert_element_type3A_786, %cond3A_787 : i32
      scf.if %cond3A_788 {
        %jit3A_1248 = arith.constant 128 : i32
        %div3A_1249 = arith.divsi %mul3A_2, %jit3A_1248 : i32
        %sign3A_1250 = arith.constant 0 : i32
        %sign3A_1251 = arith.cmpi sgt, %mul3A_2, %sign3A_1250 : i32
        %sign3A_1252 = arith.extui %sign3A_1251 : i1 to i32
        %sign3A_1253 = arith.constant 0 : i32
        %sign3A_1254 = arith.cmpi slt, %mul3A_2, %sign3A_1253 : i32
        %sign3A_1255 = arith.extui %sign3A_1254 : i1 to i32
        %sign3A_1256 = arith.subi %sign3A_1252, %sign3A_1255 : i32
        %sign3A_1257 = arith.constant 0 : i32
        %sign3A_1258 = arith.cmpi sgt, %jit3A_1248, %sign3A_1257 : i32
        %sign3A_1259 = arith.extui %sign3A_1258 : i1 to i32
        %sign3A_1260 = arith.constant 0 : i32
        %sign3A_1261 = arith.cmpi slt, %jit3A_1248, %sign3A_1260 : i32
        %sign3A_1262 = arith.extui %sign3A_1261 : i1 to i32
        %sign3A_1263 = arith.subi %sign3A_1259, %sign3A_1262 : i32
        %ne3A_1264 = arith.cmpi ne, %sign3A_1256, %sign3A_1263 : i32
        %rem3A_1265 = arith.remsi %mul3A_2, %jit3A_1248 : i32
        %ne3A_1266 = arith.constant 0 : i32
        %ne3A_1267 = arith.cmpi ne, %rem3A_1265, %ne3A_1266 : i32
        %and3A_1268 = arith.andi %ne3A_1264, %ne3A_1267 : i1
        %sub3A_1269 = arith.constant 1 : i32
        %sub3A_1270 = arith.subi %div3A_1249, %sub3A_1269 : i32
        %select_n3A_1271 = arith.select %and3A_1268, %sub3A_1270, %div3A_1249 : i32
        %jit3A_1272 = arith.constant 128 : i32
        %eq3A_1273 = arith.constant 0 : i32
        %eq3A_1274 = arith.cmpi eq, %jit3A_1272, %eq3A_1273 : i32
        %jit3A_1275 = arith.constant 1 : i32
        %select_n3A_1276 = arith.select %eq3A_1274, %jit3A_1275, %jit3A_1272 : i32
        %rem3A_1277 = arith.remsi %mul3A_2, %select_n3A_1276 : i32
        %ne3A_1278 = arith.constant 0 : i32
        %ne3A_1279 = arith.cmpi ne, %rem3A_1277, %ne3A_1278 : i32
        %lt3A_1280 = arith.constant 0 : i32
        %lt3A_1281 = arith.cmpi slt, %rem3A_1277, %lt3A_1280 : i32
        %lt3A_1282 = arith.constant 0 : i32
        %lt3A_1283 = arith.cmpi slt, %select_n3A_1276, %lt3A_1282 : i32
        %ne3A_1284 = arith.xori %lt3A_1281, %lt3A_1283 : i1
        %and3A_1285 = arith.andi %ne3A_1284, %ne3A_1279 : i1
        %add3A_1286 = arith.addi %rem3A_1277, %select_n3A_1276 : i32
        %select_n3A_1287 = arith.select %and3A_1285, %add3A_1286, %rem3A_1277 : i32
        %mul3A_1288 = arith.constant 8 : i32
        %mul3A_1289 = arith.muli %select_n3A_1271, %mul3A_1288 : i32
        %dma_wait3A_1290 = arith.constant 1 : i32
        %dma_wait3A_1291 = arith.constant 0 : i32
        %dma_wait3A_1292 = arith.constant 0 : i32
        %dma_wait3A_1293 = arith.constant 0 : i32
        %dma_wait3A_1294 = tpu.memref_slice %arg7[%dma_wait3A_1290, %dma_wait3A_1291, %dma_wait3A_1292, %dma_wait3A_1293] : memref<2x8x8x129xf32, #tpu.memory_space<vmem>> -> memref<1x8x8x128xf32, #tpu.memory_space<vmem>>
        %dma_wait3A_1295 = tpu.memref_squeeze %dma_wait3A_1294 : memref<1x8x8x128xf32, #tpu.memory_space<vmem>> -> memref<8x8x128xf32, #tpu.memory_space<vmem>>
        %dma_wait3A_1296 = arith.constant 0 : i32
        %dma_wait3A_1297 = arith.constant 0 : i32
        %dma_wait3A_1298 = tpu.memref_slice %arg4[%mul3A_1289, %select_n3A_1287, %dma_wait3A_1296, %dma_wait3A_1297] : memref<400x128x8x128xf32, #tpu.memory_space<hbm>> -> memref<8x1x8x128xf32, #tpu.memory_space<hbm>>
        %dma_wait3A_1299 = tpu.memref_squeeze %dma_wait3A_1298 : memref<8x1x8x128xf32, #tpu.memory_space<hbm>> -> memref<8x8x128xf32, #tpu.memory_space<hbm>>
        %dma_wait3A_1300 = arith.constant 0 : i32
        %dma_wait3A_1301 = arith.constant 0 : i32
        %dma_wait3A_1302 = tpu.memref_slice %arg4[%mul3A_1289, %select_n3A_1287, %dma_wait3A_1300, %dma_wait3A_1301] : memref<400x128x8x128xf32, #tpu.memory_space<hbm>> -> memref<8x1x8x128xf32, #tpu.memory_space<hbm>>
        %dma_wait3A_1303 = tpu.memref_squeeze %dma_wait3A_1302 : memref<8x1x8x128xf32, #tpu.memory_space<hbm>> -> memref<8x8x128xf32, #tpu.memory_space<hbm>>
        %dma_wait3A_1304 = arith.constant 0 : i32
        %dma_wait3A_1305 = arith.constant 0 : i32
        %dma_wait3A_1306 = arith.constant 0 : i32
        %dma_wait3A_1307 = tpu.memref_slice %arg7[%dma_wait3A_1290, %dma_wait3A_1304, %dma_wait3A_1305, %dma_wait3A_1306] : memref<2x8x8x129xf32, #tpu.memory_space<vmem>> -> memref<1x8x8x128xf32, #tpu.memory_space<vmem>>
        %dma_wait3A_1308 = tpu.memref_squeeze %dma_wait3A_1307 : memref<1x8x8x128xf32, #tpu.memory_space<vmem>> -> memref<8x8x128xf32, #tpu.memory_space<vmem>>
        tpu.wait_dma2 semaphore(%arg9 : memref<!tpu.dma_semaphore, #tpu.memory_space<semaphore_mem>>) src(%dma_wait3A_1308 : memref<8x8x128xf32, #tpu.memory_space<vmem>>) dst(%dma_wait3A_1303 : memref<8x8x128xf32, #tpu.memory_space<hbm>>)
      } else {
      }
      %broadcast_in_dim3A_789 = arith.constant 1 : i32
      %broadcast_in_dim3A_790 = vector.broadcast %broadcast_in_dim3A_789 : i32 to vector<16xi32>
      %parallel_loop3A_791 = arith.constant 0 : i32
      %parallel_loop3A_792 = arith.constant 128 : i32
      %parallel_loop3A_793 = arith.constant 1 : i32
      scf.for %parallel_loop3A_1248 = %parallel_loop3A_791 to %parallel_loop3A_792 step %parallel_loop3A_793  : i32 {
        %parallel_loop3A_1249 = vector.broadcast %parallel_loop3A_1248 : i32 to vector<16xi32>
        %parallel_loop3A_1250 = arith.constant 1 : i32
        %parallel_loop3A_1251 = arith.index_cast %parallel_loop3A_1250 : i32 to index
        %parallel_loop3A_1252 = arith.index_cast %parallel_loop3A_1248 : i32 to index
        %parallel_loop3A_1253 = arith.constant 0 : index
        %parallel_loop3A_1254 = tpu.vector_load %arg6[%parallel_loop3A_1251, %parallel_loop3A_1252, %parallel_loop3A_1253] {strides = array<i32>} : memref<3x128x64xf32, #tpu.memory_space<vmem>>, vector<16xf32>,
        tpu.vector_store_idx %arg7[%broadcast_in_dim3A_790, %select_n3A, %select_n3A_155, %parallel_loop3A_1249], %parallel_loop3A_1254 : memref<2x8x8x129xf32, #tpu.memory_space<vmem>>[vector<16xi32>, vector<16xi32>, vector<16xi32>, vector<16xi32>], vector<16xf32>,
        %parallel_loop3A_1255 = arith.constant 1 : i32
        %parallel_loop3A_1256 = arith.index_cast %parallel_loop3A_1255 : i32 to index
        %parallel_loop3A_1257 = arith.index_cast %parallel_loop3A_1248 : i32 to index
        %parallel_loop3A_1258 = arith.constant 16 : index
        %parallel_loop3A_1259 = tpu.vector_load %arg6[%parallel_loop3A_1256, %parallel_loop3A_1257, %parallel_loop3A_1258] {strides = array<i32>} : memref<3x128x64xf32, #tpu.memory_space<vmem>>, vector<16xf32>,
        tpu.vector_store_idx %arg7[%broadcast_in_dim3A_790, %select_n3A_64, %select_n3A_180, %parallel_loop3A_1249], %parallel_loop3A_1259 : memref<2x8x8x129xf32, #tpu.memory_space<vmem>>[vector<16xi32>, vector<16xi32>, vector<16xi32>, vector<16xi32>], vector<16xf32>,
        %parallel_loop3A_1260 = arith.constant 1 : i32
        %parallel_loop3A_1261 = arith.index_cast %parallel_loop3A_1260 : i32 to index
        %parallel_loop3A_1262 = arith.index_cast %parallel_loop3A_1248 : i32 to index
        %parallel_loop3A_1263 = arith.constant 32 : index
        %parallel_loop3A_1264 = tpu.vector_load %arg6[%parallel_loop3A_1261, %parallel_loop3A_1262, %parallel_loop3A_1263] {strides = array<i32>} : memref<3x128x64xf32, #tpu.memory_space<vmem>>, vector<16xf32>,
        tpu.vector_store_idx %arg7[%broadcast_in_dim3A_790, %select_n3A_98, %select_n3A_205, %parallel_loop3A_1249], %parallel_loop3A_1264 : memref<2x8x8x129xf32, #tpu.memory_space<vmem>>[vector<16xi32>, vector<16xi32>, vector<16xi32>, vector<16xi32>], vector<16xf32>,
        %parallel_loop3A_1265 = arith.constant 1 : i32
        %parallel_loop3A_1266 = arith.index_cast %parallel_loop3A_1265 : i32 to index
        %parallel_loop3A_1267 = arith.index_cast %parallel_loop3A_1248 : i32 to index
        %parallel_loop3A_1268 = arith.constant 48 : index
        %parallel_loop3A_1269 = tpu.vector_load %arg6[%parallel_loop3A_1266, %parallel_loop3A_1267, %parallel_loop3A_1268] {strides = array<i32>} : memref<3x128x64xf32, #tpu.memory_space<vmem>>, vector<16xf32>,
        tpu.vector_store_idx %arg7[%broadcast_in_dim3A_790, %select_n3A_132, %select_n3A_230, %parallel_loop3A_1249], %parallel_loop3A_1269 : memref<2x8x8x129xf32, #tpu.memory_space<vmem>>[vector<16xi32>, vector<16xi32>, vector<16xi32>, vector<16xi32>], vector<16xf32>,
      } {sc.loop_unroll_factor = 8 : i64, sc.parallel_access}
      %add3A_794 = arith.addi %mul3A_2, %add3A_761 : i32
      %jit3A_795 = arith.constant 128 : i32
      %div3A_796 = arith.divsi %add3A_794, %jit3A_795 : i32
      %sign3A_797 = arith.constant 0 : i32
      %sign3A_798 = arith.cmpi sgt, %add3A_794, %sign3A_797 : i32
      %sign3A_799 = arith.extui %sign3A_798 : i1 to i32
      %sign3A_800 = arith.constant 0 : i32
      %sign3A_801 = arith.cmpi slt, %add3A_794, %sign3A_800 : i32
      %sign3A_802 = arith.extui %sign3A_801 : i1 to i32
      %sign3A_803 = arith.subi %sign3A_799, %sign3A_802 : i32
      %sign3A_804 = arith.constant 0 : i32
      %sign3A_805 = arith.cmpi sgt, %jit3A_795, %sign3A_804 : i32
      %sign3A_806 = arith.extui %sign3A_805 : i1 to i32
      %sign3A_807 = arith.constant 0 : i32
      %sign3A_808 = arith.cmpi slt, %jit3A_795, %sign3A_807 : i32
      %sign3A_809 = arith.extui %sign3A_808 : i1 to i32
      %sign3A_810 = arith.subi %sign3A_806, %sign3A_809 : i32
      %ne3A_811 = arith.cmpi ne, %sign3A_803, %sign3A_810 : i32
      %rem3A_812 = arith.remsi %add3A_794, %jit3A_795 : i32
      %ne3A_813 = arith.constant 0 : i32
      %ne3A_814 = arith.cmpi ne, %rem3A_812, %ne3A_813 : i32
      %and3A_815 = arith.andi %ne3A_811, %ne3A_814 : i1
      %sub3A_816 = arith.constant 1 : i32
      %sub3A_817 = arith.subi %div3A_796, %sub3A_816 : i32
      %select_n3A_818 = arith.select %and3A_815, %sub3A_817, %div3A_796 : i32
      %jit3A_819 = arith.constant 128 : i32
      %eq3A_820 = arith.constant 0 : i32
      %eq3A_821 = arith.cmpi eq, %jit3A_819, %eq3A_820 : i32
      %jit3A_822 = arith.constant 1 : i32
      %select_n3A_823 = arith.select %eq3A_821, %jit3A_822, %jit3A_819 : i32
      %rem3A_824 = arith.remsi %add3A_794, %select_n3A_823 : i32
      %ne3A_825 = arith.constant 0 : i32
      %ne3A_826 = arith.cmpi ne, %rem3A_824, %ne3A_825 : i32
      %lt3A_827 = arith.constant 0 : i32
      %lt3A_828 = arith.cmpi slt, %rem3A_824, %lt3A_827 : i32
      %lt3A_829 = arith.constant 0 : i32
      %lt3A_830 = arith.cmpi slt, %select_n3A_823, %lt3A_829 : i32
      %ne3A_831 = arith.xori %lt3A_828, %lt3A_830 : i1
      %and3A_832 = arith.andi %ne3A_831, %ne3A_826 : i1
      %add3A_833 = arith.addi %rem3A_824, %select_n3A_823 : i32
      %select_n3A_834 = arith.select %and3A_832, %add3A_833, %rem3A_824 : i32
      %mul3A_835 = arith.constant 8 : i32
      %mul3A_836 = arith.muli %select_n3A_818, %mul3A_835 : i32
      %dma_start3A_837 = arith.constant 1 : i32
      %dma_start3A_838 = arith.constant 0 : i32
      %dma_start3A_839 = arith.constant 0 : i32
      %dma_start3A_840 = arith.constant 0 : i32
      %dma_start3A_841 = tpu.memref_slice %arg7[%dma_start3A_837, %dma_start3A_838, %dma_start3A_839, %dma_start3A_840] : memref<2x8x8x129xf32, #tpu.memory_space<vmem>> -> memref<1x8x8x128xf32, #tpu.memory_space<vmem>>
      %dma_start3A_842 = tpu.memref_squeeze %dma_start3A_841 : memref<1x8x8x128xf32, #tpu.memory_space<vmem>> -> memref<8x8x128xf32, #tpu.memory_space<vmem>>
      %dma_start3A_843 = arith.constant 0 : i32
      %dma_start3A_844 = arith.constant 0 : i32
      %dma_start3A_845 = tpu.memref_slice %arg4[%mul3A_836, %select_n3A_834, %dma_start3A_843, %dma_start3A_844] : memref<400x128x8x128xf32, #tpu.memory_space<hbm>> -> memref<8x1x8x128xf32, #tpu.memory_space<hbm>>
      %dma_start3A_846 = tpu.memref_squeeze %dma_start3A_845 : memref<8x1x8x128xf32, #tpu.memory_space<hbm>> -> memref<8x8x128xf32, #tpu.memory_space<hbm>>
      %dma_start3A_847 = arith.constant 0 : i32
      %dma_start3A_848 = arith.constant 0 : i32
      %dma_start3A_849 = tpu.memref_slice %arg4[%mul3A_836, %select_n3A_834, %dma_start3A_847, %dma_start3A_848] : memref<400x128x8x128xf32, #tpu.memory_space<hbm>> -> memref<8x1x8x128xf32, #tpu.memory_space<hbm>>
      %dma_start3A_850 = tpu.memref_squeeze %dma_start3A_849 : memref<8x1x8x128xf32, #tpu.memory_space<hbm>> -> memref<8x8x128xf32, #tpu.memory_space<hbm>>
      %dma_start3A_851 = arith.constant 0 : i32
      %dma_start3A_852 = arith.constant 0 : i32
      %dma_start3A_853 = arith.constant 0 : i32
      %dma_start3A_854 = tpu.memref_slice %arg7[%dma_start3A_837, %dma_start3A_851, %dma_start3A_852, %dma_start3A_853] : memref<2x8x8x129xf32, #tpu.memory_space<vmem>> -> memref<1x8x8x128xf32, #tpu.memory_space<vmem>>
      %dma_start3A_855 = tpu.memref_squeeze %dma_start3A_854 : memref<1x8x8x128xf32, #tpu.memory_space<vmem>> -> memref<8x8x128xf32, #tpu.memory_space<vmem>>
      tpu.enqueue_dma source(%dma_start3A_855 : memref<8x8x128xf32, #tpu.memory_space<vmem>>) target(%dma_start3A_850 : memref<8x8x128xf32, #tpu.memory_space<hbm>>) target_semaphore(%arg9 : memref<!tpu.dma_semaphore, #tpu.memory_space<semaphore_mem>>)
      %mul3A_856 = arith.constant 6 : i32
      %mul3A_857 = arith.muli %mul3A_856, %scan3A_662 : i32
      %add3A_858 = arith.constant 2 : i32
      %add3A_859 = arith.addi %mul3A_857, %add3A_858 : i32
      %add3A_860 = arith.constant 2 : i32
      %add3A_861 = arith.addi %add3A_859, %add3A_860 : i32
      %lt3A_862 = arith.constant 200 : i32
      %lt3A_863 = arith.cmpi slt, %add3A_861, %lt3A_862 : i32
      %convert_element_type3A_864 = arith.extui %lt3A_863 : i1 to i32
      %cond3A_865 = arith.constant 0 : i32
      %cond3A_866 = arith.cmpi ne, %convert_element_type3A_864, %cond3A_865 : i32
      scf.if %cond3A_866 {
        %add3A_1248 = arith.constant 2 : i32
        %add3A_1249 = arith.addi %add3A_859, %add3A_1248 : i32
        %mul3A_1250 = arith.constant 128 : i32
        %mul3A_1251 = arith.muli %add3A_1249, %mul3A_1250 : i32
        %dma_start3A_1252 = arith.constant 1 : i32
        %dma_start3A_1253 = arith.constant 0 : i32
        %dma_start3A_1254 = arith.constant 0 : i32
        %dma_start3A_1255 = tpu.memref_slice %arg6[%dma_start3A_1252, %dma_start3A_1253, %dma_start3A_1254] : memref<3x128x64xf32, #tpu.memory_space<vmem>> -> memref<1x128x64xf32, #tpu.memory_space<vmem>>
        %dma_start3A_1256 = tpu.memref_squeeze %dma_start3A_1255 : memref<1x128x64xf32, #tpu.memory_space<vmem>> -> memref<128x64xf32, #tpu.memory_space<vmem>>
        %dma_start3A_1257 = tpu.memref_slice %arg5[%mul3A_1251] : memref<25600xi32, #tpu.memory_space<vmem>> -> memref<128xi32, #tpu.memory_space<vmem>>
        %dma_start3A_1258 = arith.constant 0 : i32
        %dma_start3A_1259 = arith.constant 0 : i32
        %dma_start3A_1260 = tpu.memref_slice %arg3[%dma_start3A_1258, %dma_start3A_1259] : memref<1000000x64xf32, #tpu.memory_space<hbm>> -> memref<1000000x64xf32, #tpu.memory_space<hbm>>
        tpu.enqueue_indirect_dma source(%dma_start3A_1260 : memref<1000000x64xf32, #tpu.memory_space<hbm>>) target(%dma_start3A_1256 : memref<128x64xf32, #tpu.memory_space<vmem>>) offsets(%dma_start3A_1257 : memref<128xi32, #tpu.memory_space<vmem>>) semaphore(%arg8 : memref<!tpu.dma_semaphore, #tpu.memory_space<semaphore_mem>>)
      } else {
      }
      %dma_wait3A_867 = arith.constant 2 : i32
      %dma_wait3A_868 = arith.constant 0 : i32
      %dma_wait3A_869 = arith.constant 0 : i32
      %dma_wait3A_870 = tpu.memref_slice %arg6[%dma_wait3A_867, %dma_wait3A_868, %dma_wait3A_869] : memref<3x128x64xf32, #tpu.memory_space<vmem>> -> memref<1x128x64xf32, #tpu.memory_space<vmem>>
      %dma_wait3A_871 = tpu.memref_squeeze %dma_wait3A_870 : memref<1x128x64xf32, #tpu.memory_space<vmem>> -> memref<128x64xf32, #tpu.memory_space<vmem>>
      %dma_wait3A_872 = arith.constant 0 : i32
      %dma_wait3A_873 = arith.constant 0 : i32
      %dma_wait3A_874 = tpu.memref_slice %arg3[%dma_wait3A_872, %dma_wait3A_873] : memref<1000000x64xf32, #tpu.memory_space<hbm>> -> memref<128x64xf32, #tpu.memory_space<hbm>>
      %dma_wait3A_875 = arith.constant 0 : i32
      %dma_wait3A_876 = arith.constant 0 : i32
      %dma_wait3A_877 = tpu.memref_slice %arg6[%dma_wait3A_867, %dma_wait3A_875, %dma_wait3A_876] : memref<3x128x64xf32, #tpu.memory_space<vmem>> -> memref<1x128x64xf32, #tpu.memory_space<vmem>>
      %dma_wait3A_878 = tpu.memref_squeeze %dma_wait3A_877 : memref<1x128x64xf32, #tpu.memory_space<vmem>> -> memref<128x64xf32, #tpu.memory_space<vmem>>
      %dma_wait3A_879 = arith.constant 0 : i32
      %dma_wait3A_880 = arith.constant 0 : i32
      %dma_wait3A_881 = tpu.memref_slice %arg3[%dma_wait3A_879, %dma_wait3A_880] : memref<1000000x64xf32, #tpu.memory_space<hbm>> -> memref<128x64xf32, #tpu.memory_space<hbm>>
      tpu.wait_dma2 semaphore(%arg8 : memref<!tpu.dma_semaphore, #tpu.memory_space<semaphore_mem>>) src(%dma_wait3A_881 : memref<128x64xf32, #tpu.memory_space<hbm>>) dst(%dma_wait3A_878 : memref<128x64xf32, #tpu.memory_space<vmem>>)
      %ge3A_882 = arith.constant 2 : i32
      %ge3A_883 = arith.cmpi sge, %add3A_859, %ge3A_882 : i32
      %convert_element_type3A_884 = arith.extui %ge3A_883 : i1 to i32
      %cond3A_885 = arith.constant 0 : i32
      %cond3A_886 = arith.cmpi ne, %convert_element_type3A_884, %cond3A_885 : i32
      scf.if %cond3A_886 {
        %jit3A_1248 = arith.constant 128 : i32
        %div3A_1249 = arith.divsi %mul3A_2, %jit3A_1248 : i32
        %sign3A_1250 = arith.constant 0 : i32
        %sign3A_1251 = arith.cmpi sgt, %mul3A_2, %sign3A_1250 : i32
        %sign3A_1252 = arith.extui %sign3A_1251 : i1 to i32
        %sign3A_1253 = arith.constant 0 : i32
        %sign3A_1254 = arith.cmpi slt, %mul3A_2, %sign3A_1253 : i32
        %sign3A_1255 = arith.extui %sign3A_1254 : i1 to i32
        %sign3A_1256 = arith.subi %sign3A_1252, %sign3A_1255 : i32
        %sign3A_1257 = arith.constant 0 : i32
        %sign3A_1258 = arith.cmpi sgt, %jit3A_1248, %sign3A_1257 : i32
        %sign3A_1259 = arith.extui %sign3A_1258 : i1 to i32
        %sign3A_1260 = arith.constant 0 : i32
        %sign3A_1261 = arith.cmpi slt, %jit3A_1248, %sign3A_1260 : i32
        %sign3A_1262 = arith.extui %sign3A_1261 : i1 to i32
        %sign3A_1263 = arith.subi %sign3A_1259, %sign3A_1262 : i32
        %ne3A_1264 = arith.cmpi ne, %sign3A_1256, %sign3A_1263 : i32
        %rem3A_1265 = arith.remsi %mul3A_2, %jit3A_1248 : i32
        %ne3A_1266 = arith.constant 0 : i32
        %ne3A_1267 = arith.cmpi ne, %rem3A_1265, %ne3A_1266 : i32
        %and3A_1268 = arith.andi %ne3A_1264, %ne3A_1267 : i1
        %sub3A_1269 = arith.constant 1 : i32
        %sub3A_1270 = arith.subi %div3A_1249, %sub3A_1269 : i32
        %select_n3A_1271 = arith.select %and3A_1268, %sub3A_1270, %div3A_1249 : i32
        %jit3A_1272 = arith.constant 128 : i32
        %eq3A_1273 = arith.constant 0 : i32
        %eq3A_1274 = arith.cmpi eq, %jit3A_1272, %eq3A_1273 : i32
        %jit3A_1275 = arith.constant 1 : i32
        %select_n3A_1276 = arith.select %eq3A_1274, %jit3A_1275, %jit3A_1272 : i32
        %rem3A_1277 = arith.remsi %mul3A_2, %select_n3A_1276 : i32
        %ne3A_1278 = arith.constant 0 : i32
        %ne3A_1279 = arith.cmpi ne, %rem3A_1277, %ne3A_1278 : i32
        %lt3A_1280 = arith.constant 0 : i32
        %lt3A_1281 = arith.cmpi slt, %rem3A_1277, %lt3A_1280 : i32
        %lt3A_1282 = arith.constant 0 : i32
        %lt3A_1283 = arith.cmpi slt, %select_n3A_1276, %lt3A_1282 : i32
        %ne3A_1284 = arith.xori %lt3A_1281, %lt3A_1283 : i1
        %and3A_1285 = arith.andi %ne3A_1284, %ne3A_1279 : i1
        %add3A_1286 = arith.addi %rem3A_1277, %select_n3A_1276 : i32
        %select_n3A_1287 = arith.select %and3A_1285, %add3A_1286, %rem3A_1277 : i32
        %mul3A_1288 = arith.constant 8 : i32
        %mul3A_1289 = arith.muli %select_n3A_1271, %mul3A_1288 : i32
        %dma_wait3A_1290 = arith.constant 0 : i32
        %dma_wait3A_1291 = arith.constant 0 : i32
        %dma_wait3A_1292 = arith.constant 0 : i32
        %dma_wait3A_1293 = arith.constant 0 : i32
        %dma_wait3A_1294 = tpu.memref_slice %arg7[%dma_wait3A_1290, %dma_wait3A_1291, %dma_wait3A_1292, %dma_wait3A_1293] : memref<2x8x8x129xf32, #tpu.memory_space<vmem>> -> memref<1x8x8x128xf32, #tpu.memory_space<vmem>>
        %dma_wait3A_1295 = tpu.memref_squeeze %dma_wait3A_1294 : memref<1x8x8x128xf32, #tpu.memory_space<vmem>> -> memref<8x8x128xf32, #tpu.memory_space<vmem>>
        %dma_wait3A_1296 = arith.constant 0 : i32
        %dma_wait3A_1297 = arith.constant 0 : i32
        %dma_wait3A_1298 = tpu.memref_slice %arg4[%mul3A_1289, %select_n3A_1287, %dma_wait3A_1296, %dma_wait3A_1297] : memref<400x128x8x128xf32, #tpu.memory_space<hbm>> -> memref<8x1x8x128xf32, #tpu.memory_space<hbm>>
        %dma_wait3A_1299 = tpu.memref_squeeze %dma_wait3A_1298 : memref<8x1x8x128xf32, #tpu.memory_space<hbm>> -> memref<8x8x128xf32, #tpu.memory_space<hbm>>
        %dma_wait3A_1300 = arith.constant 0 : i32
        %dma_wait3A_1301 = arith.constant 0 : i32
        %dma_wait3A_1302 = tpu.memref_slice %arg4[%mul3A_1289, %select_n3A_1287, %dma_wait3A_1300, %dma_wait3A_1301] : memref<400x128x8x128xf32, #tpu.memory_space<hbm>> -> memref<8x1x8x128xf32, #tpu.memory_space<hbm>>
        %dma_wait3A_1303 = tpu.memref_squeeze %dma_wait3A_1302 : memref<8x1x8x128xf32, #tpu.memory_space<hbm>> -> memref<8x8x128xf32, #tpu.memory_space<hbm>>
        %dma_wait3A_1304 = arith.constant 0 : i32
        %dma_wait3A_1305 = arith.constant 0 : i32
        %dma_wait3A_1306 = arith.constant 0 : i32
        %dma_wait3A_1307 = tpu.memref_slice %arg7[%dma_wait3A_1290, %dma_wait3A_1304, %dma_wait3A_1305, %dma_wait3A_1306] : memref<2x8x8x129xf32, #tpu.memory_space<vmem>> -> memref<1x8x8x128xf32, #tpu.memory_space<vmem>>
        %dma_wait3A_1308 = tpu.memref_squeeze %dma_wait3A_1307 : memref<1x8x8x128xf32, #tpu.memory_space<vmem>> -> memref<8x8x128xf32, #tpu.memory_space<vmem>>
        tpu.wait_dma2 semaphore(%arg9 : memref<!tpu.dma_semaphore, #tpu.memory_space<semaphore_mem>>) src(%dma_wait3A_1308 : memref<8x8x128xf32, #tpu.memory_space<vmem>>) dst(%dma_wait3A_1303 : memref<8x8x128xf32, #tpu.memory_space<hbm>>)
      } else {
      }
      %broadcast_in_dim3A_887 = arith.constant 0 : i32
      %broadcast_in_dim3A_888 = vector.broadcast %broadcast_in_dim3A_887 : i32 to vector<16xi32>
      %parallel_loop3A_889 = arith.constant 0 : i32
      %parallel_loop3A_890 = arith.constant 128 : i32
      %parallel_loop3A_891 = arith.constant 1 : i32
      scf.for %parallel_loop3A_1248 = %parallel_loop3A_889 to %parallel_loop3A_890 step %parallel_loop3A_891  : i32 {
        %parallel_loop3A_1249 = vector.broadcast %parallel_loop3A_1248 : i32 to vector<16xi32>
        %parallel_loop3A_1250 = arith.constant 2 : i32
        %parallel_loop3A_1251 = arith.index_cast %parallel_loop3A_1250 : i32 to index
        %parallel_loop3A_1252 = arith.index_cast %parallel_loop3A_1248 : i32 to index
        %parallel_loop3A_1253 = arith.constant 0 : index
        %parallel_loop3A_1254 = tpu.vector_load %arg6[%parallel_loop3A_1251, %parallel_loop3A_1252, %parallel_loop3A_1253] {strides = array<i32>} : memref<3x128x64xf32, #tpu.memory_space<vmem>>, vector<16xf32>,
        tpu.vector_store_idx %arg7[%broadcast_in_dim3A_888, %select_n3A, %select_n3A_155, %parallel_loop3A_1249], %parallel_loop3A_1254 : memref<2x8x8x129xf32, #tpu.memory_space<vmem>>[vector<16xi32>, vector<16xi32>, vector<16xi32>, vector<16xi32>], vector<16xf32>,
        %parallel_loop3A_1255 = arith.constant 2 : i32
        %parallel_loop3A_1256 = arith.index_cast %parallel_loop3A_1255 : i32 to index
        %parallel_loop3A_1257 = arith.index_cast %parallel_loop3A_1248 : i32 to index
        %parallel_loop3A_1258 = arith.constant 16 : index
        %parallel_loop3A_1259 = tpu.vector_load %arg6[%parallel_loop3A_1256, %parallel_loop3A_1257, %parallel_loop3A_1258] {strides = array<i32>} : memref<3x128x64xf32, #tpu.memory_space<vmem>>, vector<16xf32>,
        tpu.vector_store_idx %arg7[%broadcast_in_dim3A_888, %select_n3A_64, %select_n3A_180, %parallel_loop3A_1249], %parallel_loop3A_1259 : memref<2x8x8x129xf32, #tpu.memory_space<vmem>>[vector<16xi32>, vector<16xi32>, vector<16xi32>, vector<16xi32>], vector<16xf32>,
        %parallel_loop3A_1260 = arith.constant 2 : i32
        %parallel_loop3A_1261 = arith.index_cast %parallel_loop3A_1260 : i32 to index
        %parallel_loop3A_1262 = arith.index_cast %parallel_loop3A_1248 : i32 to index
        %parallel_loop3A_1263 = arith.constant 32 : index
        %parallel_loop3A_1264 = tpu.vector_load %arg6[%parallel_loop3A_1261, %parallel_loop3A_1262, %parallel_loop3A_1263] {strides = array<i32>} : memref<3x128x64xf32, #tpu.memory_space<vmem>>, vector<16xf32>,
        tpu.vector_store_idx %arg7[%broadcast_in_dim3A_888, %select_n3A_98, %select_n3A_205, %parallel_loop3A_1249], %parallel_loop3A_1264 : memref<2x8x8x129xf32, #tpu.memory_space<vmem>>[vector<16xi32>, vector<16xi32>, vector<16xi32>, vector<16xi32>], vector<16xf32>,
        %parallel_loop3A_1265 = arith.constant 2 : i32
        %parallel_loop3A_1266 = arith.index_cast %parallel_loop3A_1265 : i32 to index
        %parallel_loop3A_1267 = arith.index_cast %parallel_loop3A_1248 : i32 to index
        %parallel_loop3A_1268 = arith.constant 48 : index
        %parallel_loop3A_1269 = tpu.vector_load %arg6[%parallel_loop3A_1266, %parallel_loop3A_1267, %parallel_loop3A_1268] {strides = array<i32>} : memref<3x128x64xf32, #tpu.memory_space<vmem>>, vector<16xf32>,
        tpu.vector_store_idx %arg7[%broadcast_in_dim3A_888, %select_n3A_132, %select_n3A_230, %parallel_loop3A_1249], %parallel_loop3A_1269 : memref<2x8x8x129xf32, #tpu.memory_space<vmem>>[vector<16xi32>, vector<16xi32>, vector<16xi32>, vector<16xi32>], vector<16xf32>,
      } {sc.loop_unroll_factor = 8 : i64, sc.parallel_access}
      %add3A_892 = arith.addi %mul3A_2, %add3A_859 : i32
      %jit3A_893 = arith.constant 128 : i32
      %div3A_894 = arith.divsi %add3A_892, %jit3A_893 : i32
      %sign3A_895 = arith.constant 0 : i32
      %sign3A_896 = arith.cmpi sgt, %add3A_892, %sign3A_895 : i32
      %sign3A_897 = arith.extui %sign3A_896 : i1 to i32
      %sign3A_898 = arith.constant 0 : i32
      %sign3A_899 = arith.cmpi slt, %add3A_892, %sign3A_898 : i32
      %sign3A_900 = arith.extui %sign3A_899 : i1 to i32
      %sign3A_901 = arith.subi %sign3A_897, %sign3A_900 : i32
      %sign3A_902 = arith.constant 0 : i32
      %sign3A_903 = arith.cmpi sgt, %jit3A_893, %sign3A_902 : i32
      %sign3A_904 = arith.extui %sign3A_903 : i1 to i32
      %sign3A_905 = arith.constant 0 : i32
      %sign3A_906 = arith.cmpi slt, %jit3A_893, %sign3A_905 : i32
      %sign3A_907 = arith.extui %sign3A_906 : i1 to i32
      %sign3A_908 = arith.subi %sign3A_904, %sign3A_907 : i32
      %ne3A_909 = arith.cmpi ne, %sign3A_901, %sign3A_908 : i32
      %rem3A_910 = arith.remsi %add3A_892, %jit3A_893 : i32
      %ne3A_911 = arith.constant 0 : i32
      %ne3A_912 = arith.cmpi ne, %rem3A_910, %ne3A_911 : i32
      %and3A_913 = arith.andi %ne3A_909, %ne3A_912 : i1
      %sub3A_914 = arith.constant 1 : i32
      %sub3A_915 = arith.subi %div3A_894, %sub3A_914 : i32
      %select_n3A_916 = arith.select %and3A_913, %sub3A_915, %div3A_894 : i32
      %jit3A_917 = arith.constant 128 : i32
      %eq3A_918 = arith.constant 0 : i32
      %eq3A_919 = arith.cmpi eq, %jit3A_917, %eq3A_918 : i32
      %jit3A_920 = arith.constant 1 : i32
      %select_n3A_921 = arith.select %eq3A_919, %jit3A_920, %jit3A_917 : i32
      %rem3A_922 = arith.remsi %add3A_892, %select_n3A_921 : i32
      %ne3A_923 = arith.constant 0 : i32
      %ne3A_924 = arith.cmpi ne, %rem3A_922, %ne3A_923 : i32
      %lt3A_925 = arith.constant 0 : i32
      %lt3A_926 = arith.cmpi slt, %rem3A_922, %lt3A_925 : i32
      %lt3A_927 = arith.constant 0 : i32
      %lt3A_928 = arith.cmpi slt, %select_n3A_921, %lt3A_927 : i32
      %ne3A_929 = arith.xori %lt3A_926, %lt3A_928 : i1
      %and3A_930 = arith.andi %ne3A_929, %ne3A_924 : i1
      %add3A_931 = arith.addi %rem3A_922, %select_n3A_921 : i32
      %select_n3A_932 = arith.select %and3A_930, %add3A_931, %rem3A_922 : i32
      %mul3A_933 = arith.constant 8 : i32
      %mul3A_934 = arith.muli %select_n3A_916, %mul3A_933 : i32
      %dma_start3A_935 = arith.constant 0 : i32
      %dma_start3A_936 = arith.constant 0 : i32
      %dma_start3A_937 = arith.constant 0 : i32
      %dma_start3A_938 = arith.constant 0 : i32
      %dma_start3A_939 = tpu.memref_slice %arg7[%dma_start3A_935, %dma_start3A_936, %dma_start3A_937, %dma_start3A_938] : memref<2x8x8x129xf32, #tpu.memory_space<vmem>> -> memref<1x8x8x128xf32, #tpu.memory_space<vmem>>
      %dma_start3A_940 = tpu.memref_squeeze %dma_start3A_939 : memref<1x8x8x128xf32, #tpu.memory_space<vmem>> -> memref<8x8x128xf32, #tpu.memory_space<vmem>>
      %dma_start3A_941 = arith.constant 0 : i32
      %dma_start3A_942 = arith.constant 0 : i32
      %dma_start3A_943 = tpu.memref_slice %arg4[%mul3A_934, %select_n3A_932, %dma_start3A_941, %dma_start3A_942] : memref<400x128x8x128xf32, #tpu.memory_space<hbm>> -> memref<8x1x8x128xf32, #tpu.memory_space<hbm>>
      %dma_start3A_944 = tpu.memref_squeeze %dma_start3A_943 : memref<8x1x8x128xf32, #tpu.memory_space<hbm>> -> memref<8x8x128xf32, #tpu.memory_space<hbm>>
      %dma_start3A_945 = arith.constant 0 : i32
      %dma_start3A_946 = arith.constant 0 : i32
      %dma_start3A_947 = tpu.memref_slice %arg4[%mul3A_934, %select_n3A_932, %dma_start3A_945, %dma_start3A_946] : memref<400x128x8x128xf32, #tpu.memory_space<hbm>> -> memref<8x1x8x128xf32, #tpu.memory_space<hbm>>
      %dma_start3A_948 = tpu.memref_squeeze %dma_start3A_947 : memref<8x1x8x128xf32, #tpu.memory_space<hbm>> -> memref<8x8x128xf32, #tpu.memory_space<hbm>>
      %dma_start3A_949 = arith.constant 0 : i32
      %dma_start3A_950 = arith.constant 0 : i32
      %dma_start3A_951 = arith.constant 0 : i32
      %dma_start3A_952 = tpu.memref_slice %arg7[%dma_start3A_935, %dma_start3A_949, %dma_start3A_950, %dma_start3A_951] : memref<2x8x8x129xf32, #tpu.memory_space<vmem>> -> memref<1x8x8x128xf32, #tpu.memory_space<vmem>>
      %dma_start3A_953 = tpu.memref_squeeze %dma_start3A_952 : memref<1x8x8x128xf32, #tpu.memory_space<vmem>> -> memref<8x8x128xf32, #tpu.memory_space<vmem>>
      tpu.enqueue_dma source(%dma_start3A_953 : memref<8x8x128xf32, #tpu.memory_space<vmem>>) target(%dma_start3A_948 : memref<8x8x128xf32, #tpu.memory_space<hbm>>) target_semaphore(%arg9 : memref<!tpu.dma_semaphore, #tpu.memory_space<semaphore_mem>>)
      %mul3A_954 = arith.constant 6 : i32
      %mul3A_955 = arith.muli %mul3A_954, %scan3A_662 : i32
      %add3A_956 = arith.constant 3 : i32
      %add3A_957 = arith.addi %mul3A_955, %add3A_956 : i32
      %add3A_958 = arith.constant 2 : i32
      %add3A_959 = arith.addi %add3A_957, %add3A_958 : i32
      %lt3A_960 = arith.constant 200 : i32
      %lt3A_961 = arith.cmpi slt, %add3A_959, %lt3A_960 : i32
      %convert_element_type3A_962 = arith.extui %lt3A_961 : i1 to i32
      %cond3A_963 = arith.constant 0 : i32
      %cond3A_964 = arith.cmpi ne, %convert_element_type3A_962, %cond3A_963 : i32
      scf.if %cond3A_964 {
        %add3A_1248 = arith.constant 2 : i32
        %add3A_1249 = arith.addi %add3A_957, %add3A_1248 : i32
        %mul3A_1250 = arith.constant 128 : i32
        %mul3A_1251 = arith.muli %add3A_1249, %mul3A_1250 : i32
        %dma_start3A_1252 = arith.constant 2 : i32
        %dma_start3A_1253 = arith.constant 0 : i32
        %dma_start3A_1254 = arith.constant 0 : i32
        %dma_start3A_1255 = tpu.memref_slice %arg6[%dma_start3A_1252, %dma_start3A_1253, %dma_start3A_1254] : memref<3x128x64xf32, #tpu.memory_space<vmem>> -> memref<1x128x64xf32, #tpu.memory_space<vmem>>
        %dma_start3A_1256 = tpu.memref_squeeze %dma_start3A_1255 : memref<1x128x64xf32, #tpu.memory_space<vmem>> -> memref<128x64xf32, #tpu.memory_space<vmem>>
        %dma_start3A_1257 = tpu.memref_slice %arg5[%mul3A_1251] : memref<25600xi32, #tpu.memory_space<vmem>> -> memref<128xi32, #tpu.memory_space<vmem>>
        %dma_start3A_1258 = arith.constant 0 : i32
        %dma_start3A_1259 = arith.constant 0 : i32
        %dma_start3A_1260 = tpu.memref_slice %arg3[%dma_start3A_1258, %dma_start3A_1259] : memref<1000000x64xf32, #tpu.memory_space<hbm>> -> memref<1000000x64xf32, #tpu.memory_space<hbm>>
        tpu.enqueue_indirect_dma source(%dma_start3A_1260 : memref<1000000x64xf32, #tpu.memory_space<hbm>>) target(%dma_start3A_1256 : memref<128x64xf32, #tpu.memory_space<vmem>>) offsets(%dma_start3A_1257 : memref<128xi32, #tpu.memory_space<vmem>>) semaphore(%arg8 : memref<!tpu.dma_semaphore, #tpu.memory_space<semaphore_mem>>)
      } else {
      }
      %dma_wait3A_965 = arith.constant 0 : i32
      %dma_wait3A_966 = arith.constant 0 : i32
      %dma_wait3A_967 = arith.constant 0 : i32
      %dma_wait3A_968 = tpu.memref_slice %arg6[%dma_wait3A_965, %dma_wait3A_966, %dma_wait3A_967] : memref<3x128x64xf32, #tpu.memory_space<vmem>> -> memref<1x128x64xf32, #tpu.memory_space<vmem>>
      %dma_wait3A_969 = tpu.memref_squeeze %dma_wait3A_968 : memref<1x128x64xf32, #tpu.memory_space<vmem>> -> memref<128x64xf32, #tpu.memory_space<vmem>>
      %dma_wait3A_970 = arith.constant 0 : i32
      %dma_wait3A_971 = arith.constant 0 : i32
      %dma_wait3A_972 = tpu.memref_slice %arg3[%dma_wait3A_970, %dma_wait3A_971] : memref<1000000x64xf32, #tpu.memory_space<hbm>> -> memref<128x64xf32, #tpu.memory_space<hbm>>
      %dma_wait3A_973 = arith.constant 0 : i32
      %dma_wait3A_974 = arith.constant 0 : i32
      %dma_wait3A_975 = tpu.memref_slice %arg6[%dma_wait3A_965, %dma_wait3A_973, %dma_wait3A_974] : memref<3x128x64xf32, #tpu.memory_space<vmem>> -> memref<1x128x64xf32, #tpu.memory_space<vmem>>
      %dma_wait3A_976 = tpu.memref_squeeze %dma_wait3A_975 : memref<1x128x64xf32, #tpu.memory_space<vmem>> -> memref<128x64xf32, #tpu.memory_space<vmem>>
      %dma_wait3A_977 = arith.constant 0 : i32
      %dma_wait3A_978 = arith.constant 0 : i32
      %dma_wait3A_979 = tpu.memref_slice %arg3[%dma_wait3A_977, %dma_wait3A_978] : memref<1000000x64xf32, #tpu.memory_space<hbm>> -> memref<128x64xf32, #tpu.memory_space<hbm>>
      tpu.wait_dma2 semaphore(%arg8 : memref<!tpu.dma_semaphore, #tpu.memory_space<semaphore_mem>>) src(%dma_wait3A_979 : memref<128x64xf32, #tpu.memory_space<hbm>>) dst(%dma_wait3A_976 : memref<128x64xf32, #tpu.memory_space<vmem>>)
      %ge3A_980 = arith.constant 2 : i32
      %ge3A_981 = arith.cmpi sge, %add3A_957, %ge3A_980 : i32
      %convert_element_type3A_982 = arith.extui %ge3A_981 : i1 to i32
      %cond3A_983 = arith.constant 0 : i32
      %cond3A_984 = arith.cmpi ne, %convert_element_type3A_982, %cond3A_983 : i32
      scf.if %cond3A_984 {
        %jit3A_1248 = arith.constant 128 : i32
        %div3A_1249 = arith.divsi %mul3A_2, %jit3A_1248 : i32
        %sign3A_1250 = arith.constant 0 : i32
        %sign3A_1251 = arith.cmpi sgt, %mul3A_2, %sign3A_1250 : i32
        %sign3A_1252 = arith.extui %sign3A_1251 : i1 to i32
        %sign3A_1253 = arith.constant 0 : i32
        %sign3A_1254 = arith.cmpi slt, %mul3A_2, %sign3A_1253 : i32
        %sign3A_1255 = arith.extui %sign3A_1254 : i1 to i32
        %sign3A_1256 = arith.subi %sign3A_1252, %sign3A_1255 : i32
        %sign3A_1257 = arith.constant 0 : i32
        %sign3A_1258 = arith.cmpi sgt, %jit3A_1248, %sign3A_1257 : i32
        %sign3A_1259 = arith.extui %sign3A_1258 : i1 to i32
        %sign3A_1260 = arith.constant 0 : i32
        %sign3A_1261 = arith.cmpi slt, %jit3A_1248, %sign3A_1260 : i32
        %sign3A_1262 = arith.extui %sign3A_1261 : i1 to i32
        %sign3A_1263 = arith.subi %sign3A_1259, %sign3A_1262 : i32
        %ne3A_1264 = arith.cmpi ne, %sign3A_1256, %sign3A_1263 : i32
        %rem3A_1265 = arith.remsi %mul3A_2, %jit3A_1248 : i32
        %ne3A_1266 = arith.constant 0 : i32
        %ne3A_1267 = arith.cmpi ne, %rem3A_1265, %ne3A_1266 : i32
        %and3A_1268 = arith.andi %ne3A_1264, %ne3A_1267 : i1
        %sub3A_1269 = arith.constant 1 : i32
        %sub3A_1270 = arith.subi %div3A_1249, %sub3A_1269 : i32
        %select_n3A_1271 = arith.select %and3A_1268, %sub3A_1270, %div3A_1249 : i32
        %jit3A_1272 = arith.constant 128 : i32
        %eq3A_1273 = arith.constant 0 : i32
        %eq3A_1274 = arith.cmpi eq, %jit3A_1272, %eq3A_1273 : i32
        %jit3A_1275 = arith.constant 1 : i32
        %select_n3A_1276 = arith.select %eq3A_1274, %jit3A_1275, %jit3A_1272 : i32
        %rem3A_1277 = arith.remsi %mul3A_2, %select_n3A_1276 : i32
        %ne3A_1278 = arith.constant 0 : i32
        %ne3A_1279 = arith.cmpi ne, %rem3A_1277, %ne3A_1278 : i32
        %lt3A_1280 = arith.constant 0 : i32
        %lt3A_1281 = arith.cmpi slt, %rem3A_1277, %lt3A_1280 : i32
        %lt3A_1282 = arith.constant 0 : i32
        %lt3A_1283 = arith.cmpi slt, %select_n3A_1276, %lt3A_1282 : i32
        %ne3A_1284 = arith.xori %lt3A_1281, %lt3A_1283 : i1
        %and3A_1285 = arith.andi %ne3A_1284, %ne3A_1279 : i1
        %add3A_1286 = arith.addi %rem3A_1277, %select_n3A_1276 : i32
        %select_n3A_1287 = arith.select %and3A_1285, %add3A_1286, %rem3A_1277 : i32
        %mul3A_1288 = arith.constant 8 : i32
        %mul3A_1289 = arith.muli %select_n3A_1271, %mul3A_1288 : i32
        %dma_wait3A_1290 = arith.constant 1 : i32
        %dma_wait3A_1291 = arith.constant 0 : i32
        %dma_wait3A_1292 = arith.constant 0 : i32
        %dma_wait3A_1293 = arith.constant 0 : i32
        %dma_wait3A_1294 = tpu.memref_slice %arg7[%dma_wait3A_1290, %dma_wait3A_1291, %dma_wait3A_1292, %dma_wait3A_1293] : memref<2x8x8x129xf32, #tpu.memory_space<vmem>> -> memref<1x8x8x128xf32, #tpu.memory_space<vmem>>
        %dma_wait3A_1295 = tpu.memref_squeeze %dma_wait3A_1294 : memref<1x8x8x128xf32, #tpu.memory_space<vmem>> -> memref<8x8x128xf32, #tpu.memory_space<vmem>>
        %dma_wait3A_1296 = arith.constant 0 : i32
        %dma_wait3A_1297 = arith.constant 0 : i32
        %dma_wait3A_1298 = tpu.memref_slice %arg4[%mul3A_1289, %select_n3A_1287, %dma_wait3A_1296, %dma_wait3A_1297] : memref<400x128x8x128xf32, #tpu.memory_space<hbm>> -> memref<8x1x8x128xf32, #tpu.memory_space<hbm>>
        %dma_wait3A_1299 = tpu.memref_squeeze %dma_wait3A_1298 : memref<8x1x8x128xf32, #tpu.memory_space<hbm>> -> memref<8x8x128xf32, #tpu.memory_space<hbm>>
        %dma_wait3A_1300 = arith.constant 0 : i32
        %dma_wait3A_1301 = arith.constant 0 : i32
        %dma_wait3A_1302 = tpu.memref_slice %arg4[%mul3A_1289, %select_n3A_1287, %dma_wait3A_1300, %dma_wait3A_1301] : memref<400x128x8x128xf32, #tpu.memory_space<hbm>> -> memref<8x1x8x128xf32, #tpu.memory_space<hbm>>
        %dma_wait3A_1303 = tpu.memref_squeeze %dma_wait3A_1302 : memref<8x1x8x128xf32, #tpu.memory_space<hbm>> -> memref<8x8x128xf32, #tpu.memory_space<hbm>>
        %dma_wait3A_1304 = arith.constant 0 : i32
        %dma_wait3A_1305 = arith.constant 0 : i32
        %dma_wait3A_1306 = arith.constant 0 : i32
        %dma_wait3A_1307 = tpu.memref_slice %arg7[%dma_wait3A_1290, %dma_wait3A_1304, %dma_wait3A_1305, %dma_wait3A_1306] : memref<2x8x8x129xf32, #tpu.memory_space<vmem>> -> memref<1x8x8x128xf32, #tpu.memory_space<vmem>>
        %dma_wait3A_1308 = tpu.memref_squeeze %dma_wait3A_1307 : memref<1x8x8x128xf32, #tpu.memory_space<vmem>> -> memref<8x8x128xf32, #tpu.memory_space<vmem>>
        tpu.wait_dma2 semaphore(%arg9 : memref<!tpu.dma_semaphore, #tpu.memory_space<semaphore_mem>>) src(%dma_wait3A_1308 : memref<8x8x128xf32, #tpu.memory_space<vmem>>) dst(%dma_wait3A_1303 : memref<8x8x128xf32, #tpu.memory_space<hbm>>)
      } else {
      }
      %broadcast_in_dim3A_985 = arith.constant 1 : i32
      %broadcast_in_dim3A_986 = vector.broadcast %broadcast_in_dim3A_985 : i32 to vector<16xi32>
      %parallel_loop3A_987 = arith.constant 0 : i32
      %parallel_loop3A_988 = arith.constant 128 : i32
      %parallel_loop3A_989 = arith.constant 1 : i32
      scf.for %parallel_loop3A_1248 = %parallel_loop3A_987 to %parallel_loop3A_988 step %parallel_loop3A_989  : i32 {
        %parallel_loop3A_1249 = vector.broadcast %parallel_loop3A_1248 : i32 to vector<16xi32>
        %parallel_loop3A_1250 = arith.constant 0 : i32
        %parallel_loop3A_1251 = arith.index_cast %parallel_loop3A_1250 : i32 to index
        %parallel_loop3A_1252 = arith.index_cast %parallel_loop3A_1248 : i32 to index
        %parallel_loop3A_1253 = arith.constant 0 : index
        %parallel_loop3A_1254 = tpu.vector_load %arg6[%parallel_loop3A_1251, %parallel_loop3A_1252, %parallel_loop3A_1253] {strides = array<i32>} : memref<3x128x64xf32, #tpu.memory_space<vmem>>, vector<16xf32>,
        tpu.vector_store_idx %arg7[%broadcast_in_dim3A_986, %select_n3A, %select_n3A_155, %parallel_loop3A_1249], %parallel_loop3A_1254 : memref<2x8x8x129xf32, #tpu.memory_space<vmem>>[vector<16xi32>, vector<16xi32>, vector<16xi32>, vector<16xi32>], vector<16xf32>,
        %parallel_loop3A_1255 = arith.constant 0 : i32
        %parallel_loop3A_1256 = arith.index_cast %parallel_loop3A_1255 : i32 to index
        %parallel_loop3A_1257 = arith.index_cast %parallel_loop3A_1248 : i32 to index
        %parallel_loop3A_1258 = arith.constant 16 : index
        %parallel_loop3A_1259 = tpu.vector_load %arg6[%parallel_loop3A_1256, %parallel_loop3A_1257, %parallel_loop3A_1258] {strides = array<i32>} : memref<3x128x64xf32, #tpu.memory_space<vmem>>, vector<16xf32>,
        tpu.vector_store_idx %arg7[%broadcast_in_dim3A_986, %select_n3A_64, %select_n3A_180, %parallel_loop3A_1249], %parallel_loop3A_1259 : memref<2x8x8x129xf32, #tpu.memory_space<vmem>>[vector<16xi32>, vector<16xi32>, vector<16xi32>, vector<16xi32>], vector<16xf32>,
        %parallel_loop3A_1260 = arith.constant 0 : i32
        %parallel_loop3A_1261 = arith.index_cast %parallel_loop3A_1260 : i32 to index
        %parallel_loop3A_1262 = arith.index_cast %parallel_loop3A_1248 : i32 to index
        %parallel_loop3A_1263 = arith.constant 32 : index
        %parallel_loop3A_1264 = tpu.vector_load %arg6[%parallel_loop3A_1261, %parallel_loop3A_1262, %parallel_loop3A_1263] {strides = array<i32>} : memref<3x128x64xf32, #tpu.memory_space<vmem>>, vector<16xf32>,
        tpu.vector_store_idx %arg7[%broadcast_in_dim3A_986, %select_n3A_98, %select_n3A_205, %parallel_loop3A_1249], %parallel_loop3A_1264 : memref<2x8x8x129xf32, #tpu.memory_space<vmem>>[vector<16xi32>, vector<16xi32>, vector<16xi32>, vector<16xi32>], vector<16xf32>,
        %parallel_loop3A_1265 = arith.constant 0 : i32
        %parallel_loop3A_1266 = arith.index_cast %parallel_loop3A_1265 : i32 to index
        %parallel_loop3A_1267 = arith.index_cast %parallel_loop3A_1248 : i32 to index
        %parallel_loop3A_1268 = arith.constant 48 : index
        %parallel_loop3A_1269 = tpu.vector_load %arg6[%parallel_loop3A_1266, %parallel_loop3A_1267, %parallel_loop3A_1268] {strides = array<i32>} : memref<3x128x64xf32, #tpu.memory_space<vmem>>, vector<16xf32>,
        tpu.vector_store_idx %arg7[%broadcast_in_dim3A_986, %select_n3A_132, %select_n3A_230, %parallel_loop3A_1249], %parallel_loop3A_1269 : memref<2x8x8x129xf32, #tpu.memory_space<vmem>>[vector<16xi32>, vector<16xi32>, vector<16xi32>, vector<16xi32>], vector<16xf32>,
      } {sc.loop_unroll_factor = 8 : i64, sc.parallel_access}
      %add3A_990 = arith.addi %mul3A_2, %add3A_957 : i32
      %jit3A_991 = arith.constant 128 : i32
      %div3A_992 = arith.divsi %add3A_990, %jit3A_991 : i32
      %sign3A_993 = arith.constant 0 : i32
      %sign3A_994 = arith.cmpi sgt, %add3A_990, %sign3A_993 : i32
      %sign3A_995 = arith.extui %sign3A_994 : i1 to i32
      %sign3A_996 = arith.constant 0 : i32
      %sign3A_997 = arith.cmpi slt, %add3A_990, %sign3A_996 : i32
      %sign3A_998 = arith.extui %sign3A_997 : i1 to i32
      %sign3A_999 = arith.subi %sign3A_995, %sign3A_998 : i32
      %sign3A_1000 = arith.constant 0 : i32
      %sign3A_1001 = arith.cmpi sgt, %jit3A_991, %sign3A_1000 : i32
      %sign3A_1002 = arith.extui %sign3A_1001 : i1 to i32
      %sign3A_1003 = arith.constant 0 : i32
      %sign3A_1004 = arith.cmpi slt, %jit3A_991, %sign3A_1003 : i32
      %sign3A_1005 = arith.extui %sign3A_1004 : i1 to i32
      %sign3A_1006 = arith.subi %sign3A_1002, %sign3A_1005 : i32
      %ne3A_1007 = arith.cmpi ne, %sign3A_999, %sign3A_1006 : i32
      %rem3A_1008 = arith.remsi %add3A_990, %jit3A_991 : i32
      %ne3A_1009 = arith.constant 0 : i32
      %ne3A_1010 = arith.cmpi ne, %rem3A_1008, %ne3A_1009 : i32
      %and3A_1011 = arith.andi %ne3A_1007, %ne3A_1010 : i1
      %sub3A_1012 = arith.constant 1 : i32
      %sub3A_1013 = arith.subi %div3A_992, %sub3A_1012 : i32
      %select_n3A_1014 = arith.select %and3A_1011, %sub3A_1013, %div3A_992 : i32
      %jit3A_1015 = arith.constant 128 : i32
      %eq3A_1016 = arith.constant 0 : i32
      %eq3A_1017 = arith.cmpi eq, %jit3A_1015, %eq3A_1016 : i32
      %jit3A_1018 = arith.constant 1 : i32
      %select_n3A_1019 = arith.select %eq3A_1017, %jit3A_1018, %jit3A_1015 : i32
      %rem3A_1020 = arith.remsi %add3A_990, %select_n3A_1019 : i32
      %ne3A_1021 = arith.constant 0 : i32
      %ne3A_1022 = arith.cmpi ne, %rem3A_1020, %ne3A_1021 : i32
      %lt3A_1023 = arith.constant 0 : i32
      %lt3A_1024 = arith.cmpi slt, %rem3A_1020, %lt3A_1023 : i32
      %lt3A_1025 = arith.constant 0 : i32
      %lt3A_1026 = arith.cmpi slt, %select_n3A_1019, %lt3A_1025 : i32
      %ne3A_1027 = arith.xori %lt3A_1024, %lt3A_1026 : i1
      %and3A_1028 = arith.andi %ne3A_1027, %ne3A_1022 : i1
      %add3A_1029 = arith.addi %rem3A_1020, %select_n3A_1019 : i32
      %select_n3A_1030 = arith.select %and3A_1028, %add3A_1029, %rem3A_1020 : i32
      %mul3A_1031 = arith.constant 8 : i32
      %mul3A_1032 = arith.muli %select_n3A_1014, %mul3A_1031 : i32
      %dma_start3A_1033 = arith.constant 1 : i32
      %dma_start3A_1034 = arith.constant 0 : i32
      %dma_start3A_1035 = arith.constant 0 : i32
      %dma_start3A_1036 = arith.constant 0 : i32
      %dma_start3A_1037 = tpu.memref_slice %arg7[%dma_start3A_1033, %dma_start3A_1034, %dma_start3A_1035, %dma_start3A_1036] : memref<2x8x8x129xf32, #tpu.memory_space<vmem>> -> memref<1x8x8x128xf32, #tpu.memory_space<vmem>>
      %dma_start3A_1038 = tpu.memref_squeeze %dma_start3A_1037 : memref<1x8x8x128xf32, #tpu.memory_space<vmem>> -> memref<8x8x128xf32, #tpu.memory_space<vmem>>
      %dma_start3A_1039 = arith.constant 0 : i32
      %dma_start3A_1040 = arith.constant 0 : i32
      %dma_start3A_1041 = tpu.memref_slice %arg4[%mul3A_1032, %select_n3A_1030, %dma_start3A_1039, %dma_start3A_1040] : memref<400x128x8x128xf32, #tpu.memory_space<hbm>> -> memref<8x1x8x128xf32, #tpu.memory_space<hbm>>
      %dma_start3A_1042 = tpu.memref_squeeze %dma_start3A_1041 : memref<8x1x8x128xf32, #tpu.memory_space<hbm>> -> memref<8x8x128xf32, #tpu.memory_space<hbm>>
      %dma_start3A_1043 = arith.constant 0 : i32
      %dma_start3A_1044 = arith.constant 0 : i32
      %dma_start3A_1045 = tpu.memref_slice %arg4[%mul3A_1032, %select_n3A_1030, %dma_start3A_1043, %dma_start3A_1044] : memref<400x128x8x128xf32, #tpu.memory_space<hbm>> -> memref<8x1x8x128xf32, #tpu.memory_space<hbm>>
      %dma_start3A_1046 = tpu.memref_squeeze %dma_start3A_1045 : memref<8x1x8x128xf32, #tpu.memory_space<hbm>> -> memref<8x8x128xf32, #tpu.memory_space<hbm>>
      %dma_start3A_1047 = arith.constant 0 : i32
      %dma_start3A_1048 = arith.constant 0 : i32
      %dma_start3A_1049 = arith.constant 0 : i32
      %dma_start3A_1050 = tpu.memref_slice %arg7[%dma_start3A_1033, %dma_start3A_1047, %dma_start3A_1048, %dma_start3A_1049] : memref<2x8x8x129xf32, #tpu.memory_space<vmem>> -> memref<1x8x8x128xf32, #tpu.memory_space<vmem>>
      %dma_start3A_1051 = tpu.memref_squeeze %dma_start3A_1050 : memref<1x8x8x128xf32, #tpu.memory_space<vmem>> -> memref<8x8x128xf32, #tpu.memory_space<vmem>>
      tpu.enqueue_dma source(%dma_start3A_1051 : memref<8x8x128xf32, #tpu.memory_space<vmem>>) target(%dma_start3A_1046 : memref<8x8x128xf32, #tpu.memory_space<hbm>>) target_semaphore(%arg9 : memref<!tpu.dma_semaphore, #tpu.memory_space<semaphore_mem>>)
      %mul3A_1052 = arith.constant 6 : i32
      %mul3A_1053 = arith.muli %mul3A_1052, %scan3A_662 : i32
      %add3A_1054 = arith.constant 4 : i32
      %add3A_1055 = arith.addi %mul3A_1053, %add3A_1054 : i32
      %add3A_1056 = arith.constant 2 : i32
      %add3A_1057 = arith.addi %add3A_1055, %add3A_1056 : i32
      %lt3A_1058 = arith.constant 200 : i32
      %lt3A_1059 = arith.cmpi slt, %add3A_1057, %lt3A_1058 : i32
      %convert_element_type3A_1060 = arith.extui %lt3A_1059 : i1 to i32
      %cond3A_1061 = arith.constant 0 : i32
      %cond3A_1062 = arith.cmpi ne, %convert_element_type3A_1060, %cond3A_1061 : i32
      scf.if %cond3A_1062 {
        %add3A_1248 = arith.constant 2 : i32
        %add3A_1249 = arith.addi %add3A_1055, %add3A_1248 : i32
        %mul3A_1250 = arith.constant 128 : i32
        %mul3A_1251 = arith.muli %add3A_1249, %mul3A_1250 : i32
        %dma_start3A_1252 = arith.constant 0 : i32
        %dma_start3A_1253 = arith.constant 0 : i32
        %dma_start3A_1254 = arith.constant 0 : i32
        %dma_start3A_1255 = tpu.memref_slice %arg6[%dma_start3A_1252, %dma_start3A_1253, %dma_start3A_1254] : memref<3x128x64xf32, #tpu.memory_space<vmem>> -> memref<1x128x64xf32, #tpu.memory_space<vmem>>
        %dma_start3A_1256 = tpu.memref_squeeze %dma_start3A_1255 : memref<1x128x64xf32, #tpu.memory_space<vmem>> -> memref<128x64xf32, #tpu.memory_space<vmem>>
        %dma_start3A_1257 = tpu.memref_slice %arg5[%mul3A_1251] : memref<25600xi32, #tpu.memory_space<vmem>> -> memref<128xi32, #tpu.memory_space<vmem>>
        %dma_start3A_1258 = arith.constant 0 : i32
        %dma_start3A_1259 = arith.constant 0 : i32
        %dma_start3A_1260 = tpu.memref_slice %arg3[%dma_start3A_1258, %dma_start3A_1259] : memref<1000000x64xf32, #tpu.memory_space<hbm>> -> memref<1000000x64xf32, #tpu.memory_space<hbm>>
        tpu.enqueue_indirect_dma source(%dma_start3A_1260 : memref<1000000x64xf32, #tpu.memory_space<hbm>>) target(%dma_start3A_1256 : memref<128x64xf32, #tpu.memory_space<vmem>>) offsets(%dma_start3A_1257 : memref<128xi32, #tpu.memory_space<vmem>>) semaphore(%arg8 : memref<!tpu.dma_semaphore, #tpu.memory_space<semaphore_mem>>)
      } else {
      }
      %dma_wait3A_1063 = arith.constant 1 : i32
      %dma_wait3A_1064 = arith.constant 0 : i32
      %dma_wait3A_1065 = arith.constant 0 : i32
      %dma_wait3A_1066 = tpu.memref_slice %arg6[%dma_wait3A_1063, %dma_wait3A_1064, %dma_wait3A_1065] : memref<3x128x64xf32, #tpu.memory_space<vmem>> -> memref<1x128x64xf32, #tpu.memory_space<vmem>>
      %dma_wait3A_1067 = tpu.memref_squeeze %dma_wait3A_1066 : memref<1x128x64xf32, #tpu.memory_space<vmem>> -> memref<128x64xf32, #tpu.memory_space<vmem>>
      %dma_wait3A_1068 = arith.constant 0 : i32
      %dma_wait3A_1069 = arith.constant 0 : i32
      %dma_wait3A_1070 = tpu.memref_slice %arg3[%dma_wait3A_1068, %dma_wait3A_1069] : memref<1000000x64xf32, #tpu.memory_space<hbm>> -> memref<128x64xf32, #tpu.memory_space<hbm>>
      %dma_wait3A_1071 = arith.constant 0 : i32
      %dma_wait3A_1072 = arith.constant 0 : i32
      %dma_wait3A_1073 = tpu.memref_slice %arg6[%dma_wait3A_1063, %dma_wait3A_1071, %dma_wait3A_1072] : memref<3x128x64xf32, #tpu.memory_space<vmem>> -> memref<1x128x64xf32, #tpu.memory_space<vmem>>
      %dma_wait3A_1074 = tpu.memref_squeeze %dma_wait3A_1073 : memref<1x128x64xf32, #tpu.memory_space<vmem>> -> memref<128x64xf32, #tpu.memory_space<vmem>>
      %dma_wait3A_1075 = arith.constant 0 : i32
      %dma_wait3A_1076 = arith.constant 0 : i32
      %dma_wait3A_1077 = tpu.memref_slice %arg3[%dma_wait3A_1075, %dma_wait3A_1076] : memref<1000000x64xf32, #tpu.memory_space<hbm>> -> memref<128x64xf32, #tpu.memory_space<hbm>>
      tpu.wait_dma2 semaphore(%arg8 : memref<!tpu.dma_semaphore, #tpu.memory_space<semaphore_mem>>) src(%dma_wait3A_1077 : memref<128x64xf32, #tpu.memory_space<hbm>>) dst(%dma_wait3A_1074 : memref<128x64xf32, #tpu.memory_space<vmem>>)
      %ge3A_1078 = arith.constant 2 : i32
      %ge3A_1079 = arith.cmpi sge, %add3A_1055, %ge3A_1078 : i32
      %convert_element_type3A_1080 = arith.extui %ge3A_1079 : i1 to i32
      %cond3A_1081 = arith.constant 0 : i32
      %cond3A_1082 = arith.cmpi ne, %convert_element_type3A_1080, %cond3A_1081 : i32
      scf.if %cond3A_1082 {
        %jit3A_1248 = arith.constant 128 : i32
        %div3A_1249 = arith.divsi %mul3A_2, %jit3A_1248 : i32
        %sign3A_1250 = arith.constant 0 : i32
        %sign3A_1251 = arith.cmpi sgt, %mul3A_2, %sign3A_1250 : i32
        %sign3A_1252 = arith.extui %sign3A_1251 : i1 to i32
        %sign3A_1253 = arith.constant 0 : i32
        %sign3A_1254 = arith.cmpi slt, %mul3A_2, %sign3A_1253 : i32
        %sign3A_1255 = arith.extui %sign3A_1254 : i1 to i32
        %sign3A_1256 = arith.subi %sign3A_1252, %sign3A_1255 : i32
        %sign3A_1257 = arith.constant 0 : i32
        %sign3A_1258 = arith.cmpi sgt, %jit3A_1248, %sign3A_1257 : i32
        %sign3A_1259 = arith.extui %sign3A_1258 : i1 to i32
        %sign3A_1260 = arith.constant 0 : i32
        %sign3A_1261 = arith.cmpi slt, %jit3A_1248, %sign3A_1260 : i32
        %sign3A_1262 = arith.extui %sign3A_1261 : i1 to i32
        %sign3A_1263 = arith.subi %sign3A_1259, %sign3A_1262 : i32
        %ne3A_1264 = arith.cmpi ne, %sign3A_1256, %sign3A_1263 : i32
        %rem3A_1265 = arith.remsi %mul3A_2, %jit3A_1248 : i32
        %ne3A_1266 = arith.constant 0 : i32
        %ne3A_1267 = arith.cmpi ne, %rem3A_1265, %ne3A_1266 : i32
        %and3A_1268 = arith.andi %ne3A_1264, %ne3A_1267 : i1
        %sub3A_1269 = arith.constant 1 : i32
        %sub3A_1270 = arith.subi %div3A_1249, %sub3A_1269 : i32
        %select_n3A_1271 = arith.select %and3A_1268, %sub3A_1270, %div3A_1249 : i32
        %jit3A_1272 = arith.constant 128 : i32
        %eq3A_1273 = arith.constant 0 : i32
        %eq3A_1274 = arith.cmpi eq, %jit3A_1272, %eq3A_1273 : i32
        %jit3A_1275 = arith.constant 1 : i32
        %select_n3A_1276 = arith.select %eq3A_1274, %jit3A_1275, %jit3A_1272 : i32
        %rem3A_1277 = arith.remsi %mul3A_2, %select_n3A_1276 : i32
        %ne3A_1278 = arith.constant 0 : i32
        %ne3A_1279 = arith.cmpi ne, %rem3A_1277, %ne3A_1278 : i32
        %lt3A_1280 = arith.constant 0 : i32
        %lt3A_1281 = arith.cmpi slt, %rem3A_1277, %lt3A_1280 : i32
        %lt3A_1282 = arith.constant 0 : i32
        %lt3A_1283 = arith.cmpi slt, %select_n3A_1276, %lt3A_1282 : i32
        %ne3A_1284 = arith.xori %lt3A_1281, %lt3A_1283 : i1
        %and3A_1285 = arith.andi %ne3A_1284, %ne3A_1279 : i1
        %add3A_1286 = arith.addi %rem3A_1277, %select_n3A_1276 : i32
        %select_n3A_1287 = arith.select %and3A_1285, %add3A_1286, %rem3A_1277 : i32
        %mul3A_1288 = arith.constant 8 : i32
        %mul3A_1289 = arith.muli %select_n3A_1271, %mul3A_1288 : i32
        %dma_wait3A_1290 = arith.constant 0 : i32
        %dma_wait3A_1291 = arith.constant 0 : i32
        %dma_wait3A_1292 = arith.constant 0 : i32
        %dma_wait3A_1293 = arith.constant 0 : i32
        %dma_wait3A_1294 = tpu.memref_slice %arg7[%dma_wait3A_1290, %dma_wait3A_1291, %dma_wait3A_1292, %dma_wait3A_1293] : memref<2x8x8x129xf32, #tpu.memory_space<vmem>> -> memref<1x8x8x128xf32, #tpu.memory_space<vmem>>
        %dma_wait3A_1295 = tpu.memref_squeeze %dma_wait3A_1294 : memref<1x8x8x128xf32, #tpu.memory_space<vmem>> -> memref<8x8x128xf32, #tpu.memory_space<vmem>>
        %dma_wait3A_1296 = arith.constant 0 : i32
        %dma_wait3A_1297 = arith.constant 0 : i32
        %dma_wait3A_1298 = tpu.memref_slice %arg4[%mul3A_1289, %select_n3A_1287, %dma_wait3A_1296, %dma_wait3A_1297] : memref<400x128x8x128xf32, #tpu.memory_space<hbm>> -> memref<8x1x8x128xf32, #tpu.memory_space<hbm>>
        %dma_wait3A_1299 = tpu.memref_squeeze %dma_wait3A_1298 : memref<8x1x8x128xf32, #tpu.memory_space<hbm>> -> memref<8x8x128xf32, #tpu.memory_space<hbm>>
        %dma_wait3A_1300 = arith.constant 0 : i32
        %dma_wait3A_1301 = arith.constant 0 : i32
        %dma_wait3A_1302 = tpu.memref_slice %arg4[%mul3A_1289, %select_n3A_1287, %dma_wait3A_1300, %dma_wait3A_1301] : memref<400x128x8x128xf32, #tpu.memory_space<hbm>> -> memref<8x1x8x128xf32, #tpu.memory_space<hbm>>
        %dma_wait3A_1303 = tpu.memref_squeeze %dma_wait3A_1302 : memref<8x1x8x128xf32, #tpu.memory_space<hbm>> -> memref<8x8x128xf32, #tpu.memory_space<hbm>>
        %dma_wait3A_1304 = arith.constant 0 : i32
        %dma_wait3A_1305 = arith.constant 0 : i32
        %dma_wait3A_1306 = arith.constant 0 : i32
        %dma_wait3A_1307 = tpu.memref_slice %arg7[%dma_wait3A_1290, %dma_wait3A_1304, %dma_wait3A_1305, %dma_wait3A_1306] : memref<2x8x8x129xf32, #tpu.memory_space<vmem>> -> memref<1x8x8x128xf32, #tpu.memory_space<vmem>>
        %dma_wait3A_1308 = tpu.memref_squeeze %dma_wait3A_1307 : memref<1x8x8x128xf32, #tpu.memory_space<vmem>> -> memref<8x8x128xf32, #tpu.memory_space<vmem>>
        tpu.wait_dma2 semaphore(%arg9 : memref<!tpu.dma_semaphore, #tpu.memory_space<semaphore_mem>>) src(%dma_wait3A_1308 : memref<8x8x128xf32, #tpu.memory_space<vmem>>) dst(%dma_wait3A_1303 : memref<8x8x128xf32, #tpu.memory_space<hbm>>)
      } else {
      }
      %broadcast_in_dim3A_1083 = arith.constant 0 : i32
      %broadcast_in_dim3A_1084 = vector.broadcast %broadcast_in_dim3A_1083 : i32 to vector<16xi32>
      %parallel_loop3A_1085 = arith.constant 0 : i32
      %parallel_loop3A_1086 = arith.constant 128 : i32
      %parallel_loop3A_1087 = arith.constant 1 : i32
      scf.for %parallel_loop3A_1248 = %parallel_loop3A_1085 to %parallel_loop3A_1086 step %parallel_loop3A_1087  : i32 {
        %parallel_loop3A_1249 = vector.broadcast %parallel_loop3A_1248 : i32 to vector<16xi32>
        %parallel_loop3A_1250 = arith.constant 1 : i32
        %parallel_loop3A_1251 = arith.index_cast %parallel_loop3A_1250 : i32 to index
        %parallel_loop3A_1252 = arith.index_cast %parallel_loop3A_1248 : i32 to index
        %parallel_loop3A_1253 = arith.constant 0 : index
        %parallel_loop3A_1254 = tpu.vector_load %arg6[%parallel_loop3A_1251, %parallel_loop3A_1252, %parallel_loop3A_1253] {strides = array<i32>} : memref<3x128x64xf32, #tpu.memory_space<vmem>>, vector<16xf32>,
        tpu.vector_store_idx %arg7[%broadcast_in_dim3A_1084, %select_n3A, %select_n3A_155, %parallel_loop3A_1249], %parallel_loop3A_1254 : memref<2x8x8x129xf32, #tpu.memory_space<vmem>>[vector<16xi32>, vector<16xi32>, vector<16xi32>, vector<16xi32>], vector<16xf32>,
        %parallel_loop3A_1255 = arith.constant 1 : i32
        %parallel_loop3A_1256 = arith.index_cast %parallel_loop3A_1255 : i32 to index
        %parallel_loop3A_1257 = arith.index_cast %parallel_loop3A_1248 : i32 to index
        %parallel_loop3A_1258 = arith.constant 16 : index
        %parallel_loop3A_1259 = tpu.vector_load %arg6[%parallel_loop3A_1256, %parallel_loop3A_1257, %parallel_loop3A_1258] {strides = array<i32>} : memref<3x128x64xf32, #tpu.memory_space<vmem>>, vector<16xf32>,
        tpu.vector_store_idx %arg7[%broadcast_in_dim3A_1084, %select_n3A_64, %select_n3A_180, %parallel_loop3A_1249], %parallel_loop3A_1259 : memref<2x8x8x129xf32, #tpu.memory_space<vmem>>[vector<16xi32>, vector<16xi32>, vector<16xi32>, vector<16xi32>], vector<16xf32>,
        %parallel_loop3A_1260 = arith.constant 1 : i32
        %parallel_loop3A_1261 = arith.index_cast %parallel_loop3A_1260 : i32 to index
        %parallel_loop3A_1262 = arith.index_cast %parallel_loop3A_1248 : i32 to index
        %parallel_loop3A_1263 = arith.constant 32 : index
        %parallel_loop3A_1264 = tpu.vector_load %arg6[%parallel_loop3A_1261, %parallel_loop3A_1262, %parallel_loop3A_1263] {strides = array<i32>} : memref<3x128x64xf32, #tpu.memory_space<vmem>>, vector<16xf32>,
        tpu.vector_store_idx %arg7[%broadcast_in_dim3A_1084, %select_n3A_98, %select_n3A_205, %parallel_loop3A_1249], %parallel_loop3A_1264 : memref<2x8x8x129xf32, #tpu.memory_space<vmem>>[vector<16xi32>, vector<16xi32>, vector<16xi32>, vector<16xi32>], vector<16xf32>,
        %parallel_loop3A_1265 = arith.constant 1 : i32
        %parallel_loop3A_1266 = arith.index_cast %parallel_loop3A_1265 : i32 to index
        %parallel_loop3A_1267 = arith.index_cast %parallel_loop3A_1248 : i32 to index
        %parallel_loop3A_1268 = arith.constant 48 : index
        %parallel_loop3A_1269 = tpu.vector_load %arg6[%parallel_loop3A_1266, %parallel_loop3A_1267, %parallel_loop3A_1268] {strides = array<i32>} : memref<3x128x64xf32, #tpu.memory_space<vmem>>, vector<16xf32>,
        tpu.vector_store_idx %arg7[%broadcast_in_dim3A_1084, %select_n3A_132, %select_n3A_230, %parallel_loop3A_1249], %parallel_loop3A_1269 : memref<2x8x8x129xf32, #tpu.memory_space<vmem>>[vector<16xi32>, vector<16xi32>, vector<16xi32>, vector<16xi32>], vector<16xf32>,
      } {sc.loop_unroll_factor = 8 : i64, sc.parallel_access}
      %add3A_1088 = arith.addi %mul3A_2, %add3A_1055 : i32
      %jit3A_1089 = arith.constant 128 : i32
      %div3A_1090 = arith.divsi %add3A_1088, %jit3A_1089 : i32
      %sign3A_1091 = arith.constant 0 : i32
      %sign3A_1092 = arith.cmpi sgt, %add3A_1088, %sign3A_1091 : i32
      %sign3A_1093 = arith.extui %sign3A_1092 : i1 to i32
      %sign3A_1094 = arith.constant 0 : i32
      %sign3A_1095 = arith.cmpi slt, %add3A_1088, %sign3A_1094 : i32
      %sign3A_1096 = arith.extui %sign3A_1095 : i1 to i32
      %sign3A_1097 = arith.subi %sign3A_1093, %sign3A_1096 : i32
      %sign3A_1098 = arith.constant 0 : i32
      %sign3A_1099 = arith.cmpi sgt, %jit3A_1089, %sign3A_1098 : i32
      %sign3A_1100 = arith.extui %sign3A_1099 : i1 to i32
      %sign3A_1101 = arith.constant 0 : i32
      %sign3A_1102 = arith.cmpi slt, %jit3A_1089, %sign3A_1101 : i32
      %sign3A_1103 = arith.extui %sign3A_1102 : i1 to i32
      %sign3A_1104 = arith.subi %sign3A_1100, %sign3A_1103 : i32
      %ne3A_1105 = arith.cmpi ne, %sign3A_1097, %sign3A_1104 : i32
      %rem3A_1106 = arith.remsi %add3A_1088, %jit3A_1089 : i32
      %ne3A_1107 = arith.constant 0 : i32
      %ne3A_1108 = arith.cmpi ne, %rem3A_1106, %ne3A_1107 : i32
      %and3A_1109 = arith.andi %ne3A_1105, %ne3A_1108 : i1
      %sub3A_1110 = arith.constant 1 : i32
      %sub3A_1111 = arith.subi %div3A_1090, %sub3A_1110 : i32
      %select_n3A_1112 = arith.select %and3A_1109, %sub3A_1111, %div3A_1090 : i32
      %jit3A_1113 = arith.constant 128 : i32
      %eq3A_1114 = arith.constant 0 : i32
      %eq3A_1115 = arith.cmpi eq, %jit3A_1113, %eq3A_1114 : i32
      %jit3A_1116 = arith.constant 1 : i32
      %select_n3A_1117 = arith.select %eq3A_1115, %jit3A_1116, %jit3A_1113 : i32
      %rem3A_1118 = arith.remsi %add3A_1088, %select_n3A_1117 : i32
      %ne3A_1119 = arith.constant 0 : i32
      %ne3A_1120 = arith.cmpi ne, %rem3A_1118, %ne3A_1119 : i32
      %lt3A_1121 = arith.constant 0 : i32
      %lt3A_1122 = arith.cmpi slt, %rem3A_1118, %lt3A_1121 : i32
      %lt3A_1123 = arith.constant 0 : i32
      %lt3A_1124 = arith.cmpi slt, %select_n3A_1117, %lt3A_1123 : i32
      %ne3A_1125 = arith.xori %lt3A_1122, %lt3A_1124 : i1
      %and3A_1126 = arith.andi %ne3A_1125, %ne3A_1120 : i1
      %add3A_1127 = arith.addi %rem3A_1118, %select_n3A_1117 : i32
      %select_n3A_1128 = arith.select %and3A_1126, %add3A_1127, %rem3A_1118 : i32
      %mul3A_1129 = arith.constant 8 : i32
      %mul3A_1130 = arith.muli %select_n3A_1112, %mul3A_1129 : i32
      %dma_start3A_1131 = arith.constant 0 : i32
      %dma_start3A_1132 = arith.constant 0 : i32
      %dma_start3A_1133 = arith.constant 0 : i32
      %dma_start3A_1134 = arith.constant 0 : i32
      %dma_start3A_1135 = tpu.memref_slice %arg7[%dma_start3A_1131, %dma_start3A_1132, %dma_start3A_1133, %dma_start3A_1134] : memref<2x8x8x129xf32, #tpu.memory_space<vmem>> -> memref<1x8x8x128xf32, #tpu.memory_space<vmem>>
      %dma_start3A_1136 = tpu.memref_squeeze %dma_start3A_1135 : memref<1x8x8x128xf32, #tpu.memory_space<vmem>> -> memref<8x8x128xf32, #tpu.memory_space<vmem>>
      %dma_start3A_1137 = arith.constant 0 : i32
      %dma_start3A_1138 = arith.constant 0 : i32
      %dma_start3A_1139 = tpu.memref_slice %arg4[%mul3A_1130, %select_n3A_1128, %dma_start3A_1137, %dma_start3A_1138] : memref<400x128x8x128xf32, #tpu.memory_space<hbm>> -> memref<8x1x8x128xf32, #tpu.memory_space<hbm>>
      %dma_start3A_1140 = tpu.memref_squeeze %dma_start3A_1139 : memref<8x1x8x128xf32, #tpu.memory_space<hbm>> -> memref<8x8x128xf32, #tpu.memory_space<hbm>>
      %dma_start3A_1141 = arith.constant 0 : i32
      %dma_start3A_1142 = arith.constant 0 : i32
      %dma_start3A_1143 = tpu.memref_slice %arg4[%mul3A_1130, %select_n3A_1128, %dma_start3A_1141, %dma_start3A_1142] : memref<400x128x8x128xf32, #tpu.memory_space<hbm>> -> memref<8x1x8x128xf32, #tpu.memory_space<hbm>>
      %dma_start3A_1144 = tpu.memref_squeeze %dma_start3A_1143 : memref<8x1x8x128xf32, #tpu.memory_space<hbm>> -> memref<8x8x128xf32, #tpu.memory_space<hbm>>
      %dma_start3A_1145 = arith.constant 0 : i32
      %dma_start3A_1146 = arith.constant 0 : i32
      %dma_start3A_1147 = arith.constant 0 : i32
      %dma_start3A_1148 = tpu.memref_slice %arg7[%dma_start3A_1131, %dma_start3A_1145, %dma_start3A_1146, %dma_start3A_1147] : memref<2x8x8x129xf32, #tpu.memory_space<vmem>> -> memref<1x8x8x128xf32, #tpu.memory_space<vmem>>
      %dma_start3A_1149 = tpu.memref_squeeze %dma_start3A_1148 : memref<1x8x8x128xf32, #tpu.memory_space<vmem>> -> memref<8x8x128xf32, #tpu.memory_space<vmem>>
      tpu.enqueue_dma source(%dma_start3A_1149 : memref<8x8x128xf32, #tpu.memory_space<vmem>>) target(%dma_start3A_1144 : memref<8x8x128xf32, #tpu.memory_space<hbm>>) target_semaphore(%arg9 : memref<!tpu.dma_semaphore, #tpu.memory_space<semaphore_mem>>)
      %mul3A_1150 = arith.constant 6 : i32
      %mul3A_1151 = arith.muli %mul3A_1150, %scan3A_662 : i32
      %add3A_1152 = arith.constant 5 : i32
      %add3A_1153 = arith.addi %mul3A_1151, %add3A_1152 : i32
      %add3A_1154 = arith.constant 2 : i32
      %add3A_1155 = arith.addi %add3A_1153, %add3A_1154 : i32
      %lt3A_1156 = arith.constant 200 : i32
      %lt3A_1157 = arith.cmpi slt, %add3A_1155, %lt3A_1156 : i32
      %convert_element_type3A_1158 = arith.extui %lt3A_1157 : i1 to i32
      %cond3A_1159 = arith.constant 0 : i32
      %cond3A_1160 = arith.cmpi ne, %convert_element_type3A_1158, %cond3A_1159 : i32
      scf.if %cond3A_1160 {
        %add3A_1248 = arith.constant 2 : i32
        %add3A_1249 = arith.addi %add3A_1153, %add3A_1248 : i32
        %mul3A_1250 = arith.constant 128 : i32
        %mul3A_1251 = arith.muli %add3A_1249, %mul3A_1250 : i32
        %dma_start3A_1252 = arith.constant 1 : i32
        %dma_start3A_1253 = arith.constant 0 : i32
        %dma_start3A_1254 = arith.constant 0 : i32
        %dma_start3A_1255 = tpu.memref_slice %arg6[%dma_start3A_1252, %dma_start3A_1253, %dma_start3A_1254] : memref<3x128x64xf32, #tpu.memory_space<vmem>> -> memref<1x128x64xf32, #tpu.memory_space<vmem>>
        %dma_start3A_1256 = tpu.memref_squeeze %dma_start3A_1255 : memref<1x128x64xf32, #tpu.memory_space<vmem>> -> memref<128x64xf32, #tpu.memory_space<vmem>>
        %dma_start3A_1257 = tpu.memref_slice %arg5[%mul3A_1251] : memref<25600xi32, #tpu.memory_space<vmem>> -> memref<128xi32, #tpu.memory_space<vmem>>
        %dma_start3A_1258 = arith.constant 0 : i32
        %dma_start3A_1259 = arith.constant 0 : i32
        %dma_start3A_1260 = tpu.memref_slice %arg3[%dma_start3A_1258, %dma_start3A_1259] : memref<1000000x64xf32, #tpu.memory_space<hbm>> -> memref<1000000x64xf32, #tpu.memory_space<hbm>>
        tpu.enqueue_indirect_dma source(%dma_start3A_1260 : memref<1000000x64xf32, #tpu.memory_space<hbm>>) target(%dma_start3A_1256 : memref<128x64xf32, #tpu.memory_space<vmem>>) offsets(%dma_start3A_1257 : memref<128xi32, #tpu.memory_space<vmem>>) semaphore(%arg8 : memref<!tpu.dma_semaphore, #tpu.memory_space<semaphore_mem>>)
      } else {
      }
      %dma_wait3A_1161 = arith.constant 2 : i32
      %dma_wait3A_1162 = arith.constant 0 : i32
      %dma_wait3A_1163 = arith.constant 0 : i32
      %dma_wait3A_1164 = tpu.memref_slice %arg6[%dma_wait3A_1161, %dma_wait3A_1162, %dma_wait3A_1163] : memref<3x128x64xf32, #tpu.memory_space<vmem>> -> memref<1x128x64xf32, #tpu.memory_space<vmem>>
      %dma_wait3A_1165 = tpu.memref_squeeze %dma_wait3A_1164 : memref<1x128x64xf32, #tpu.memory_space<vmem>> -> memref<128x64xf32, #tpu.memory_space<vmem>>
      %dma_wait3A_1166 = arith.constant 0 : i32
      %dma_wait3A_1167 = arith.constant 0 : i32
      %dma_wait3A_1168 = tpu.memref_slice %arg3[%dma_wait3A_1166, %dma_wait3A_1167] : memref<1000000x64xf32, #tpu.memory_space<hbm>> -> memref<128x64xf32, #tpu.memory_space<hbm>>
      %dma_wait3A_1169 = arith.constant 0 : i32
      %dma_wait3A_1170 = arith.constant 0 : i32
      %dma_wait3A_1171 = tpu.memref_slice %arg6[%dma_wait3A_1161, %dma_wait3A_1169, %dma_wait3A_1170] : memref<3x128x64xf32, #tpu.memory_space<vmem>> -> memref<1x128x64xf32, #tpu.memory_space<vmem>>
      %dma_wait3A_1172 = tpu.memref_squeeze %dma_wait3A_1171 : memref<1x128x64xf32, #tpu.memory_space<vmem>> -> memref<128x64xf32, #tpu.memory_space<vmem>>
      %dma_wait3A_1173 = arith.constant 0 : i32
      %dma_wait3A_1174 = arith.constant 0 : i32
      %dma_wait3A_1175 = tpu.memref_slice %arg3[%dma_wait3A_1173, %dma_wait3A_1174] : memref<1000000x64xf32, #tpu.memory_space<hbm>> -> memref<128x64xf32, #tpu.memory_space<hbm>>
      tpu.wait_dma2 semaphore(%arg8 : memref<!tpu.dma_semaphore, #tpu.memory_space<semaphore_mem>>) src(%dma_wait3A_1175 : memref<128x64xf32, #tpu.memory_space<hbm>>) dst(%dma_wait3A_1172 : memref<128x64xf32, #tpu.memory_space<vmem>>)
      %ge3A_1176 = arith.constant 2 : i32
      %ge3A_1177 = arith.cmpi sge, %add3A_1153, %ge3A_1176 : i32
      %convert_element_type3A_1178 = arith.extui %ge3A_1177 : i1 to i32
      %cond3A_1179 = arith.constant 0 : i32
      %cond3A_1180 = arith.cmpi ne, %convert_element_type3A_1178, %cond3A_1179 : i32
      scf.if %cond3A_1180 {
        %jit3A_1248 = arith.constant 128 : i32
        %div3A_1249 = arith.divsi %mul3A_2, %jit3A_1248 : i32
        %sign3A_1250 = arith.constant 0 : i32
        %sign3A_1251 = arith.cmpi sgt, %mul3A_2, %sign3A_1250 : i32
        %sign3A_1252 = arith.extui %sign3A_1251 : i1 to i32
        %sign3A_1253 = arith.constant 0 : i32
        %sign3A_1254 = arith.cmpi slt, %mul3A_2, %sign3A_1253 : i32
        %sign3A_1255 = arith.extui %sign3A_1254 : i1 to i32
        %sign3A_1256 = arith.subi %sign3A_1252, %sign3A_1255 : i32
        %sign3A_1257 = arith.constant 0 : i32
        %sign3A_1258 = arith.cmpi sgt, %jit3A_1248, %sign3A_1257 : i32
        %sign3A_1259 = arith.extui %sign3A_1258 : i1 to i32
        %sign3A_1260 = arith.constant 0 : i32
        %sign3A_1261 = arith.cmpi slt, %jit3A_1248, %sign3A_1260 : i32
        %sign3A_1262 = arith.extui %sign3A_1261 : i1 to i32
        %sign3A_1263 = arith.subi %sign3A_1259, %sign3A_1262 : i32
        %ne3A_1264 = arith.cmpi ne, %sign3A_1256, %sign3A_1263 : i32
        %rem3A_1265 = arith.remsi %mul3A_2, %jit3A_1248 : i32
        %ne3A_1266 = arith.constant 0 : i32
        %ne3A_1267 = arith.cmpi ne, %rem3A_1265, %ne3A_1266 : i32
        %and3A_1268 = arith.andi %ne3A_1264, %ne3A_1267 : i1
        %sub3A_1269 = arith.constant 1 : i32
        %sub3A_1270 = arith.subi %div3A_1249, %sub3A_1269 : i32
        %select_n3A_1271 = arith.select %and3A_1268, %sub3A_1270, %div3A_1249 : i32
        %jit3A_1272 = arith.constant 128 : i32
        %eq3A_1273 = arith.constant 0 : i32
        %eq3A_1274 = arith.cmpi eq, %jit3A_1272, %eq3A_1273 : i32
        %jit3A_1275 = arith.constant 1 : i32
        %select_n3A_1276 = arith.select %eq3A_1274, %jit3A_1275, %jit3A_1272 : i32
        %rem3A_1277 = arith.remsi %mul3A_2, %select_n3A_1276 : i32
        %ne3A_1278 = arith.constant 0 : i32
        %ne3A_1279 = arith.cmpi ne, %rem3A_1277, %ne3A_1278 : i32
        %lt3A_1280 = arith.constant 0 : i32
        %lt3A_1281 = arith.cmpi slt, %rem3A_1277, %lt3A_1280 : i32
        %lt3A_1282 = arith.constant 0 : i32
        %lt3A_1283 = arith.cmpi slt, %select_n3A_1276, %lt3A_1282 : i32
        %ne3A_1284 = arith.xori %lt3A_1281, %lt3A_1283 : i1
        %and3A_1285 = arith.andi %ne3A_1284, %ne3A_1279 : i1
        %add3A_1286 = arith.addi %rem3A_1277, %select_n3A_1276 : i32
        %select_n3A_1287 = arith.select %and3A_1285, %add3A_1286, %rem3A_1277 : i32
        %mul3A_1288 = arith.constant 8 : i32
        %mul3A_1289 = arith.muli %select_n3A_1271, %mul3A_1288 : i32
        %dma_wait3A_1290 = arith.constant 1 : i32
        %dma_wait3A_1291 = arith.constant 0 : i32
        %dma_wait3A_1292 = arith.constant 0 : i32
        %dma_wait3A_1293 = arith.constant 0 : i32
        %dma_wait3A_1294 = tpu.memref_slice %arg7[%dma_wait3A_1290, %dma_wait3A_1291, %dma_wait3A_1292, %dma_wait3A_1293] : memref<2x8x8x129xf32, #tpu.memory_space<vmem>> -> memref<1x8x8x128xf32, #tpu.memory_space<vmem>>
        %dma_wait3A_1295 = tpu.memref_squeeze %dma_wait3A_1294 : memref<1x8x8x128xf32, #tpu.memory_space<vmem>> -> memref<8x8x128xf32, #tpu.memory_space<vmem>>
        %dma_wait3A_1296 = arith.constant 0 : i32
        %dma_wait3A_1297 = arith.constant 0 : i32
        %dma_wait3A_1298 = tpu.memref_slice %arg4[%mul3A_1289, %select_n3A_1287, %dma_wait3A_1296, %dma_wait3A_1297] : memref<400x128x8x128xf32, #tpu.memory_space<hbm>> -> memref<8x1x8x128xf32, #tpu.memory_space<hbm>>
        %dma_wait3A_1299 = tpu.memref_squeeze %dma_wait3A_1298 : memref<8x1x8x128xf32, #tpu.memory_space<hbm>> -> memref<8x8x128xf32, #tpu.memory_space<hbm>>
        %dma_wait3A_1300 = arith.constant 0 : i32
        %dma_wait3A_1301 = arith.constant 0 : i32
        %dma_wait3A_1302 = tpu.memref_slice %arg4[%mul3A_1289, %select_n3A_1287, %dma_wait3A_1300, %dma_wait3A_1301] : memref<400x128x8x128xf32, #tpu.memory_space<hbm>> -> memref<8x1x8x128xf32, #tpu.memory_space<hbm>>
        %dma_wait3A_1303 = tpu.memref_squeeze %dma_wait3A_1302 : memref<8x1x8x128xf32, #tpu.memory_space<hbm>> -> memref<8x8x128xf32, #tpu.memory_space<hbm>>
        %dma_wait3A_1304 = arith.constant 0 : i32
        %dma_wait3A_1305 = arith.constant 0 : i32
        %dma_wait3A_1306 = arith.constant 0 : i32
        %dma_wait3A_1307 = tpu.memref_slice %arg7[%dma_wait3A_1290, %dma_wait3A_1304, %dma_wait3A_1305, %dma_wait3A_1306] : memref<2x8x8x129xf32, #tpu.memory_space<vmem>> -> memref<1x8x8x128xf32, #tpu.memory_space<vmem>>
        %dma_wait3A_1308 = tpu.memref_squeeze %dma_wait3A_1307 : memref<1x8x8x128xf32, #tpu.memory_space<vmem>> -> memref<8x8x128xf32, #tpu.memory_space<vmem>>
        tpu.wait_dma2 semaphore(%arg9 : memref<!tpu.dma_semaphore, #tpu.memory_space<semaphore_mem>>) src(%dma_wait3A_1308 : memref<8x8x128xf32, #tpu.memory_space<vmem>>) dst(%dma_wait3A_1303 : memref<8x8x128xf32, #tpu.memory_space<hbm>>)
      } else {
      }
      %broadcast_in_dim3A_1181 = arith.constant 1 : i32
      %broadcast_in_dim3A_1182 = vector.broadcast %broadcast_in_dim3A_1181 : i32 to vector<16xi32>
      %parallel_loop3A_1183 = arith.constant 0 : i32
      %parallel_loop3A_1184 = arith.constant 128 : i32
      %parallel_loop3A_1185 = arith.constant 1 : i32
      scf.for %parallel_loop3A_1248 = %parallel_loop3A_1183 to %parallel_loop3A_1184 step %parallel_loop3A_1185  : i32 {
        %parallel_loop3A_1249 = vector.broadcast %parallel_loop3A_1248 : i32 to vector<16xi32>
        %parallel_loop3A_1250 = arith.constant 2 : i32
        %parallel_loop3A_1251 = arith.index_cast %parallel_loop3A_1250 : i32 to index
        %parallel_loop3A_1252 = arith.index_cast %parallel_loop3A_1248 : i32 to index
        %parallel_loop3A_1253 = arith.constant 0 : index
        %parallel_loop3A_1254 = tpu.vector_load %arg6[%parallel_loop3A_1251, %parallel_loop3A_1252, %parallel_loop3A_1253] {strides = array<i32>} : memref<3x128x64xf32, #tpu.memory_space<vmem>>, vector<16xf32>,
        tpu.vector_store_idx %arg7[%broadcast_in_dim3A_1182, %select_n3A, %select_n3A_155, %parallel_loop3A_1249], %parallel_loop3A_1254 : memref<2x8x8x129xf32, #tpu.memory_space<vmem>>[vector<16xi32>, vector<16xi32>, vector<16xi32>, vector<16xi32>], vector<16xf32>,
        %parallel_loop3A_1255 = arith.constant 2 : i32
        %parallel_loop3A_1256 = arith.index_cast %parallel_loop3A_1255 : i32 to index
        %parallel_loop3A_1257 = arith.index_cast %parallel_loop3A_1248 : i32 to index
        %parallel_loop3A_1258 = arith.constant 16 : index
        %parallel_loop3A_1259 = tpu.vector_load %arg6[%parallel_loop3A_1256, %parallel_loop3A_1257, %parallel_loop3A_1258] {strides = array<i32>} : memref<3x128x64xf32, #tpu.memory_space<vmem>>, vector<16xf32>,
        tpu.vector_store_idx %arg7[%broadcast_in_dim3A_1182, %select_n3A_64, %select_n3A_180, %parallel_loop3A_1249], %parallel_loop3A_1259 : memref<2x8x8x129xf32, #tpu.memory_space<vmem>>[vector<16xi32>, vector<16xi32>, vector<16xi32>, vector<16xi32>], vector<16xf32>,
        %parallel_loop3A_1260 = arith.constant 2 : i32
        %parallel_loop3A_1261 = arith.index_cast %parallel_loop3A_1260 : i32 to index
        %parallel_loop3A_1262 = arith.index_cast %parallel_loop3A_1248 : i32 to index
        %parallel_loop3A_1263 = arith.constant 32 : index
        %parallel_loop3A_1264 = tpu.vector_load %arg6[%parallel_loop3A_1261, %parallel_loop3A_1262, %parallel_loop3A_1263] {strides = array<i32>} : memref<3x128x64xf32, #tpu.memory_space<vmem>>, vector<16xf32>,
        tpu.vector_store_idx %arg7[%broadcast_in_dim3A_1182, %select_n3A_98, %select_n3A_205, %parallel_loop3A_1249], %parallel_loop3A_1264 : memref<2x8x8x129xf32, #tpu.memory_space<vmem>>[vector<16xi32>, vector<16xi32>, vector<16xi32>, vector<16xi32>], vector<16xf32>,
        %parallel_loop3A_1265 = arith.constant 2 : i32
        %parallel_loop3A_1266 = arith.index_cast %parallel_loop3A_1265 : i32 to index
        %parallel_loop3A_1267 = arith.index_cast %parallel_loop3A_1248 : i32 to index
        %parallel_loop3A_1268 = arith.constant 48 : index
        %parallel_loop3A_1269 = tpu.vector_load %arg6[%parallel_loop3A_1266, %parallel_loop3A_1267, %parallel_loop3A_1268] {strides = array<i32>} : memref<3x128x64xf32, #tpu.memory_space<vmem>>, vector<16xf32>,
        tpu.vector_store_idx %arg7[%broadcast_in_dim3A_1182, %select_n3A_132, %select_n3A_230, %parallel_loop3A_1249], %parallel_loop3A_1269 : memref<2x8x8x129xf32, #tpu.memory_space<vmem>>[vector<16xi32>, vector<16xi32>, vector<16xi32>, vector<16xi32>], vector<16xf32>,
      } {sc.loop_unroll_factor = 8 : i64, sc.parallel_access}
      %add3A_1186 = arith.addi %mul3A_2, %add3A_1153 : i32
      %jit3A_1187 = arith.constant 128 : i32
      %div3A_1188 = arith.divsi %add3A_1186, %jit3A_1187 : i32
      %sign3A_1189 = arith.constant 0 : i32
      %sign3A_1190 = arith.cmpi sgt, %add3A_1186, %sign3A_1189 : i32
      %sign3A_1191 = arith.extui %sign3A_1190 : i1 to i32
      %sign3A_1192 = arith.constant 0 : i32
      %sign3A_1193 = arith.cmpi slt, %add3A_1186, %sign3A_1192 : i32
      %sign3A_1194 = arith.extui %sign3A_1193 : i1 to i32
      %sign3A_1195 = arith.subi %sign3A_1191, %sign3A_1194 : i32
      %sign3A_1196 = arith.constant 0 : i32
      %sign3A_1197 = arith.cmpi sgt, %jit3A_1187, %sign3A_1196 : i32
      %sign3A_1198 = arith.extui %sign3A_1197 : i1 to i32
      %sign3A_1199 = arith.constant 0 : i32
      %sign3A_1200 = arith.cmpi slt, %jit3A_1187, %sign3A_1199 : i32
      %sign3A_1201 = arith.extui %sign3A_1200 : i1 to i32
      %sign3A_1202 = arith.subi %sign3A_1198, %sign3A_1201 : i32
      %ne3A_1203 = arith.cmpi ne, %sign3A_1195, %sign3A_1202 : i32
      %rem3A_1204 = arith.remsi %add3A_1186, %jit3A_1187 : i32
      %ne3A_1205 = arith.constant 0 : i32
      %ne3A_1206 = arith.cmpi ne, %rem3A_1204, %ne3A_1205 : i32
      %and3A_1207 = arith.andi %ne3A_1203, %ne3A_1206 : i1
      %sub3A_1208 = arith.constant 1 : i32
      %sub3A_1209 = arith.subi %div3A_1188, %sub3A_1208 : i32
      %select_n3A_1210 = arith.select %and3A_1207, %sub3A_1209, %div3A_1188 : i32
      %jit3A_1211 = arith.constant 128 : i32
      %eq3A_1212 = arith.constant 0 : i32
      %eq3A_1213 = arith.cmpi eq, %jit3A_1211, %eq3A_1212 : i32
      %jit3A_1214 = arith.constant 1 : i32
      %select_n3A_1215 = arith.select %eq3A_1213, %jit3A_1214, %jit3A_1211 : i32
      %rem3A_1216 = arith.remsi %add3A_1186, %select_n3A_1215 : i32
      %ne3A_1217 = arith.constant 0 : i32
      %ne3A_1218 = arith.cmpi ne, %rem3A_1216, %ne3A_1217 : i32
      %lt3A_1219 = arith.constant 0 : i32
      %lt3A_1220 = arith.cmpi slt, %rem3A_1216, %lt3A_1219 : i32
      %lt3A_1221 = arith.constant 0 : i32
      %lt3A_1222 = arith.cmpi slt, %select_n3A_1215, %lt3A_1221 : i32
      %ne3A_1223 = arith.xori %lt3A_1220, %lt3A_1222 : i1
      %and3A_1224 = arith.andi %ne3A_1223, %ne3A_1218 : i1
      %add3A_1225 = arith.addi %rem3A_1216, %select_n3A_1215 : i32
      %select_n3A_1226 = arith.select %and3A_1224, %add3A_1225, %rem3A_1216 : i32
      %mul3A_1227 = arith.constant 8 : i32
      %mul3A_1228 = arith.muli %select_n3A_1210, %mul3A_1227 : i32
      %dma_start3A_1229 = arith.constant 1 : i32
      %dma_start3A_1230 = arith.constant 0 : i32
      %dma_start3A_1231 = arith.constant 0 : i32
      %dma_start3A_1232 = arith.constant 0 : i32
      %dma_start3A_1233 = tpu.memref_slice %arg7[%dma_start3A_1229, %dma_start3A_1230, %dma_start3A_1231, %dma_start3A_1232] : memref<2x8x8x129xf32, #tpu.memory_space<vmem>> -> memref<1x8x8x128xf32, #tpu.memory_space<vmem>>
      %dma_start3A_1234 = tpu.memref_squeeze %dma_start3A_1233 : memref<1x8x8x128xf32, #tpu.memory_space<vmem>> -> memref<8x8x128xf32, #tpu.memory_space<vmem>>
      %dma_start3A_1235 = arith.constant 0 : i32
      %dma_start3A_1236 = arith.constant 0 : i32
      %dma_start3A_1237 = tpu.memref_slice %arg4[%mul3A_1228, %select_n3A_1226, %dma_start3A_1235, %dma_start3A_1236] : memref<400x128x8x128xf32, #tpu.memory_space<hbm>> -> memref<8x1x8x128xf32, #tpu.memory_space<hbm>>
      %dma_start3A_1238 = tpu.memref_squeeze %dma_start3A_1237 : memref<8x1x8x128xf32, #tpu.memory_space<hbm>> -> memref<8x8x128xf32, #tpu.memory_space<hbm>>
      %dma_start3A_1239 = arith.constant 0 : i32
      %dma_start3A_1240 = arith.constant 0 : i32
      %dma_start3A_1241 = tpu.memref_slice %arg4[%mul3A_1228, %select_n3A_1226, %dma_start3A_1239, %dma_start3A_1240] : memref<400x128x8x128xf32, #tpu.memory_space<hbm>> -> memref<8x1x8x128xf32, #tpu.memory_space<hbm>>
      %dma_start3A_1242 = tpu.memref_squeeze %dma_start3A_1241 : memref<8x1x8x128xf32, #tpu.memory_space<hbm>> -> memref<8x8x128xf32, #tpu.memory_space<hbm>>
      %dma_start3A_1243 = arith.constant 0 : i32
      %dma_start3A_1244 = arith.constant 0 : i32
      %dma_start3A_1245 = arith.constant 0 : i32
      %dma_start3A_1246 = tpu.memref_slice %arg7[%dma_start3A_1229, %dma_start3A_1243, %dma_start3A_1244, %dma_start3A_1245] : memref<2x8x8x129xf32, #tpu.memory_space<vmem>> -> memref<1x8x8x128xf32, #tpu.memory_space<vmem>>
      %dma_start3A_1247 = tpu.memref_squeeze %dma_start3A_1246 : memref<1x8x8x128xf32, #tpu.memory_space<vmem>> -> memref<8x8x128xf32, #tpu.memory_space<vmem>>
      tpu.enqueue_dma source(%dma_start3A_1247 : memref<8x8x128xf32, #tpu.memory_space<vmem>>) target(%dma_start3A_1242 : memref<8x8x128xf32, #tpu.memory_space<hbm>>) target_semaphore(%arg9 : memref<!tpu.dma_semaphore, #tpu.memory_space<semaphore_mem>>)
    }
    %scan3A_254 = arith.constant 33 : i32
    %dma_wait3A = arith.constant 0 : i32
    %dma_wait3A_255 = arith.constant 0 : i32
    %dma_wait3A_256 = arith.constant 0 : i32
    %dma_wait3A_257 = tpu.memref_slice %arg6[%dma_wait3A, %dma_wait3A_255, %dma_wait3A_256] : memref<3x128x64xf32, #tpu.memory_space<vmem>> -> memref<1x128x64xf32, #tpu.memory_space<vmem>>
    %dma_wait3A_258 = tpu.memref_squeeze %dma_wait3A_257 : memref<1x128x64xf32, #tpu.memory_space<vmem>> -> memref<128x64xf32, #tpu.memory_space<vmem>>
    %dma_wait3A_259 = arith.constant 0 : i32
    %dma_wait3A_260 = arith.constant 0 : i32
    %dma_wait3A_261 = tpu.memref_slice %arg3[%dma_wait3A_259, %dma_wait3A_260] : memref<1000000x64xf32, #tpu.memory_space<hbm>> -> memref<128x64xf32, #tpu.memory_space<hbm>>
    %dma_wait3A_262 = arith.constant 0 : i32
    %dma_wait3A_263 = arith.constant 0 : i32
    %dma_wait3A_264 = tpu.memref_slice %arg6[%dma_wait3A, %dma_wait3A_262, %dma_wait3A_263] : memref<3x128x64xf32, #tpu.memory_space<vmem>> -> memref<1x128x64xf32, #tpu.memory_space<vmem>>
    %dma_wait3A_265 = tpu.memref_squeeze %dma_wait3A_264 : memref<1x128x64xf32, #tpu.memory_space<vmem>> -> memref<128x64xf32, #tpu.memory_space<vmem>>
    %dma_wait3A_266 = arith.constant 0 : i32
    %dma_wait3A_267 = arith.constant 0 : i32
    %dma_wait3A_268 = tpu.memref_slice %arg3[%dma_wait3A_266, %dma_wait3A_267] : memref<1000000x64xf32, #tpu.memory_space<hbm>> -> memref<128x64xf32, #tpu.memory_space<hbm>>
    tpu.wait_dma2 semaphore(%arg8 : memref<!tpu.dma_semaphore, #tpu.memory_space<semaphore_mem>>) src(%dma_wait3A_268 : memref<128x64xf32, #tpu.memory_space<hbm>>) dst(%dma_wait3A_265 : memref<128x64xf32, #tpu.memory_space<vmem>>)
    %jit3A_269 = arith.constant 128 : i32
    %div3A_270 = arith.divsi %mul3A_2, %jit3A_269 : i32
    %sign3A_271 = arith.constant 0 : i32
    %sign3A_272 = arith.cmpi sgt, %mul3A_2, %sign3A_271 : i32
    %sign3A_273 = arith.extui %sign3A_272 : i1 to i32
    %sign3A_274 = arith.constant 0 : i32
    %sign3A_275 = arith.cmpi slt, %mul3A_2, %sign3A_274 : i32
    %sign3A_276 = arith.extui %sign3A_275 : i1 to i32
    %sign3A_277 = arith.subi %sign3A_273, %sign3A_276 : i32
    %sign3A_278 = arith.constant 0 : i32
    %sign3A_279 = arith.cmpi sgt, %jit3A_269, %sign3A_278 : i32
    %sign3A_280 = arith.extui %sign3A_279 : i1 to i32
    %sign3A_281 = arith.constant 0 : i32
    %sign3A_282 = arith.cmpi slt, %jit3A_269, %sign3A_281 : i32
    %sign3A_283 = arith.extui %sign3A_282 : i1 to i32
    %sign3A_284 = arith.subi %sign3A_280, %sign3A_283 : i32
    %ne3A_285 = arith.cmpi ne, %sign3A_277, %sign3A_284 : i32
    %rem3A_286 = arith.remsi %mul3A_2, %jit3A_269 : i32
    %ne3A_287 = arith.constant 0 : i32
    %ne3A_288 = arith.cmpi ne, %rem3A_286, %ne3A_287 : i32
    %and3A_289 = arith.andi %ne3A_285, %ne3A_288 : i1
    %sub3A_290 = arith.constant 1 : i32
    %sub3A_291 = arith.subi %div3A_270, %sub3A_290 : i32
    %select_n3A_292 = arith.select %and3A_289, %sub3A_291, %div3A_270 : i32
    %jit3A_293 = arith.constant 128 : i32
    %eq3A_294 = arith.constant 0 : i32
    %eq3A_295 = arith.cmpi eq, %jit3A_293, %eq3A_294 : i32
    %jit3A_296 = arith.constant 1 : i32
    %select_n3A_297 = arith.select %eq3A_295, %jit3A_296, %jit3A_293 : i32
    %rem3A_298 = arith.remsi %mul3A_2, %select_n3A_297 : i32
    %ne3A_299 = arith.constant 0 : i32
    %ne3A_300 = arith.cmpi ne, %rem3A_298, %ne3A_299 : i32
    %lt3A_301 = arith.constant 0 : i32
    %lt3A_302 = arith.cmpi slt, %rem3A_298, %lt3A_301 : i32
    %lt3A_303 = arith.constant 0 : i32
    %lt3A_304 = arith.cmpi slt, %select_n3A_297, %lt3A_303 : i32
    %ne3A_305 = arith.xori %lt3A_302, %lt3A_304 : i1
    %and3A_306 = arith.andi %ne3A_305, %ne3A_300 : i1
    %add3A_307 = arith.addi %rem3A_298, %select_n3A_297 : i32
    %select_n3A_308 = arith.select %and3A_306, %add3A_307, %rem3A_298 : i32
    %mul3A_309 = arith.constant 8 : i32
    %mul3A_310 = arith.muli %select_n3A_292, %mul3A_309 : i32
    %dma_wait3A_311 = arith.constant 0 : i32
    %dma_wait3A_312 = arith.constant 0 : i32
    %dma_wait3A_313 = arith.constant 0 : i32
    %dma_wait3A_314 = arith.constant 0 : i32
    %dma_wait3A_315 = tpu.memref_slice %arg7[%dma_wait3A_311, %dma_wait3A_312, %dma_wait3A_313, %dma_wait3A_314] : memref<2x8x8x129xf32, #tpu.memory_space<vmem>> -> memref<1x8x8x128xf32, #tpu.memory_space<vmem>>
    %dma_wait3A_316 = tpu.memref_squeeze %dma_wait3A_315 : memref<1x8x8x128xf32, #tpu.memory_space<vmem>> -> memref<8x8x128xf32, #tpu.memory_space<vmem>>
    %dma_wait3A_317 = arith.constant 0 : i32
    %dma_wait3A_318 = arith.constant 0 : i32
    %dma_wait3A_319 = tpu.memref_slice %arg4[%mul3A_310, %select_n3A_308, %dma_wait3A_317, %dma_wait3A_318] : memref<400x128x8x128xf32, #tpu.memory_space<hbm>> -> memref<8x1x8x128xf32, #tpu.memory_space<hbm>>
    %dma_wait3A_320 = tpu.memref_squeeze %dma_wait3A_319 : memref<8x1x8x128xf32, #tpu.memory_space<hbm>> -> memref<8x8x128xf32, #tpu.memory_space<hbm>>
    %dma_wait3A_321 = arith.constant 0 : i32
    %dma_wait3A_322 = arith.constant 0 : i32
    %dma_wait3A_323 = tpu.memref_slice %arg4[%mul3A_310, %select_n3A_308, %dma_wait3A_321, %dma_wait3A_322] : memref<400x128x8x128xf32, #tpu.memory_space<hbm>> -> memref<8x1x8x128xf32, #tpu.memory_space<hbm>>
    %dma_wait3A_324 = tpu.memref_squeeze %dma_wait3A_323 : memref<8x1x8x128xf32, #tpu.memory_space<hbm>> -> memref<8x8x128xf32, #tpu.memory_space<hbm>>
    %dma_wait3A_325 = arith.constant 0 : i32
    %dma_wait3A_326 = arith.constant 0 : i32
    %dma_wait3A_327 = arith.constant 0 : i32
    %dma_wait3A_328 = tpu.memref_slice %arg7[%dma_wait3A_311, %dma_wait3A_325, %dma_wait3A_326, %dma_wait3A_327] : memref<2x8x8x129xf32, #tpu.memory_space<vmem>> -> memref<1x8x8x128xf32, #tpu.memory_space<vmem>>
    %dma_wait3A_329 = tpu.memref_squeeze %dma_wait3A_328 : memref<1x8x8x128xf32, #tpu.memory_space<vmem>> -> memref<8x8x128xf32, #tpu.memory_space<vmem>>
    tpu.wait_dma2 semaphore(%arg9 : memref<!tpu.dma_semaphore, #tpu.memory_space<semaphore_mem>>) src(%dma_wait3A_329 : memref<8x8x128xf32, #tpu.memory_space<vmem>>) dst(%dma_wait3A_324 : memref<8x8x128xf32, #tpu.memory_space<hbm>>)
    %broadcast_in_dim3A = arith.constant 0 : i32
    %broadcast_in_dim3A_330 = vector.broadcast %broadcast_in_dim3A : i32 to vector<16xi32>
    %parallel_loop3A = arith.constant 0 : i32
    %parallel_loop3A_331 = arith.constant 128 : i32
    %parallel_loop3A_332 = arith.constant 1 : i32
    scf.for %parallel_loop3A_662 = %parallel_loop3A to %parallel_loop3A_331 step %parallel_loop3A_332  : i32 {
      %parallel_loop3A_663 = vector.broadcast %parallel_loop3A_662 : i32 to vector<16xi32>
      %parallel_loop3A_664 = arith.constant 0 : i32
      %parallel_loop3A_665 = arith.index_cast %parallel_loop3A_664 : i32 to index
      %parallel_loop3A_666 = arith.index_cast %parallel_loop3A_662 : i32 to index
      %parallel_loop3A_667 = arith.constant 0 : index
      %parallel_loop3A_668 = tpu.vector_load %arg6[%parallel_loop3A_665, %parallel_loop3A_666, %parallel_loop3A_667] {strides = array<i32>} : memref<3x128x64xf32, #tpu.memory_space<vmem>>, vector<16xf32>,
      tpu.vector_store_idx %arg7[%broadcast_in_dim3A_330, %select_n3A, %select_n3A_155, %parallel_loop3A_663], %parallel_loop3A_668 : memref<2x8x8x129xf32, #tpu.memory_space<vmem>>[vector<16xi32>, vector<16xi32>, vector<16xi32>, vector<16xi32>], vector<16xf32>,
      %parallel_loop3A_669 = arith.constant 0 : i32
      %parallel_loop3A_670 = arith.index_cast %parallel_loop3A_669 : i32 to index
      %parallel_loop3A_671 = arith.index_cast %parallel_loop3A_662 : i32 to index
      %parallel_loop3A_672 = arith.constant 16 : index
      %parallel_loop3A_673 = tpu.vector_load %arg6[%parallel_loop3A_670, %parallel_loop3A_671, %parallel_loop3A_672] {strides = array<i32>} : memref<3x128x64xf32, #tpu.memory_space<vmem>>, vector<16xf32>,
      tpu.vector_store_idx %arg7[%broadcast_in_dim3A_330, %select_n3A_64, %select_n3A_180, %parallel_loop3A_663], %parallel_loop3A_673 : memref<2x8x8x129xf32, #tpu.memory_space<vmem>>[vector<16xi32>, vector<16xi32>, vector<16xi32>, vector<16xi32>], vector<16xf32>,
      %parallel_loop3A_674 = arith.constant 0 : i32
      %parallel_loop3A_675 = arith.index_cast %parallel_loop3A_674 : i32 to index
      %parallel_loop3A_676 = arith.index_cast %parallel_loop3A_662 : i32 to index
      %parallel_loop3A_677 = arith.constant 32 : index
      %parallel_loop3A_678 = tpu.vector_load %arg6[%parallel_loop3A_675, %parallel_loop3A_676, %parallel_loop3A_677] {strides = array<i32>} : memref<3x128x64xf32, #tpu.memory_space<vmem>>, vector<16xf32>,
      tpu.vector_store_idx %arg7[%broadcast_in_dim3A_330, %select_n3A_98, %select_n3A_205, %parallel_loop3A_663], %parallel_loop3A_678 : memref<2x8x8x129xf32, #tpu.memory_space<vmem>>[vector<16xi32>, vector<16xi32>, vector<16xi32>, vector<16xi32>], vector<16xf32>,
      %parallel_loop3A_679 = arith.constant 0 : i32
      %parallel_loop3A_680 = arith.index_cast %parallel_loop3A_679 : i32 to index
      %parallel_loop3A_681 = arith.index_cast %parallel_loop3A_662 : i32 to index
      %parallel_loop3A_682 = arith.constant 48 : index
      %parallel_loop3A_683 = tpu.vector_load %arg6[%parallel_loop3A_680, %parallel_loop3A_681, %parallel_loop3A_682] {strides = array<i32>} : memref<3x128x64xf32, #tpu.memory_space<vmem>>, vector<16xf32>,
      tpu.vector_store_idx %arg7[%broadcast_in_dim3A_330, %select_n3A_132, %select_n3A_230, %parallel_loop3A_663], %parallel_loop3A_683 : memref<2x8x8x129xf32, #tpu.memory_space<vmem>>[vector<16xi32>, vector<16xi32>, vector<16xi32>, vector<16xi32>], vector<16xf32>,
    } {sc.loop_unroll_factor = 8 : i64, sc.parallel_access}
    %add3A_333 = arith.constant 198 : i32
    %add3A_334 = arith.addi %mul3A_2, %add3A_333 : i32
    %jit3A_335 = arith.constant 128 : i32
    %div3A_336 = arith.divsi %add3A_334, %jit3A_335 : i32
    %sign3A_337 = arith.constant 0 : i32
    %sign3A_338 = arith.cmpi sgt, %add3A_334, %sign3A_337 : i32
    %sign3A_339 = arith.extui %sign3A_338 : i1 to i32
    %sign3A_340 = arith.constant 0 : i32
    %sign3A_341 = arith.cmpi slt, %add3A_334, %sign3A_340 : i32
    %sign3A_342 = arith.extui %sign3A_341 : i1 to i32
    %sign3A_343 = arith.subi %sign3A_339, %sign3A_342 : i32
    %sign3A_344 = arith.constant 0 : i32
    %sign3A_345 = arith.cmpi sgt, %jit3A_335, %sign3A_344 : i32
    %sign3A_346 = arith.extui %sign3A_345 : i1 to i32
    %sign3A_347 = arith.constant 0 : i32
    %sign3A_348 = arith.cmpi slt, %jit3A_335, %sign3A_347 : i32
    %sign3A_349 = arith.extui %sign3A_348 : i1 to i32
    %sign3A_350 = arith.subi %sign3A_346, %sign3A_349 : i32
    %ne3A_351 = arith.cmpi ne, %sign3A_343, %sign3A_350 : i32
    %rem3A_352 = arith.remsi %add3A_334, %jit3A_335 : i32
    %ne3A_353 = arith.constant 0 : i32
    %ne3A_354 = arith.cmpi ne, %rem3A_352, %ne3A_353 : i32
    %and3A_355 = arith.andi %ne3A_351, %ne3A_354 : i1
    %sub3A_356 = arith.constant 1 : i32
    %sub3A_357 = arith.subi %div3A_336, %sub3A_356 : i32
    %select_n3A_358 = arith.select %and3A_355, %sub3A_357, %div3A_336 : i32
    %jit3A_359 = arith.constant 128 : i32
    %eq3A_360 = arith.constant 0 : i32
    %eq3A_361 = arith.cmpi eq, %jit3A_359, %eq3A_360 : i32
    %jit3A_362 = arith.constant 1 : i32
    %select_n3A_363 = arith.select %eq3A_361, %jit3A_362, %jit3A_359 : i32
    %rem3A_364 = arith.remsi %add3A_334, %select_n3A_363 : i32
    %ne3A_365 = arith.constant 0 : i32
    %ne3A_366 = arith.cmpi ne, %rem3A_364, %ne3A_365 : i32
    %lt3A_367 = arith.constant 0 : i32
    %lt3A_368 = arith.cmpi slt, %rem3A_364, %lt3A_367 : i32
    %lt3A_369 = arith.constant 0 : i32
    %lt3A_370 = arith.cmpi slt, %select_n3A_363, %lt3A_369 : i32
    %ne3A_371 = arith.xori %lt3A_368, %lt3A_370 : i1
    %and3A_372 = arith.andi %ne3A_371, %ne3A_366 : i1
    %add3A_373 = arith.addi %rem3A_364, %select_n3A_363 : i32
    %select_n3A_374 = arith.select %and3A_372, %add3A_373, %rem3A_364 : i32
    %mul3A_375 = arith.constant 8 : i32
    %mul3A_376 = arith.muli %select_n3A_358, %mul3A_375 : i32
    %dma_start3A_377 = arith.constant 0 : i32
    %dma_start3A_378 = arith.constant 0 : i32
    %dma_start3A_379 = arith.constant 0 : i32
    %dma_start3A_380 = arith.constant 0 : i32
    %dma_start3A_381 = tpu.memref_slice %arg7[%dma_start3A_377, %dma_start3A_378, %dma_start3A_379, %dma_start3A_380] : memref<2x8x8x129xf32, #tpu.memory_space<vmem>> -> memref<1x8x8x128xf32, #tpu.memory_space<vmem>>
    %dma_start3A_382 = tpu.memref_squeeze %dma_start3A_381 : memref<1x8x8x128xf32, #tpu.memory_space<vmem>> -> memref<8x8x128xf32, #tpu.memory_space<vmem>>
    %dma_start3A_383 = arith.constant 0 : i32
    %dma_start3A_384 = arith.constant 0 : i32
    %dma_start3A_385 = tpu.memref_slice %arg4[%mul3A_376, %select_n3A_374, %dma_start3A_383, %dma_start3A_384] : memref<400x128x8x128xf32, #tpu.memory_space<hbm>> -> memref<8x1x8x128xf32, #tpu.memory_space<hbm>>
    %dma_start3A_386 = tpu.memref_squeeze %dma_start3A_385 : memref<8x1x8x128xf32, #tpu.memory_space<hbm>> -> memref<8x8x128xf32, #tpu.memory_space<hbm>>
    %dma_start3A_387 = arith.constant 0 : i32
    %dma_start3A_388 = arith.constant 0 : i32
    %dma_start3A_389 = tpu.memref_slice %arg4[%mul3A_376, %select_n3A_374, %dma_start3A_387, %dma_start3A_388] : memref<400x128x8x128xf32, #tpu.memory_space<hbm>> -> memref<8x1x8x128xf32, #tpu.memory_space<hbm>>
    %dma_start3A_390 = tpu.memref_squeeze %dma_start3A_389 : memref<8x1x8x128xf32, #tpu.memory_space<hbm>> -> memref<8x8x128xf32, #tpu.memory_space<hbm>>
    %dma_start3A_391 = arith.constant 0 : i32
    %dma_start3A_392 = arith.constant 0 : i32
    %dma_start3A_393 = arith.constant 0 : i32
    %dma_start3A_394 = tpu.memref_slice %arg7[%dma_start3A_377, %dma_start3A_391, %dma_start3A_392, %dma_start3A_393] : memref<2x8x8x129xf32, #tpu.memory_space<vmem>> -> memref<1x8x8x128xf32, #tpu.memory_space<vmem>>
    %dma_start3A_395 = tpu.memref_squeeze %dma_start3A_394 : memref<1x8x8x128xf32, #tpu.memory_space<vmem>> -> memref<8x8x128xf32, #tpu.memory_space<vmem>>
    tpu.enqueue_dma source(%dma_start3A_395 : memref<8x8x128xf32, #tpu.memory_space<vmem>>) target(%dma_start3A_390 : memref<8x8x128xf32, #tpu.memory_space<hbm>>) target_semaphore(%arg9 : memref<!tpu.dma_semaphore, #tpu.memory_space<semaphore_mem>>)
    %dma_wait3A_396 = arith.constant 1 : i32
    %dma_wait3A_397 = arith.constant 0 : i32
    %dma_wait3A_398 = arith.constant 0 : i32
    %dma_wait3A_399 = tpu.memref_slice %arg6[%dma_wait3A_396, %dma_wait3A_397, %dma_wait3A_398] : memref<3x128x64xf32, #tpu.memory_space<vmem>> -> memref<1x128x64xf32, #tpu.memory_space<vmem>>
    %dma_wait3A_400 = tpu.memref_squeeze %dma_wait3A_399 : memref<1x128x64xf32, #tpu.memory_space<vmem>> -> memref<128x64xf32, #tpu.memory_space<vmem>>
    %dma_wait3A_401 = arith.constant 0 : i32
    %dma_wait3A_402 = arith.constant 0 : i32
    %dma_wait3A_403 = tpu.memref_slice %arg3[%dma_wait3A_401, %dma_wait3A_402] : memref<1000000x64xf32, #tpu.memory_space<hbm>> -> memref<128x64xf32, #tpu.memory_space<hbm>>
    %dma_wait3A_404 = arith.constant 0 : i32
    %dma_wait3A_405 = arith.constant 0 : i32
    %dma_wait3A_406 = tpu.memref_slice %arg6[%dma_wait3A_396, %dma_wait3A_404, %dma_wait3A_405] : memref<3x128x64xf32, #tpu.memory_space<vmem>> -> memref<1x128x64xf32, #tpu.memory_space<vmem>>
    %dma_wait3A_407 = tpu.memref_squeeze %dma_wait3A_406 : memref<1x128x64xf32, #tpu.memory_space<vmem>> -> memref<128x64xf32, #tpu.memory_space<vmem>>
    %dma_wait3A_408 = arith.constant 0 : i32
    %dma_wait3A_409 = arith.constant 0 : i32
    %dma_wait3A_410 = tpu.memref_slice %arg3[%dma_wait3A_408, %dma_wait3A_409] : memref<1000000x64xf32, #tpu.memory_space<hbm>> -> memref<128x64xf32, #tpu.memory_space<hbm>>
    tpu.wait_dma2 semaphore(%arg8 : memref<!tpu.dma_semaphore, #tpu.memory_space<semaphore_mem>>) src(%dma_wait3A_410 : memref<128x64xf32, #tpu.memory_space<hbm>>) dst(%dma_wait3A_407 : memref<128x64xf32, #tpu.memory_space<vmem>>)
    %jit3A_411 = arith.constant 128 : i32
    %div3A_412 = arith.divsi %mul3A_2, %jit3A_411 : i32
    %sign3A_413 = arith.constant 0 : i32
    %sign3A_414 = arith.cmpi sgt, %mul3A_2, %sign3A_413 : i32
    %sign3A_415 = arith.extui %sign3A_414 : i1 to i32
    %sign3A_416 = arith.constant 0 : i32
    %sign3A_417 = arith.cmpi slt, %mul3A_2, %sign3A_416 : i32
    %sign3A_418 = arith.extui %sign3A_417 : i1 to i32
    %sign3A_419 = arith.subi %sign3A_415, %sign3A_418 : i32
    %sign3A_420 = arith.constant 0 : i32
    %sign3A_421 = arith.cmpi sgt, %jit3A_411, %sign3A_420 : i32
    %sign3A_422 = arith.extui %sign3A_421 : i1 to i32
    %sign3A_423 = arith.constant 0 : i32
    %sign3A_424 = arith.cmpi slt, %jit3A_411, %sign3A_423 : i32
    %sign3A_425 = arith.extui %sign3A_424 : i1 to i32
    %sign3A_426 = arith.subi %sign3A_422, %sign3A_425 : i32
    %ne3A_427 = arith.cmpi ne, %sign3A_419, %sign3A_426 : i32
    %rem3A_428 = arith.remsi %mul3A_2, %jit3A_411 : i32
    %ne3A_429 = arith.constant 0 : i32
    %ne3A_430 = arith.cmpi ne, %rem3A_428, %ne3A_429 : i32
    %and3A_431 = arith.andi %ne3A_427, %ne3A_430 : i1
    %sub3A_432 = arith.constant 1 : i32
    %sub3A_433 = arith.subi %div3A_412, %sub3A_432 : i32
    %select_n3A_434 = arith.select %and3A_431, %sub3A_433, %div3A_412 : i32
    %jit3A_435 = arith.constant 128 : i32
    %eq3A_436 = arith.constant 0 : i32
    %eq3A_437 = arith.cmpi eq, %jit3A_435, %eq3A_436 : i32
    %jit3A_438 = arith.constant 1 : i32
    %select_n3A_439 = arith.select %eq3A_437, %jit3A_438, %jit3A_435 : i32
    %rem3A_440 = arith.remsi %mul3A_2, %select_n3A_439 : i32
    %ne3A_441 = arith.constant 0 : i32
    %ne3A_442 = arith.cmpi ne, %rem3A_440, %ne3A_441 : i32
    %lt3A_443 = arith.constant 0 : i32
    %lt3A_444 = arith.cmpi slt, %rem3A_440, %lt3A_443 : i32
    %lt3A_445 = arith.constant 0 : i32
    %lt3A_446 = arith.cmpi slt, %select_n3A_439, %lt3A_445 : i32
    %ne3A_447 = arith.xori %lt3A_444, %lt3A_446 : i1
    %and3A_448 = arith.andi %ne3A_447, %ne3A_442 : i1
    %add3A_449 = arith.addi %rem3A_440, %select_n3A_439 : i32
    %select_n3A_450 = arith.select %and3A_448, %add3A_449, %rem3A_440 : i32
    %mul3A_451 = arith.constant 8 : i32
    %mul3A_452 = arith.muli %select_n3A_434, %mul3A_451 : i32
    %dma_wait3A_453 = arith.constant 1 : i32
    %dma_wait3A_454 = arith.constant 0 : i32
    %dma_wait3A_455 = arith.constant 0 : i32
    %dma_wait3A_456 = arith.constant 0 : i32
    %dma_wait3A_457 = tpu.memref_slice %arg7[%dma_wait3A_453, %dma_wait3A_454, %dma_wait3A_455, %dma_wait3A_456] : memref<2x8x8x129xf32, #tpu.memory_space<vmem>> -> memref<1x8x8x128xf32, #tpu.memory_space<vmem>>
    %dma_wait3A_458 = tpu.memref_squeeze %dma_wait3A_457 : memref<1x8x8x128xf32, #tpu.memory_space<vmem>> -> memref<8x8x128xf32, #tpu.memory_space<vmem>>
    %dma_wait3A_459 = arith.constant 0 : i32
    %dma_wait3A_460 = arith.constant 0 : i32
    %dma_wait3A_461 = tpu.memref_slice %arg4[%mul3A_452, %select_n3A_450, %dma_wait3A_459, %dma_wait3A_460] : memref<400x128x8x128xf32, #tpu.memory_space<hbm>> -> memref<8x1x8x128xf32, #tpu.memory_space<hbm>>
    %dma_wait3A_462 = tpu.memref_squeeze %dma_wait3A_461 : memref<8x1x8x128xf32, #tpu.memory_space<hbm>> -> memref<8x8x128xf32, #tpu.memory_space<hbm>>
    %dma_wait3A_463 = arith.constant 0 : i32
    %dma_wait3A_464 = arith.constant 0 : i32
    %dma_wait3A_465 = tpu.memref_slice %arg4[%mul3A_452, %select_n3A_450, %dma_wait3A_463, %dma_wait3A_464] : memref<400x128x8x128xf32, #tpu.memory_space<hbm>> -> memref<8x1x8x128xf32, #tpu.memory_space<hbm>>
    %dma_wait3A_466 = tpu.memref_squeeze %dma_wait3A_465 : memref<8x1x8x128xf32, #tpu.memory_space<hbm>> -> memref<8x8x128xf32, #tpu.memory_space<hbm>>
    %dma_wait3A_467 = arith.constant 0 : i32
    %dma_wait3A_468 = arith.constant 0 : i32
    %dma_wait3A_469 = arith.constant 0 : i32
    %dma_wait3A_470 = tpu.memref_slice %arg7[%dma_wait3A_453, %dma_wait3A_467, %dma_wait3A_468, %dma_wait3A_469] : memref<2x8x8x129xf32, #tpu.memory_space<vmem>> -> memref<1x8x8x128xf32, #tpu.memory_space<vmem>>
    %dma_wait3A_471 = tpu.memref_squeeze %dma_wait3A_470 : memref<1x8x8x128xf32, #tpu.memory_space<vmem>> -> memref<8x8x128xf32, #tpu.memory_space<vmem>>
    tpu.wait_dma2 semaphore(%arg9 : memref<!tpu.dma_semaphore, #tpu.memory_space<semaphore_mem>>) src(%dma_wait3A_471 : memref<8x8x128xf32, #tpu.memory_space<vmem>>) dst(%dma_wait3A_466 : memref<8x8x128xf32, #tpu.memory_space<hbm>>)
    %broadcast_in_dim3A_472 = arith.constant 1 : i32
    %broadcast_in_dim3A_473 = vector.broadcast %broadcast_in_dim3A_472 : i32 to vector<16xi32>
    %parallel_loop3A_474 = arith.constant 0 : i32
    %parallel_loop3A_475 = arith.constant 128 : i32
    %parallel_loop3A_476 = arith.constant 1 : i32
    scf.for %parallel_loop3A_662 = %parallel_loop3A_474 to %parallel_loop3A_475 step %parallel_loop3A_476  : i32 {
      %parallel_loop3A_663 = vector.broadcast %parallel_loop3A_662 : i32 to vector<16xi32>
      %parallel_loop3A_664 = arith.constant 1 : i32
      %parallel_loop3A_665 = arith.index_cast %parallel_loop3A_664 : i32 to index
      %parallel_loop3A_666 = arith.index_cast %parallel_loop3A_662 : i32 to index
      %parallel_loop3A_667 = arith.constant 0 : index
      %parallel_loop3A_668 = tpu.vector_load %arg6[%parallel_loop3A_665, %parallel_loop3A_666, %parallel_loop3A_667] {strides = array<i32>} : memref<3x128x64xf32, #tpu.memory_space<vmem>>, vector<16xf32>,
      tpu.vector_store_idx %arg7[%broadcast_in_dim3A_473, %select_n3A, %select_n3A_155, %parallel_loop3A_663], %parallel_loop3A_668 : memref<2x8x8x129xf32, #tpu.memory_space<vmem>>[vector<16xi32>, vector<16xi32>, vector<16xi32>, vector<16xi32>], vector<16xf32>,
      %parallel_loop3A_669 = arith.constant 1 : i32
      %parallel_loop3A_670 = arith.index_cast %parallel_loop3A_669 : i32 to index
      %parallel_loop3A_671 = arith.index_cast %parallel_loop3A_662 : i32 to index
      %parallel_loop3A_672 = arith.constant 16 : index
      %parallel_loop3A_673 = tpu.vector_load %arg6[%parallel_loop3A_670, %parallel_loop3A_671, %parallel_loop3A_672] {strides = array<i32>} : memref<3x128x64xf32, #tpu.memory_space<vmem>>, vector<16xf32>,
      tpu.vector_store_idx %arg7[%broadcast_in_dim3A_473, %select_n3A_64, %select_n3A_180, %parallel_loop3A_663], %parallel_loop3A_673 : memref<2x8x8x129xf32, #tpu.memory_space<vmem>>[vector<16xi32>, vector<16xi32>, vector<16xi32>, vector<16xi32>], vector<16xf32>,
      %parallel_loop3A_674 = arith.constant 1 : i32
      %parallel_loop3A_675 = arith.index_cast %parallel_loop3A_674 : i32 to index
      %parallel_loop3A_676 = arith.index_cast %parallel_loop3A_662 : i32 to index
      %parallel_loop3A_677 = arith.constant 32 : index
      %parallel_loop3A_678 = tpu.vector_load %arg6[%parallel_loop3A_675, %parallel_loop3A_676, %parallel_loop3A_677] {strides = array<i32>} : memref<3x128x64xf32, #tpu.memory_space<vmem>>, vector<16xf32>,
      tpu.vector_store_idx %arg7[%broadcast_in_dim3A_473, %select_n3A_98, %select_n3A_205, %parallel_loop3A_663], %parallel_loop3A_678 : memref<2x8x8x129xf32, #tpu.memory_space<vmem>>[vector<16xi32>, vector<16xi32>, vector<16xi32>, vector<16xi32>], vector<16xf32>,
      %parallel_loop3A_679 = arith.constant 1 : i32
      %parallel_loop3A_680 = arith.index_cast %parallel_loop3A_679 : i32 to index
      %parallel_loop3A_681 = arith.index_cast %parallel_loop3A_662 : i32 to index
      %parallel_loop3A_682 = arith.constant 48 : index
      %parallel_loop3A_683 = tpu.vector_load %arg6[%parallel_loop3A_680, %parallel_loop3A_681, %parallel_loop3A_682] {strides = array<i32>} : memref<3x128x64xf32, #tpu.memory_space<vmem>>, vector<16xf32>,
      tpu.vector_store_idx %arg7[%broadcast_in_dim3A_473, %select_n3A_132, %select_n3A_230, %parallel_loop3A_663], %parallel_loop3A_683 : memref<2x8x8x129xf32, #tpu.memory_space<vmem>>[vector<16xi32>, vector<16xi32>, vector<16xi32>, vector<16xi32>], vector<16xf32>,
    } {sc.loop_unroll_factor = 8 : i64, sc.parallel_access}
    %add3A_477 = arith.constant 199 : i32
    %add3A_478 = arith.addi %mul3A_2, %add3A_477 : i32
    %jit3A_479 = arith.constant 128 : i32
    %div3A_480 = arith.divsi %add3A_478, %jit3A_479 : i32
    %sign3A_481 = arith.constant 0 : i32
    %sign3A_482 = arith.cmpi sgt, %add3A_478, %sign3A_481 : i32
    %sign3A_483 = arith.extui %sign3A_482 : i1 to i32
    %sign3A_484 = arith.constant 0 : i32
    %sign3A_485 = arith.cmpi slt, %add3A_478, %sign3A_484 : i32
    %sign3A_486 = arith.extui %sign3A_485 : i1 to i32
    %sign3A_487 = arith.subi %sign3A_483, %sign3A_486 : i32
    %sign3A_488 = arith.constant 0 : i32
    %sign3A_489 = arith.cmpi sgt, %jit3A_479, %sign3A_488 : i32
    %sign3A_490 = arith.extui %sign3A_489 : i1 to i32
    %sign3A_491 = arith.constant 0 : i32
    %sign3A_492 = arith.cmpi slt, %jit3A_479, %sign3A_491 : i32
    %sign3A_493 = arith.extui %sign3A_492 : i1 to i32
    %sign3A_494 = arith.subi %sign3A_490, %sign3A_493 : i32
    %ne3A_495 = arith.cmpi ne, %sign3A_487, %sign3A_494 : i32
    %rem3A_496 = arith.remsi %add3A_478, %jit3A_479 : i32
    %ne3A_497 = arith.constant 0 : i32
    %ne3A_498 = arith.cmpi ne, %rem3A_496, %ne3A_497 : i32
    %and3A_499 = arith.andi %ne3A_495, %ne3A_498 : i1
    %sub3A_500 = arith.constant 1 : i32
    %sub3A_501 = arith.subi %div3A_480, %sub3A_500 : i32
    %select_n3A_502 = arith.select %and3A_499, %sub3A_501, %div3A_480 : i32
    %jit3A_503 = arith.constant 128 : i32
    %eq3A_504 = arith.constant 0 : i32
    %eq3A_505 = arith.cmpi eq, %jit3A_503, %eq3A_504 : i32
    %jit3A_506 = arith.constant 1 : i32
    %select_n3A_507 = arith.select %eq3A_505, %jit3A_506, %jit3A_503 : i32
    %rem3A_508 = arith.remsi %add3A_478, %select_n3A_507 : i32
    %ne3A_509 = arith.constant 0 : i32
    %ne3A_510 = arith.cmpi ne, %rem3A_508, %ne3A_509 : i32
    %lt3A_511 = arith.constant 0 : i32
    %lt3A_512 = arith.cmpi slt, %rem3A_508, %lt3A_511 : i32
    %lt3A_513 = arith.constant 0 : i32
    %lt3A_514 = arith.cmpi slt, %select_n3A_507, %lt3A_513 : i32
    %ne3A_515 = arith.xori %lt3A_512, %lt3A_514 : i1
    %and3A_516 = arith.andi %ne3A_515, %ne3A_510 : i1
    %add3A_517 = arith.addi %rem3A_508, %select_n3A_507 : i32
    %select_n3A_518 = arith.select %and3A_516, %add3A_517, %rem3A_508 : i32
    %mul3A_519 = arith.constant 8 : i32
    %mul3A_520 = arith.muli %select_n3A_502, %mul3A_519 : i32
    %dma_start3A_521 = arith.constant 1 : i32
    %dma_start3A_522 = arith.constant 0 : i32
    %dma_start3A_523 = arith.constant 0 : i32
    %dma_start3A_524 = arith.constant 0 : i32
    %dma_start3A_525 = tpu.memref_slice %arg7[%dma_start3A_521, %dma_start3A_522, %dma_start3A_523, %dma_start3A_524] : memref<2x8x8x129xf32, #tpu.memory_space<vmem>> -> memref<1x8x8x128xf32, #tpu.memory_space<vmem>>
    %dma_start3A_526 = tpu.memref_squeeze %dma_start3A_525 : memref<1x8x8x128xf32, #tpu.memory_space<vmem>> -> memref<8x8x128xf32, #tpu.memory_space<vmem>>
    %dma_start3A_527 = arith.constant 0 : i32
    %dma_start3A_528 = arith.constant 0 : i32
    %dma_start3A_529 = tpu.memref_slice %arg4[%mul3A_520, %select_n3A_518, %dma_start3A_527, %dma_start3A_528] : memref<400x128x8x128xf32, #tpu.memory_space<hbm>> -> memref<8x1x8x128xf32, #tpu.memory_space<hbm>>
    %dma_start3A_530 = tpu.memref_squeeze %dma_start3A_529 : memref<8x1x8x128xf32, #tpu.memory_space<hbm>> -> memref<8x8x128xf32, #tpu.memory_space<hbm>>
    %dma_start3A_531 = arith.constant 0 : i32
    %dma_start3A_532 = arith.constant 0 : i32
    %dma_start3A_533 = tpu.memref_slice %arg4[%mul3A_520, %select_n3A_518, %dma_start3A_531, %dma_start3A_532] : memref<400x128x8x128xf32, #tpu.memory_space<hbm>> -> memref<8x1x8x128xf32, #tpu.memory_space<hbm>>
    %dma_start3A_534 = tpu.memref_squeeze %dma_start3A_533 : memref<8x1x8x128xf32, #tpu.memory_space<hbm>> -> memref<8x8x128xf32, #tpu.memory_space<hbm>>
    %dma_start3A_535 = arith.constant 0 : i32
    %dma_start3A_536 = arith.constant 0 : i32
    %dma_start3A_537 = arith.constant 0 : i32
    %dma_start3A_538 = tpu.memref_slice %arg7[%dma_start3A_521, %dma_start3A_535, %dma_start3A_536, %dma_start3A_537] : memref<2x8x8x129xf32, #tpu.memory_space<vmem>> -> memref<1x8x8x128xf32, #tpu.memory_space<vmem>>
    %dma_start3A_539 = tpu.memref_squeeze %dma_start3A_538 : memref<1x8x8x128xf32, #tpu.memory_space<vmem>> -> memref<8x8x128xf32, #tpu.memory_space<vmem>>
    tpu.enqueue_dma source(%dma_start3A_539 : memref<8x8x128xf32, #tpu.memory_space<vmem>>) target(%dma_start3A_534 : memref<8x8x128xf32, #tpu.memory_space<hbm>>) target_semaphore(%arg9 : memref<!tpu.dma_semaphore, #tpu.memory_space<semaphore_mem>>)
    %jit3A_540 = arith.constant 128 : i32
    %div3A_541 = arith.divsi %mul3A_2, %jit3A_540 : i32
    %sign3A_542 = arith.constant 0 : i32
    %sign3A_543 = arith.cmpi sgt, %mul3A_2, %sign3A_542 : i32
    %sign3A_544 = arith.extui %sign3A_543 : i1 to i32
    %sign3A_545 = arith.constant 0 : i32
    %sign3A_546 = arith.cmpi slt, %mul3A_2, %sign3A_545 : i32
    %sign3A_547 = arith.extui %sign3A_546 : i1 to i32
    %sign3A_548 = arith.subi %sign3A_544, %sign3A_547 : i32
    %sign3A_549 = arith.constant 0 : i32
    %sign3A_550 = arith.cmpi sgt, %jit3A_540, %sign3A_549 : i32
    %sign3A_551 = arith.extui %sign3A_550 : i1 to i32
    %sign3A_552 = arith.constant 0 : i32
    %sign3A_553 = arith.cmpi slt, %jit3A_540, %sign3A_552 : i32
    %sign3A_554 = arith.extui %sign3A_553 : i1 to i32
    %sign3A_555 = arith.subi %sign3A_551, %sign3A_554 : i32
    %ne3A_556 = arith.cmpi ne, %sign3A_548, %sign3A_555 : i32
    %rem3A_557 = arith.remsi %mul3A_2, %jit3A_540 : i32
    %ne3A_558 = arith.constant 0 : i32
    %ne3A_559 = arith.cmpi ne, %rem3A_557, %ne3A_558 : i32
    %and3A_560 = arith.andi %ne3A_556, %ne3A_559 : i1
    %sub3A_561 = arith.constant 1 : i32
    %sub3A_562 = arith.subi %div3A_541, %sub3A_561 : i32
    %select_n3A_563 = arith.select %and3A_560, %sub3A_562, %div3A_541 : i32
    %jit3A_564 = arith.constant 128 : i32
    %eq3A_565 = arith.constant 0 : i32
    %eq3A_566 = arith.cmpi eq, %jit3A_564, %eq3A_565 : i32
    %jit3A_567 = arith.constant 1 : i32
    %select_n3A_568 = arith.select %eq3A_566, %jit3A_567, %jit3A_564 : i32
    %rem3A_569 = arith.remsi %mul3A_2, %select_n3A_568 : i32
    %ne3A_570 = arith.constant 0 : i32
    %ne3A_571 = arith.cmpi ne, %rem3A_569, %ne3A_570 : i32
    %lt3A_572 = arith.constant 0 : i32
    %lt3A_573 = arith.cmpi slt, %rem3A_569, %lt3A_572 : i32
    %lt3A_574 = arith.constant 0 : i32
    %lt3A_575 = arith.cmpi slt, %select_n3A_568, %lt3A_574 : i32
    %ne3A_576 = arith.xori %lt3A_573, %lt3A_575 : i1
    %and3A_577 = arith.andi %ne3A_576, %ne3A_571 : i1
    %add3A_578 = arith.addi %rem3A_569, %select_n3A_568 : i32
    %select_n3A_579 = arith.select %and3A_577, %add3A_578, %rem3A_569 : i32
    %mul3A_580 = arith.constant 8 : i32
    %mul3A_581 = arith.muli %select_n3A_563, %mul3A_580 : i32
    %dma_wait3A_582 = arith.constant 0 : i32
    %dma_wait3A_583 = arith.constant 0 : i32
    %dma_wait3A_584 = arith.constant 0 : i32
    %dma_wait3A_585 = arith.constant 0 : i32
    %dma_wait3A_586 = tpu.memref_slice %arg7[%dma_wait3A_582, %dma_wait3A_583, %dma_wait3A_584, %dma_wait3A_585] : memref<2x8x8x129xf32, #tpu.memory_space<vmem>> -> memref<1x8x8x128xf32, #tpu.memory_space<vmem>>
    %dma_wait3A_587 = tpu.memref_squeeze %dma_wait3A_586 : memref<1x8x8x128xf32, #tpu.memory_space<vmem>> -> memref<8x8x128xf32, #tpu.memory_space<vmem>>
    %dma_wait3A_588 = arith.constant 0 : i32
    %dma_wait3A_589 = arith.constant 0 : i32
    %dma_wait3A_590 = tpu.memref_slice %arg4[%mul3A_581, %select_n3A_579, %dma_wait3A_588, %dma_wait3A_589] : memref<400x128x8x128xf32, #tpu.memory_space<hbm>> -> memref<8x1x8x128xf32, #tpu.memory_space<hbm>>
    %dma_wait3A_591 = tpu.memref_squeeze %dma_wait3A_590 : memref<8x1x8x128xf32, #tpu.memory_space<hbm>> -> memref<8x8x128xf32, #tpu.memory_space<hbm>>
    %dma_wait3A_592 = arith.constant 0 : i32
    %dma_wait3A_593 = arith.constant 0 : i32
    %dma_wait3A_594 = tpu.memref_slice %arg4[%mul3A_581, %select_n3A_579, %dma_wait3A_592, %dma_wait3A_593] : memref<400x128x8x128xf32, #tpu.memory_space<hbm>> -> memref<8x1x8x128xf32, #tpu.memory_space<hbm>>
    %dma_wait3A_595 = tpu.memref_squeeze %dma_wait3A_594 : memref<8x1x8x128xf32, #tpu.memory_space<hbm>> -> memref<8x8x128xf32, #tpu.memory_space<hbm>>
    %dma_wait3A_596 = arith.constant 0 : i32
    %dma_wait3A_597 = arith.constant 0 : i32
    %dma_wait3A_598 = arith.constant 0 : i32
    %dma_wait3A_599 = tpu.memref_slice %arg7[%dma_wait3A_582, %dma_wait3A_596, %dma_wait3A_597, %dma_wait3A_598] : memref<2x8x8x129xf32, #tpu.memory_space<vmem>> -> memref<1x8x8x128xf32, #tpu.memory_space<vmem>>
    %dma_wait3A_600 = tpu.memref_squeeze %dma_wait3A_599 : memref<1x8x8x128xf32, #tpu.memory_space<vmem>> -> memref<8x8x128xf32, #tpu.memory_space<vmem>>
    tpu.wait_dma2 semaphore(%arg9 : memref<!tpu.dma_semaphore, #tpu.memory_space<semaphore_mem>>) src(%dma_wait3A_600 : memref<8x8x128xf32, #tpu.memory_space<vmem>>) dst(%dma_wait3A_595 : memref<8x8x128xf32, #tpu.memory_space<hbm>>)
    %jit3A_601 = arith.constant 128 : i32
    %div3A_602 = arith.divsi %mul3A_2, %jit3A_601 : i32
    %sign3A_603 = arith.constant 0 : i32
    %sign3A_604 = arith.cmpi sgt, %mul3A_2, %sign3A_603 : i32
    %sign3A_605 = arith.extui %sign3A_604 : i1 to i32
    %sign3A_606 = arith.constant 0 : i32
    %sign3A_607 = arith.cmpi slt, %mul3A_2, %sign3A_606 : i32
    %sign3A_608 = arith.extui %sign3A_607 : i1 to i32
    %sign3A_609 = arith.subi %sign3A_605, %sign3A_608 : i32
    %sign3A_610 = arith.constant 0 : i32
    %sign3A_611 = arith.cmpi sgt, %jit3A_601, %sign3A_610 : i32
    %sign3A_612 = arith.extui %sign3A_611 : i1 to i32
    %sign3A_613 = arith.constant 0 : i32
    %sign3A_614 = arith.cmpi slt, %jit3A_601, %sign3A_613 : i32
    %sign3A_615 = arith.extui %sign3A_614 : i1 to i32
    %sign3A_616 = arith.subi %sign3A_612, %sign3A_615 : i32
    %ne3A_617 = arith.cmpi ne, %sign3A_609, %sign3A_616 : i32
    %rem3A_618 = arith.remsi %mul3A_2, %jit3A_601 : i32
    %ne3A_619 = arith.constant 0 : i32
    %ne3A_620 = arith.cmpi ne, %rem3A_618, %ne3A_619 : i32
    %and3A_621 = arith.andi %ne3A_617, %ne3A_620 : i1
    %sub3A_622 = arith.constant 1 : i32
    %sub3A_623 = arith.subi %div3A_602, %sub3A_622 : i32
    %select_n3A_624 = arith.select %and3A_621, %sub3A_623, %div3A_602 : i32
    %jit3A_625 = arith.constant 128 : i32
    %eq3A_626 = arith.constant 0 : i32
    %eq3A_627 = arith.cmpi eq, %jit3A_625, %eq3A_626 : i32
    %jit3A_628 = arith.constant 1 : i32
    %select_n3A_629 = arith.select %eq3A_627, %jit3A_628, %jit3A_625 : i32
    %rem3A_630 = arith.remsi %mul3A_2, %select_n3A_629 : i32
    %ne3A_631 = arith.constant 0 : i32
    %ne3A_632 = arith.cmpi ne, %rem3A_630, %ne3A_631 : i32
    %lt3A_633 = arith.constant 0 : i32
    %lt3A_634 = arith.cmpi slt, %rem3A_630, %lt3A_633 : i32
    %lt3A_635 = arith.constant 0 : i32
    %lt3A_636 = arith.cmpi slt, %select_n3A_629, %lt3A_635 : i32
    %ne3A_637 = arith.xori %lt3A_634, %lt3A_636 : i1
    %and3A_638 = arith.andi %ne3A_637, %ne3A_632 : i1
    %add3A_639 = arith.addi %rem3A_630, %select_n3A_629 : i32
    %select_n3A_640 = arith.select %and3A_638, %add3A_639, %rem3A_630 : i32
    %mul3A_641 = arith.constant 8 : i32
    %mul3A_642 = arith.muli %select_n3A_624, %mul3A_641 : i32
    %dma_wait3A_643 = arith.constant 1 : i32
    %dma_wait3A_644 = arith.constant 0 : i32
    %dma_wait3A_645 = arith.constant 0 : i32
    %dma_wait3A_646 = arith.constant 0 : i32
    %dma_wait3A_647 = tpu.memref_slice %arg7[%dma_wait3A_643, %dma_wait3A_644, %dma_wait3A_645, %dma_wait3A_646] : memref<2x8x8x129xf32, #tpu.memory_space<vmem>> -> memref<1x8x8x128xf32, #tpu.memory_space<vmem>>
    %dma_wait3A_648 = tpu.memref_squeeze %dma_wait3A_647 : memref<1x8x8x128xf32, #tpu.memory_space<vmem>> -> memref<8x8x128xf32, #tpu.memory_space<vmem>>
    %dma_wait3A_649 = arith.constant 0 : i32
    %dma_wait3A_650 = arith.constant 0 : i32
    %dma_wait3A_651 = tpu.memref_slice %arg4[%mul3A_642, %select_n3A_640, %dma_wait3A_649, %dma_wait3A_650] : memref<400x128x8x128xf32, #tpu.memory_space<hbm>> -> memref<8x1x8x128xf32, #tpu.memory_space<hbm>>
    %dma_wait3A_652 = tpu.memref_squeeze %dma_wait3A_651 : memref<8x1x8x128xf32, #tpu.memory_space<hbm>> -> memref<8x8x128xf32, #tpu.memory_space<hbm>>
    %dma_wait3A_653 = arith.constant 0 : i32
    %dma_wait3A_654 = arith.constant 0 : i32
    %dma_wait3A_655 = tpu.memref_slice %arg4[%mul3A_642, %select_n3A_640, %dma_wait3A_653, %dma_wait3A_654] : memref<400x128x8x128xf32, #tpu.memory_space<hbm>> -> memref<8x1x8x128xf32, #tpu.memory_space<hbm>>
    %dma_wait3A_656 = tpu.memref_squeeze %dma_wait3A_655 : memref<8x1x8x128xf32, #tpu.memory_space<hbm>> -> memref<8x8x128xf32, #tpu.memory_space<hbm>>
    %dma_wait3A_657 = arith.constant 0 : i32
    %dma_wait3A_658 = arith.constant 0 : i32
    %dma_wait3A_659 = arith.constant 0 : i32
    %dma_wait3A_660 = tpu.memref_slice %arg7[%dma_wait3A_643, %dma_wait3A_657, %dma_wait3A_658, %dma_wait3A_659] : memref<2x8x8x129xf32, #tpu.memory_space<vmem>> -> memref<1x8x8x128xf32, #tpu.memory_space<vmem>>
    %dma_wait3A_661 = tpu.memref_squeeze %dma_wait3A_660 : memref<1x8x8x128xf32, #tpu.memory_space<vmem>> -> memref<8x8x128xf32, #tpu.memory_space<vmem>>
    tpu.wait_dma2 semaphore(%arg9 : memref<!tpu.dma_semaphore, #tpu.memory_space<semaphore_mem>>) src(%dma_wait3A_661 : memref<8x8x128xf32, #tpu.memory_space<vmem>>) dst(%dma_wait3A_656 : memref<8x8x128xf32, #tpu.memory_space<hbm>>)
    return
  }
}

</mosaic_0001>

<sc_bundles>
// kernel: kernel.3.cloned.1.call-start
scs
__scs_entry_jumppad:
0x0: {  	(pc) =	sbr.rel $0x88, $3  }
0x1: {  	(tag) =	ssettag $0x0;
	lr =	simm.s32 $0x1  }
0x2: {  	[smem:$0x3F9F] =	sst lr;
	_ =	strace $0xD0000000  }
0x3: {  	_ = 	snop  }
0x4: {  	_ = 	snop  }
0x5: {  	_ = 	snop  }
0x6: {  	_ = 	snop  }
0x7: {  	_ = 	snop  }
__scs_overlays_trampoline_lowered:
0x8: {  	[smem:$0x3FAE] =	sst s0  }
0x9: {  	[smem:$0x3FAF] =	sst s1  }
0xa: {  	[smem:$0x3FB0] =	sst s2  }
0xb: {  	[smem:$0x3FB1] =	sst s3  }
0xc: {  	[smem:$0x3FB2] =	sst s4  }
0xd: {  	[smem:$0x3FB3] =	sst s5  }
0xe: {  	[smem:$0x3FB4] =	sst s6  }
0xf: {  	[smem:$0x3FB5] =	sst s7  }
0x10: {  	[smem:$0x3FB6] =	sst s8  }
0x11: {  	[smem:$0x3FB7] =	sst s9;
	s0 =	simm.s32 @!p0 $0x0  }
0x12: {  	s1 =	sld [smem:$0x3F9D];
	s0 =	simm.s32 @p0 $0x1  }
0x13: {  	[smem:$0x3FB8] =	sst s0;
	s0 =	simm.s32 @!p1 $0x0  }
0x14: {  	s2 =	sld [smem:$0x3F9C];
	s0 =	simm.s32 @p1 $0x1  }
0x15: {  	[smem:$0x3FB9] =	sst s0;
	s0 =	simm.s32 @!p2 $0x0  }
0x16: {  	s3 =	sld [smem:$0x3FDB];
	s0 =	simm.s32 @p2 $0x1  }
0x17: {  	s4 =	simm.s32 $0x1BF5;
	[smem:$0x3FBB] =	sst s0  }
0x18: {  	s0 =	sld [smem:$0x3F9E];
	_ =	swait.ge [sflag:s4], $0x0  }
0x19: {  	s7 =	sld [smem:$0x3F9F]  }
0x1a: {  	s8 =	sadd.s32 $0xFFFFE003, lr  }
0x1b: {  	s9 =	sadd.s32 $0xFFFFFEF7, lr;
	s5 =	simm.s32 $0xFFFFFFFF;
	p2 =	slt.u32 s8, $0xFFFFF086  }
0x1c: {  	p1 =	slt.u32 s9, $0xF7A;
	s5 =	simm.s32 @!p2 $0x0  }
0x1d: {  	s5 =	simm.s32 @p1 $0x1;
	p0 =	seq.s32 s7, s2  }
0x1e: {  	s7 =	smul.u32 @!p0 $0xF7A, s2;
	p2 =	seq.s32 @!p0 s5, $0x0  }
0x1f: {  	s9 =	smul.u32 $0xF7A, s1;
	s8 =	simm.s32 @!p0 $0x1BF5;
	p2 =	por !p2, p0  }
0x20: {  	[sflag:s8] =	ssyncset.s32 @!p0 $0xFFFFF086;
	s6 =	sadd.s32 @!p0 s3, s7;
	s7 =	simm.s32 @!p0 $0x108  }
0x21: {  	s3 =	sadd.s32 s3, s9;
	s6 =	sadd.s32 @!p0 $0x88, s6;
	s7 =	simm.s32 @p2 $0x1082  }
0x22: {  	[simem:s7], [sflag:s8] =	dma.local @!p0 [hbm:s6], $0xF7A  }
0x23: {  	s9 =	sor.u32 $0xD0000000, s2;
	s6 =	simm.s32 $0x108;
	_ =	swait.ge @!p0 [sflag:s8], $0x0  }
0x24: {  	s3 =	sadd.s32 $0x88, s3;
	s6 =	simm.s32 @!p1 $0x1082;
	[sflag:s4] =	ssyncset.s32 $0xFFFFF086  }
0x25: {  	[simem:s6], [sflag:s4] =	dma.local [hbm:s3], $0xF7A  }
0x26: {  	[smem:$0x3F9F] =	sst s1;
	(tag) =	ssettag s2;
	_ =	strace s9  }
0x27: {  	s1 =	sld [smem:$0x3FAF]  }
0x28: {  	s2 =	sld [smem:$0x3FB0]  }
0x29: {  	s4 =	sld [smem:$0x3FB2]  }
0x2a: {  	p0 =	seq.s32 s5, $0x0;
	s5 =	sld [smem:$0x3FB3]  }
0x2b: {  	s6 =	sld [smem:$0x3FB4]  }
0x2c: {  	s7 =	sld [smem:$0x3FB5]  }
0x2d: {  	s3 =	simm.s32 $0x108;
	s8 =	sld [smem:$0x3FB6]  }
0x2e: {  	s3 =	simm.s32 @!p0 $0x1082;
	s9 =	sld [smem:$0x3FB7]  }
0x2f: {  	lr =	sadd.s32 s0, s3;
	s0 =	sld [smem:$0x3FAE]  }
0x30: {  	s3 =	sld [smem:$0x3FB1]  }
0x31: {  	[smem:$0x3FBA] =	sst s10  }
0x32: {  	s10 =	sld [smem:$0x3FB8];
	_ =	sdelay $0x3  }
0x33: {  	p0 =	seq.s32 s10, $0x1;
	s10 =	sld [smem:$0x3FBA];
	_ =	sdelay $0x3  }
0x34: {  	[smem:$0x3FBA] =	sst s10  }
0x35: {  	s10 =	sld [smem:$0x3FB9];
	_ =	sdelay $0x3  }
0x36: {  	p1 =	seq.s32 s10, $0x1;
	s10 =	sld [smem:$0x3FBA];
	_ =	sdelay $0x3  }
0x37: {  	[smem:$0x3FBA] =	sst s10  }
0x38: {  	s10 =	sld [smem:$0x3FBB]  }
0x39: {  	_ = 	snop;
	(pc) =	sbr.ind lr, $3  }
0x3a: {  	_ = 	snop  }
0x3b: {  	_ = 	snop  }
0x3c: {  	p2 =	seq.s32 s10, $0x1;
	s10 =	sld [smem:$0x3FBA]  }
0x3d: {  	_ =	shalt  }
0x3e: {  	_ =	shalt  }
0x3f: {  	_ =	shalt  }
0x40: {  	_ =	shalt  }
0x41: {  	_ =	shalt  }
0x42: {  	_ =	shalt  }
0x43: {  	_ =	shalt  }
0x44: {  	_ =	shalt  }
0x45: {  	_ =	shalt  }
0x46: {  	_ =	shalt  }
0x47: {  	_ =	shalt  }
0x48: {  	_ =	shalt  }
0x49: {  	_ =	shalt  }
0x4a: {  	_ =	shalt  }
0x4b: {  	_ =	shalt  }
0x4c: {  	_ =	shalt  }
0x4d: {  	_ =	shalt  }
0x4e: {  	_ =	shalt  }
0x4f: {  	_ =	shalt  }
0x50: {  	_ =	shalt  }
0x51: {  	_ =	shalt  }
0x52: {  	_ =	shalt  }
0x53: {  	_ =	shalt  }
0x54: {  	_ =	shalt  }
0x55: {  	_ =	shalt  }
0x56: {  	_ =	shalt  }
0x57: {  	_ =	shalt  }
0x58: {  	_ =	shalt  }
0x59: {  	_ =	shalt  }
0x5a: {  	_ =	shalt  }
0x5b: {  	_ =	shalt  }
0x5c: {  	_ =	shalt  }
0x5d: {  	_ =	shalt  }
0x5e: {  	_ =	shalt  }
0x5f: {  	_ =	shalt  }
0x60: {  	_ =	shalt  }
0x61: {  	_ =	shalt  }
0x62: {  	_ =	shalt  }
0x63: {  	_ =	shalt  }
0x64: {  	_ =	shalt  }
0x65: {  	_ =	shalt  }
0x66: {  	_ =	shalt  }
0x67: {  	_ =	shalt  }
0x68: {  	_ =	shalt  }
0x69: {  	_ =	shalt  }
0x6a: {  	_ =	shalt  }
0x6b: {  	_ =	shalt  }
0x6c: {  	_ =	shalt  }
0x6d: {  	_ =	shalt  }
0x6e: {  	_ =	shalt  }
0x6f: {  	_ =	shalt  }
0x70: {  	_ =	shalt  }
0x71: {  	_ =	shalt  }
0x72: {  	_ =	shalt  }
0x73: {  	_ =	shalt  }
0x74: {  	_ =	shalt  }
0x75: {  	_ =	shalt  }
0x76: {  	_ =	shalt  }
0x77: {  	_ =	shalt  }
0x78: {  	_ =	shalt  }
0x79: {  	_ =	shalt  }
0x7a: {  	_ =	shalt  }
0x7b: {  	_ =	shalt  }
0x7c: {  	_ =	shalt  }
0x7d: {  	_ =	shalt  }
0x7e: {  	_ =	shalt  }
0x7f: {  	_ =	shalt  }
0x80: {  	_ =	shalt  }
0x81: {  	_ =	shalt  }
0x82: {  	_ =	shalt  }
0x83: {  	_ =	shalt  }
0x84: {  	_ =	shalt  }
0x85: {  	_ =	shalt  }
0x86: {  	_ =	shalt  }
0x87: {  	_ =	shalt  }
.Lfunc_end0:
.L_simem_size_0:
called_computation_lowered:
.L_overlay_start_0:
0x88: {  	s2 =	sld [smem:$0x3FD9]  }
0x89: {  	s3 =	sld [smem:$0x3FFE];
	_ =	sdelay $0x1  }
0x8a: {  	s1 =	srdreg.scid  }
0x8b: {  	s0 =	sand.u32 $0x1, s1  }
0x8c: {  	s17 =	sshll.u32 s0, $0xA;
	s2 =	sadd.s32 s3, s2  }
0x8d: {  	s2 =	sadd.s32 s2, s17  }
0x8e: {  	[smem:$0x3FC6] =	sst s2  }
0x8f: {  	_ = 	snop  }
0x90: {  	s2 =	sld [smem:$0x3FD0];
	(tm) =	ssettm $0x1  }
0x91: {  	s18 =	sld [smem:$0x3FFB];
	_ =	sdelay $0x3  }
0x92: {  	_ =	strace s18  }
0x93: {  	s3 =	sld [smem:$0x3FFC];
	_ =	sdelay $0x3  }
0x94: {  	_ =	strace s3  }
0x95: {  	s3 =	sld [smem:$0x3FFD];
	_ =	sdelay $0x3  }
0x96: {  	_ =	strace s3  }
0x97: {  	_ =	strace $0x8FFFFFFF  }
0x98: {  	s19 =	sld [smem:$0x3FDB];
	_ =	sdelay $0x1  }
0x99: {  	s4 =	simm.s32 $_scs_section_size  }
0x9a: {  	s5 =	simm.s32 $_size__tile_overlayer_lowered;
	s6 =	simm.s32 $_tile_overlayer_lowered  }
0x9b: {  	s22 =	simm.s32 $0x1BFF;
	s21 =	sshll.u32 s6, $0x1;
	s3 =	sadd.s32 s4, s19  }
0x9c: {  	s7 =	simm.s32 $0x0;
	s20 =	sshll.u32 s5, $0x1;
	s5 =	sadd.s32 s21, s3  }
0x9d: {  	[timem:s7], [sflag:s22] =	dma.local [hbm:s5], s20  }
0x9e: {  	_ =	swait.ge [sflag:s22], s20  }
0x9f: {  	s4 =	ssub.s32 $0x0, s20;
	[sflag:s22] =	ssyncset.done $0x0  }
0xa0: {  	[sflag:s22] =	ssyncadd.s32 s4;
	_ =	sdelay $0x1  }
0xa1: {  	s23 =	simm.s32 $0x1B8B  }
0xa2: {  	_ =	swait.ge [sflag:s23], $0x1  }
0xa3: {  	[sflag:s23] =	ssyncset.done $0x0  }
0xa4: {  	s25 =	simm.s32 $0x1B8E;
	s24 =	sld [smem:$0x3FFE];
	[sflag:s23] =	ssyncadd.s32 $0xFFFFFFFF  }
0xa5: {  	s26 =	simm.s32 $execute0_lowered;
	[smem:$0x3FD2] =	sst s25  }
0xa6: {  	s5 =	sshll.u32 s26, $0x1;
	_ =	strace $0x80000046;
	[dreg:$0x1] =	wrdreg $0xFFFFFFFF  }
0xa7: {  	s28 =	simm.s32 $_size_execute0_lowered;
	s3 =	sadd.s32 s3, s5;
	[dreg:$0x0] =	wrdreg $0x0  }
0xa8: {  	s5 =	sshll.u32 s28, $0x1;
	[dreg:$0x2] =	wrdreg s3  }
0xa9: {  	[dreg:$0x3] =	wrdreg s5  }
0xaa: {  	[dreg:$0x4] =	wrdreg $0xC0  }
0xab: {  	_ =	task [dreg:s7], $0x5FFFF  }
0xac: {  	[dreg:$0x1] =	wrdreg $0xFFFFFFFF  }
0xad: {  	[dreg:$0x0] =	wrdreg $0x60  }
0xae: {  	[dreg:$0x2] =	wrdreg s24  }
0xaf: {  	[dreg:$0x3] =	wrdreg s2  }
0xb0: {  	[dreg:$0x4] =	wrdreg $0x9  }
0xb1: {  	_ =	task.clear_ibuf [dreg:s7], $0x5FFFF;
	_ =	strace $0x90000046  }
0xb2: {  	s29 =	simm.s32 $0x9;
	_ =	strace $0x80000048  }
0xb3: {  	_ =	swait.ge [sflag:s29], $0x1  }
0xb4: {  	[sflag:s29] =	ssyncadd.s32 $0xFFFFFFFF  }
0xb5: {  	_ =	strace $0x90000048  }
0xb6: {  	_ =	sfence  }
0xb7: {  	s30 =	sld [smem:$0x0];
	_ =	sdelay $0x2  }
0xb8: {  	s31 =	sshll.u32 s1, $0xD;
	s1 =	sshrl.u32 s1, $0x2  }
0xb9: {  	s3 =	sand.u32 $0x4000, s31;
	s1 =	sadd.s32 s1, s30  }
0xba: {  	s0 =	sor.u32 s3, s0;
	s1 =	sshll.u32 s1, $0x11  }
0xbb: {  	s0 =	sor.u32 s1, s0  }
0xbc: {  	s0 =	sadd.s32 $0x8F2B, s0  }
0xbd: {  	[sflag:s0] =	ssyncadd.remote.s32 $0x1  }
0xbe: {  	_ =	sfence.sel $0xFFFF  }
0xbf: {  	[dreg:$0x0] =	wrdreg $0xFFFFFFFF;
	(pc) =	sbr.abs _section_cstart, $3  }
0xc0: {  	[dreg:$0x1] =	wrdreg $0xFFFFFFFF  }
0xc1: {  	_ =	task.clear_ibuf [dreg:s7], $0x2FFFF;
	_ =	strace $0x9FFFFFFF  }
0xc2: {  	(tm) =	ssettm $0x7FFFFFFF  }
0xc3: {  	_ =	shalt  }
tec
execute0_lowered:
.L_overlay_start_1:
0x0: {  	(tag) =	ssettag $0x1  }
0x1: {  	v0 =	vlaneseq.u32  }
0x2: {  	v29 =	vmul.u32 $0x88, v0  }
0x3: {  	vm0 =	vcmask $0x300;
	v0 =	vimm.s32 $0x0  }
0x4: {  	v1 =	vsel vm0, $0x3, v0;
	v0 =	vadd.s32 $0x880, v29  }
0x5: {  	s5 =	rddreg [dreg:$0x0];
	[tilespmem:$0x1FC10] =	vst v0;
	v0 =	vor.u32 $0x6, v29  }
0x6: {  	s2 =	rddreg [dreg:$0x1];
	s3 =	simm.s32 $0x0;
	[tilespmem:$0x1FC20] =	vst v0;
	v0 =	vadd.s32 $0x1986, v29  }
0x7: {  	s1 =	srdreg.scid;
	[smem:$0x7FF] =	sst s3;
	[tilespmem:$0x1FC30] =	vst v0;
	v0 =	vadd.s32 $0x2A80, v29  }
0x8: {  	s4 =	sand.u32 $0x1, s1;
	s1 =	rddreg [dreg:$0x2];
	_ =	strace $0x80000047;
	[tilespmem:$0x1FC40] =	vst v0  }
0x9: {  	v61 =	vadd.s32 $0x1100, v29;
	[tilespmem:$0x1FD80] =	vst v29  }
0xa: {  	v44 =	vadd.s32 $0x1980, v29;
	[tilespmem:$0x1FD90] =	vst v61  }
0xb: {  	v26 =	vor.u32 $0x1, v29;
	[tilespmem:$0x1FDA0] =	vst v44  }
0xc: {  	v62 =	vadd.s32 $0x881, v29;
	[tilespmem:$0x1FDB0] =	vst v26  }
0xd: {  	v25 =	vadd.s32 $0x1101, v29;
	[tilespmem:$0x1FDC0] =	vst v62  }
0xe: {  	v32 =	vadd.s32 $0x1981, v29;
	[tilespmem:$0x1FDD0] =	vst v25  }
0xf: {  	v27 =	vor.u32 $0x2, v29;
	[tilespmem:$0x1FDE0] =	vst v32  }
0x10: {  	v31 =	vadd.s32 $0x1102, v29;
	[tilespmem:$0x1FDF0] =	vst v27  }
0x11: {  	v36 =	vor.u32 $0x3, v29;
	[tilespmem:$0x1FE00] =	vst v31  }
0x12: {  	v53 =	vadd.s32 $0x1103, v29;
	[tilespmem:$0x1FE10] =	vst v36  }
0x13: {  	v45 =	vadd.s32 $0x1983, v29;
	[tilespmem:$0x1FE20] =	vst v53  }
0x14: {  	v28 =	vor.u32 $0x4, v29;
	[tilespmem:$0x1FE30] =	vst v45  }
0x15: {  	v49 =	vadd.s32 $0x1104, v29;
	[tilespmem:$0x1FE40] =	vst v28  }
0x16: {  	v47 =	vadd.s32 $0x1984, v29;
	[tilespmem:$0x1FE50] =	vst v49  }
0x17: {  	v3 =	vor.u32 $0x5, v29;
	[tilespmem:$0x1FE60] =	vst v47  }
0x18: {  	v59 =	vadd.s32 $0x1105, v29;
	[tilespmem:$0x1FE70] =	vst v3  }
0x19: {  	v48 =	vadd.s32 $0x1985, v29;
	[tilespmem:$0x1FE80] =	vst v59  }
0x1a: {  	v24 =	vadd.s32 $0x1106, v29;
	[tilespmem:$0x1FE90] =	vst v48  }
0x1b: {  	v34 =	vor.u32 $0x7, v29;
	[tilespmem:$0x1FEA0] =	vst v24  }
0x1c: {  	v23 =	vadd.s32 $0x887, v29;
	[tilespmem:$0x1FEB0] =	vst v34  }
0x1d: {  	v43 =	vadd.s32 $0x1107, v29;
	[tilespmem:$0x1FEC0] =	vst v23  }
0x1e: {  	v38 =	vadd.s32 $0x1987, v29;
	[tilespmem:$0x1FED0] =	vst v43  }
0x1f: {  	v51 =	vadd.s32 $0x2200, v29;
	[tilespmem:$0x1FEE0] =	vst v38  }
0x20: {  	v60 =	vadd.s32 $0x3B80, v29;
	[tilespmem:$0x1FEF0] =	vst v51  }
0x21: {  	v46 =	vadd.s32 $0x3B81, v29;
	[tilespmem:$0x1FF00] =	vst v60  }
0x22: {  	v52 =	vadd.s32 $0x2A82, v29;
	[tilespmem:$0x1FF10] =	vst v46  }
0x23: {  	v56 =	vadd.s32 $0x3B83, v29;
	[tilespmem:$0x1FF20] =	vst v52  }
0x24: {  	v50 =	vadd.s32 $0x2A86, v29;
	[tilespmem:$0x1FF30] =	vst v56  }
0x25: {  	v54 =	vadd.s32 $0x3306, v29;
	[tilespmem:$0x1FF40] =	vst v50  }
0x26: {  	v55 =	vadd.s32 $0x3B86, v29;
	[tilespmem:$0x1FF50] =	vst v54  }
0x27: {  	v63 =	vadd.s32 $0x2207, v29;
	[tilespmem:$0x1FF60] =	vst v55  }
0x28: {  	v58 =	vadd.s32 $0x2A87, v29;
	[tilespmem:$0x1FF70] =	vst v63  }
0x29: {  	v41 =	vadd.s32 $0x886, v29;
	[tilespmem:$0x1FF80] =	vst v58  }
0x2a: {  	v40 =	vadd.s32 $0x885, v29;
	[tilespmem:$0x1FFA0] =	vst v41  }
0x2b: {  	v33 =	vadd.s32 $0x882, v29;
	[tilespmem:$0x1FFB0] =	vst v40  }
0x2c: {  	v35 =	vadd.s32 $0x1982, v29;
	[tilespmem:$0x1FFC0] =	vst v33  }
0x2d: {  	v37 =	vadd.s32 $0x884, v29;
	[tilespmem:$0x1FFD0] =	vst v35  }
0x2e: {  	v39 =	vadd.s32 $0x883, v29;
	[tilespmem:$0x1FFE0] =	vst v37  }
0x2f: {  	v0 =	vadd.s32 $0x3300, v29;
	[tilespmem:$0x1FFF0] =	vst v39  }
0x30: {  	[tilespmem:$0x1FC50] =	vst v0;
	v0 =	vadd.s32 $0x2201, v29  }
0x31: {  	[tilespmem:$0x1FC60] =	vst v0;
	v0 =	vadd.s32 $0x2A81, v29  }
0x32: {  	[tilespmem:$0x1FC70] =	vst v0;
	v0 =	vadd.s32 $0x3301, v29  }
0x33: {  	[tilespmem:$0x1FC80] =	vst v0;
	v0 =	vadd.s32 $0x2202, v29  }
0x34: {  	[tilespmem:$0x1FC90] =	vst v0;
	v0 =	vadd.s32 $0x3302, v29  }
0x35: {  	[tilespmem:$0x1FCA0] =	vst v0;
	v0 =	vadd.s32 $0x3B82, v29  }
0x36: {  	[tilespmem:$0x1FCB0] =	vst v0;
	v0 =	vadd.s32 $0x2203, v29  }
0x37: {  	[tilespmem:$0x1FCC0] =	vst v0;
	v0 =	vadd.s32 $0x2A83, v29  }
0x38: {  	s0 =	stileid.u32;
	s12 =	simm.s32 $0x6400;
	[tilespmem:$0x1FCD0] =	vst v0;
	v0 =	vadd.s32 $0x3303, v29  }
0x39: {  	s13 =	simm.s32 $0x8400;
	s14 =	simm.s32 $0xA400;
	s26 =	sshll.u32 s0, $0x1;
	[tilespmem:$0x1FCE0] =	vst v0;
	v0 =	vadd.s32 $0x2204, v29  }
0x3a: {  	s15 =	simm.s32 $0x1;
	s16 =	simm.s32 $0xC400;
	s6 =	sor.u32 s4, s26;
	[tilespmem:$0x1FCF0] =	vst v0;
	v0 =	vadd.s32 $0x2A84, v29  }
0x3b: {  	s17 =	simm.s32 $0x2;
	s8 =	ssub.s32 $0x2, s4;
	s7 =	smul.u32 $0xC80, s6;
	[tilespmem:$0x1FD00] =	vst v0;
	v0 =	vadd.s32 $0x3304, v29  }
0x3c: {  	s18 =	simm.s32 $0x0;
	s4 =	smul.u32 $0xC8, s6;
	s29 =	sshrl.u32 s8, $0x1;
	[tilespmem:$0x1FD10] =	vst v0;
	v0 =	vadd.s32 $0x3B84, v29  }
0x3d: {  	s9 =	ssub.s32 s8, s29;
	s28 =	sadd.s32 s7, s5;
	s5 =	sadd.s32 $0xF42A00, s5;
	[tilespmem:$0x1FD20] =	vst v0;
	v0 =	vadd.s32 $0x2205, v29  }
0x3e: {  	s30 =	sadd.s32 $0xC6, s4;
	s10 =	sadd.s32 $0xC7, s4;
	s9 =	smax.u32 s9, $0x1;
	[tilespmem:$0x1FD30] =	vst v0;
	v0 =	vadd.s32 $0x2A85, v29  }
0x3f: {  	s6 =	sadd.s32 $0x600, s28;
	s31 =	sshll.u32 s30, $0xA;
	s7 =	sshll.u32 s30, $0x7;
	[tilespmem:$0x1FD40] =	vst v0;
	v0 =	vadd.s32 $0x3305, v29  }
0x40: {  	s11 =	sshll.u32 s10, $0x7;
	s10 =	sshll.u32 s10, $0xA;
	s7 =	sand.u32 $0x3F00, s7;
	[tilespmem:$0x1FD50] =	vst v0;
	v0 =	vadd.s32 $0x3B85, v29  }
0x41: {  	s8 =	sand.u32 $0xFE0000, s31;
	s11 =	sand.u32 $0x3F80, s11;
	s7 =	sadd.s32 s2, s7;
	[tilespmem:$0x1FD60] =	vst v0;
	v0 =	vadd.s32 $0x2206, v29  }
0x42: {  	s10 =	sand.u32 $0xFE0000, s10;
	s11 =	sadd.s32 s2, s11;
	s7 =	sadd.s32 s8, s7;
	[tilespmem:$0x1FD70] =	vst v0;
	v0 =	vadd.s32 $0x3307, v29  }
0x43: {  	s8 =	sadd.s32 s10, s11;
	s10 =	simm.s32 $0x3;
	s11 =	simm.s32 $0x80;
	[tilespmem:$0x1FF90] =	vst v0  }
.LBB2_1:
0x44: {  	[tilespmem:s3], [sflag:$0x3] =	stream.linear.gather [hbm4b:s6+s3], $0x6400, $0x38;
	[tilespmem:$0x10800] =	vst v63  }
0x45: {  	_ =	swait.ge [sflag:s10], $0x6400  }
0x46: {  	[sflag:s10] =	ssyncset.done $0x0  }
0x47: {  	[sflag:s10] =	ssyncadd.s32 $0xFFFF9C00  }
0x48: {  	[tilespmem:s12], [sflag:$0x1] =	stream.indirect.gather [hbm4b:s5+s11], $0x40, s3, s11, $0xb8;
	[tilespmem:$0x10800] =	vst v63  }
0x49: {  	s19 =	simm.s32 $0x0;
	v58 =	vld [tilespmem:$0x1FC10]  }
0x4a: {  	v51 =	vmov v3;
	v42 =	vld [tilespmem:$0x1FC20];
	[tilespmem:s13], [sflag:$0x1] =	stream.indirect.gather [hbm4b:s5+s11], $0x40, s11, s11, $0xb8  }
.LBB2_2:
0x4b: {  	s20 =	smul.u32 $0x6, s19;
	_ =	sdelay $0x1  }
0x4c: {  	s25 =	simm.s32 $0x0;
	s26 =	simm.s32 $0x1;
	s21 =	sadd.s32 $0x2, s20  }
0x4d: {  	s23 =	simm.s32 $0x2;
	s28 =	simm.s32 $0x3;
	s22 =	sshll.u32 s21, $0x7  }
0x4e: {  	s29 =	simm.s32 $0x4;
	s24 =	simm.s32 $0x7;
	v0 =	vmov s25;
	s22 =	sand.u32 $0x3FFFFF00, s22  }
0x4f: {  	v2 =	vmov s26;
	v3 =	vmov s23;
	[tilespmem:s14], [sflag:$0x1] =	stream.indirect.gather [hbm4b:s5+s11], $0x40, s22, s11, $0xb8;
	[tilespmem:$0x10800] =	vst v63  }
0x50: {  	s30 =	simm.s32 $0x5;
	s31 =	simm.s32 $0x6;
	v4 =	vmov s28;
	v5 =	vmov s29;
	v6 =	vmov s24;
	_ =	swait.ge [sflag:s15], $0x2000  }
0x51: {  	p0 =	seq.s32 s19, $0x0;
	v7 =	vmov s30;
	v8 =	vmov s31;
	v0 =	vshrl.u32 v0, $0x3;
	[sflag:s15] =	ssyncset.done $0x0  }
0x52: {  	s23 =	simm.s32 @!p0 $0x2;
	v6 =	vshrl.u32 v6, $0x3;
	v2 =	vshrl.u32 v2, $0x3;
	v3 =	vshrl.u32 v3, $0x3;
	[sflag:s15] =	ssyncadd.s32 $0xFFFFE000  }
0x53: {  	v4 =	vshrl.u32 v4, $0x3;
	v5 =	vshrl.u32 v5, $0x3;
	v6 =	vshll.u32 v6, v1;
	_ =	swait.ge @!p0 [sflag:s23], $0x2000  }
0x54: {  	v0 =	vshll.u32 v0, v1;
	v2 =	vshll.u32 v2, v1;
	v6 =	vbroadcast v6, $0x0;
	[sflag:s23] =	ssyncset.done @!p0 $0x0  }
0x55: {  	v0 =	vbroadcast v0, $0x0;
	v13 =	vbroadcast v2, $0x0;
	v2 =	vshll.u32 v3, v1;
	s22 =	simm.s32 $0x6500;
	[sflag:s23] =	ssyncadd.s32 @!p0 $0xFFFFE000  }
0x56: {  	v8 =	vshrl.u32 v8, $0x3;
	v20 =	vbroadcast v2, $0x0;
	v10 =	vadd.s32 v34, v6;
	v9 =	vld [tilespmem:s22+$0xC0]  }
0x57: {  	v2 =	vshll.u32 v4, v1;
	v4 =	vshrl.u32 v7, $0x3;
	v12 =	vadd.s32 v29, v0;
	v11 =	vld [tilespmem:s22+$0xFFFFFF00]  }
0x58: {  	v15 =	vadd.s32 v26, v13;
	v3 =	vbroadcast v2, $0x0;
	v2 =	vshll.u32 v5, v1;
	v14 =	vld [tilespmem:s22+$0xFFFFFF40]  }
0x59: {  	v4 =	vshll.u32 v4, v1;
	v17 =	vadd.s32 v27, v20;
	v2 =	vbroadcast v2, $0x0;
	v16 =	vld [tilespmem:s22+$0xFFFFFF80]  }
0x5a: {  	v5 =	vbroadcast v4, $0x0;
	v4 =	vshll.u32 v8, v1;
	v18 =	vadd.s32 v36, v3;
	v7 =	vld [tilespmem:s22+$0xFFFFFFC0]  }
0x5b: {  	v4 =	vbroadcast v4, $0x0;
	v21 =	vadd.s32 v28, v2;
	v19 =	vld [tilespmem:s22+$0x0];
	[tilespmem:v10+s16+$0x0] =	vst.idx.msk $0xffff, v9  }
0x5c: {  	[tilespmem:v12+s16+$0x0] =	vst.idx.msk $0xffff, v11;
	v10 =	vld [tilespmem:s22+$0x40];
	v11 =	vadd.s32 v51, v5  }
0x5d: {  	[tilespmem:v15+s16+$0x0] =	vst.idx.msk $0xffff, v14;
	v12 =	vld [tilespmem:s22+$0x80];
	v14 =	vadd.s32 v42, v4  }
0x5e: {  	v9 =	vadd.s32 v23, v6;
	[tilespmem:v17+s16+$0x0] =	vst.idx.msk $0xffff, v16;
	v8 =	vld [tilespmem:s22+$0xD0]  }
0x5f: {  	v16 =	vadd.s32 v62, v13;
	[tilespmem:v18+s16+$0x0] =	vst.idx.msk $0xffff, v7;
	v15 =	vld [tilespmem:s22+$0xFFFFFF50]  }
0x60: {  	v17 =	vadd.s32 v33, v20;
	[tilespmem:v21+s16+$0x0] =	vst.idx.msk $0xffff, v19;
	v7 =	vld [tilespmem:s22+$0xFFFFFF90]  }
0x61: {  	[tilespmem:v11+s16+$0x0] =	vst.idx.msk $0xffff, v10  }
0x62: {  	v19 =	vadd.s32 v39, v3;
	v18 =	vld [tilespmem:s22+$0xFFFFFFD0];
	[tilespmem:v14+s16+$0x0] =	vst.idx.msk $0xffff, v12  }
0x63: {  	v10 =	vld [tilespmem:s22+$0x10];
	v11 =	vadd.s32 v37, v2;
	[tilespmem:v9+s16+$0x0] =	vst.idx.msk $0xffff, v8  }
0x64: {  	v14 =	vadd.s32 v40, v5;
	[tilespmem:v16+s16+$0x0] =	vst.idx.msk $0xffff, v15;
	v12 =	vld [tilespmem:s22+$0x50]  }
0x65: {  	[tilespmem:v17+s16+$0x0] =	vst.idx.msk $0xffff, v7;
	v7 =	vld [tilespmem:s22+$0x90];
	v15 =	vadd.s32 v41, v4  }
0x66: {  	v9 =	vadd.s32 v43, v6;
	v8 =	vld [tilespmem:s22+$0xE0]  }
0x67: {  	v16 =	vld [tilespmem:s22+$0xFFFFFF10];
	v17 =	vadd.s32 v58, v0;
	[tilespmem:v19+s16+$0x0] =	vst.idx.msk $0xffff, v18  }
0x68: {  	v19 =	vadd.s32 v25, v13;
	v18 =	vld [tilespmem:s22+$0xFFFFFF60];
	[tilespmem:v11+s16+$0x0] =	vst.idx.msk $0xffff, v10  }
0x69: {  	v30 =	vmov v23;
	v23 =	vadd.s32 v31, v20;
	v60 =	vld [tilespmem:s22+$0xFFFFFFA0];
	[tilespmem:v14+s16+$0x0] =	vst.idx.msk $0xffff, v12  }
0x6a: {  	v57 =	vadd.s32 v53, v3;
	v54 =	vld [tilespmem:s22+$0xFFFFFFE0];
	[tilespmem:v15+s16+$0x0] =	vst.idx.msk $0xffff, v7  }
0x6b: {  	v52 =	vadd.s32 v49, v2;
	v50 =	vld [tilespmem:s22+$0x20];
	[tilespmem:v9+s16+$0x0] =	vst.idx.msk $0xffff, v8  }
0x6c: {  	v6 =	vadd.s32 v38, v6;
	[tilespmem:v17+s16+$0x0] =	vst.idx.msk $0xffff, v16;
	v22 =	vld [tilespmem:s22+$0xF0]  }
0x6d: {  	s25 =	simm.s32 $0x9;
	[tilespmem:v19+s16+$0x0] =	vst.idx.msk $0xffff, v18  }
0x6e: {  	s24 =	simm.s32 $0x8;
	v21 =	vmov s25;
	v20 =	vadd.s32 v35, v20;
	v8 =	vld [tilespmem:s22+$0x60];
	[tilespmem:v23+s16+$0x0] =	vst.idx.msk $0xffff, v60  }
0x6f: {  	s28 =	simm.s32 $0xB;
	v11 =	vadd.s32 v24, v4;
	v7 =	vmov s24;
	v9 =	vadd.s32 v59, v5;
	v10 =	vld [tilespmem:s22+$0xA0];
	[tilespmem:v57+s16+$0x0] =	vst.idx.msk $0xffff, v54  }
0x70: {  	v63 =	vmovc v24;
	s29 =	simm.s32 $0xC;
	v12 =	vmov s28;
	v16 =	vadd.s32 v61, v0;
	v7 =	vshrl.u32 v7, $0x3;
	v14 =	vld [tilespmem:s22+$0xFFFFFF20];
	[tilespmem:v52+s16+$0x0] =	vst.idx.msk $0xffff, v50  }
0x71: {  	s31 =	simm.s32 $0xE;
	v15 =	vmov s29;
	v19 =	vadd.s32 v32, v13;
	v54 =	vmovc v49;
	v60 =	vmovc v61;
	v49 =	vmov v42;
	v17 =	vld [tilespmem:s22+$0xFFFFFF70];
	[tilespmem:v6+s16+$0x0] =	vst.idx.msk $0xffff, v22  }
0x72: {  	s26 =	simm.s32 $0xA;
	s30 =	simm.s32 $0xD;
	v42 =	vmovc v38;
	v38 =	vmovc v51;
	v51 =	vmov v34;
	v13 =	vshll.u32 v7, v1;
	v7 =	vmov s31;
	v57 =	vld [tilespmem:$0x1FC30]  }
0x73: {  	s23 =	simm.s32 $0x10;
	s24 =	simm.s32 $0xF;
	v18 =	vld [tilespmem:s22+$0xFFFFFFB0];
	v50 =	vmovc v53;
	v53 =	vmovc v30;
	v52 =	vmov v58;
	v22 =	vmov s26;
	v6 =	vmov s30  }
.LBB2_3:
0x74: {  	p1 =	slt.u32 s23, $0x78;
	v21 =	vshrl.u32 v21, $0x3;
	v23 =	vmov s24;
	v24 =	vld [tilespmem:s22+$0xFFFFFFF0];
	v3 =	vadd.s32 v45, v3;
	[tilespmem:v9+s16+$0x0] =	vst.idx.msk $0xffff, v8  }
0x75: {  	v8 =	vshrl.u32 v22, $0x3;
	v2 =	vadd.s32 v47, v2;
	v9 =	vshrl.u32 v23, $0x3;
	v22 =	vld [tilespmem:s22+$0x30];
	[tilespmem:v11+s16+$0x0] =	vst.idx.msk $0xffff, v10  }
0x76: {  	v5 =	vadd.s32 v48, v5;
	v10 =	vshrl.u32 v12, $0x3;
	v9 =	vshll.u32 v9, v1;
	[tilespmem:v16+s16+$0x0] =	vst.idx.msk $0xffff, v14;
	v11 =	vld [tilespmem:s22+$0x70]  }
0x77: {  	v4 =	vadd.s32 v57, v4;
	v12 =	vshrl.u32 v15, $0x3;
	v9 =	vbroadcast v9, $0x0;
	[tilespmem:v19+s16+$0x0] =	vst.idx.msk $0xffff, v17;
	v14 =	vld [tilespmem:s22+$0xB0]  }
0x78: {  	v15 =	vshll.u32 v21, v1;
	v17 =	vadd.s32 v44, v0;
	v0 =	vbroadcast v13, $0x0;
	v16 =	vld [tilespmem:s22+$0xFFFFFF30];
	[tilespmem:v20+s16+$0x0] =	vst.idx.msk $0xffff, v18;
	s22 =	sadd.s32 $0x200, s22  }
0x79: {  	v8 =	vshll.u32 v8, v1;
	v13 =	vbroadcast v15, $0x0;
	v15 =	vld [tilespmem:s22+$0xC0];
	v18 =	vadd.s32 v51, v9;
	[tilespmem:v3+s16+$0x0] =	vst.idx.msk $0xffff, v24  }
0x7a: {  	v23 =	vbroadcast v8, $0x0;
	v20 =	vadd.s32 v29, v0;
	v3 =	vshll.u32 v10, v1;
	v19 =	vld [tilespmem:s22+$0xFFFFFF00];
	[tilespmem:v2+s16+$0x0] =	vst.idx.msk $0xffff, v22  }
0x7b: {  	v10 =	vadd.s32 v26, v13;
	v3 =	vbroadcast v3, $0x0;
	v2 =	vshll.u32 v12, v1;
	v8 =	vld [tilespmem:s22+$0xFFFFFF40];
	[tilespmem:v5+s16+$0x0] =	vst.idx.msk $0xffff, v11  }
0x7c: {  	v12 =	vadd.s32 v27, v23;
	v2 =	vbroadcast v2, $0x0;
	v5 =	vshrl.u32 v6, $0x3;
	v11 =	vld [tilespmem:s22+$0xFFFFFF80];
	[tilespmem:v4+s16+$0x0] =	vst.idx.msk $0xffff, v14  }
0x7d: {  	v7 =	vshrl.u32 v7, $0x3;
	v14 =	vadd.s32 v36, v3;
	v4 =	vshll.u32 v5, v1;
	v6 =	vld [tilespmem:s22+$0xFFFFFFC0];
	[tilespmem:v17+s16+$0x0] =	vst.idx.msk $0xffff, v16  }
0x7e: {  	v17 =	vadd.s32 v28, v2;
	v5 =	vbroadcast v4, $0x0;
	v4 =	vshll.u32 v7, v1;
	v16 =	vld [tilespmem:s22+$0x0];
	[tilespmem:v18+s16+$0x0] =	vst.idx.msk $0xffff, v15  }
0x7f: {  	v4 =	vbroadcast v4, $0x0;
	v15 =	vadd.s32 v53, v9;
	[tilespmem:v20+s16+$0x0] =	vst.idx.msk $0xffff, v19;
	v7 =	vld [tilespmem:s22+$0xD0]  }
0x80: {  	[tilespmem:v10+s16+$0x0] =	vst.idx.msk $0xffff, v8;
	v8 =	vld [tilespmem:s22+$0x40];
	v10 =	vadd.s32 v38, v5  }
0x81: {  	[tilespmem:v12+s16+$0x0] =	vst.idx.msk $0xffff, v11;
	v11 =	vld [tilespmem:s22+$0x80];
	v12 =	vadd.s32 v49, v4  }
0x82: {  	v19 =	vadd.s32 v62, v13;
	v18 =	vld [tilespmem:s22+$0xFFFFFF50];
	[tilespmem:v14+s16+$0x0] =	vst.idx.msk $0xffff, v6  }
0x83: {  	v14 =	vadd.s32 v33, v23;
	v6 =	vld [tilespmem:s22+$0xFFFFFF90];
	[tilespmem:v17+s16+$0x0] =	vst.idx.msk $0xffff, v16  }
0x84: {  	v17 =	vadd.s32 v39, v3;
	v16 =	vld [tilespmem:s22+$0xFFFFFFD0];
	[tilespmem:v15+s16+$0x0] =	vst.idx.msk $0xffff, v7  }
0x85: {  	[tilespmem:v10+s16+$0x0] =	vst.idx.msk $0xffff, v8;
	v7 =	vld [tilespmem:s22+$0xE0];
	v8 =	vadd.s32 v43, v9  }
0x86: {  	v15 =	vadd.s32 v37, v2;
	v10 =	vld [tilespmem:s22+$0x10];
	[tilespmem:v12+s16+$0x0] =	vst.idx.msk $0xffff, v11  }
0x87: {  	v12 =	vadd.s32 v40, v5;
	[tilespmem:v19+s16+$0x0] =	vst.idx.msk $0xffff, v18;
	v11 =	vld [tilespmem:s22+$0x50]  }
0x88: {  	[tilespmem:v14+s16+$0x0] =	vst.idx.msk $0xffff, v6;
	v6 =	vld [tilespmem:s22+$0x90];
	v14 =	vadd.s32 v41, v4  }
0x89: {  	v19 =	vadd.s32 v52, v0;
	v18 =	vld [tilespmem:s22+$0xFFFFFF10];
	[tilespmem:v17+s16+$0x0] =	vst.idx.msk $0xffff, v16  }
0x8a: {  	v17 =	vadd.s32 v25, v13;
	v16 =	vld [tilespmem:s22+$0xFFFFFF60];
	[tilespmem:v8+s16+$0x0] =	vst.idx.msk $0xffff, v7  }
0x8b: {  	[tilespmem:v15+s16+$0x0] =	vst.idx.msk $0xffff, v10;
	v7 =	vld [tilespmem:s22+$0xF0];
	v15 =	vadd.s32 v42, v9  }
0x8c: {  	v24 =	vadd.s32 v31, v23;
	v20 =	vld [tilespmem:s22+$0xFFFFFFA0];
	[tilespmem:v12+s16+$0x0] =	vst.idx.msk $0xffff, v11  }
0x8d: {  	v34 =	vmov v25;
	v30 =	vmov v26;
	v26 =	vadd.s32 v50, v3;
	v25 =	vld [tilespmem:s22+$0xFFFFFFE0];
	[tilespmem:v14+s16+$0x0] =	vst.idx.msk $0xffff, v6  }
0x8e: {  	v61 =	vmov v27;
	v58 =	vmov v28;
	s24 =	sadd.s32 $0x1, s23;
	v28 =	vadd.s32 v54, v2;
	[tilespmem:v19+s16+$0x0] =	vst.idx.msk $0xffff, v18;
	v27 =	vld [tilespmem:s22+$0x20]  }
.Ltmp0:
0x8f: {  	v21 =	vmov s24;
	s24 =	sadd.s32 $0x2, s23;
	v9 =	vadd.s32 v59, v5;
	v6 =	vmov s23;
	[tilespmem:v17+s16+$0x0] =	vst.idx.msk $0xffff, v16;
	v8 =	vld [tilespmem:s22+$0x60];
	(pc) =	sbr.rel @p1 .LBB2_3-.Ltmp0, $4  }
0x90: {  	s25 =	sadd.s32 $0x3, s23;
	v22 =	vmov s24;
	v11 =	vadd.s32 v63, v4;
	v18 =	vshrl.u32 v6, $0x3;
	v10 =	vld [tilespmem:s22+$0xA0];
	[tilespmem:v15+s16+$0x0] =	vst.idx.msk $0xffff, v7  }
0x91: {  	s24 =	sadd.s32 $0x4, s23;
	v12 =	vmov s25;
	s25 =	sadd.s32 $0x5, s23;
	v19 =	vadd.s32 v32, v13;
	v16 =	vadd.s32 v60, v0;
	v14 =	vld [tilespmem:s22+$0xFFFFFF20];
	[tilespmem:v24+s16+$0x0] =	vst.idx.msk $0xffff, v20  }
0x92: {  	v6 =	vmov s25;
	v13 =	vshll.u32 v18, v1;
	v15 =	vmov s24;
	s24 =	sadd.s32 $0x6, s23;
	v17 =	vld [tilespmem:s22+$0xFFFFFF70];
	[tilespmem:v26+s16+$0x0] =	vst.idx.msk $0xffff, v25;
	v26 =	vmovc v30;
	v25 =	vmovc v34  }
0x93: {  	v7 =	vmov s24;
	s24 =	sadd.s32 $0x7, s23;
	s23 =	sadd.s32 $0x8, s23;
	v20 =	vadd.s32 v35, v23;
	v18 =	vld [tilespmem:s22+$0xFFFFFFB0];
	[tilespmem:v28+s16+$0x0] =	vst.idx.msk $0xffff, v27;
	v28 =	vmovc v58;
	v27 =	vmov v61  }
0x94: {  	_ =	sdelay $0x2  }
0x95: {  	v21 =	vshrl.u32 v21, $0x3  }
0x96: {  	v23 =	vmov s24;
	v24 =	vld [tilespmem:s22+$0xFFFFFFF0];
	v3 =	vadd.s32 v45, v3;
	[tilespmem:v9+s16+$0x0] =	vst.idx.msk $0xffff, v8;
	v8 =	vshrl.u32 v22, $0x3  }
0x97: {  	v56 =	vld [tilespmem:s22+$0x30];
	v2 =	vadd.s32 v47, v2;
	v5 =	vadd.s32 v48, v5;
	v55 =	vshrl.u32 v23, $0x3;
	[tilespmem:v11+s16+$0x0] =	vst.idx.msk $0xffff, v10  }
0x98: {  	v4 =	vadd.s32 v57, v4;
	v13 =	vbroadcast v13, $0x0;
	v11 =	vld [tilespmem:s22+$0x70];
	v9 =	vshll.u32 v55, v1;
	[tilespmem:v16+s16+$0x0] =	vst.idx.msk $0xffff, v14  }
0x99: {  	v0 =	vadd.s32 v44, v0;
	v46 =	vshll.u32 v21, v1;
	v14 =	vld [tilespmem:s22+$0xB0];
	v9 =	vbroadcast v9, $0x0;
	[tilespmem:v19+s16+$0x0] =	vst.idx.msk $0xffff, v17  }
0x9a: {  	s30 =	sadd.s32 $0x200, s22;
	v23 =	vshrl.u32 v12, $0x3;
	v12 =	vshrl.u32 v15, $0x3;
	v15 =	vbroadcast v46, $0x0;
	v16 =	vld [tilespmem:s22+$0xFFFFFF30];
	[tilespmem:v20+s16+$0x0] =	vst.idx.msk $0xffff, v18  }
0x9b: {  	v6 =	vshrl.u32 v6, $0x3;
	v8 =	vshll.u32 v8, v1;
	v17 =	vld [tilespmem:s30+$0xC0];
	v18 =	vadd.s32 v51, v9;
	[tilespmem:v3+s16+$0x0] =	vst.idx.msk $0xffff, v24  }
0x9c: {  	v8 =	vbroadcast v8, $0x0;
	v10 =	vshll.u32 v23, v1;
	[tilespmem:v2+s16+$0x0] =	vst.idx.msk $0xffff, v56;
	v2 =	vld [tilespmem:s30+$0xFFFFFF40];
	v56 =	vadd.s32 v26, v15  }
0x9d: {  	v55 =	vadd.s32 v29, v13;
	v12 =	vshll.u32 v12, v1;
	v10 =	vbroadcast v10, $0x0;
	v3 =	vld [tilespmem:s30+$0xFFFFFF00];
	[tilespmem:v5+s16+$0x0] =	vst.idx.msk $0xffff, v11  }
0x9e: {  	v6 =	vshll.u32 v6, v1;
	v12 =	vbroadcast v12, $0x0;
	v24 =	vld [tilespmem:s30+$0xFFFFFF80];
	v26 =	vadd.s32 v27, v8;
	[tilespmem:v4+s16+$0x0] =	vst.idx.msk $0xffff, v14  }
0x9f: {  	v6 =	vbroadcast v6, $0x0;
	v46 =	vadd.s32 v36, v10;
	v4 =	vld [tilespmem:s30+$0xFFFFFFC0];
	[tilespmem:v0+s16+$0x0] =	vst.idx.msk $0xffff, v16  }
0xa0: {  	v7 =	vshrl.u32 v7, $0x3;
	v51 =	vadd.s32 v28, v12;
	v0 =	vld [tilespmem:s30+$0x0];
	[tilespmem:v18+s16+$0x0] =	vst.idx.msk $0xffff, v17  }
0xa1: {  	v7 =	vshll.u32 v7, v1;
	[tilespmem:v56+s16+$0x0] =	vst.idx.msk $0xffff, v2;
	v2 =	vld [tilespmem:s30+$0x40];
	v56 =	vadd.s32 v38, v6  }
0xa2: {  	[tilespmem:v55+s16+$0x0] =	vst.idx.msk $0xffff, v3;
	v3 =	vbroadcast v7, $0x0;
	v55 =	vadd.s32 v53, v9;
	v7 =	vld [tilespmem:s30+$0xD0]  }
0xa3: {  	[tilespmem:v26+s16+$0x0] =	vst.idx.msk $0xffff, v24;
	v38 =	vadd.s32 v62, v15;
	v36 =	vld [tilespmem:s30+$0xFFFFFF50]  }
0xa4: {  	v24 =	vld [tilespmem:s30+$0x80];
	v26 =	vadd.s32 v49, v3;
	[tilespmem:v46+s16+$0x0] =	vst.idx.msk $0xffff, v4  }
0xa5: {  	v46 =	vld [tilespmem:s30+$0xFFFFFF90];
	v49 =	vadd.s32 v33, v8;
	[tilespmem:v51+s16+$0x0] =	vst.idx.msk $0xffff, v0  }
0xa6: {  	v0 =	vld [tilespmem:s30+$0xFFFFFFD0];
	v51 =	vadd.s32 v39, v10;
	[tilespmem:v56+s16+$0x0] =	vst.idx.msk $0xffff, v2  }
0xa7: {  	v56 =	vadd.s32 v37, v12;
	[tilespmem:v55+s16+$0x0] =	vst.idx.msk $0xffff, v7;
	v55 =	vld [tilespmem:s30+$0x10]  }
0xa8: {  	v37 =	vadd.s32 v52, v13;
	[tilespmem:v38+s16+$0x0] =	vst.idx.msk $0xffff, v36;
	v36 =	vld [tilespmem:s30+$0xFFFFFF10]  }
0xa9: {  	v53 =	vadd.s32 v43, v9;
	v2 =	vld [tilespmem:s30+$0xE0];
	[tilespmem:v26+s16+$0x0] =	vst.idx.msk $0xffff, v24  }
0xaa: {  	v62 =	vld [tilespmem:s30+$0x50];
	v24 =	vadd.s32 v40, v6;
	[tilespmem:v49+s16+$0x0] =	vst.idx.msk $0xffff, v46  }
0xab: {  	v33 =	vadd.s32 v41, v3;
	v26 =	vld [tilespmem:s30+$0x90];
	[tilespmem:v51+s16+$0x0] =	vst.idx.msk $0xffff, v0  }
0xac: {  	v38 =	vadd.s32 v25, v15;
	v0 =	vld [tilespmem:s30+$0xFFFFFF60];
	[tilespmem:v56+s16+$0x0] =	vst.idx.msk $0xffff, v55  }
0xad: {  	v41 =	vadd.s32 v31, v8;
	v40 =	vld [tilespmem:s30+$0xFFFFFFA0];
	[tilespmem:v37+s16+$0x0] =	vst.idx.msk $0xffff, v36  }
0xae: {  	v43 =	vadd.s32 v50, v10;
	v39 =	vadd.s32 v42, v9;
	v42 =	vld [tilespmem:s30+$0xFFFFFFE0];
	[tilespmem:v53+s16+$0x0] =	vst.idx.msk $0xffff, v2  }
0xaf: {  	[tilespmem:v24+s16+$0x0] =	vst.idx.msk $0xffff, v62;
	v2 =	vld [tilespmem:s30+$0xF0]  }
0xb0: {  	v49 =	vadd.s32 v54, v12;
	v46 =	vld [tilespmem:s30+$0x20];
	[tilespmem:v33+s16+$0x0] =	vst.idx.msk $0xffff, v26  }
0xb1: {  	v50 =	vadd.s32 v59, v6;
	[tilespmem:v38+s16+$0x0] =	vst.idx.msk $0xffff, v0;
	v0 =	vld [tilespmem:s30+$0x60]  }
0xb2: {  	v52 =	vadd.s32 v63, v3;
	[tilespmem:v41+s16+$0x0] =	vst.idx.msk $0xffff, v40;
	v51 =	vld [tilespmem:s30+$0xA0]  }
0xb3: {  	v15 =	vadd.s32 v32, v15;
	v54 =	vld [tilespmem:s30+$0xFFFFFF70];
	[tilespmem:v43+s16+$0x0] =	vst.idx.msk $0xffff, v42  }
0xb4: {  	v53 =	vadd.s32 v60, v13;
	[tilespmem:v39+s16+$0x0] =	vst.idx.msk $0xffff, v2;
	v2 =	vld [tilespmem:s30+$0xFFFFFF20]  }
0xb5: {  	v8 =	vadd.s32 v35, v8;
	v55 =	vld [tilespmem:s30+$0xFFFFFFB0];
	[tilespmem:v49+s16+$0x0] =	vst.idx.msk $0xffff, v46  }
0xb6: {  	v10 =	vadd.s32 v45, v10;
	v56 =	vld [tilespmem:s30+$0xFFFFFFF0];
	[tilespmem:v50+s16+$0x0] =	vst.idx.msk $0xffff, v0  }
0xb7: {  	v59 =	vadd.s32 v47, v12;
	v0 =	vld [tilespmem:s30+$0x30];
	[tilespmem:v52+s16+$0x0] =	vst.idx.msk $0xffff, v51  }
0xb8: {  	v3 =	vadd.s32 v57, v3;
	[tilespmem:v15+s16+$0x0] =	vst.idx.msk $0xffff, v54;
	v60 =	vld [tilespmem:s30+$0xB0]  }
0xb9: {  	v6 =	vadd.s32 v48, v6;
	[tilespmem:v53+s16+$0x0] =	vst.idx.msk $0xffff, v2;
	v2 =	vld [tilespmem:s30+$0x70]  }
0xba: {  	v63 =	vadd.s32 v44, v13;
	[tilespmem:v8+s16+$0x0] =	vst.idx.msk $0xffff, v55;
	v62 =	vld [tilespmem:s30+$0xFFFFFF30]  }
0xbb: {  	s31 =	sadd.s32 s4, s20;
	[tilespmem:v10+s16+$0x0] =	vst.idx.msk $0xffff, v56  }
0xbc: {  	s23 =	sshll.u32 s31, $0x7;
	[tilespmem:v59+s16+$0x0] =	vst.idx.msk $0xffff, v0  }
0xbd: {  	s23 =	sand.u32 $0x3F00, s23;
	s22 =	sshll.u32 s31, $0xA;
	[tilespmem:v3+s16+$0x0] =	vst.idx.msk $0xffff, v60  }
0xbe: {  	s23 =	sadd.s32 s2, s23;
	s22 =	sand.u32 $0xFFE0000, s22;
	[tilespmem:v6+s16+$0x0] =	vst.idx.msk $0xffff, v2  }
0xbf: {  	s24 =	simm.s32 $0xC400;
	s23 =	sadd.s32 s22, s23;
	[tilespmem:v63+s16+$0x0] =	vst.idx.msk $0xffff, v62  }
0xc0: {  	[hbm4b:s23+s3] =	stream.linear.scatter [tilespmem:s24], [sflag:$0x2], $0x80, $0x38;
	[tilespmem:$0x10800] =	vst v63  }
0xc1: {  	s25 =	simm.s32 $0xC488;
	s26 =	sadd.s32 $0x10, s23  }
0xc2: {  	[hbm4b:s26+s3] =	stream.linear.scatter [tilespmem:s25], [sflag:$0x2], $0x80, $0x38;
	[tilespmem:$0x10800] =	vst v63  }
0xc3: {  	s28 =	simm.s32 $0xC510;
	s22 =	simm.s32 $0x440;
	s29 =	sadd.s32 $0x20, s23  }
0xc4: {  	[hbm4b:s29+s3] =	stream.linear.scatter [tilespmem:s28], [sflag:$0x2], $0x80, $0x38;
	[tilespmem:$0x10800] =	vst v63  }
0xc5: {  	s31 =	sadd.s32 $0x30, s23;
	s30 =	simm.s32 $0xC598;
	s24 =	simm.s32 $0x2200  }
0xc6: {  	[hbm4b:s31+s3] =	stream.linear.scatter [tilespmem:s30], [sflag:$0x2], $0x80, $0x38;
	[tilespmem:$0x10800] =	vst v63  }
0xc7: {  	s25 =	simm.s32 $0xC620;
	s26 =	sadd.s32 $0x40, s23;
	s28 =	simm.s32 $0xC6A8  }
0xc8: {  	[hbm4b:s26+s3] =	stream.linear.scatter [tilespmem:s25], [sflag:$0x2], $0x80, $0x38;
	[tilespmem:$0x10800] =	vst v63  }
0xc9: {  	s29 =	sadd.s32 $0x50, s23;
	s30 =	simm.s32 $0xC730;
	s31 =	sadd.s32 $0x60, s23  }
0xca: {  	[hbm4b:s29+s3] =	stream.linear.scatter [tilespmem:s28], [sflag:$0x2], $0x80, $0x38;
	[tilespmem:$0x10800] =	vst v63  }
0xcb: {  	s25 =	simm.s32 $0xC7B8;
	s26 =	sadd.s32 $0x70, s23;
	s23 =	sadd.s32 $0x4000, s23  }
0xcc: {  	[hbm4b:s31+s3] =	stream.linear.scatter [tilespmem:s30], [sflag:$0x2], $0x80, $0x38;
	[tilespmem:$0x10800] =	vst v63  }
.LBB2_5:
0xcd: {  	[hbm4b:s26+s3] =	stream.linear.scatter [tilespmem:s25], [sflag:$0x2], $0x80, $0x38;
	[tilespmem:$0x10800] =	vst v63  }
0xce: {  	s25 =	smov.u32 s22;
	s22 =	smov.u32 s24  }
0xcf: {  	s28 =	sadd.s32 $0x1100, s24;
	s22 =	sshra.s32 s22, $0x2;
	s26 =	sadd.s32 $0xC400, s25  }
0xd0: {  	[hbm4b:s23+s3] =	stream.linear.scatter [tilespmem:s26], [sflag:$0x2], $0x80, $0x38;
	[tilespmem:$0x10800] =	vst v63  }
0xd1: {  	p1 =	sne.s32 s24, $0x7700;
	s24 =	sadd.s32 $0xC488, s25;
	s26 =	sadd.s32 $0x10, s23  }
0xd2: {  	[hbm4b:s26+s3] =	stream.linear.scatter [tilespmem:s24], [sflag:$0x2], $0x80, $0x38;
	[tilespmem:$0x10800] =	vst v63  }
0xd3: {  	s24 =	sadd.s32 $0xC510, s25;
	s26 =	sadd.s32 $0x20, s23  }
0xd4: {  	[hbm4b:s26+s3] =	stream.linear.scatter [tilespmem:s24], [sflag:$0x2], $0x80, $0x38;
	[tilespmem:$0x10800] =	vst v63  }
0xd5: {  	s24 =	sadd.s32 $0xC598, s25;
	s26 =	sadd.s32 $0x30, s23  }
0xd6: {  	[hbm4b:s26+s3] =	stream.linear.scatter [tilespmem:s24], [sflag:$0x2], $0x80, $0x38;
	[tilespmem:$0x10800] =	vst v63  }
0xd7: {  	s24 =	sadd.s32 $0xC620, s25;
	s26 =	sadd.s32 $0x40, s23  }
0xd8: {  	[hbm4b:s26+s3] =	stream.linear.scatter [tilespmem:s24], [sflag:$0x2], $0x80, $0x38;
	[tilespmem:$0x10800] =	vst v63  }
.Ltmp1:
0xd9: {  	s24 =	sadd.s32 $0xC6A8, s25;
	s26 =	sadd.s32 $0x50, s23;
	(pc) =	sbr.rel @p1 .LBB2_5-.Ltmp1, $4  }
0xda: {  	[hbm4b:s26+s3] =	stream.linear.scatter [tilespmem:s24], [sflag:$0x2], $0x80, $0x38;
	[tilespmem:$0x10800] =	vst v63  }
0xdb: {  	s24 =	sadd.s32 $0xC730, s25;
	s26 =	sadd.s32 $0x60, s23;
	s25 =	sadd.s32 $0xC7B8, s25  }
0xdc: {  	[hbm4b:s26+s3] =	stream.linear.scatter [tilespmem:s24], [sflag:$0x2], $0x80, $0x38;
	[tilespmem:$0x10800] =	vst v63  }
0xdd: {  	s26 =	sadd.s32 $0x70, s23;
	s23 =	sadd.s32 $0x4000, s23;
	s24 =	smov.u32 s28  }
0xde: {  	[hbm4b:s26+s3] =	stream.linear.scatter [tilespmem:s25], [sflag:$0x2], $0x80, $0x38;
	[tilespmem:$0x10800] =	vst v63  }
0xdf: {  	s24 =	sadd.s32 $0xC400, s22  }
0xe0: {  	[hbm4b:s23+s3] =	stream.linear.scatter [tilespmem:s24], [sflag:$0x2], $0x80, $0x38;
	[tilespmem:$0x10800] =	vst v63  }
0xe1: {  	s25 =	sadd.s32 $0xC488, s22;
	s26 =	sadd.s32 $0x10, s23  }
0xe2: {  	[hbm4b:s26+s3] =	stream.linear.scatter [tilespmem:s25], [sflag:$0x2], $0x80, $0x38;
	[tilespmem:$0x10800] =	vst v63  }
0xe3: {  	s28 =	sadd.s32 $0xC510, s22;
	s29 =	sadd.s32 $0x20, s23  }
0xe4: {  	[hbm4b:s29+s3] =	stream.linear.scatter [tilespmem:s28], [sflag:$0x2], $0x80, $0x38;
	[tilespmem:$0x10800] =	vst v63  }
0xe5: {  	s30 =	sadd.s32 $0xC598, s22;
	s31 =	sadd.s32 $0x30, s23  }
0xe6: {  	[hbm4b:s31+s3] =	stream.linear.scatter [tilespmem:s30], [sflag:$0x2], $0x80, $0x38;
	[tilespmem:$0x10800] =	vst v63  }
0xe7: {  	s25 =	sadd.s32 $0xC620, s22;
	s26 =	sadd.s32 $0x40, s23  }
0xe8: {  	[hbm4b:s26+s3] =	stream.linear.scatter [tilespmem:s25], [sflag:$0x2], $0x80, $0x38;
	[tilespmem:$0x10800] =	vst v63  }
0xe9: {  	s28 =	sadd.s32 $0xC6A8, s22;
	s29 =	sadd.s32 $0x50, s23;
	s30 =	sadd.s32 $0xC730, s22  }
0xea: {  	[hbm4b:s29+s3] =	stream.linear.scatter [tilespmem:s28], [sflag:$0x2], $0x80, $0x38;
	[tilespmem:$0x10800] =	vst v63  }
0xeb: {  	s31 =	sadd.s32 $0x60, s23;
	s25 =	sadd.s32 $0xC7B8, s22;
	s22 =	sadd.s32 $0x3, s20  }
0xec: {  	[hbm4b:s31+s3] =	stream.linear.scatter [tilespmem:s30], [sflag:$0x2], $0x80, $0x38;
	[tilespmem:$0x10800] =	vst v63  }
0xed: {  	s26 =	sadd.s32 $0x70, s23;
	s28 =	sshll.u32 s22, $0x7  }
0xee: {  	[hbm4b:s26+s3] =	stream.linear.scatter [tilespmem:s25], [sflag:$0x2], $0x80, $0x38;
	[tilespmem:$0x10800] =	vst v63  }
0xef: {  	s23 =	sand.u32 $0x3FFFFF80, s28  }
0xf0: {  	[tilespmem:s12], [sflag:$0x1] =	stream.indirect.gather [hbm4b:s5+s11], $0x40, s23, s11, $0xb8;
	[tilespmem:$0x10800] =	vst v63  }
0xf1: {  	_ =	swait.ge [sflag:s15], $0x2000  }
0xf2: {  	[sflag:s15] =	ssyncset.done $0x0  }
0xf3: {  	s24 =	simm.s32 @!p0 $0x2;
	[sflag:s15] =	ssyncadd.s32 $0xFFFFE000  }
0xf4: {  	s29 =	simm.s32 $0x0;
	_ =	swait.ge @!p0 [sflag:s24], $0x2000  }
0xf5: {  	v0 =	vmov s29;
	s28 =	simm.s32 $0x7;
	s29 =	simm.s32 $0x5;
	v63 =	vld [tilespmem:$0x1FF70]  }
0xf6: {  	s30 =	simm.s32 $0x1;
	s31 =	simm.s32 $0x2;
	v0 =	vshrl.u32 v0, $0x3;
	v6 =	vmov s28;
	v7 =	vmov s29;
	v31 =	vld [tilespmem:$0x1FEF0]  }
0xf7: {  	v2 =	vmov s30;
	v3 =	vmov s31;
	v6 =	vshrl.u32 v6, $0x3;
	v38 =	vld [tilespmem:$0x1FC60]  }
0xf8: {  	v0 =	vshll.u32 v0, v1;
	s25 =	simm.s32 $0x3;
	v9 =	vshrl.u32 v2, $0x3;
	v2 =	vshll.u32 v6, v1;
	v50 =	vld [tilespmem:$0x1FC90]  }
0xf9: {  	s26 =	simm.s32 $0x4;
	v3 =	vshrl.u32 v3, $0x3;
	v4 =	vmov s25;
	v10 =	vbroadcast v2, $0x0;
	[sflag:s24] =	ssyncset.done @!p0 $0x0;
	v48 =	vld [tilespmem:$0x1FCC0]  }
0xfa: {  	v5 =	vmov s26;
	v2 =	vbroadcast v0, $0x0;
	v0 =	vshll.u32 v9, v1;
	v6 =	vld [tilespmem:$0x1FCF0];
	[sflag:s24] =	ssyncadd.s32 @!p0 $0xFFFFE000;
	s24 =	simm.s32 $0x85F0  }
0xfb: {  	v4 =	vshrl.u32 v4, $0x3;
	v16 =	vbroadcast v0, $0x0;
	v9 =	vld [tilespmem:s24+$0xFFFFFFD0];
	v11 =	vadd.s32 v63, v10  }
0xfc: {  	v5 =	vshrl.u32 v5, $0x3;
	v0 =	vshll.u32 v3, v1;
	v12 =	vld [tilespmem:s24+$0xFFFFFE10];
	v13 =	vadd.s32 v31, v2  }
0xfd: {  	s30 =	simm.s32 $0x6;
	v22 =	vbroadcast v0, $0x0;
	v0 =	vshll.u32 v4, v1;
	v14 =	vld [tilespmem:s24+$0xFFFFFE50];
	v15 =	vadd.s32 v38, v16  }
0xfe: {  	v8 =	vmov s30;
	v4 =	vbroadcast v0, $0x0;
	v0 =	vshll.u32 v5, v1;
	v17 =	vld [tilespmem:s24+$0xFFFFFE90]  }
0xff: {  	v3 =	vbroadcast v0, $0x0;
	v0 =	vshrl.u32 v7, $0x3;
	v7 =	vld [tilespmem:s24+$0xFFFFFED0];
	v18 =	vadd.s32 v50, v22  }
0x100: {  	v5 =	vshrl.u32 v8, $0x3;
	v8 =	vld [tilespmem:s24+$0xFFFFFF10];
	[tilespmem:v11+s16+$0x0] =	vst.idx.msk $0xffff, v9  }
0x101: {  	v19 =	vadd.s32 v48, v4;
	[tilespmem:v13+s16+$0x0] =	vst.idx.msk $0xffff, v12;
	v11 =	vld [tilespmem:s24+$0xFFFFFF50]  }
0x102: {  	v0 =	vshll.u32 v0, v1;
	v62 =	vld [tilespmem:$0x1FF80];
	[tilespmem:v15+s16+$0x0] =	vst.idx.msk $0xffff, v14  }
0x103: {  	v20 =	vadd.s32 v6, v3;
	v6 =	vbroadcast v0, $0x0;
	v0 =	vshll.u32 v5, v1;
	v41 =	vld [tilespmem:$0x1FD30]  }
0x104: {  	v5 =	vbroadcast v0, $0x0;
	v0 =	vld [tilespmem:s24+$0xFFFFFFE0];
	[tilespmem:v18+s16+$0x0] =	vst.idx.msk $0xffff, v17  }
0x105: {  	v49 =	vld [tilespmem:$0x1FD70]  }
0x106: {  	v42 =	vld [tilespmem:$0x1FC70];
	[tilespmem:v19+s16+$0x0] =	vst.idx.msk $0xffff, v7  }
0x107: {  	v54 =	vld [tilespmem:$0x1FF20];
	v9 =	vadd.s32 v62, v10  }
0x108: {  	v13 =	vld [tilespmem:s24+$0xFFFFFF90];
	v12 =	vadd.s32 v41, v6  }
0x109: {  	v15 =	vld [tilespmem:s24+$0xFFFFFE60]  }
0x10a: {  	v7 =	vld [tilespmem:s24+$0xFFFFFEA0];
	v14 =	vadd.s32 v49, v5  }
0x10b: {  	[tilespmem:v20+s16+$0x0] =	vst.idx.msk $0xffff, v8;
	v8 =	vld [tilespmem:s24+$0xFFFFFEE0];
	v17 =	vadd.s32 v42, v16  }
0x10c: {  	v52 =	vld [tilespmem:$0x1FCD0];
	v18 =	vadd.s32 v54, v22;
	[tilespmem:v9+s16+$0x0] =	vst.idx.msk $0xffff, v0  }
0x10d: {  	[tilespmem:v12+s16+$0x0] =	vst.idx.msk $0xffff, v11;
	v0 =	vld [tilespmem:s24+$0xFFFFFFF0]  }
0x10e: {  	v20 =	vld [tilespmem:$0x1FF90]  }
0x10f: {  	v37 =	vld [tilespmem:$0x1FD00];
	[tilespmem:v14+s16+$0x0] =	vst.idx.msk $0xffff, v13  }
0x110: {  	v11 =	vld [tilespmem:s24+$0xFFFFFF20];
	[tilespmem:v17+s16+$0x0] =	vst.idx.msk $0xffff, v15  }
0x111: {  	v43 =	vld [tilespmem:$0x1FD40];
	[tilespmem:v18+s16+$0x0] =	vst.idx.msk $0xffff, v7  }
0x112: {  	v19 =	vadd.s32 v52, v4;
	v51 =	vld [tilespmem:$0x1FF40]  }
0x113: {  	v36 =	vld [tilespmem:$0x1FC40]  }
0x114: {  	v13 =	vld [tilespmem:s24+$0xFFFFFF60];
	v9 =	vadd.s32 v20, v10  }
0x115: {  	v17 =	vld [tilespmem:s24+$0xFFFFFE20];
	v12 =	vadd.s32 v37, v3  }
0x116: {  	v7 =	vld [tilespmem:s24+$0xFFFFFFA0];
	v14 =	vadd.s32 v43, v6  }
0x117: {  	[tilespmem:v19+s16+$0x0] =	vst.idx.msk $0xffff, v8;
	v8 =	vld [tilespmem:s24+$0xFFFFFE70];
	v15 =	vadd.s32 v51, v5  }
0x118: {  	v46 =	vld [tilespmem:$0x1FC80];
	v18 =	vadd.s32 v36, v2  }
0x119: {  	v24 =	vld [tilespmem:s24+$0xFFFFFEB0];
	[tilespmem:v9+s16+$0x0] =	vst.idx.msk $0xffff, v0  }
0x11a: {  	v26 =	vld [tilespmem:s24+$0xFFFFFEF0];
	[tilespmem:v12+s16+$0x0] =	vst.idx.msk $0xffff, v11  }
0x11b: {  	v59 =	vld [tilespmem:$0x1FCA0];
	[tilespmem:v14+s16+$0x0] =	vst.idx.msk $0xffff, v13  }
0x11c: {  	v56 =	vld [tilespmem:$0x1FCE0];
	[tilespmem:v15+s16+$0x0] =	vst.idx.msk $0xffff, v7  }
0x11d: {  	v19 =	vadd.s32 v46, v16;
	v0 =	vmov v20;
	v20 =	vld [tilespmem:s24+$0x0];
	[tilespmem:v18+s16+$0x0] =	vst.idx.msk $0xffff, v17  }
0x11e: {  	v39 =	vld [tilespmem:$0x1FD10]  }
0x11f: {  	v9 =	vadd.s32 $0x3B87, v29;
	v29 =	vld [tilespmem:s24+$0xFFFFFF30]  }
0x120: {  	v35 =	vmov v9;
	v23 =	vadd.s32 v9, v10;
	v9 =	vld [tilespmem:s24+$0xFFFFFF70]  }
0x121: {  	v11 =	vld [tilespmem:s24+$0xFFFFFFB0];
	v25 =	vadd.s32 v59, v22  }
0x122: {  	[tilespmem:v19+s16+$0x0] =	vst.idx.msk $0xffff, v8;
	v14 =	vld [tilespmem:s24+$0xFFFFFE30];
	v27 =	vadd.s32 v56, v4  }
0x123: {  	v47 =	vld [tilespmem:$0x1FD50];
	v28 =	vadd.s32 v39, v3  }
0x124: {  	v53 =	vld [tilespmem:$0x1FF50]  }
0x125: {  	v18 =	vld [tilespmem:s24+$0xFFFFFE80];
	[tilespmem:v23+s16+$0x0] =	vst.idx.msk $0xffff, v20  }
0x126: {  	v60 =	vld [tilespmem:$0x1FC50];
	[tilespmem:v25+s16+$0x0] =	vst.idx.msk $0xffff, v24  }
0x127: {  	v32 =	vld [tilespmem:$0x1FF10];
	[tilespmem:v27+s16+$0x0] =	vst.idx.msk $0xffff, v26  }
0x128: {  	v44 =	vld [tilespmem:$0x1FCB0];
	[tilespmem:v28+s16+$0x0] =	vst.idx.msk $0xffff, v29  }
0x129: {  	s28 =	simm.s32 $0xB;
	s25 =	simm.s32 $0x9;
	v33 =	vld [tilespmem:$0x1FF30]  }
0x12a: {  	s29 =	simm.s32 $0xC;
	s31 =	simm.s32 $0x8;
	v21 =	vmov s25;
	v13 =	vmov s28;
	v45 =	vld [tilespmem:$0x1FD20]  }
0x12b: {  	s30 =	simm.s32 $0xD;
	v7 =	vmov s31;
	v15 =	vmov s29;
	v10 =	vadd.s32 v47, v6;
	v55 =	vld [tilespmem:$0x1FD60]  }
0x12c: {  	s26 =	simm.s32 $0xA;
	v8 =	vshrl.u32 v7, $0x3;
	v7 =	vmov s30;
	v12 =	vadd.s32 v53, v5;
	v57 =	vld [tilespmem:$0x1FF60]  }
0x12d: {  	s31 =	simm.s32 $0xE;
	v23 =	vmov s26;
	v17 =	vadd.s32 v60, v2;
	v19 =	vld [tilespmem:s24+$0xFFFFFEC0];
	v20 =	vadd.s32 v32, v16  }
0x12e: {  	s23 =	sor.u32 $0x1, s20;
	s25 =	simm.s32 $0x10;
	s26 =	simm.s32 $0xF;
	v40 =	vld [tilespmem:$0x1FF00];
	v16 =	vshll.u32 v8, v1;
	v8 =	vmov s31;
	v22 =	vadd.s32 v44, v22  }
.LBB2_7:
0x12f: {  	v21 =	vshrl.u32 v21, $0x3;
	v25 =	vld [tilespmem:s24+$0xFFFFFF00]  }
0x130: {  	v4 =	vadd.s32 v33, v4;
	v3 =	vadd.s32 v45, v3;
	[tilespmem:v10+s16+$0x0] =	vst.idx.msk $0xffff, v9;
	v9 =	vshrl.u32 v23, $0x3;
	v23 =	vld [tilespmem:s24+$0xFFFFFF40]  }
0x131: {  	v24 =	vmov s26;
	v6 =	vadd.s32 v55, v6;
	v5 =	vadd.s32 v57, v5;
	[tilespmem:v12+s16+$0x0] =	vst.idx.msk $0xffff, v11;
	v12 =	vld [tilespmem:s24+$0xFFFFFF80]  }
0x132: {  	v10 =	vshrl.u32 v24, $0x3;
	v11 =	vshrl.u32 v13, $0x3;
	[tilespmem:v17+s16+$0x0] =	vst.idx.msk $0xffff, v14;
	v13 =	vshrl.u32 v15, $0x3;
	v14 =	vld [tilespmem:s24+$0xFFFFFFC0]  }
0x133: {  	[tilespmem:v20+s16+$0x0] =	vst.idx.msk $0xffff, v18;
	v15 =	vshll.u32 v21, v1;
	v18 =	vadd.s32 v40, v2;
	v2 =	vbroadcast v16, $0x0;
	v17 =	vld [tilespmem:s24+$0xFFFFFE40];
	s24 =	sadd.s32 $0x200, s24  }
0x134: {  	[tilespmem:v22+s16+$0x0] =	vst.idx.msk $0xffff, v19;
	v10 =	vshll.u32 v10, v1;
	v16 =	vbroadcast v15, $0x0;
	v9 =	vshll.u32 v9, v1;
	v15 =	vld [tilespmem:s24+$0xFFFFFFD0]  }
0x135: {  	[tilespmem:v4+s16+$0x0] =	vst.idx.msk $0xffff, v25;
	v4 =	vshll.u32 v11, v1;
	v10 =	vbroadcast v10, $0x0;
	v20 =	vld [tilespmem:s24+$0xFFFFFE10];
	v21 =	vadd.s32 v31, v2  }
0x136: {  	v22 =	vbroadcast v9, $0x0;
	v9 =	vld [tilespmem:s24+$0xFFFFFE50];
	v4 =	vbroadcast v4, $0x0;
	v11 =	vadd.s32 v38, v16;
	[tilespmem:v3+s16+$0x0] =	vst.idx.msk $0xffff, v23  }
0x137: {  	v19 =	vadd.s32 v63, v10;
	v3 =	vshll.u32 v13, v1;
	[tilespmem:v6+s16+$0x0] =	vst.idx.msk $0xffff, v12;
	v12 =	vld [tilespmem:s24+$0xFFFFFE90];
	v6 =	vshrl.u32 v7, $0x3  }
0x138: {  	v13 =	vadd.s32 v50, v22;
	[tilespmem:v5+s16+$0x0] =	vst.idx.msk $0xffff, v14;
	v5 =	vshll.u32 v6, v1;
	v6 =	vld [tilespmem:$0x1FCF0]  }
0x139: {  	v7 =	vld [tilespmem:s24+$0xFFFFFED0];
	v14 =	vadd.s32 v48, v4;
	[tilespmem:v18+s16+$0x0] =	vst.idx.msk $0xffff, v17  }
0x13a: {  	[tilespmem:v21+s16+$0x0] =	vst.idx.msk $0xffff, v20  }
0x13b: {  	v3 =	vbroadcast v3, $0x0;
	[tilespmem:v11+s16+$0x0] =	vst.idx.msk $0xffff, v9  }
0x13c: {  	v20 =	vadd.s32 v42, v16;
	[tilespmem:v19+s16+$0x0] =	vst.idx.msk $0xffff, v15;
	v19 =	vld [tilespmem:s24+$0xFFFFFE60]  }
0x13d: {  	v17 =	vld [tilespmem:s24+$0xFFFFFF10];
	[tilespmem:v13+s16+$0x0] =	vst.idx.msk $0xffff, v12;
	v18 =	vadd.s32 v6, v3  }
0x13e: {  	v8 =	vshrl.u32 v8, $0x3;
	[tilespmem:v14+s16+$0x0] =	vst.idx.msk $0xffff, v7;
	v14 =	vadd.s32 v54, v22;
	v6 =	vbroadcast v5, $0x0;
	v7 =	vld [tilespmem:s24+$0xFFFFFEA0]  }
0x13f: {  	v15 =	vadd.s32 v62, v10;
	v5 =	vshll.u32 v8, v1;
	v8 =	vld [tilespmem:s24+$0xFFFFFFE0]  }
0x140: {  	v9 =	vld [tilespmem:s24+$0xFFFFFF50];
	v5 =	vbroadcast v5, $0x0;
	v11 =	vadd.s32 v41, v6  }
0x141: {  	[tilespmem:v20+s16+$0x0] =	vst.idx.msk $0xffff, v19;
	v19 =	vld [tilespmem:s24+$0xFFFFFE20];
	v20 =	vadd.s32 v36, v2  }
0x142: {  	v12 =	vld [tilespmem:s24+$0xFFFFFF90];
	v13 =	vadd.s32 v49, v5;
	[tilespmem:v18+s16+$0x0] =	vst.idx.msk $0xffff, v17  }
0x143: {  	v17 =	vld [tilespmem:s24+$0xFFFFFEE0];
	v18 =	vadd.s32 v52, v4;
	[tilespmem:v14+s16+$0x0] =	vst.idx.msk $0xffff, v7  }
0x144: {  	v25 =	vadd.s32 v59, v22;
	[tilespmem:v15+s16+$0x0] =	vst.idx.msk $0xffff, v8;
	v24 =	vld [tilespmem:s24+$0xFFFFFEB0]  }
0x145: {  	v8 =	vld [tilespmem:s24+$0xFFFFFFF0];
	[tilespmem:v11+s16+$0x0] =	vst.idx.msk $0xffff, v9;
	v9 =	vadd.s32 v0, v10  }
0x146: {  	v15 =	vadd.s32 v37, v3;
	v11 =	vld [tilespmem:s24+$0xFFFFFF20];
	[tilespmem:v20+s16+$0x0] =	vst.idx.msk $0xffff, v19  }
0x147: {  	[tilespmem:v13+s16+$0x0] =	vst.idx.msk $0xffff, v12;
	v12 =	vld [tilespmem:s24+$0xFFFFFF60];
	v13 =	vadd.s32 v43, v6  }
0x148: {  	v14 =	vadd.s32 v51, v5;
	v7 =	vld [tilespmem:s24+$0xFFFFFFA0];
	[tilespmem:v18+s16+$0x0] =	vst.idx.msk $0xffff, v17  }
0x149: {  	v17 =	vld [tilespmem:s24+$0xFFFFFE70];
	v18 =	vadd.s32 v46, v16;
	[tilespmem:v25+s16+$0x0] =	vst.idx.msk $0xffff, v24  }
0x14a: {  	v27 =	vadd.s32 v56, v4;
	v26 =	vld [tilespmem:s24+$0xFFFFFEF0];
	[tilespmem:v9+s16+$0x0] =	vst.idx.msk $0xffff, v8  }
0x14b: {  	[tilespmem:v15+s16+$0x0] =	vst.idx.msk $0xffff, v11;
	v15 =	vadd.s32 v35, v10;
	v8 =	vld [tilespmem:s24+$0x0]  }
0x14c: {  	p0 =	slt.u32 s25, $0x78;
	s31 =	sadd.s32 $0x2, s25;
	v29 =	vadd.s32 v39, v3;
	[tilespmem:v13+s16+$0x0] =	vst.idx.msk $0xffff, v12;
	v28 =	vld [tilespmem:s24+$0xFFFFFF30]  }
.Ltmp2:
0x14d: {  	s30 =	sadd.s32 $0x1, s25;
	v23 =	vmov s31;
	v22 =	vadd.s32 v44, v22;
	[tilespmem:v14+s16+$0x0] =	vst.idx.msk $0xffff, v7;
	v9 =	vld [tilespmem:s24+$0xFFFFFF70];
	(pc) =	sbr.rel @p0 .LBB2_7-.Ltmp2, $4  }
0x14e: {  	s28 =	sadd.s32 $0x3, s25;
	v21 =	vmov s30;
	v20 =	vadd.s32 v32, v16;
	v10 =	vadd.s32 v47, v6;
	v14 =	vld [tilespmem:s24+$0xFFFFFE30];
	[tilespmem:v18+s16+$0x0] =	vst.idx.msk $0xffff, v17  }
0x14f: {  	s30 =	sadd.s32 $0x5, s25;
	v12 =	vadd.s32 v53, v5;
	v13 =	vmov s28;
	v7 =	vmov s25;
	v11 =	vld [tilespmem:s24+$0xFFFFFFB0];
	[tilespmem:v27+s16+$0x0] =	vst.idx.msk $0xffff, v26  }
0x150: {  	s29 =	sadd.s32 $0x4, s25;
	s31 =	sadd.s32 $0x6, s25;
	v19 =	vshrl.u32 v7, $0x3;
	v17 =	vadd.s32 v60, v2;
	v7 =	vmov s30;
	v18 =	vld [tilespmem:s24+$0xFFFFFE80];
	[tilespmem:v15+s16+$0x0] =	vst.idx.msk $0xffff, v8  }
0x151: {  	s26 =	sadd.s32 $0x7, s25;
	s25 =	sadd.s32 $0x8, s25;
	v16 =	vshll.u32 v19, v1;
	v19 =	vld [tilespmem:s24+$0xFFFFFEC0];
	v15 =	vmov s29;
	v8 =	vmov s31;
	[tilespmem:v29+s16+$0x0] =	vst.idx.msk $0xffff, v28  }
0x152: {  	_ =	sdelay $0x3  }
0x153: {  	v25 =	vld [tilespmem:s24+$0xFFFFFF00];
	v4 =	vadd.s32 v33, v4;
	[tilespmem:v10+s16+$0x0] =	vst.idx.msk $0xffff, v9  }
0x154: {  	v28 =	vshrl.u32 v23, $0x3;
	v23 =	vld [tilespmem:s24+$0xFFFFFF40];
	v3 =	vadd.s32 v45, v3;
	[tilespmem:v17+s16+$0x0] =	vst.idx.msk $0xffff, v14  }
0x155: {  	v24 =	vmov s26;
	v6 =	vadd.s32 v55, v6;
	[tilespmem:v12+s16+$0x0] =	vst.idx.msk $0xffff, v11;
	v12 =	vld [tilespmem:s24+$0xFFFFFF80]  }
0x156: {  	v2 =	vadd.s32 v40, v2;
	v29 =	vshrl.u32 v24, $0x3;
	v17 =	vld [tilespmem:s24+$0xFFFFFE40];
	[tilespmem:v20+s16+$0x0] =	vst.idx.msk $0xffff, v18  }
0x157: {  	v5 =	vadd.s32 v57, v5;
	v10 =	vshll.u32 v29, v1;
	v14 =	vld [tilespmem:s24+$0xFFFFFFC0];
	[tilespmem:v22+s16+$0x0] =	vst.idx.msk $0xffff, v19  }
0x158: {  	v21 =	vshrl.u32 v21, $0x3;
	v10 =	vbroadcast v10, $0x0;
	[tilespmem:v4+s16+$0x0] =	vst.idx.msk $0xffff, v25  }
0x159: {  	s31 =	sadd.s32 $0x200, s24;
	v24 =	vshrl.u32 v15, $0x3;
	v15 =	vbroadcast v16, $0x0;
	v26 =	vshll.u32 v21, v1;
	[tilespmem:v3+s16+$0x0] =	vst.idx.msk $0xffff, v23  }
0x15a: {  	v9 =	vshll.u32 v28, v1;
	v27 =	vld [tilespmem:s31+$0xFFFFFFD0];
	v16 =	vbroadcast v26, $0x0;
	v28 =	vadd.s32 v63, v10;
	[tilespmem:v6+s16+$0x0] =	vst.idx.msk $0xffff, v12  }
0x15b: {  	v11 =	vshrl.u32 v13, $0x3;
	v29 =	vld [tilespmem:s31+$0xFFFFFE10];
	v31 =	vadd.s32 v31, v15;
	[tilespmem:v2+s16+$0x0] =	vst.idx.msk $0xffff, v17  }
0x15c: {  	v9 =	vbroadcast v9, $0x0;
	v11 =	vshll.u32 v11, v1;
	v3 =	vld [tilespmem:s31+$0xFFFFFE50];
	v63 =	vadd.s32 v38, v16;
	[tilespmem:v5+s16+$0x0] =	vst.idx.msk $0xffff, v14  }
0x15d: {  	v7 =	vshrl.u32 v7, $0x3;
	v11 =	vbroadcast v11, $0x0;
	v17 =	vld [tilespmem:$0x1FCF0]  }
0x15e: {  	v7 =	vshll.u32 v7, v1;
	v13 =	vshll.u32 v24, v1;
	v24 =	vadd.s32 v50, v9;
	v23 =	vld [tilespmem:s31+$0xFFFFFE90]  }
0x15f: {  	v8 =	vshrl.u32 v8, $0x3;
	v7 =	vbroadcast v7, $0x0;
	v25 =	vld [tilespmem:s31+$0xFFFFFED0];
	v26 =	vadd.s32 v48, v11;
	[tilespmem:v28+s16+$0x0] =	vst.idx.msk $0xffff, v27  }
0x160: {  	v8 =	vshll.u32 v8, v1;
	v13 =	vbroadcast v13, $0x0;
	[tilespmem:v31+s16+$0x0] =	vst.idx.msk $0xffff, v29;
	v28 =	vadd.s32 v62, v10;
	v27 =	vld [tilespmem:s31+$0xFFFFFFE0]  }
0x161: {  	v4 =	vbroadcast v8, $0x0;
	v29 =	vadd.s32 v41, v7;
	[tilespmem:v63+s16+$0x0] =	vst.idx.msk $0xffff, v3;
	v3 =	vld [tilespmem:s31+$0xFFFFFF50]  }
0x162: {  	v2 =	vld [tilespmem:s31+$0xFFFFFF10];
	v17 =	vadd.s32 v17, v13  }
0x163: {  	v38 =	vadd.s32 v49, v4;
	v31 =	vld [tilespmem:s31+$0xFFFFFF90];
	[tilespmem:v24+s16+$0x0] =	vst.idx.msk $0xffff, v23  }
0x164: {  	v42 =	vadd.s32 v42, v16;
	v41 =	vld [tilespmem:s31+$0xFFFFFE60];
	[tilespmem:v26+s16+$0x0] =	vst.idx.msk $0xffff, v25  }
0x165: {  	v49 =	vadd.s32 v54, v9;
	v48 =	vld [tilespmem:s31+$0xFFFFFEA0];
	[tilespmem:v28+s16+$0x0] =	vst.idx.msk $0xffff, v27  }
0x166: {  	v50 =	vadd.s32 v52, v11;
	v52 =	vadd.s32 v0, v10;
	[tilespmem:v29+s16+$0x0] =	vst.idx.msk $0xffff, v3;
	v3 =	vld [tilespmem:s31+$0xFFFFFFF0]  }
0x167: {  	[tilespmem:v17+s16+$0x0] =	vst.idx.msk $0xffff, v2;
	v2 =	vld [tilespmem:s31+$0xFFFFFEE0]  }
0x168: {  	v63 =	vadd.s32 v37, v13;
	[tilespmem:v38+s16+$0x0] =	vst.idx.msk $0xffff, v31;
	v54 =	vld [tilespmem:s31+$0xFFFFFF20]  }
0x169: {  	[tilespmem:v42+s16+$0x0] =	vst.idx.msk $0xffff, v41  }
0x16a: {  	v25 =	vadd.s32 v43, v7;
	v24 =	vld [tilespmem:s31+$0xFFFFFF60];
	[tilespmem:v49+s16+$0x0] =	vst.idx.msk $0xffff, v48  }
0x16b: {  	v26 =	vld [tilespmem:s31+$0xFFFFFFA0];
	v27 =	vadd.s32 v51, v4;
	[tilespmem:v52+s16+$0x0] =	vst.idx.msk $0xffff, v3  }
0x16c: {  	v29 =	vadd.s32 v36, v15;
	v28 =	vld [tilespmem:s31+$0xFFFFFE20];
	[tilespmem:v50+s16+$0x0] =	vst.idx.msk $0xffff, v2  }
0x16d: {  	v36 =	vadd.s32 v35, v10;
	v3 =	vld [tilespmem:s31+$0x0];
	[tilespmem:v63+s16+$0x0] =	vst.idx.msk $0xffff, v54  }
0x16e: {  	v31 =	vadd.s32 v46, v16;
	v2 =	vld [tilespmem:s31+$0xFFFFFE70];
	[tilespmem:$0x1FC00] =	vst v35  }
0x16f: {  	v38 =	vadd.s32 v59, v9;
	v37 =	vld [tilespmem:s31+$0xFFFFFEB0];
	[tilespmem:v25+s16+$0x0] =	vst.idx.msk $0xffff, v24  }
0x170: {  	v42 =	vadd.s32 v56, v11;
	v41 =	vld [tilespmem:s31+$0xFFFFFEF0];
	[tilespmem:v27+s16+$0x0] =	vst.idx.msk $0xffff, v26  }
0x171: {  	v46 =	vadd.s32 v39, v13;
	[tilespmem:v29+s16+$0x0] =	vst.idx.msk $0xffff, v28;
	v43 =	vld [tilespmem:s31+$0xFFFFFF30]  }
0x172: {  	v50 =	vadd.s32 v53, v4;
	v49 =	vld [tilespmem:s31+$0xFFFFFFB0];
	[tilespmem:v36+s16+$0x0] =	vst.idx.msk $0xffff, v3  }
0x173: {  	v48 =	vadd.s32 v47, v7;
	[tilespmem:v31+s16+$0x0] =	vst.idx.msk $0xffff, v2;
	v2 =	vld [tilespmem:s31+$0xFFFFFF70]  }
0x174: {  	v51 =	vadd.s32 v60, v15;
	v3 =	vld [tilespmem:s31+$0xFFFFFE30];
	[tilespmem:v38+s16+$0x0] =	vst.idx.msk $0xffff, v37  }
0x175: {  	v16 =	vadd.s32 v32, v16;
	v52 =	vld [tilespmem:s31+$0xFFFFFE80];
	[tilespmem:v42+s16+$0x0] =	vst.idx.msk $0xffff, v41  }
0x176: {  	v9 =	vadd.s32 v44, v9;
	[tilespmem:v46+s16+$0x0] =	vst.idx.msk $0xffff, v43;
	v53 =	vld [tilespmem:s31+$0xFFFFFEC0]  }
0x177: {  	v11 =	vadd.s32 v33, v11;
	v54 =	vld [tilespmem:s31+$0xFFFFFF00];
	[tilespmem:v50+s16+$0x0] =	vst.idx.msk $0xffff, v49  }
0x178: {  	v56 =	vadd.s32 v45, v13;
	[tilespmem:v48+s16+$0x0] =	vst.idx.msk $0xffff, v2;
	v2 =	vld [tilespmem:s31+$0xFFFFFF40]  }
0x179: {  	v4 =	vadd.s32 v57, v4;
	[tilespmem:v51+s16+$0x0] =	vst.idx.msk $0xffff, v3;
	v59 =	vld [tilespmem:s31+$0xFFFFFFC0]  }
0x17a: {  	v63 =	vadd.s32 v40, v15;
	v60 =	vld [tilespmem:s31+$0xFFFFFE40];
	[tilespmem:v16+s16+$0x0] =	vst.idx.msk $0xffff, v52  }
0x17b: {  	v7 =	vadd.s32 v55, v7;
	v3 =	vld [tilespmem:s31+$0xFFFFFF80];
	[tilespmem:v9+s16+$0x0] =	vst.idx.msk $0xffff, v53  }
0x17c: {  	s23 =	sadd.s32 s4, s23;
	[tilespmem:v11+s16+$0x0] =	vst.idx.msk $0xffff, v54  }
0x17d: {  	s25 =	sshll.u32 s23, $0x7;
	[tilespmem:v56+s16+$0x0] =	vst.idx.msk $0xffff, v2  }
0x17e: {  	s23 =	sshll.u32 s23, $0xA;
	s24 =	sand.u32 $0x3F80, s25;
	[tilespmem:v4+s16+$0x0] =	vst.idx.msk $0xffff, v59  }
0x17f: {  	s23 =	sand.u32 $0xFFE0000, s23;
	s24 =	sadd.s32 s2, s24;
	[tilespmem:v63+s16+$0x0] =	vst.idx.msk $0xffff, v60  }
0x180: {  	s26 =	simm.s32 $0xE600;
	s24 =	sadd.s32 s23, s24;
	[tilespmem:v7+s16+$0x0] =	vst.idx.msk $0xffff, v3  }
0x181: {  	[hbm4b:s24+s3] =	stream.linear.scatter [tilespmem:s26], [sflag:$0x2], $0x80, $0x38;
	[tilespmem:$0x10800] =	vst v63  }
0x182: {  	s29 =	simm.s32 $0xE688;
	s25 =	sadd.s32 $0x10, s24  }
0x183: {  	[hbm4b:s25+s3] =	stream.linear.scatter [tilespmem:s29], [sflag:$0x2], $0x80, $0x38;
	[tilespmem:$0x10800] =	vst v63  }
0x184: {  	s30 =	simm.s32 $0xE710;
	s23 =	simm.s32 $0x440;
	s31 =	sadd.s32 $0x20, s24  }
0x185: {  	[hbm4b:s31+s3] =	stream.linear.scatter [tilespmem:s30], [sflag:$0x2], $0x80, $0x38;
	[tilespmem:$0x10800] =	vst v63  }
0x186: {  	s28 =	sadd.s32 $0x70, s24;
	s26 =	simm.s32 $0xE798;
	s29 =	sadd.s32 $0x30, s24  }
0x187: {  	[hbm4b:s29+s3] =	stream.linear.scatter [tilespmem:s26], [sflag:$0x2], $0x80, $0x38;
	[tilespmem:$0x10800] =	vst v63  }
0x188: {  	s25 =	simm.s32 $0x2200;
	s30 =	simm.s32 $0xE820;
	s31 =	sadd.s32 $0x40, s24  }
0x189: {  	[hbm4b:s31+s3] =	stream.linear.scatter [tilespmem:s30], [sflag:$0x2], $0x80, $0x38;
	[tilespmem:$0x10800] =	vst v63  }
0x18a: {  	s26 =	simm.s32 $0xE8A8;
	s29 =	sadd.s32 $0x50, s24;
	s30 =	simm.s32 $0xE930  }
0x18b: {  	[hbm4b:s29+s3] =	stream.linear.scatter [tilespmem:s26], [sflag:$0x2], $0x80, $0x38;
	[tilespmem:$0x10800] =	vst v63  }
0x18c: {  	s31 =	sadd.s32 $0x60, s24;
	s24 =	sadd.s32 $0x4000, s24;
	s26 =	simm.s32 $0xE9B8  }
0x18d: {  	v33 =	vmov v30;
	v63 =	vmov v62;
	[hbm4b:s31+s3] =	stream.linear.scatter [tilespmem:s30], [sflag:$0x2], $0x80, $0x38;
	[tilespmem:$0x10800] =	vst v63  }
.LBB2_9:
0x18e: {  	[hbm4b:s28+s3] =	stream.linear.scatter [tilespmem:s26], [sflag:$0x2], $0x80, $0x38;
	[tilespmem:$0x10800] =	vst v63  }
0x18f: {  	s26 =	smov.u32 s23;
	s23 =	smov.u32 s25  }
0x190: {  	s29 =	sadd.s32 $0x1100, s25;
	s23 =	sshra.s32 s23, $0x2;
	s28 =	sadd.s32 $0xE600, s26  }
0x191: {  	[hbm4b:s24+s3] =	stream.linear.scatter [tilespmem:s28], [sflag:$0x2], $0x80, $0x38;
	[tilespmem:$0x10800] =	vst v63  }
0x192: {  	p0 =	sne.s32 s25, $0x7700;
	s25 =	sadd.s32 $0xE688, s26;
	s28 =	sadd.s32 $0x10, s24  }
0x193: {  	[hbm4b:s28+s3] =	stream.linear.scatter [tilespmem:s25], [sflag:$0x2], $0x80, $0x38;
	[tilespmem:$0x10800] =	vst v63  }
0x194: {  	s25 =	sadd.s32 $0xE710, s26;
	s28 =	sadd.s32 $0x20, s24  }
0x195: {  	[hbm4b:s28+s3] =	stream.linear.scatter [tilespmem:s25], [sflag:$0x2], $0x80, $0x38;
	[tilespmem:$0x10800] =	vst v63  }
0x196: {  	s25 =	sadd.s32 $0xE798, s26;
	s28 =	sadd.s32 $0x30, s24  }
0x197: {  	[hbm4b:s28+s3] =	stream.linear.scatter [tilespmem:s25], [sflag:$0x2], $0x80, $0x38;
	[tilespmem:$0x10800] =	vst v63  }
0x198: {  	s25 =	sadd.s32 $0xE820, s26;
	s28 =	sadd.s32 $0x40, s24  }
0x199: {  	[hbm4b:s28+s3] =	stream.linear.scatter [tilespmem:s25], [sflag:$0x2], $0x80, $0x38;
	[tilespmem:$0x10800] =	vst v63  }
.Ltmp3:
0x19a: {  	s25 =	sadd.s32 $0xE8A8, s26;
	s28 =	sadd.s32 $0x50, s24;
	(pc) =	sbr.rel @p0 .LBB2_9-.Ltmp3, $4  }
0x19b: {  	[hbm4b:s28+s3] =	stream.linear.scatter [tilespmem:s25], [sflag:$0x2], $0x80, $0x38;
	[tilespmem:$0x10800] =	vst v63  }
0x19c: {  	s25 =	sadd.s32 $0xE930, s26;
	s28 =	sadd.s32 $0x60, s24;
	s26 =	sadd.s32 $0xE9B8, s26  }
0x19d: {  	[hbm4b:s28+s3] =	stream.linear.scatter [tilespmem:s25], [sflag:$0x2], $0x80, $0x38;
	[tilespmem:$0x10800] =	vst v63  }
0x19e: {  	s28 =	sadd.s32 $0x70, s24;
	s24 =	sadd.s32 $0x4000, s24;
	s25 =	smov.u32 s29  }
0x19f: {  	[hbm4b:s28+s3] =	stream.linear.scatter [tilespmem:s26], [sflag:$0x2], $0x80, $0x38;
	[tilespmem:$0x10800] =	vst v63  }
0x1a0: {  	s25 =	sadd.s32 $0xE600, s23  }
0x1a1: {  	[hbm4b:s24+s3] =	stream.linear.scatter [tilespmem:s25], [sflag:$0x2], $0x80, $0x38;
	[tilespmem:$0x10800] =	vst v63  }
0x1a2: {  	s30 =	sadd.s32 $0xE688, s23;
	s31 =	sadd.s32 $0x10, s24  }
0x1a3: {  	[hbm4b:s31+s3] =	stream.linear.scatter [tilespmem:s30], [sflag:$0x2], $0x80, $0x38;
	[tilespmem:$0x10800] =	vst v63  }
0x1a4: {  	s28 =	sadd.s32 $0xE710, s23;
	s29 =	sadd.s32 $0x20, s24  }
0x1a5: {  	[hbm4b:s29+s3] =	stream.linear.scatter [tilespmem:s28], [sflag:$0x2], $0x80, $0x38;
	[tilespmem:$0x10800] =	vst v63  }
0x1a6: {  	s30 =	sadd.s32 $0xE798, s23;
	s31 =	sadd.s32 $0x30, s24  }
0x1a7: {  	[hbm4b:s31+s3] =	stream.linear.scatter [tilespmem:s30], [sflag:$0x2], $0x80, $0x38;
	[tilespmem:$0x10800] =	vst v63  }
0x1a8: {  	s28 =	sadd.s32 $0xE820, s23;
	s29 =	sadd.s32 $0x40, s24  }
0x1a9: {  	[hbm4b:s29+s3] =	stream.linear.scatter [tilespmem:s28], [sflag:$0x2], $0x80, $0x38;
	[tilespmem:$0x10800] =	vst v63  }
0x1aa: {  	s26 =	sadd.s32 $0xE930, s23;
	s30 =	sadd.s32 $0xE8A8, s23;
	s31 =	sadd.s32 $0x50, s24  }
0x1ab: {  	[hbm4b:s31+s3] =	stream.linear.scatter [tilespmem:s30], [sflag:$0x2], $0x80, $0x38;
	[tilespmem:$0x10800] =	vst v63  }
0x1ac: {  	s28 =	sadd.s32 $0x60, s24;
	s29 =	sadd.s32 $0xE9B8, s23;
	s23 =	sadd.s32 $0x4, s20  }
0x1ad: {  	[hbm4b:s28+s3] =	stream.linear.scatter [tilespmem:s26], [sflag:$0x2], $0x80, $0x38;
	[tilespmem:$0x10800] =	vst v63  }
0x1ae: {  	s30 =	sadd.s32 $0x70, s24;
	s31 =	sshll.u32 s23, $0x7  }
0x1af: {  	[hbm4b:s30+s3] =	stream.linear.scatter [tilespmem:s29], [sflag:$0x2], $0x80, $0x38;
	[tilespmem:$0x10800] =	vst v63  }
0x1b0: {  	s24 =	sand.u32 $0x3FFFFF80, s31  }
0x1b1: {  	[tilespmem:s13], [sflag:$0x1] =	stream.indirect.gather [hbm4b:s5+s11], $0x40, s24, s11, $0xb8;
	[tilespmem:$0x10800] =	vst v63  }
0x1b2: {  	_ =	swait.ge [sflag:s15], $0x2000  }
0x1b3: {  	[sflag:s15] =	ssyncset.done $0x0  }
0x1b4: {  	[sflag:s15] =	ssyncadd.s32 $0xFFFFE000  }
0x1b5: {  	s31 =	simm.s32 $0x7;
	_ =	swait.ge [sflag:s17], $0x2000  }
0x1b6: {  	s25 =	simm.s32 $0x0;
	v7 =	vmov s31;
	v0 =	vld [tilespmem:$0x1FEB0]  }
0x1b7: {  	v2 =	vmov s25;
	v7 =	vshrl.u32 v7, $0x3;
	v30 =	vld [tilespmem:$0x1FD80]  }
0x1b8: {  	v2 =	vshrl.u32 v2, $0x3;
	s26 =	simm.s32 $0x1;
	v7 =	vshll.u32 v7, v1  }
0x1b9: {  	v2 =	vshll.u32 v2, v1;
	v3 =	vmov s26;
	v7 =	vbroadcast v7, $0x0;
	[sflag:s17] =	ssyncset.done $0x0  }
0x1ba: {  	v2 =	vbroadcast v2, $0x0;
	s28 =	simm.s32 $0x2;
	v3 =	vshrl.u32 v3, $0x3;
	s24 =	simm.s32 $0xA5F0;
	v42 =	vld [tilespmem:$0x1FE10];
	[sflag:s17] =	ssyncadd.s32 $0xFFFFE000  }
0x1bb: {  	v4 =	vmov s28;
	v3 =	vshll.u32 v3, v1;
	v10 =	vld [tilespmem:s24+$0xFFFFFFD0];
	v11 =	vadd.s32 v0, v7  }
0x1bc: {  	s28 =	simm.s32 $0x5;
	s29 =	simm.s32 $0x3;
	v4 =	vshrl.u32 v4, $0x3;
	v14 =	vbroadcast v3, $0x0;
	v12 =	vld [tilespmem:s24+$0xFFFFFE10];
	v13 =	vadd.s32 v30, v2  }
0x1bd: {  	v8 =	vmov s28;
	v5 =	vmov s29;
	v3 =	vshll.u32 v4, v1;
	v15 =	vld [tilespmem:s24+$0xFFFFFE50]  }
0x1be: {  	v5 =	vshrl.u32 v5, $0x3;
	v21 =	vbroadcast v3, $0x0;
	v16 =	vadd.s32 v33, v14;
	v17 =	vld [tilespmem:s24+$0xFFFFFE90]  }
0x1bf: {  	v3 =	vshll.u32 v5, v1;
	v5 =	vshrl.u32 v8, $0x3;
	v8 =	vld [tilespmem:s24+$0xFFFFFED0]  }
0x1c0: {  	s30 =	simm.s32 $0x4;
	v4 =	vbroadcast v3, $0x0;
	v18 =	vadd.s32 v61, v21;
	v20 =	vld [tilespmem:s24+$0xFFFFFF10];
	[tilespmem:v11+s16+$0x0] =	vst.idx.msk $0xffff, v10  }
0x1c1: {  	v6 =	vmov s30;
	[tilespmem:v13+s16+$0x0] =	vst.idx.msk $0xffff, v12;
	v11 =	vld [tilespmem:s24+$0xFFFFFF50]  }
0x1c2: {  	s29 =	simm.s32 $0x6;
	v6 =	vshrl.u32 v6, $0x3;
	v19 =	vadd.s32 v42, v4;
	v59 =	vld [tilespmem:$0x1FEC0]  }
0x1c3: {  	v9 =	vmov s29;
	v3 =	vshll.u32 v6, v1;
	v13 =	vld [tilespmem:s24+$0xFFFFFF90];
	[tilespmem:v16+s16+$0x0] =	vst.idx.msk $0xffff, v15  }
0x1c4: {  	v9 =	vshrl.u32 v9, $0x3;
	v5 =	vshll.u32 v5, v1;
	v3 =	vbroadcast v3, $0x0;
	v50 =	vld [tilespmem:$0x1FE70]  }
0x1c5: {  	v6 =	vbroadcast v5, $0x0;
	v5 =	vshll.u32 v9, v1;
	v9 =	vld [tilespmem:s24+$0xFFFFFFE0];
	[tilespmem:v18+s16+$0x0] =	vst.idx.msk $0xffff, v17  }
0x1c6: {  	v22 =	vadd.s32 v58, v3;
	v54 =	vld [tilespmem:$0x1FC20]  }
0x1c7: {  	v35 =	vld [tilespmem:$0x1FDC0];
	[tilespmem:v19+s16+$0x0] =	vst.idx.msk $0xffff, v8;
	v10 =	vadd.s32 v59, v7  }
0x1c8: {  	v39 =	vld [tilespmem:$0x1FFC0]  }
0x1c9: {  	v5 =	vbroadcast v5, $0x0;
	v16 =	vld [tilespmem:s24+$0xFFFFFE60];
	v12 =	vadd.s32 v50, v6  }
0x1ca: {  	v8 =	vld [tilespmem:s24+$0xFFFFFEA0]  }
0x1cb: {  	[tilespmem:v22+s16+$0x0] =	vst.idx.msk $0xffff, v20;
	v19 =	vld [tilespmem:s24+$0xFFFFFEE0];
	v15 =	vadd.s32 v54, v5  }
0x1cc: {  	v43 =	vld [tilespmem:$0x1FFF0];
	v17 =	vadd.s32 v35, v14;
	[tilespmem:v10+s16+$0x0] =	vst.idx.msk $0xffff, v9  }
0x1cd: {  	v18 =	vadd.s32 v39, v21;
	v9 =	vld [tilespmem:s24+$0xFFFFFFF0]  }
0x1ce: {  	[tilespmem:v12+s16+$0x0] =	vst.idx.msk $0xffff, v11;
	v11 =	vld [tilespmem:s24+$0xFFFFFF20]  }
0x1cf: {  	v57 =	vld [tilespmem:$0x1FED0]  }
0x1d0: {  	v47 =	vld [tilespmem:$0x1FFE0];
	[tilespmem:v15+s16+$0x0] =	vst.idx.msk $0xffff, v13  }
0x1d1: {  	[tilespmem:v17+s16+$0x0] =	vst.idx.msk $0xffff, v16;
	v13 =	vld [tilespmem:s24+$0xFFFFFF60]  }
0x1d2: {  	v20 =	vadd.s32 v43, v4;
	v51 =	vld [tilespmem:$0x1FFB0];
	[tilespmem:v18+s16+$0x0] =	vst.idx.msk $0xffff, v8  }
0x1d3: {  	v55 =	vld [tilespmem:$0x1FFA0]  }
0x1d4: {  	v31 =	vld [tilespmem:$0x1FC10];
	v10 =	vadd.s32 v57, v7  }
0x1d5: {  	v17 =	vld [tilespmem:s24+$0xFFFFFE20];
	v12 =	vadd.s32 v47, v3  }
0x1d6: {  	v8 =	vld [tilespmem:s24+$0xFFFFFFA0]  }
0x1d7: {  	[tilespmem:v20+s16+$0x0] =	vst.idx.msk $0xffff, v19;
	v19 =	vld [tilespmem:s24+$0xFFFFFE70];
	v15 =	vadd.s32 v51, v6  }
0x1d8: {  	v24 =	vld [tilespmem:s24+$0xFFFFFEB0];
	v16 =	vadd.s32 v55, v5  }
0x1d9: {  	v26 =	vld [tilespmem:s24+$0xFFFFFEF0];
	v18 =	vadd.s32 v31, v2;
	[tilespmem:v10+s16+$0x0] =	vst.idx.msk $0xffff, v9  }
0x1da: {  	[tilespmem:v12+s16+$0x0] =	vst.idx.msk $0xffff, v11;
	v23 =	vld [tilespmem:s24+$0x0]  }
0x1db: {  	v60 =	vld [tilespmem:$0x1FEE0]  }
0x1dc: {  	v40 =	vld [tilespmem:$0x1FE00];
	[tilespmem:v15+s16+$0x0] =	vst.idx.msk $0xffff, v13  }
0x1dd: {  	v20 =	vadd.s32 v34, v14;
	v44 =	vld [tilespmem:$0x1FE20];
	[tilespmem:v16+s16+$0x0] =	vst.idx.msk $0xffff, v8  }
0x1de: {  	v28 =	vld [tilespmem:s24+$0xFFFFFF30];
	[tilespmem:v18+s16+$0x0] =	vst.idx.msk $0xffff, v17  }
0x1df: {  	v48 =	vld [tilespmem:$0x1FE50]  }
0x1e0: {  	v9 =	vld [tilespmem:s24+$0xFFFFFF70];
	v7 =	vadd.s32 v60, v7  }
0x1e1: {  	v11 =	vld [tilespmem:s24+$0xFFFFFFB0];
	v25 =	vadd.s32 v40, v21  }
0x1e2: {  	[tilespmem:v20+s16+$0x0] =	vst.idx.msk $0xffff, v19;
	v15 =	vld [tilespmem:s24+$0xFFFFFE30]  }
0x1e3: {  	v52 =	vld [tilespmem:$0x1FE80];
	v27 =	vadd.s32 v44, v4  }
0x1e4: {  	v56 =	vld [tilespmem:$0x1FEA0];
	v29 =	vadd.s32 v48, v3  }
0x1e5: {  	v18 =	vld [tilespmem:s24+$0xFFFFFE80];
	[tilespmem:v7+s16+$0x0] =	vst.idx.msk $0xffff, v23  }
0x1e6: {  	v32 =	vld [tilespmem:$0x1FD90];
	[tilespmem:v25+s16+$0x0] =	vst.idx.msk $0xffff, v24  }
0x1e7: {  	v37 =	vld [tilespmem:$0x1FDE0]  }
0x1e8: {  	[tilespmem:v27+s16+$0x0] =	vst.idx.msk $0xffff, v26;
	v19 =	vld [tilespmem:s24+$0xFFFFFEC0]  }
0x1e9: {  	s31 =	simm.s32 $0x9;
	v41 =	vld [tilespmem:$0x1FFD0];
	[tilespmem:v29+s16+$0x0] =	vst.idx.msk $0xffff, v28  }
0x1ea: {  	s28 =	simm.s32 $0xB;
	s30 =	simm.s32 $0x8;
	v22 =	vmov s31;
	v10 =	vadd.s32 v52, v6;
	v45 =	vld [tilespmem:$0x1FE30]  }
0x1eb: {  	s29 =	simm.s32 $0xC;
	v13 =	vmov s28;
	v8 =	vmov s30;
	v12 =	vadd.s32 v56, v5;
	v49 =	vld [tilespmem:$0x1FE60]  }
0x1ec: {  	v38 =	vmovc v61;
	v36 =	vmovc v34;
	s26 =	simm.s32 $0xA;
	s30 =	simm.s32 $0xD;
	v16 =	vmov s29;
	v8 =	vshrl.u32 v8, $0x3;
	v53 =	vld [tilespmem:$0x1FE90];
	v17 =	vadd.s32 v32, v2  }
0x1ed: {  	s31 =	simm.s32 $0xE;
	v61 =	vmovc v60;
	v60 =	vmovc v57;
	v23 =	vmov s26;
	v7 =	vmov s30;
	v57 =	vld [tilespmem:$0x1FC30];
	v20 =	vadd.s32 v37, v14  }
0x1ee: {  	v46 =	vmovc v58;
	s25 =	simm.s32 $0x10;
	v58 =	vmovc v0;
	s26 =	simm.s32 $0xF;
	v34 =	vld [tilespmem:$0x1FDA0];
	v14 =	vshll.u32 v8, v1;
	v8 =	vmov s31;
	v21 =	vadd.s32 v41, v21  }
.LBB2_11:
0x1ef: {  	p0 =	slt.u32 s25, $0x78;
	v22 =	vshrl.u32 v22, $0x3;
	v24 =	vmov s26;
	v25 =	vld [tilespmem:s24+$0xFFFFFF00];
	v4 =	vadd.s32 v45, v4;
	[tilespmem:v10+s16+$0x0] =	vst.idx.msk $0xffff, v9  }
0x1f0: {  	v9 =	vshrl.u32 v23, $0x3;
	v3 =	vadd.s32 v49, v3;
	v10 =	vshrl.u32 v24, $0x3;
	v23 =	vld [tilespmem:s24+$0xFFFFFF40];
	[tilespmem:v12+s16+$0x0] =	vst.idx.msk $0xffff, v11  }
0x1f1: {  	v6 =	vadd.s32 v53, v6;
	v11 =	vshrl.u32 v13, $0x3;
	v10 =	vshll.u32 v10, v1;
	[tilespmem:v17+s16+$0x0] =	vst.idx.msk $0xffff, v15;
	v12 =	vld [tilespmem:s24+$0xFFFFFF80]  }
0x1f2: {  	v5 =	vadd.s32 v57, v5;
	v13 =	vshrl.u32 v16, $0x3;
	v10 =	vbroadcast v10, $0x0;
	[tilespmem:v20+s16+$0x0] =	vst.idx.msk $0xffff, v18;
	v15 =	vld [tilespmem:s24+$0xFFFFFFC0]  }
0x1f3: {  	v16 =	vshll.u32 v22, v1;
	v18 =	vadd.s32 v34, v2;
	v2 =	vbroadcast v14, $0x0;
	v17 =	vld [tilespmem:s24+$0xFFFFFE40];
	[tilespmem:v21+s16+$0x0] =	vst.idx.msk $0xffff, v19;
	s24 =	sadd.s32 $0x200, s24  }
0x1f4: {  	v9 =	vshll.u32 v9, v1;
	v14 =	vbroadcast v16, $0x0;
	v16 =	vld [tilespmem:s24+$0xFFFFFFD0];
	v19 =	vadd.s32 v58, v10;
	[tilespmem:v4+s16+$0x0] =	vst.idx.msk $0xffff, v25  }
0x1f5: {  	v24 =	vbroadcast v9, $0x0;
	v21 =	vadd.s32 v30, v2;
	v4 =	vshll.u32 v11, v1;
	v20 =	vld [tilespmem:s24+$0xFFFFFE10];
	[tilespmem:v3+s16+$0x0] =	vst.idx.msk $0xffff, v23  }
0x1f6: {  	v11 =	vadd.s32 v33, v14;
	v4 =	vbroadcast v4, $0x0;
	v3 =	vshll.u32 v13, v1;
	v9 =	vld [tilespmem:s24+$0xFFFFFE50];
	[tilespmem:v6+s16+$0x0] =	vst.idx.msk $0xffff, v12  }
0x1f7: {  	v13 =	vadd.s32 v38, v24;
	v3 =	vbroadcast v3, $0x0;
	v6 =	vshrl.u32 v7, $0x3;
	v12 =	vld [tilespmem:s24+$0xFFFFFE90];
	[tilespmem:v5+s16+$0x0] =	vst.idx.msk $0xffff, v15  }
0x1f8: {  	v8 =	vshrl.u32 v8, $0x3;
	v15 =	vadd.s32 v42, v4;
	v5 =	vshll.u32 v6, v1;
	v7 =	vld [tilespmem:s24+$0xFFFFFED0];
	[tilespmem:v18+s16+$0x0] =	vst.idx.msk $0xffff, v17  }
0x1f9: {  	v18 =	vadd.s32 v46, v3;
	v6 =	vbroadcast v5, $0x0;
	v5 =	vshll.u32 v8, v1;
	v17 =	vld [tilespmem:s24+$0xFFFFFF10];
	[tilespmem:v19+s16+$0x0] =	vst.idx.msk $0xffff, v16  }
0x1fa: {  	v5 =	vbroadcast v5, $0x0;
	v16 =	vadd.s32 v59, v10;
	[tilespmem:v21+s16+$0x0] =	vst.idx.msk $0xffff, v20;
	v8 =	vld [tilespmem:s24+$0xFFFFFFE0]  }
0x1fb: {  	[tilespmem:v11+s16+$0x0] =	vst.idx.msk $0xffff, v9;
	v9 =	vld [tilespmem:s24+$0xFFFFFF50];
	v11 =	vadd.s32 v50, v6  }
0x1fc: {  	[tilespmem:v13+s16+$0x0] =	vst.idx.msk $0xffff, v12;
	v12 =	vld [tilespmem:s24+$0xFFFFFF90];
	v13 =	vadd.s32 v54, v5  }
0x1fd: {  	v20 =	vadd.s32 v35, v14;
	v19 =	vld [tilespmem:s24+$0xFFFFFE60];
	[tilespmem:v15+s16+$0x0] =	vst.idx.msk $0xffff, v7  }
0x1fe: {  	v15 =	vadd.s32 v39, v24;
	v7 =	vld [tilespmem:s24+$0xFFFFFEA0];
	[tilespmem:v18+s16+$0x0] =	vst.idx.msk $0xffff, v17  }
0x1ff: {  	v18 =	vadd.s32 v43, v4;
	v17 =	vld [tilespmem:s24+$0xFFFFFEE0];
	[tilespmem:v16+s16+$0x0] =	vst.idx.msk $0xffff, v8  }
0x200: {  	[tilespmem:v11+s16+$0x0] =	vst.idx.msk $0xffff, v9;
	v8 =	vld [tilespmem:s24+$0xFFFFFFF0];
	v9 =	vadd.s32 v60, v10  }
0x201: {  	v16 =	vadd.s32 v47, v3;
	v11 =	vld [tilespmem:s24+$0xFFFFFF20];
	[tilespmem:v13+s16+$0x0] =	vst.idx.msk $0xffff, v12  }
0x202: {  	v13 =	vadd.s32 v51, v6;
	[tilespmem:v20+s16+$0x0] =	vst.idx.msk $0xffff, v19;
	v12 =	vld [tilespmem:s24+$0xFFFFFF60]  }
0x203: {  	[tilespmem:v15+s16+$0x0] =	vst.idx.msk $0xffff, v7;
	v7 =	vld [tilespmem:s24+$0xFFFFFFA0];
	v15 =	vadd.s32 v55, v5  }
0x204: {  	v20 =	vadd.s32 v31, v2;
	v19 =	vld [tilespmem:s24+$0xFFFFFE20];
	[tilespmem:v18+s16+$0x0] =	vst.idx.msk $0xffff, v17  }
0x205: {  	v18 =	vadd.s32 v36, v14;
	v17 =	vld [tilespmem:s24+$0xFFFFFE70];
	[tilespmem:v9+s16+$0x0] =	vst.idx.msk $0xffff, v8  }
0x206: {  	[tilespmem:v16+s16+$0x0] =	vst.idx.msk $0xffff, v11;
	v8 =	vld [tilespmem:s24+$0x0];
	v16 =	vadd.s32 v61, v10  }
0x207: {  	v25 =	vadd.s32 v40, v24;
	v21 =	vld [tilespmem:s24+$0xFFFFFEB0];
	[tilespmem:v13+s16+$0x0] =	vst.idx.msk $0xffff, v12  }
0x208: {  	v27 =	vadd.s32 v44, v4;
	v26 =	vld [tilespmem:s24+$0xFFFFFEF0];
	[tilespmem:v15+s16+$0x0] =	vst.idx.msk $0xffff, v7  }
0x209: {  	v29 =	vadd.s32 v48, v3;
	[tilespmem:v20+s16+$0x0] =	vst.idx.msk $0xffff, v19;
	v28 =	vld [tilespmem:s24+$0xFFFFFF30]  }
.Ltmp4:
0x20a: {  	s26 =	sadd.s32 $0x1, s25;
	v10 =	vadd.s32 v52, v6;
	v7 =	vmov s25;
	[tilespmem:v18+s16+$0x0] =	vst.idx.msk $0xffff, v17;
	v9 =	vld [tilespmem:s24+$0xFFFFFF70];
	(pc) =	sbr.rel @p0 .LBB2_11-.Ltmp4, $4  }
0x20b: {  	s28 =	sadd.s32 $0x3, s25;
	v22 =	vmov s26;
	s26 =	sadd.s32 $0x2, s25;
	v12 =	vadd.s32 v56, v5;
	v19 =	vshrl.u32 v7, $0x3;
	v11 =	vld [tilespmem:s24+$0xFFFFFFB0];
	[tilespmem:v16+s16+$0x0] =	vst.idx.msk $0xffff, v8  }
0x20c: {  	v23 =	vmov s26;
	s26 =	sadd.s32 $0x4, s25;
	v13 =	vmov s28;
	s28 =	sadd.s32 $0x5, s25;
	v17 =	vadd.s32 v32, v2;
	v15 =	vld [tilespmem:s24+$0xFFFFFE30];
	[tilespmem:v25+s16+$0x0] =	vst.idx.msk $0xffff, v21  }
0x20d: {  	v7 =	vmov s28;
	v20 =	vadd.s32 v37, v14;
	v16 =	vmov s26;
	s26 =	sadd.s32 $0x6, s25;
	v18 =	vld [tilespmem:s24+$0xFFFFFE80];
	[tilespmem:v27+s16+$0x0] =	vst.idx.msk $0xffff, v26  }
0x20e: {  	v14 =	vshll.u32 v19, v1;
	v8 =	vmov s26;
	s26 =	sadd.s32 $0x7, s25;
	s25 =	sadd.s32 $0x8, s25;
	v21 =	vadd.s32 v41, v24;
	v19 =	vld [tilespmem:s24+$0xFFFFFEC0];
	[tilespmem:v29+s16+$0x0] =	vst.idx.msk $0xffff, v28  }
0x20f: {  	_ =	sdelay $0x2  }
0x210: {  	v22 =	vshrl.u32 v22, $0x3;
	v24 =	vmov s26  }
0x211: {  	v4 =	vadd.s32 v45, v4;
	[tilespmem:v10+s16+$0x0] =	vst.idx.msk $0xffff, v9;
	v9 =	vshrl.u32 v23, $0x3;
	v3 =	vadd.s32 v49, v3  }
0x212: {  	v25 =	vld [tilespmem:s24+$0xFFFFFF00];
	v27 =	vshrl.u32 v13, $0x3;
	v5 =	vadd.s32 v57, v5;
	v2 =	vadd.s32 v34, v2  }
0x213: {  	v23 =	vld [tilespmem:s24+$0xFFFFFF40];
	v13 =	vshrl.u32 v16, $0x3;
	[tilespmem:v12+s16+$0x0] =	vst.idx.msk $0xffff, v11;
	v22 =	vshll.u32 v22, v1;
	v9 =	vshll.u32 v9, v1  }
0x214: {  	v26 =	vshrl.u32 v24, $0x3;
	[tilespmem:v17+s16+$0x0] =	vst.idx.msk $0xffff, v15;
	v62 =	vld [tilespmem:s24+$0xFFFFFFC0];
	v16 =	vbroadcast v22, $0x0;
	v9 =	vbroadcast v9, $0x0  }
0x215: {  	v14 =	vbroadcast v14, $0x0;
	s31 =	sadd.s32 $0x200, s24;
	v11 =	vshll.u32 v27, v1;
	v10 =	vshll.u32 v26, v1;
	[tilespmem:v20+s16+$0x0] =	vst.idx.msk $0xffff, v18;
	v17 =	vld [tilespmem:s24+$0xFFFFFE40]  }
0x216: {  	[tilespmem:v21+s16+$0x0] =	vst.idx.msk $0xffff, v19;
	v27 =	vadd.s32 v33, v16;
	v33 =	vld [tilespmem:s31+$0xFFFFFE90];
	v38 =	vadd.s32 v38, v9  }
0x217: {  	v26 =	vadd.s32 v30, v14;
	v10 =	vbroadcast v10, $0x0;
	[tilespmem:v4+s16+$0x0] =	vst.idx.msk $0xffff, v25;
	v25 =	vld [tilespmem:s31+$0xFFFFFE10]  }
0x218: {  	v6 =	vadd.s32 v53, v6;
	v7 =	vshrl.u32 v7, $0x3;
	[tilespmem:v3+s16+$0x0] =	vst.idx.msk $0xffff, v23;
	v3 =	vld [tilespmem:s31+$0xFFFFFE50]  }
0x219: {  	v13 =	vshll.u32 v13, v1;
	v11 =	vbroadcast v11, $0x0;
	v18 =	vld [tilespmem:s31+$0xFFFFFFD0];
	v24 =	vadd.s32 v58, v10;
	[tilespmem:v5+s16+$0x0] =	vst.idx.msk $0xffff, v62  }
0x21a: {  	v8 =	vshrl.u32 v8, $0x3;
	v12 =	vld [tilespmem:s24+$0xFFFFFF80];
	v7 =	vshll.u32 v7, v1;
	v13 =	vbroadcast v13, $0x0;
	[tilespmem:v2+s16+$0x0] =	vst.idx.msk $0xffff, v17  }
0x21b: {  	v8 =	vshll.u32 v8, v1;
	v7 =	vbroadcast v7, $0x0;
	v58 =	vadd.s32 v42, v11;
	v5 =	vld [tilespmem:s31+$0xFFFFFED0];
	[tilespmem:v38+s16+$0x0] =	vst.idx.msk $0xffff, v33  }
0x21c: {  	v4 =	vbroadcast v8, $0x0;
	v62 =	vadd.s32 v46, v13;
	v2 =	vld [tilespmem:s31+$0xFFFFFF10];
	[tilespmem:v26+s16+$0x0] =	vst.idx.msk $0xffff, v25  }
0x21d: {  	[tilespmem:v27+s16+$0x0] =	vst.idx.msk $0xffff, v3;
	v3 =	vld [tilespmem:s31+$0xFFFFFF50];
	v26 =	vadd.s32 v50, v7  }
0x21e: {  	v33 =	vadd.s32 v54, v4;
	[tilespmem:v24+s16+$0x0] =	vst.idx.msk $0xffff, v18;
	v27 =	vld [tilespmem:s31+$0xFFFFFF90]  }
0x21f: {  	[tilespmem:v6+s16+$0x0] =	vst.idx.msk $0xffff, v12;
	v25 =	vadd.s32 v59, v10;
	v24 =	vld [tilespmem:s31+$0xFFFFFFE0]  }
0x220: {  	v46 =	vld [tilespmem:s31+$0xFFFFFEA0];
	v50 =	vadd.s32 v39, v9;
	[tilespmem:v58+s16+$0x0] =	vst.idx.msk $0xffff, v5  }
0x221: {  	v42 =	vadd.s32 v35, v16;
	v38 =	vld [tilespmem:s31+$0xFFFFFE60];
	[tilespmem:v62+s16+$0x0] =	vst.idx.msk $0xffff, v2  }
0x222: {  	v54 =	vadd.s32 v43, v11;
	v2 =	vld [tilespmem:s31+$0xFFFFFEE0];
	[tilespmem:v26+s16+$0x0] =	vst.idx.msk $0xffff, v3  }
0x223: {  	v58 =	vadd.s32 v60, v10;
	v60 =	vadd.s32 v47, v13;
	v59 =	vld [tilespmem:s31+$0xFFFFFF20];
	[tilespmem:v33+s16+$0x0] =	vst.idx.msk $0xffff, v27  }
0x224: {  	v27 =	vld [tilespmem:s31+$0xFFFFFE20];
	v33 =	vadd.s32 v31, v14;
	[tilespmem:v25+s16+$0x0] =	vst.idx.msk $0xffff, v24  }
0x225: {  	[tilespmem:v50+s16+$0x0] =	vst.idx.msk $0xffff, v46;
	v3 =	vld [tilespmem:s31+$0xFFFFFFF0]  }
0x226: {  	[tilespmem:v42+s16+$0x0] =	vst.idx.msk $0xffff, v38;
	v62 =	vld [tilespmem:s31+$0xFFFFFF60];
	v24 =	vadd.s32 v51, v7  }
0x227: {  	v26 =	vadd.s32 v55, v4;
	v25 =	vld [tilespmem:s31+$0xFFFFFFA0];
	[tilespmem:v54+s16+$0x0] =	vst.idx.msk $0xffff, v2  }
0x228: {  	v40 =	vadd.s32 v40, v9;
	v38 =	vld [tilespmem:s31+$0xFFFFFEB0];
	[tilespmem:v60+s16+$0x0] =	vst.idx.msk $0xffff, v59  }
0x229: {  	v35 =	vadd.s32 v36, v16;
	v2 =	vld [tilespmem:s31+$0xFFFFFE70];
	[tilespmem:v33+s16+$0x0] =	vst.idx.msk $0xffff, v27  }
0x22a: {  	v44 =	vadd.s32 v44, v11;
	v42 =	vld [tilespmem:s31+$0xFFFFFEF0];
	[tilespmem:v58+s16+$0x0] =	vst.idx.msk $0xffff, v3  }
0x22b: {  	v36 =	vadd.s32 v61, v10;
	[tilespmem:v24+s16+$0x0] =	vst.idx.msk $0xffff, v62;
	v3 =	vld [tilespmem:s31+$0x0]  }
0x22c: {  	v48 =	vadd.s32 v48, v13;
	v46 =	vld [tilespmem:s31+$0xFFFFFF30];
	[tilespmem:v26+s16+$0x0] =	vst.idx.msk $0xffff, v25  }
0x22d: {  	v50 =	vadd.s32 v52, v7;
	v52 =	vadd.s32 v56, v4;
	[tilespmem:v40+s16+$0x0] =	vst.idx.msk $0xffff, v38;
	v51 =	vld [tilespmem:s31+$0xFFFFFFB0]  }
0x22e: {  	[tilespmem:v35+s16+$0x0] =	vst.idx.msk $0xffff, v2;
	v2 =	vld [tilespmem:s31+$0xFFFFFF70]  }
0x22f: {  	v9 =	vadd.s32 v41, v9;
	v56 =	vld [tilespmem:s31+$0xFFFFFEC0];
	[tilespmem:v44+s16+$0x0] =	vst.idx.msk $0xffff, v42  }
0x230: {  	v54 =	vadd.s32 v32, v14;
	[tilespmem:v36+s16+$0x0] =	vst.idx.msk $0xffff, v3;
	v3 =	vld [tilespmem:s31+$0xFFFFFE30]  }
0x231: {  	v16 =	vadd.s32 v37, v16;
	v55 =	vld [tilespmem:s31+$0xFFFFFE80];
	[tilespmem:v48+s16+$0x0] =	vst.idx.msk $0xffff, v46  }
0x232: {  	v11 =	vadd.s32 v45, v11;
	v58 =	vld [tilespmem:s31+$0xFFFFFF00];
	[tilespmem:v52+s16+$0x0] =	vst.idx.msk $0xffff, v51  }
0x233: {  	v59 =	vadd.s32 v49, v13;
	[tilespmem:v50+s16+$0x0] =	vst.idx.msk $0xffff, v2;
	v2 =	vld [tilespmem:s31+$0xFFFFFF40]  }
0x234: {  	v4 =	vadd.s32 v57, v4;
	[tilespmem:v9+s16+$0x0] =	vst.idx.msk $0xffff, v56;
	v60 =	vld [tilespmem:s31+$0xFFFFFFC0]  }
0x235: {  	v7 =	vadd.s32 v53, v7;
	[tilespmem:v54+s16+$0x0] =	vst.idx.msk $0xffff, v3;
	v3 =	vld [tilespmem:s31+$0xFFFFFF80]  }
0x236: {  	v62 =	vadd.s32 v34, v14;
	[tilespmem:v16+s16+$0x0] =	vst.idx.msk $0xffff, v55;
	v61 =	vld [tilespmem:s31+$0xFFFFFE40]  }
0x237: {  	s21 =	sadd.s32 s4, s21;
	[tilespmem:v11+s16+$0x0] =	vst.idx.msk $0xffff, v58  }
0x238: {  	s25 =	sshll.u32 s21, $0x7;
	[tilespmem:v59+s16+$0x0] =	vst.idx.msk $0xffff, v2  }
0x239: {  	s21 =	sshll.u32 s21, $0xA;
	s24 =	sand.u32 $0x3F00, s25;
	[tilespmem:v4+s16+$0x0] =	vst.idx.msk $0xffff, v60  }
0x23a: {  	s21 =	sand.u32 $0xFFE0000, s21;
	s24 =	sadd.s32 s2, s24;
	[tilespmem:v7+s16+$0x0] =	vst.idx.msk $0xffff, v3  }
0x23b: {  	s26 =	simm.s32 $0xC400;
	s24 =	sadd.s32 s21, s24;
	[tilespmem:v62+s16+$0x0] =	vst.idx.msk $0xffff, v61  }
0x23c: {  	[hbm4b:s24+s3] =	stream.linear.scatter [tilespmem:s26], [sflag:$0x2], $0x80, $0x38;
	[tilespmem:$0x10800] =	vst v63  }
0x23d: {  	s29 =	simm.s32 $0xC488;
	s25 =	sadd.s32 $0x10, s24  }
0x23e: {  	[hbm4b:s25+s3] =	stream.linear.scatter [tilespmem:s29], [sflag:$0x2], $0x80, $0x38;
	[tilespmem:$0x10800] =	vst v63  }
0x23f: {  	s30 =	simm.s32 $0xC510;
	s21 =	simm.s32 $0x440;
	s31 =	sadd.s32 $0x20, s24  }
0x240: {  	[hbm4b:s31+s3] =	stream.linear.scatter [tilespmem:s30], [sflag:$0x2], $0x80, $0x38;
	[tilespmem:$0x10800] =	vst v63  }
0x241: {  	s28 =	sadd.s32 $0x70, s24;
	s26 =	simm.s32 $0xC598;
	s29 =	sadd.s32 $0x30, s24  }
0x242: {  	[hbm4b:s29+s3] =	stream.linear.scatter [tilespmem:s26], [sflag:$0x2], $0x80, $0x38;
	[tilespmem:$0x10800] =	vst v63  }
0x243: {  	s25 =	simm.s32 $0x2200;
	s30 =	simm.s32 $0xC620;
	s31 =	sadd.s32 $0x40, s24  }
0x244: {  	[hbm4b:s31+s3] =	stream.linear.scatter [tilespmem:s30], [sflag:$0x2], $0x80, $0x38;
	[tilespmem:$0x10800] =	vst v63  }
0x245: {  	s26 =	simm.s32 $0xC6A8;
	s29 =	sadd.s32 $0x50, s24;
	s30 =	simm.s32 $0xC730  }
0x246: {  	[hbm4b:s29+s3] =	stream.linear.scatter [tilespmem:s26], [sflag:$0x2], $0x80, $0x38;
	[tilespmem:$0x10800] =	vst v63  }
0x247: {  	v62 =	vld [tilespmem:$0x1FF70];
	s31 =	sadd.s32 $0x60, s24;
	s24 =	sadd.s32 $0x4000, s24;
	s26 =	simm.s32 $0xC7B8  }
0x248: {  	v37 =	vmov v47;
	v31 =	vmov v39;
	v32 =	vmov v43;
	v0 =	vld [tilespmem:$0x1FF90];
	[hbm4b:s31+s3] =	stream.linear.scatter [tilespmem:s30], [sflag:$0x2], $0x80, $0x38  }
.LBB2_13:
0x249: {  	[hbm4b:s28+s3] =	stream.linear.scatter [tilespmem:s26], [sflag:$0x2], $0x80, $0x38;
	[tilespmem:$0x10800] =	vst v63  }
0x24a: {  	s26 =	smov.u32 s21;
	s21 =	smov.u32 s25  }
0x24b: {  	s29 =	sadd.s32 $0x1100, s25;
	s21 =	sshra.s32 s21, $0x2;
	s28 =	sadd.s32 $0xC400, s26  }
0x24c: {  	[hbm4b:s24+s3] =	stream.linear.scatter [tilespmem:s28], [sflag:$0x2], $0x80, $0x38;
	[tilespmem:$0x10800] =	vst v63  }
0x24d: {  	p0 =	sne.s32 s25, $0x7700;
	s25 =	sadd.s32 $0xC488, s26;
	s28 =	sadd.s32 $0x10, s24  }
0x24e: {  	[hbm4b:s28+s3] =	stream.linear.scatter [tilespmem:s25], [sflag:$0x2], $0x80, $0x38;
	[tilespmem:$0x10800] =	vst v63  }
0x24f: {  	s25 =	sadd.s32 $0xC510, s26;
	s28 =	sadd.s32 $0x20, s24  }
0x250: {  	[hbm4b:s28+s3] =	stream.linear.scatter [tilespmem:s25], [sflag:$0x2], $0x80, $0x38;
	[tilespmem:$0x10800] =	vst v63  }
0x251: {  	s25 =	sadd.s32 $0xC598, s26;
	s28 =	sadd.s32 $0x30, s24  }
0x252: {  	[hbm4b:s28+s3] =	stream.linear.scatter [tilespmem:s25], [sflag:$0x2], $0x80, $0x38;
	[tilespmem:$0x10800] =	vst v63  }
0x253: {  	s25 =	sadd.s32 $0xC620, s26;
	s28 =	sadd.s32 $0x40, s24  }
0x254: {  	[hbm4b:s28+s3] =	stream.linear.scatter [tilespmem:s25], [sflag:$0x2], $0x80, $0x38;
	[tilespmem:$0x10800] =	vst v63  }
.Ltmp5:
0x255: {  	s25 =	sadd.s32 $0xC6A8, s26;
	s28 =	sadd.s32 $0x50, s24;
	(pc) =	sbr.rel @p0 .LBB2_13-.Ltmp5, $4  }
0x256: {  	[hbm4b:s28+s3] =	stream.linear.scatter [tilespmem:s25], [sflag:$0x2], $0x80, $0x38;
	[tilespmem:$0x10800] =	vst v63  }
0x257: {  	s25 =	sadd.s32 $0xC730, s26;
	s28 =	sadd.s32 $0x60, s24;
	s26 =	sadd.s32 $0xC7B8, s26  }
0x258: {  	[hbm4b:s28+s3] =	stream.linear.scatter [tilespmem:s25], [sflag:$0x2], $0x80, $0x38;
	[tilespmem:$0x10800] =	vst v63  }
0x259: {  	s28 =	sadd.s32 $0x70, s24;
	s24 =	sadd.s32 $0x4000, s24;
	s25 =	smov.u32 s29  }
0x25a: {  	[hbm4b:s28+s3] =	stream.linear.scatter [tilespmem:s26], [sflag:$0x2], $0x80, $0x38;
	[tilespmem:$0x10800] =	vst v63  }
0x25b: {  	s25 =	sadd.s32 $0xC400, s21  }
0x25c: {  	[hbm4b:s24+s3] =	stream.linear.scatter [tilespmem:s25], [sflag:$0x2], $0x80, $0x38;
	[tilespmem:$0x10800] =	vst v63  }
0x25d: {  	s28 =	sadd.s32 $0xC488, s21;
	s29 =	sadd.s32 $0x10, s24  }
0x25e: {  	[hbm4b:s29+s3] =	stream.linear.scatter [tilespmem:s28], [sflag:$0x2], $0x80, $0x38;
	[tilespmem:$0x10800] =	vst v63  }
0x25f: {  	s30 =	sadd.s32 $0xC510, s21;
	s31 =	sadd.s32 $0x20, s24  }
0x260: {  	[hbm4b:s31+s3] =	stream.linear.scatter [tilespmem:s30], [sflag:$0x2], $0x80, $0x38;
	[tilespmem:$0x10800] =	vst v63  }
0x261: {  	s28 =	sadd.s32 $0xC598, s21;
	s29 =	sadd.s32 $0x30, s24  }
0x262: {  	[hbm4b:s29+s3] =	stream.linear.scatter [tilespmem:s28], [sflag:$0x2], $0x80, $0x38;
	[tilespmem:$0x10800] =	vst v63  }
0x263: {  	s30 =	sadd.s32 $0xC620, s21;
	s31 =	sadd.s32 $0x40, s24  }
0x264: {  	[hbm4b:s31+s3] =	stream.linear.scatter [tilespmem:s30], [sflag:$0x2], $0x80, $0x38;
	[tilespmem:$0x10800] =	vst v63  }
0x265: {  	s28 =	sadd.s32 $0xC6A8, s21;
	s29 =	sadd.s32 $0x50, s24  }
0x266: {  	[hbm4b:s29+s3] =	stream.linear.scatter [tilespmem:s28], [sflag:$0x2], $0x80, $0x38;
	[tilespmem:$0x10800] =	vst v63  }
0x267: {  	s20 =	sadd.s32 $0x5, s20;
	s30 =	sadd.s32 $0xC730, s21;
	s31 =	sadd.s32 $0x60, s24  }
0x268: {  	[hbm4b:s31+s3] =	stream.linear.scatter [tilespmem:s30], [sflag:$0x2], $0x80, $0x38;
	[tilespmem:$0x10800] =	vst v63  }
0x269: {  	s26 =	sadd.s32 $0x70, s24;
	s25 =	sadd.s32 $0xC7B8, s21;
	s28 =	sshll.u32 s20, $0x7  }
0x26a: {  	[hbm4b:s26+s3] =	stream.linear.scatter [tilespmem:s25], [sflag:$0x2], $0x80, $0x38;
	[tilespmem:$0x10800] =	vst v63  }
0x26b: {  	s21 =	sand.u32 $0x3FFFFF80, s28  }
0x26c: {  	[tilespmem:s14], [sflag:$0x1] =	stream.indirect.gather [hbm4b:s5+s11], $0x40, s21, s11, $0xb8;
	[tilespmem:$0x10800] =	vst v63  }
0x26d: {  	_ =	swait.ge [sflag:s15], $0x2000  }
0x26e: {  	[sflag:s15] =	ssyncset.done $0x0  }
0x26f: {  	[sflag:s15] =	ssyncadd.s32 $0xFFFFE000  }
0x270: {  	s28 =	simm.s32 $0x7;
	_ =	swait.ge [sflag:s17], $0x2000  }
0x271: {  	s29 =	simm.s32 $0x0;
	v7 =	vmov s28;
	v33 =	vld [tilespmem:$0x1FEF0]  }
0x272: {  	v2 =	vmov s29;
	s30 =	simm.s32 $0x1;
	v7 =	vshrl.u32 v7, $0x3;
	v38 =	vld [tilespmem:$0x1FC60]  }
0x273: {  	v2 =	vshrl.u32 v2, $0x3;
	v3 =	vmov s30;
	v7 =	vshll.u32 v7, v1;
	v44 =	vld [tilespmem:$0x1FC90]  }
0x274: {  	s31 =	simm.s32 $0x2;
	v2 =	vshll.u32 v2, v1;
	v3 =	vshrl.u32 v3, $0x3;
	v7 =	vbroadcast v7, $0x0;
	[sflag:s17] =	ssyncset.done $0x0;
	v48 =	vld [tilespmem:$0x1FCC0]  }
0x275: {  	v4 =	vmov s31;
	v2 =	vbroadcast v2, $0x0;
	v3 =	vshll.u32 v3, v1;
	s21 =	simm.s32 $0x6500;
	v52 =	vld [tilespmem:$0x1FCF0];
	[sflag:s17] =	ssyncadd.s32 $0xFFFFE000  }
0x276: {  	s25 =	simm.s32 $0x3;
	v4 =	vshrl.u32 v4, $0x3;
	v14 =	vbroadcast v3, $0x0;
	v11 =	vadd.s32 v62, v7;
	v10 =	vld [tilespmem:s21+$0xC0]  }
0x277: {  	v5 =	vmov s25;
	v3 =	vshll.u32 v4, v1;
	v12 =	vld [tilespmem:s21+$0xFFFFFF00];
	v13 =	vadd.s32 v33, v2  }
0x278: {  	s29 =	simm.s32 $0x5;
	s30 =	simm.s32 $0x6;
	v5 =	vshrl.u32 v5, $0x3;
	v21 =	vbroadcast v3, $0x0;
	v15 =	vld [tilespmem:s21+$0xFFFFFF40];
	v16 =	vadd.s32 v38, v14  }
0x279: {  	v8 =	vmov s29;
	v9 =	vmov s30;
	v3 =	vshll.u32 v5, v1;
	v17 =	vld [tilespmem:s21+$0xFFFFFF80]  }
0x27a: {  	s26 =	simm.s32 $0x4;
	v5 =	vshrl.u32 v8, $0x3;
	v4 =	vbroadcast v3, $0x0;
	v8 =	vld [tilespmem:s21+$0xFFFFFFC0];
	v18 =	vadd.s32 v44, v21  }
0x27b: {  	v6 =	vmov s26;
	v9 =	vshrl.u32 v9, $0x3;
	v20 =	vld [tilespmem:s21+$0x0];
	[tilespmem:v11+s16+$0x0] =	vst.idx.msk $0xffff, v10  }
0x27c: {  	v6 =	vshrl.u32 v6, $0x3;
	v5 =	vshll.u32 v5, v1;
	v19 =	vadd.s32 v48, v4;
	v11 =	vld [tilespmem:s21+$0x40];
	[tilespmem:v13+s16+$0x0] =	vst.idx.msk $0xffff, v12  }
0x27d: {  	v3 =	vshll.u32 v6, v1;
	v6 =	vbroadcast v5, $0x0;
	v5 =	vshll.u32 v9, v1;
	v9 =	vld [tilespmem:s21+$0xD0];
	[tilespmem:v16+s16+$0x0] =	vst.idx.msk $0xffff, v15  }
0x27e: {  	v3 =	vbroadcast v3, $0x0;
	v56 =	vld [tilespmem:$0x1FD30]  }
0x27f: {  	v13 =	vld [tilespmem:s21+$0x80];
	[tilespmem:v18+s16+$0x0] =	vst.idx.msk $0xffff, v17  }
0x280: {  	v22 =	vadd.s32 v52, v3;
	v61 =	vld [tilespmem:$0x1FD70]  }
0x281: {  	v10 =	vadd.s32 v63, v7;
	v39 =	vld [tilespmem:$0x1FC70];
	[tilespmem:v19+s16+$0x0] =	vst.idx.msk $0xffff, v8  }
0x282: {  	v45 =	vld [tilespmem:$0x1FF20]  }
0x283: {  	v5 =	vbroadcast v5, $0x0;
	v16 =	vld [tilespmem:s21+$0xFFFFFF50];
	v12 =	vadd.s32 v56, v6  }
0x284: {  	v8 =	vld [tilespmem:s21+$0xFFFFFF90]  }
0x285: {  	[tilespmem:v22+s16+$0x0] =	vst.idx.msk $0xffff, v20;
	v19 =	vld [tilespmem:s21+$0xFFFFFFD0];
	v15 =	vadd.s32 v61, v5  }
0x286: {  	v49 =	vld [tilespmem:$0x1FCD0];
	[tilespmem:v10+s16+$0x0] =	vst.idx.msk $0xffff, v9;
	v17 =	vadd.s32 v39, v14  }
0x287: {  	v9 =	vld [tilespmem:s21+$0xE0];
	v18 =	vadd.s32 v45, v21  }
0x288: {  	[tilespmem:v12+s16+$0x0] =	vst.idx.msk $0xffff, v11;
	v11 =	vld [tilespmem:s21+$0x10]  }
0x289: {  	v53 =	vld [tilespmem:$0x1FD00]  }
0x28a: {  	[tilespmem:v15+s16+$0x0] =	vst.idx.msk $0xffff, v13;
	v13 =	vld [tilespmem:s21+$0x50]  }
0x28b: {  	v20 =	vadd.s32 v49, v4;
	[tilespmem:v17+s16+$0x0] =	vst.idx.msk $0xffff, v16;
	v17 =	vld [tilespmem:s21+$0xFFFFFF10]  }
0x28c: {  	v57 =	vld [tilespmem:$0x1FD40];
	[tilespmem:v18+s16+$0x0] =	vst.idx.msk $0xffff, v8  }
0x28d: {  	v58 =	vld [tilespmem:$0x1FF40]  }
0x28e: {  	v10 =	vadd.s32 v0, v7;
	v41 =	vld [tilespmem:$0x1FC40]  }
0x28f: {  	v8 =	vld [tilespmem:s21+$0x90];
	v12 =	vadd.s32 v53, v3  }
0x290: {  	[tilespmem:v20+s16+$0x0] =	vst.idx.msk $0xffff, v19;
	v19 =	vld [tilespmem:s21+$0xFFFFFF60]  }
0x291: {  	v24 =	vld [tilespmem:s21+$0xFFFFFFA0];
	v15 =	vadd.s32 v57, v6  }
0x292: {  	v42 =	vld [tilespmem:$0x1FC80];
	v16 =	vadd.s32 v58, v5  }
0x293: {  	[tilespmem:v10+s16+$0x0] =	vst.idx.msk $0xffff, v9;
	v26 =	vld [tilespmem:s21+$0xFFFFFFE0];
	v18 =	vadd.s32 v41, v2  }
0x294: {  	v23 =	vld [tilespmem:s21+$0xF0];
	[tilespmem:v12+s16+$0x0] =	vst.idx.msk $0xffff, v11  }
0x295: {  	v40 =	vld [tilespmem:$0x1FC00]  }
0x296: {  	v46 =	vld [tilespmem:$0x1FCA0];
	[tilespmem:v15+s16+$0x0] =	vst.idx.msk $0xffff, v13  }
0x297: {  	v20 =	vadd.s32 v42, v14;
	v50 =	vld [tilespmem:$0x1FCE0];
	[tilespmem:v16+s16+$0x0] =	vst.idx.msk $0xffff, v8  }
0x298: {  	v28 =	vld [tilespmem:s21+$0x20];
	[tilespmem:v18+s16+$0x0] =	vst.idx.msk $0xffff, v17  }
0x299: {  	v54 =	vld [tilespmem:$0x1FD10]  }
0x29a: {  	v9 =	vld [tilespmem:s21+$0x60];
	v7 =	vadd.s32 v40, v7  }
0x29b: {  	v11 =	vld [tilespmem:s21+$0xA0];
	v25 =	vadd.s32 v46, v21  }
0x29c: {  	[tilespmem:v20+s16+$0x0] =	vst.idx.msk $0xffff, v19;
	v15 =	vld [tilespmem:s21+$0xFFFFFF20]  }
0x29d: {  	v59 =	vld [tilespmem:$0x1FD50];
	v27 =	vadd.s32 v50, v4  }
0x29e: {  	v30 =	vld [tilespmem:$0x1FF50];
	v29 =	vadd.s32 v54, v3  }
0x29f: {  	v18 =	vld [tilespmem:s21+$0xFFFFFF70];
	[tilespmem:v7+s16+$0x0] =	vst.idx.msk $0xffff, v23  }
0x2a0: {  	v34 =	vld [tilespmem:$0x1FC50];
	[tilespmem:v25+s16+$0x0] =	vst.idx.msk $0xffff, v24  }
0x2a1: {  	v43 =	vld [tilespmem:$0x1FF10]  }
0x2a2: {  	[tilespmem:v27+s16+$0x0] =	vst.idx.msk $0xffff, v26;
	v19 =	vld [tilespmem:s21+$0xFFFFFFB0]  }
0x2a3: {  	s25 =	simm.s32 $0x9;
	v47 =	vld [tilespmem:$0x1FCB0];
	[tilespmem:v29+s16+$0x0] =	vst.idx.msk $0xffff, v28  }
0x2a4: {  	s28 =	simm.s32 $0xB;
	s31 =	simm.s32 $0x8;
	v22 =	vmov s25;
	v10 =	vadd.s32 v59, v6;
	v51 =	vld [tilespmem:$0x1FF30]  }
0x2a5: {  	s29 =	simm.s32 $0xC;
	v13 =	vmov s28;
	v8 =	vmov s31;
	v12 =	vadd.s32 v30, v5;
	v55 =	vld [tilespmem:$0x1FD20]  }
0x2a6: {  	s30 =	simm.s32 $0xD;
	s26 =	simm.s32 $0xA;
	v16 =	vmov s29;
	v8 =	vshrl.u32 v8, $0x3;
	v60 =	vld [tilespmem:$0x1FD60];
	v17 =	vadd.s32 v34, v2  }
0x2a7: {  	s31 =	simm.s32 $0xE;
	v23 =	vmov s26;
	v7 =	vmov s30;
	v35 =	vld [tilespmem:$0x1FF60];
	v20 =	vadd.s32 v43, v14  }
0x2a8: {  	s24 =	simm.s32 $0x10;
	s25 =	simm.s32 $0xF;
	v36 =	vld [tilespmem:$0x1FF00];
	v14 =	vshll.u32 v8, v1;
	v8 =	vmov s31;
	v21 =	vadd.s32 v47, v21  }
.LBB2_15:
0x2a9: {  	p0 =	slt.u32 s24, $0x78;
	v22 =	vshrl.u32 v22, $0x3;
	v24 =	vmov s25;
	v25 =	vld [tilespmem:s21+$0xFFFFFFF0];
	v4 =	vadd.s32 v51, v4;
	[tilespmem:v10+s16+$0x0] =	vst.idx.msk $0xffff, v9  }
0x2aa: {  	v9 =	vshrl.u32 v23, $0x3;
	v3 =	vadd.s32 v55, v3;
	v10 =	vshrl.u32 v24, $0x3;
	v23 =	vld [tilespmem:s21+$0x30];
	[tilespmem:v12+s16+$0x0] =	vst.idx.msk $0xffff, v11  }
0x2ab: {  	v6 =	vadd.s32 v60, v6;
	v11 =	vshrl.u32 v13, $0x3;
	v10 =	vshll.u32 v10, v1;
	[tilespmem:v17+s16+$0x0] =	vst.idx.msk $0xffff, v15;
	v12 =	vld [tilespmem:s21+$0x70]  }
0x2ac: {  	v5 =	vadd.s32 v35, v5;
	v13 =	vshrl.u32 v16, $0x3;
	v10 =	vbroadcast v10, $0x0;
	[tilespmem:v20+s16+$0x0] =	vst.idx.msk $0xffff, v18;
	v15 =	vld [tilespmem:s21+$0xB0]  }
0x2ad: {  	v16 =	vshll.u32 v22, v1;
	v18 =	vadd.s32 v36, v2;
	v2 =	vbroadcast v14, $0x0;
	v17 =	vld [tilespmem:s21+$0xFFFFFF30];
	[tilespmem:v21+s16+$0x0] =	vst.idx.msk $0xffff, v19;
	s21 =	sadd.s32 $0x200, s21  }
0x2ae: {  	v9 =	vshll.u32 v9, v1;
	v14 =	vbroadcast v16, $0x0;
	v16 =	vld [tilespmem:s21+$0xC0];
	v19 =	vadd.s32 v62, v10;
	[tilespmem:v4+s16+$0x0] =	vst.idx.msk $0xffff, v25  }
0x2af: {  	v24 =	vbroadcast v9, $0x0;
	v21 =	vadd.s32 v33, v2;
	v4 =	vshll.u32 v11, v1;
	v20 =	vld [tilespmem:s21+$0xFFFFFF00];
	[tilespmem:v3+s16+$0x0] =	vst.idx.msk $0xffff, v23  }
0x2b0: {  	v11 =	vadd.s32 v38, v14;
	v4 =	vbroadcast v4, $0x0;
	v3 =	vshll.u32 v13, v1;
	v9 =	vld [tilespmem:s21+$0xFFFFFF40];
	[tilespmem:v6+s16+$0x0] =	vst.idx.msk $0xffff, v12  }
0x2b1: {  	v13 =	vadd.s32 v44, v24;
	v3 =	vbroadcast v3, $0x0;
	v6 =	vshrl.u32 v7, $0x3;
	v12 =	vld [tilespmem:s21+$0xFFFFFF80];
	[tilespmem:v5+s16+$0x0] =	vst.idx.msk $0xffff, v15  }
0x2b2: {  	v8 =	vshrl.u32 v8, $0x3;
	v15 =	vadd.s32 v48, v4;
	v5 =	vshll.u32 v6, v1;
	v7 =	vld [tilespmem:s21+$0xFFFFFFC0];
	[tilespmem:v18+s16+$0x0] =	vst.idx.msk $0xffff, v17  }
0x2b3: {  	v18 =	vadd.s32 v52, v3;
	v6 =	vbroadcast v5, $0x0;
	v5 =	vshll.u32 v8, v1;
	v17 =	vld [tilespmem:s21+$0x0];
	[tilespmem:v19+s16+$0x0] =	vst.idx.msk $0xffff, v16  }
0x2b4: {  	v5 =	vbroadcast v5, $0x0;
	v16 =	vadd.s32 v63, v10;
	[tilespmem:v21+s16+$0x0] =	vst.idx.msk $0xffff, v20;
	v8 =	vld [tilespmem:s21+$0xD0]  }
0x2b5: {  	[tilespmem:v11+s16+$0x0] =	vst.idx.msk $0xffff, v9;
	v9 =	vld [tilespmem:s21+$0x40];
	v11 =	vadd.s32 v56, v6  }
0x2b6: {  	[tilespmem:v13+s16+$0x0] =	vst.idx.msk $0xffff, v12;
	v12 =	vld [tilespmem:s21+$0x80];
	v13 =	vadd.s32 v61, v5  }
0x2b7: {  	v20 =	vadd.s32 v39, v14;
	v19 =	vld [tilespmem:s21+$0xFFFFFF50];
	[tilespmem:v15+s16+$0x0] =	vst.idx.msk $0xffff, v7  }
0x2b8: {  	v15 =	vadd.s32 v45, v24;
	v7 =	vld [tilespmem:s21+$0xFFFFFF90];
	[tilespmem:v18+s16+$0x0] =	vst.idx.msk $0xffff, v17  }
0x2b9: {  	v18 =	vadd.s32 v49, v4;
	v17 =	vld [tilespmem:s21+$0xFFFFFFD0];
	[tilespmem:v16+s16+$0x0] =	vst.idx.msk $0xffff, v8  }
0x2ba: {  	[tilespmem:v11+s16+$0x0] =	vst.idx.msk $0xffff, v9;
	v8 =	vld [tilespmem:s21+$0xE0];
	v9 =	vadd.s32 v0, v10  }
0x2bb: {  	v16 =	vadd.s32 v53, v3;
	v11 =	vld [tilespmem:s21+$0x10];
	[tilespmem:v13+s16+$0x0] =	vst.idx.msk $0xffff, v12  }
0x2bc: {  	v13 =	vadd.s32 v57, v6;
	[tilespmem:v20+s16+$0x0] =	vst.idx.msk $0xffff, v19;
	v12 =	vld [tilespmem:s21+$0x50]  }
0x2bd: {  	[tilespmem:v15+s16+$0x0] =	vst.idx.msk $0xffff, v7;
	v7 =	vld [tilespmem:s21+$0x90];
	v15 =	vadd.s32 v58, v5  }
0x2be: {  	v20 =	vadd.s32 v41, v2;
	v19 =	vld [tilespmem:s21+$0xFFFFFF10];
	[tilespmem:v18+s16+$0x0] =	vst.idx.msk $0xffff, v17  }
0x2bf: {  	v18 =	vadd.s32 v42, v14;
	v17 =	vld [tilespmem:s21+$0xFFFFFF60];
	[tilespmem:v9+s16+$0x0] =	vst.idx.msk $0xffff, v8  }
0x2c0: {  	[tilespmem:v16+s16+$0x0] =	vst.idx.msk $0xffff, v11;
	v8 =	vld [tilespmem:s21+$0xF0];
	v16 =	vadd.s32 v40, v10  }
0x2c1: {  	v25 =	vadd.s32 v46, v24;
	v21 =	vld [tilespmem:s21+$0xFFFFFFA0];
	[tilespmem:v13+s16+$0x0] =	vst.idx.msk $0xffff, v12  }
0x2c2: {  	v27 =	vadd.s32 v50, v4;
	v26 =	vld [tilespmem:s21+$0xFFFFFFE0];
	[tilespmem:v15+s16+$0x0] =	vst.idx.msk $0xffff, v7  }
0x2c3: {  	v29 =	vadd.s32 v54, v3;
	[tilespmem:v20+s16+$0x0] =	vst.idx.msk $0xffff, v19;
	v28 =	vld [tilespmem:s21+$0x20]  }
.Ltmp6:
0x2c4: {  	s25 =	sadd.s32 $0x1, s24;
	v10 =	vadd.s32 v59, v6;
	v7 =	vmov s24;
	[tilespmem:v18+s16+$0x0] =	vst.idx.msk $0xffff, v17;
	v9 =	vld [tilespmem:s21+$0x60];
	(pc) =	sbr.rel @p0 .LBB2_15-.Ltmp6, $4  }
0x2c5: {  	s26 =	sadd.s32 $0x3, s24;
	v22 =	vmov s25;
	s25 =	sadd.s32 $0x2, s24;
	v12 =	vadd.s32 v30, v5;
	v19 =	vshrl.u32 v7, $0x3;
	v11 =	vld [tilespmem:s21+$0xA0];
	[tilespmem:v16+s16+$0x0] =	vst.idx.msk $0xffff, v8  }
0x2c6: {  	v23 =	vmov s25;
	s25 =	sadd.s32 $0x4, s24;
	v13 =	vmov s26;
	s26 =	sadd.s32 $0x5, s24;
	v17 =	vadd.s32 v34, v2;
	v15 =	vld [tilespmem:s21+$0xFFFFFF20];
	[tilespmem:v25+s16+$0x0] =	vst.idx.msk $0xffff, v21  }
0x2c7: {  	v7 =	vmov s26;
	v20 =	vadd.s32 v43, v14;
	v16 =	vmov s25;
	s25 =	sadd.s32 $0x6, s24;
	v18 =	vld [tilespmem:s21+$0xFFFFFF70];
	[tilespmem:v27+s16+$0x0] =	vst.idx.msk $0xffff, v26  }
0x2c8: {  	v14 =	vshll.u32 v19, v1;
	v8 =	vmov s25;
	s25 =	sadd.s32 $0x7, s24;
	s24 =	sadd.s32 $0x8, s24;
	v21 =	vadd.s32 v47, v24;
	v19 =	vld [tilespmem:s21+$0xFFFFFFB0];
	[tilespmem:v29+s16+$0x0] =	vst.idx.msk $0xffff, v28  }
0x2c9: {  	_ =	sdelay $0x2  }
0x2ca: {  	v26 =	vmov v34;
	v34 =	vld [tilespmem:$0x1FFD0];
	v22 =	vshrl.u32 v22, $0x3;
	v24 =	vmov s25  }
0x2cb: {  	v25 =	vld [tilespmem:s21+$0xFFFFFFF0];
	v4 =	vadd.s32 v51, v4;
	[tilespmem:v10+s16+$0x0] =	vst.idx.msk $0xffff, v9;
	v3 =	vadd.s32 v55, v3;
	v24 =	vshrl.u32 v24, $0x3  }
0x2cc: {  	v9 =	vshrl.u32 v23, $0x3;
	v23 =	vld [tilespmem:s21+$0x30];
	v6 =	vadd.s32 v60, v6;
	[tilespmem:v12+s16+$0x0] =	vst.idx.msk $0xffff, v11;
	v10 =	vshll.u32 v24, v1  }
0x2cd: {  	v5 =	vadd.s32 v35, v5;
	v14 =	vbroadcast v14, $0x0;
	v12 =	vld [tilespmem:s21+$0x70];
	[tilespmem:v17+s16+$0x0] =	vst.idx.msk $0xffff, v15;
	v10 =	vbroadcast v10, $0x0  }
0x2ce: {  	v2 =	vadd.s32 v36, v2;
	s31 =	sadd.s32 $0x200, s21;
	v11 =	vshrl.u32 v13, $0x3;
	v27 =	vshll.u32 v22, v1;
	[tilespmem:v20+s16+$0x0] =	vst.idx.msk $0xffff, v18;
	v17 =	vld [tilespmem:s21+$0xFFFFFF30]  }
0x2cf: {  	v13 =	vshrl.u32 v16, $0x3;
	v16 =	vbroadcast v27, $0x0;
	v18 =	vld [tilespmem:s31+$0xC0];
	[tilespmem:v21+s16+$0x0] =	vst.idx.msk $0xffff, v19;
	v62 =	vadd.s32 v62, v10  }
0x2d0: {  	v9 =	vshll.u32 v9, v1;
	v24 =	vld [tilespmem:s31+$0xFFFFFF00];
	[tilespmem:v4+s16+$0x0] =	vst.idx.msk $0xffff, v25;
	v25 =	vadd.s32 v33, v14  }
0x2d1: {  	v9 =	vbroadcast v9, $0x0;
	v11 =	vshll.u32 v11, v1;
	v27 =	vadd.s32 v38, v16;
	[tilespmem:v3+s16+$0x0] =	vst.idx.msk $0xffff, v23;
	v3 =	vld [tilespmem:s31+$0xFFFFFF40]  }
0x2d2: {  	v7 =	vshrl.u32 v7, $0x3;
	v15 =	vld [tilespmem:s21+$0xB0];
	v13 =	vshll.u32 v13, v1;
	v11 =	vbroadcast v11, $0x0;
	[tilespmem:v6+s16+$0x0] =	vst.idx.msk $0xffff, v12  }
0x2d3: {  	v7 =	vshll.u32 v7, v1;
	v13 =	vbroadcast v13, $0x0;
	v38 =	vadd.s32 v44, v9;
	v33 =	vld [tilespmem:s31+$0xFFFFFF80];
	[tilespmem:v2+s16+$0x0] =	vst.idx.msk $0xffff, v17  }
0x2d4: {  	v8 =	vshrl.u32 v8, $0x3;
	v7 =	vbroadcast v7, $0x0;
	v44 =	vld [tilespmem:s31+$0xFFFFFFC0];
	v48 =	vadd.s32 v48, v11;
	[tilespmem:v62+s16+$0x0] =	vst.idx.msk $0xffff, v18  }
0x2d5: {  	v8 =	vshll.u32 v8, v1;
	v52 =	vadd.s32 v52, v13;
	v2 =	vld [tilespmem:s31+$0x0];
	[tilespmem:v25+s16+$0x0] =	vst.idx.msk $0xffff, v24  }
0x2d6: {  	v4 =	vbroadcast v8, $0x0;
	[tilespmem:v27+s16+$0x0] =	vst.idx.msk $0xffff, v3;
	v3 =	vld [tilespmem:s31+$0x40];
	v25 =	vadd.s32 v56, v7  }
0x2d7: {  	[tilespmem:v5+s16+$0x0] =	vst.idx.msk $0xffff, v15;
	v24 =	vadd.s32 v63, v10;
	v62 =	vld [tilespmem:s31+$0xD0]  }
0x2d8: {  	[tilespmem:v38+s16+$0x0] =	vst.idx.msk $0xffff, v33;
	v27 =	vld [tilespmem:s31+$0x80];
	v33 =	vadd.s32 v61, v4  }
0x2d9: {  	v39 =	vadd.s32 v39, v16;
	[tilespmem:v48+s16+$0x0] =	vst.idx.msk $0xffff, v44;
	v38 =	vld [tilespmem:s31+$0xFFFFFF50]  }
0x2da: {  	v48 =	vadd.s32 v45, v9;
	v44 =	vld [tilespmem:s31+$0xFFFFFF90];
	[tilespmem:v52+s16+$0x0] =	vst.idx.msk $0xffff, v2  }
0x2db: {  	v2 =	vld [tilespmem:s31+$0xFFFFFFD0];
	v52 =	vadd.s32 v49, v11;
	[tilespmem:v25+s16+$0x0] =	vst.idx.msk $0xffff, v3  }
0x2dc: {  	v61 =	vld [tilespmem:s31+$0x10];
	[tilespmem:v24+s16+$0x0] =	vst.idx.msk $0xffff, v62;
	v62 =	vadd.s32 v53, v13  }
0x2dd: {  	[tilespmem:v33+s16+$0x0] =	vst.idx.msk $0xffff, v27;
	v63 =	vld [tilespmem:s31+$0x50];
	v24 =	vadd.s32 v57, v7  }
0x2de: {  	v56 =	vadd.s32 v0, v10;
	[tilespmem:v39+s16+$0x0] =	vst.idx.msk $0xffff, v38;
	v3 =	vld [tilespmem:s31+$0xE0]  }
0x2df: {  	v27 =	vadd.s32 v58, v4;
	[tilespmem:v48+s16+$0x0] =	vst.idx.msk $0xffff, v44;
	v25 =	vld [tilespmem:s31+$0x90]  }
0x2e0: {  	v33 =	vld [tilespmem:s31+$0xFFFFFF10];
	v38 =	vadd.s32 v41, v14;
	[tilespmem:v52+s16+$0x0] =	vst.idx.msk $0xffff, v2  }
0x2e1: {  	v39 =	vadd.s32 v42, v16;
	v44 =	vadd.s32 v46, v9;
	v42 =	vld [tilespmem:s31+$0xFFFFFFA0];
	[tilespmem:v62+s16+$0x0] =	vst.idx.msk $0xffff, v61  }
0x2e2: {  	v2 =	vld [tilespmem:s31+$0xFFFFFF60];
	[tilespmem:v24+s16+$0x0] =	vst.idx.msk $0xffff, v63  }
0x2e3: {  	v46 =	vadd.s32 v50, v11;
	v45 =	vld [tilespmem:s31+$0xFFFFFFE0];
	[tilespmem:v56+s16+$0x0] =	vst.idx.msk $0xffff, v3  }
0x2e4: {  	v41 =	vadd.s32 v40, v10;
	[tilespmem:v27+s16+$0x0] =	vst.idx.msk $0xffff, v25;
	v3 =	vld [tilespmem:s31+$0xF0]  }
0x2e5: {  	v49 =	vadd.s32 v54, v13;
	[tilespmem:v38+s16+$0x0] =	vst.idx.msk $0xffff, v33;
	v48 =	vld [tilespmem:s31+$0x20]  }
0x2e6: {  	v53 =	vadd.s32 v30, v4;
	v52 =	vld [tilespmem:s31+$0xA0];
	[tilespmem:v44+s16+$0x0] =	vst.idx.msk $0xffff, v42  }
0x2e7: {  	v50 =	vadd.s32 v59, v7;
	[tilespmem:v39+s16+$0x0] =	vst.idx.msk $0xffff, v2;
	v2 =	vld [tilespmem:s31+$0x60]  }
0x2e8: {  	v9 =	vadd.s32 v47, v9;
	v57 =	vld [tilespmem:s31+$0xFFFFFFB0];
	[tilespmem:v46+s16+$0x0] =	vst.idx.msk $0xffff, v45  }
0x2e9: {  	v54 =	vadd.s32 v26, v14;
	[tilespmem:v41+s16+$0x0] =	vst.idx.msk $0xffff, v3;
	v3 =	vld [tilespmem:s31+$0xFFFFFF20]  }
0x2ea: {  	v16 =	vadd.s32 v43, v16;
	v56 =	vld [tilespmem:s31+$0xFFFFFF70];
	[tilespmem:v49+s16+$0x0] =	vst.idx.msk $0xffff, v48  }
0x2eb: {  	v11 =	vadd.s32 v51, v11;
	v58 =	vld [tilespmem:s31+$0xFFFFFFF0];
	[tilespmem:v53+s16+$0x0] =	vst.idx.msk $0xffff, v52  }
0x2ec: {  	v59 =	vadd.s32 v55, v13;
	[tilespmem:v50+s16+$0x0] =	vst.idx.msk $0xffff, v2;
	v2 =	vld [tilespmem:s31+$0x30]  }
0x2ed: {  	v4 =	vadd.s32 v35, v4;
	v61 =	vld [tilespmem:s31+$0xB0];
	[tilespmem:v9+s16+$0x0] =	vst.idx.msk $0xffff, v57  }
0x2ee: {  	v7 =	vadd.s32 v60, v7;
	[tilespmem:v54+s16+$0x0] =	vst.idx.msk $0xffff, v3;
	v3 =	vld [tilespmem:s31+$0x70]  }
0x2ef: {  	v63 =	vadd.s32 v36, v14;
	[tilespmem:v16+s16+$0x0] =	vst.idx.msk $0xffff, v56;
	v62 =	vld [tilespmem:s31+$0xFFFFFF30]  }
0x2f0: {  	s24 =	sadd.s32 s4, s22;
	[tilespmem:v11+s16+$0x0] =	vst.idx.msk $0xffff, v58  }
0x2f1: {  	s22 =	sshll.u32 s24, $0x7;
	[tilespmem:v59+s16+$0x0] =	vst.idx.msk $0xffff, v2  }
0x2f2: {  	s22 =	sand.u32 $0x3F80, s22;
	s21 =	sshll.u32 s24, $0xA;
	[tilespmem:v4+s16+$0x0] =	vst.idx.msk $0xffff, v61  }
0x2f3: {  	s22 =	sadd.s32 s2, s22;
	s21 =	sand.u32 $0xFFE0000, s21;
	[tilespmem:v7+s16+$0x0] =	vst.idx.msk $0xffff, v3  }
0x2f4: {  	s25 =	simm.s32 $0xE600;
	s22 =	sadd.s32 s21, s22;
	[tilespmem:v63+s16+$0x0] =	vst.idx.msk $0xffff, v62  }
0x2f5: {  	[hbm4b:s22+s3] =	stream.linear.scatter [tilespmem:s25], [sflag:$0x2], $0x80, $0x38;
	[tilespmem:$0x10800] =	vst v63  }
0x2f6: {  	s26 =	simm.s32 $0xE688;
	s24 =	sadd.s32 $0x10, s22  }
0x2f7: {  	[hbm4b:s24+s3] =	stream.linear.scatter [tilespmem:s26], [sflag:$0x2], $0x80, $0x38;
	[tilespmem:$0x10800] =	vst v63  }
0x2f8: {  	s28 =	simm.s32 $0xE710;
	s30 =	simm.s32 $0xE798;
	s29 =	sadd.s32 $0x20, s22;
	v30 =	vld [tilespmem:$0x1FD80]  }
0x2f9: {  	v33 =	vld [tilespmem:$0x1FDB0];
	[hbm4b:s29+s3] =	stream.linear.scatter [tilespmem:s28], [sflag:$0x2], $0x80, $0x38  }
0x2fa: {  	s21 =	simm.s32 $0x440;
	s31 =	sadd.s32 $0x30, s22;
	s25 =	simm.s32 $0xE820;
	v35 =	vld [tilespmem:$0x1FDC0]  }
0x2fb: {  	v38 =	vld [tilespmem:$0x1FDF0];
	[hbm4b:s31+s3] =	stream.linear.scatter [tilespmem:s30], [sflag:$0x2], $0x80, $0x38  }
0x2fc: {  	v42 =	vld [tilespmem:$0x1FE10];
	s26 =	sadd.s32 $0x40, s22;
	s24 =	simm.s32 $0x2200;
	s28 =	simm.s32 $0xE8A8  }
0x2fd: {  	v46 =	vld [tilespmem:$0x1FE40];
	[hbm4b:s26+s3] =	stream.linear.scatter [tilespmem:s25], [sflag:$0x2], $0x80, $0x38  }
0x2fe: {  	v50 =	vld [tilespmem:$0x1FE70];
	s29 =	sadd.s32 $0x50, s22;
	s30 =	simm.s32 $0xE930;
	s31 =	sadd.s32 $0x60, s22  }
0x2ff: {  	v54 =	vld [tilespmem:$0x1FC20];
	[hbm4b:s29+s3] =	stream.linear.scatter [tilespmem:s28], [sflag:$0x2], $0x80, $0x38  }
0x300: {  	v57 =	vld [tilespmem:$0x1FEB0];
	s25 =	simm.s32 $0xE9B8;
	s26 =	sadd.s32 $0x70, s22;
	s22 =	sadd.s32 $0x4000, s22  }
0x301: {  	v60 =	vld [tilespmem:$0x1FED0];
	[hbm4b:s31+s3] =	stream.linear.scatter [tilespmem:s30], [sflag:$0x2], $0x80, $0x38  }
.LBB2_17:
0x302: {  	[hbm4b:s26+s3] =	stream.linear.scatter [tilespmem:s25], [sflag:$0x2], $0x80, $0x38;
	[tilespmem:$0x10800] =	vst v63  }
0x303: {  	s25 =	smov.u32 s21;
	s21 =	smov.u32 s24  }
0x304: {  	s28 =	sadd.s32 $0x1100, s24;
	s21 =	sshra.s32 s21, $0x2;
	s26 =	sadd.s32 $0xE600, s25  }
0x305: {  	[hbm4b:s22+s3] =	stream.linear.scatter [tilespmem:s26], [sflag:$0x2], $0x80, $0x38;
	[tilespmem:$0x10800] =	vst v63  }
0x306: {  	p0 =	sne.s32 s24, $0x7700;
	s24 =	sadd.s32 $0xE688, s25;
	s26 =	sadd.s32 $0x10, s22  }
0x307: {  	[hbm4b:s26+s3] =	stream.linear.scatter [tilespmem:s24], [sflag:$0x2], $0x80, $0x38;
	[tilespmem:$0x10800] =	vst v63  }
0x308: {  	s24 =	sadd.s32 $0xE710, s25;
	s26 =	sadd.s32 $0x20, s22  }
0x309: {  	[hbm4b:s26+s3] =	stream.linear.scatter [tilespmem:s24], [sflag:$0x2], $0x80, $0x38;
	[tilespmem:$0x10800] =	vst v63  }
0x30a: {  	s24 =	sadd.s32 $0xE798, s25;
	s26 =	sadd.s32 $0x30, s22  }
0x30b: {  	[hbm4b:s26+s3] =	stream.linear.scatter [tilespmem:s24], [sflag:$0x2], $0x80, $0x38;
	[tilespmem:$0x10800] =	vst v63  }
0x30c: {  	s24 =	sadd.s32 $0xE820, s25;
	s26 =	sadd.s32 $0x40, s22  }
0x30d: {  	[hbm4b:s26+s3] =	stream.linear.scatter [tilespmem:s24], [sflag:$0x2], $0x80, $0x38;
	[tilespmem:$0x10800] =	vst v63  }
.Ltmp7:
0x30e: {  	s24 =	sadd.s32 $0xE8A8, s25;
	s26 =	sadd.s32 $0x50, s22;
	(pc) =	sbr.rel @p0 .LBB2_17-.Ltmp7, $4  }
0x30f: {  	[hbm4b:s26+s3] =	stream.linear.scatter [tilespmem:s24], [sflag:$0x2], $0x80, $0x38;
	[tilespmem:$0x10800] =	vst v63  }
0x310: {  	s24 =	sadd.s32 $0xE930, s25;
	s26 =	sadd.s32 $0x60, s22;
	s25 =	sadd.s32 $0xE9B8, s25  }
0x311: {  	[hbm4b:s26+s3] =	stream.linear.scatter [tilespmem:s24], [sflag:$0x2], $0x80, $0x38;
	[tilespmem:$0x10800] =	vst v63  }
0x312: {  	s26 =	sadd.s32 $0x70, s22;
	s22 =	sadd.s32 $0x4000, s22;
	s24 =	smov.u32 s28  }
0x313: {  	[hbm4b:s26+s3] =	stream.linear.scatter [tilespmem:s25], [sflag:$0x2], $0x80, $0x38;
	[tilespmem:$0x10800] =	vst v63  }
0x314: {  	s24 =	sadd.s32 $0xE600, s21  }
0x315: {  	[hbm4b:s22+s3] =	stream.linear.scatter [tilespmem:s24], [sflag:$0x2], $0x80, $0x38;
	[tilespmem:$0x10800] =	vst v63  }
0x316: {  	s25 =	sadd.s32 $0xE688, s21;
	s26 =	sadd.s32 $0x10, s22  }
0x317: {  	[hbm4b:s26+s3] =	stream.linear.scatter [tilespmem:s25], [sflag:$0x2], $0x80, $0x38;
	[tilespmem:$0x10800] =	vst v63  }
0x318: {  	s28 =	sadd.s32 $0xE710, s21;
	s29 =	sadd.s32 $0x20, s22  }
0x319: {  	[hbm4b:s29+s3] =	stream.linear.scatter [tilespmem:s28], [sflag:$0x2], $0x80, $0x38;
	[tilespmem:$0x10800] =	vst v63  }
0x31a: {  	s30 =	sadd.s32 $0xE798, s21;
	s31 =	sadd.s32 $0x30, s22  }
0x31b: {  	[hbm4b:s31+s3] =	stream.linear.scatter [tilespmem:s30], [sflag:$0x2], $0x80, $0x38;
	[tilespmem:$0x10800] =	vst v63  }
0x31c: {  	s25 =	sadd.s32 $0xE820, s21;
	s26 =	sadd.s32 $0x40, s22  }
0x31d: {  	[hbm4b:s26+s3] =	stream.linear.scatter [tilespmem:s25], [sflag:$0x2], $0x80, $0x38;
	[tilespmem:$0x10800] =	vst v63  }
0x31e: {  	s28 =	sadd.s32 $0xE8A8, s21;
	s29 =	sadd.s32 $0x50, s22  }
0x31f: {  	[hbm4b:s29+s3] =	stream.linear.scatter [tilespmem:s28], [sflag:$0x2], $0x80, $0x38;
	[tilespmem:$0x10800] =	vst v63  }
0x320: {  	s30 =	sadd.s32 $0xE930, s21;
	s31 =	sadd.s32 $0x60, s22;
	s26 =	smul.u32 $0xC00, s19  }
0x321: {  	[hbm4b:s31+s3] =	stream.linear.scatter [tilespmem:s30], [sflag:$0x2], $0x80, $0x38;
	[tilespmem:$0x10800] =	vst v63  }
0x322: {  	s24 =	sadd.s32 $0xE9B8, s21;
	s25 =	sadd.s32 $0x70, s22;
	s21 =	sshra.s32 s26, $0x2  }
0x323: {  	[hbm4b:s25+s3] =	stream.linear.scatter [tilespmem:s24], [sflag:$0x2], $0x80, $0x38;
	[tilespmem:$0x10800] =	vst v63  }
0x324: {  	s28 =	sadd.s32 $0x300, s21  }
0x325: {  	[tilespmem:s12], [sflag:$0x1] =	stream.indirect.gather [hbm4b:s5+s11], $0x40, s28, s11, $0xb8;
	[tilespmem:$0x10800] =	vst v63  }
0x326: {  	s28 =	simm.s32 $0x7;
	_ =	swait.ge [sflag:s15], $0x2000  }
0x327: {  	s29 =	simm.s32 $0x0;
	v7 =	vmov s28;
	[sflag:s15] =	ssyncset.done $0x0  }
0x328: {  	s26 =	simm.s32 $0x4;
	v2 =	vmov s29;
	v7 =	vshrl.u32 v7, $0x3;
	[sflag:s15] =	ssyncadd.s32 $0xFFFFE000  }
0x329: {  	s29 =	simm.s32 $0x5;
	v6 =	vmov s26;
	v2 =	vshrl.u32 v2, $0x3;
	v7 =	vshll.u32 v7, v1;
	_ =	swait.ge [sflag:s17], $0x2000  }
0x32a: {  	s22 =	simm.s32 $0x85F0;
	s30 =	simm.s32 $0x1;
	v8 =	vmov s29;
	v2 =	vshll.u32 v2, v1;
	v7 =	vbroadcast v7, $0x0;
	[sflag:s17] =	ssyncset.done $0x0  }
0x32b: {  	s31 =	simm.s32 $0x2;
	v6 =	vshrl.u32 v6, $0x3;
	v3 =	vmov s30;
	s30 =	simm.s32 $0x6;
	v2 =	vbroadcast v2, $0x0;
	[sflag:s17] =	ssyncadd.s32 $0xFFFFE000  }
0x32c: {  	v4 =	vmov s31;
	v9 =	vmov s30;
	v11 =	vadd.s32 v57, v7;
	v10 =	vld [tilespmem:s22+$0xFFFFFFD0]  }
0x32d: {  	s25 =	simm.s32 $0x3;
	v3 =	vshrl.u32 v3, $0x3;
	v4 =	vshrl.u32 v4, $0x3;
	v13 =	vadd.s32 v30, v2;
	v12 =	vld [tilespmem:s22+$0xFFFFFE10]  }
0x32e: {  	v5 =	vmov s25;
	v3 =	vshll.u32 v3, v1;
	v9 =	vshrl.u32 v9, $0x3  }
0x32f: {  	v5 =	vshrl.u32 v5, $0x3;
	v14 =	vbroadcast v3, $0x0;
	v3 =	vshll.u32 v4, v1  }
0x330: {  	v21 =	vbroadcast v3, $0x0;
	v3 =	vshll.u32 v5, v1;
	v5 =	vshrl.u32 v8, $0x3;
	v15 =	vld [tilespmem:s22+$0xFFFFFE50]  }
0x331: {  	v16 =	vadd.s32 v33, v14;
	v4 =	vbroadcast v3, $0x0;
	v3 =	vshll.u32 v6, v1;
	v17 =	vld [tilespmem:s22+$0xFFFFFE90];
	[tilespmem:v11+s16+$0x0] =	vst.idx.msk $0xffff, v10  }
0x332: {  	v5 =	vshll.u32 v5, v1;
	v18 =	vadd.s32 v38, v21;
	v3 =	vbroadcast v3, $0x0;
	v8 =	vld [tilespmem:s22+$0xFFFFFED0];
	[tilespmem:v13+s16+$0x0] =	vst.idx.msk $0xffff, v12  }
0x333: {  	v6 =	vbroadcast v5, $0x0;
	v5 =	vshll.u32 v9, v1;
	v19 =	vadd.s32 v42, v4;
	v59 =	vld [tilespmem:$0x1FEC0]  }
0x334: {  	v5 =	vbroadcast v5, $0x0;
	v22 =	vadd.s32 v46, v3;
	v20 =	vld [tilespmem:s22+$0xFFFFFF10]  }
0x335: {  	v11 =	vld [tilespmem:s22+$0xFFFFFF50];
	v12 =	vadd.s32 v50, v6  }
0x336: {  	v13 =	vld [tilespmem:s22+$0xFFFFFF90];
	[tilespmem:v16+s16+$0x0] =	vst.idx.msk $0xffff, v15;
	v15 =	vadd.s32 v54, v5  }
0x337: {  	[tilespmem:v18+s16+$0x0] =	vst.idx.msk $0xffff, v17;
	v17 =	vadd.s32 v35, v14;
	v16 =	vld [tilespmem:s22+$0xFFFFFE60]  }
0x338: {  	v9 =	vld [tilespmem:s22+$0xFFFFFFE0];
	[tilespmem:v19+s16+$0x0] =	vst.idx.msk $0xffff, v8;
	v10 =	vadd.s32 v59, v7  }
0x339: {  	v18 =	vadd.s32 v31, v21;
	[tilespmem:v22+s16+$0x0] =	vst.idx.msk $0xffff, v20;
	v8 =	vld [tilespmem:s22+$0xFFFFFEA0]  }
0x33a: {  	v19 =	vld [tilespmem:s22+$0xFFFFFEE0];
	[tilespmem:v12+s16+$0x0] =	vst.idx.msk $0xffff, v11  }
0x33b: {  	v11 =	vld [tilespmem:s22+$0xFFFFFF20];
	[tilespmem:v15+s16+$0x0] =	vst.idx.msk $0xffff, v13  }
0x33c: {  	v13 =	vld [tilespmem:s22+$0xFFFFFF60];
	[tilespmem:v17+s16+$0x0] =	vst.idx.msk $0xffff, v16  }
0x33d: {  	v17 =	vld [tilespmem:s22+$0xFFFFFE20];
	[tilespmem:v10+s16+$0x0] =	vst.idx.msk $0xffff, v9  }
0x33e: {  	v20 =	vadd.s32 v32, v4;
	v51 =	vld [tilespmem:$0x1FFB0];
	[tilespmem:v18+s16+$0x0] =	vst.idx.msk $0xffff, v8  }
0x33f: {  	v55 =	vld [tilespmem:$0x1FFA0]  }
0x340: {  	v39 =	vmov v31;
	v12 =	vadd.s32 v37, v3;
	v31 =	vld [tilespmem:$0x1FC10]  }
0x341: {  	v10 =	vadd.s32 v60, v7;
	v9 =	vld [tilespmem:s22+$0xFFFFFFF0]  }
0x342: {  	v8 =	vld [tilespmem:s22+$0xFFFFFFA0]  }
0x343: {  	[tilespmem:v20+s16+$0x0] =	vst.idx.msk $0xffff, v19;
	v19 =	vld [tilespmem:s22+$0xFFFFFE70];
	v15 =	vadd.s32 v51, v6  }
0x344: {  	v24 =	vld [tilespmem:s22+$0xFFFFFEB0];
	v16 =	vadd.s32 v55, v5  }
0x345: {  	v36 =	vld [tilespmem:$0x1FDD0];
	[tilespmem:v12+s16+$0x0] =	vst.idx.msk $0xffff, v11;
	v18 =	vadd.s32 v31, v2  }
0x346: {  	v26 =	vld [tilespmem:s22+$0xFFFFFEF0];
	[tilespmem:v10+s16+$0x0] =	vst.idx.msk $0xffff, v9  }
0x347: {  	v61 =	vld [tilespmem:$0x1FEE0]  }
0x348: {  	v40 =	vld [tilespmem:$0x1FE00];
	[tilespmem:v15+s16+$0x0] =	vst.idx.msk $0xffff, v13  }
0x349: {  	v44 =	vld [tilespmem:$0x1FE20];
	[tilespmem:v16+s16+$0x0] =	vst.idx.msk $0xffff, v8  }
0x34a: {  	v28 =	vld [tilespmem:s22+$0xFFFFFF30];
	v20 =	vadd.s32 v36, v14;
	[tilespmem:v18+s16+$0x0] =	vst.idx.msk $0xffff, v17  }
0x34b: {  	v48 =	vld [tilespmem:$0x1FE50]  }
0x34c: {  	v23 =	vld [tilespmem:s22+$0x0]  }
0x34d: {  	v7 =	vadd.s32 v61, v7;
	v9 =	vld [tilespmem:s22+$0xFFFFFF70]  }
0x34e: {  	v25 =	vadd.s32 v40, v21;
	v11 =	vld [tilespmem:s22+$0xFFFFFFB0]  }
0x34f: {  	[tilespmem:v20+s16+$0x0] =	vst.idx.msk $0xffff, v19;
	v15 =	vld [tilespmem:s22+$0xFFFFFE30];
	v27 =	vadd.s32 v44, v4  }
0x350: {  	v52 =	vld [tilespmem:$0x1FE80];
	v29 =	vadd.s32 v48, v3  }
0x351: {  	v56 =	vld [tilespmem:$0x1FEA0]  }
0x352: {  	v18 =	vld [tilespmem:s22+$0xFFFFFE80];
	[tilespmem:v7+s16+$0x0] =	vst.idx.msk $0xffff, v23  }
0x353: {  	v43 =	vmov v32;
	v32 =	vld [tilespmem:$0x1FD90];
	[tilespmem:v25+s16+$0x0] =	vst.idx.msk $0xffff, v24  }
0x354: {  	v47 =	vmov v37;
	v37 =	vld [tilespmem:$0x1FDE0];
	[tilespmem:v27+s16+$0x0] =	vst.idx.msk $0xffff, v26  }
0x355: {  	s25 =	simm.s32 $0x9;
	v19 =	vld [tilespmem:s22+$0xFFFFFEC0];
	[tilespmem:v29+s16+$0x0] =	vst.idx.msk $0xffff, v28  }
0x356: {  	s31 =	simm.s32 $0x8;
	s28 =	simm.s32 $0xB;
	v22 =	vmov s25;
	v10 =	vadd.s32 v52, v6;
	v45 =	vld [tilespmem:$0x1FE30]  }
0x357: {  	s29 =	simm.s32 $0xC;
	v13 =	vmov s28;
	v8 =	vmov s31;
	v12 =	vadd.s32 v56, v5;
	v49 =	vld [tilespmem:$0x1FE60]  }
0x358: {  	s26 =	simm.s32 $0xA;
	v16 =	vmov s29;
	v21 =	vadd.s32 v34, v21;
	v17 =	vadd.s32 v32, v2;
	v53 =	vld [tilespmem:$0x1FE90]  }
0x359: {  	s30 =	simm.s32 $0xD;
	s31 =	simm.s32 $0xE;
	v8 =	vshrl.u32 v8, $0x3;
	v23 =	vmov s26;
	v20 =	vadd.s32 v37, v14;
	v58 =	vld [tilespmem:$0x1FC30]  }
0x35a: {  	v41 =	vmovc v34;
	s24 =	simm.s32 $0x10;
	s25 =	simm.s32 $0xF;
	v34 =	vmovc v33;
	v7 =	vmov s30;
	v14 =	vshll.u32 v8, v1;
	v8 =	vmov s31;
	v33 =	vld [tilespmem:$0x1FDA0]  }
.LBB2_19:
0x35b: {  	p0 =	slt.u32 s24, $0x78;
	v22 =	vshrl.u32 v22, $0x3;
	v24 =	vmov s25;
	v25 =	vld [tilespmem:s22+$0xFFFFFF00];
	v4 =	vadd.s32 v45, v4;
	[tilespmem:v10+s16+$0x0] =	vst.idx.msk $0xffff, v9  }
0x35c: {  	v9 =	vshrl.u32 v23, $0x3;
	v3 =	vadd.s32 v49, v3;
	v10 =	vshrl.u32 v24, $0x3;
	v23 =	vld [tilespmem:s22+$0xFFFFFF40];
	[tilespmem:v12+s16+$0x0] =	vst.idx.msk $0xffff, v11  }
0x35d: {  	v6 =	vadd.s32 v53, v6;
	v11 =	vshrl.u32 v13, $0x3;
	v10 =	vshll.u32 v10, v1;
	[tilespmem:v17+s16+$0x0] =	vst.idx.msk $0xffff, v15;
	v12 =	vld [tilespmem:s22+$0xFFFFFF80]  }
0x35e: {  	v5 =	vadd.s32 v58, v5;
	v13 =	vshrl.u32 v16, $0x3;
	v10 =	vbroadcast v10, $0x0;
	[tilespmem:v20+s16+$0x0] =	vst.idx.msk $0xffff, v18;
	v15 =	vld [tilespmem:s22+$0xFFFFFFC0]  }
0x35f: {  	v16 =	vshll.u32 v22, v1;
	v18 =	vadd.s32 v33, v2;
	v2 =	vbroadcast v14, $0x0;
	v17 =	vld [tilespmem:s22+$0xFFFFFE40];
	[tilespmem:v21+s16+$0x0] =	vst.idx.msk $0xffff, v19;
	s22 =	sadd.s32 $0x200, s22  }
0x360: {  	v9 =	vshll.u32 v9, v1;
	v14 =	vbroadcast v16, $0x0;
	v16 =	vld [tilespmem:s22+$0xFFFFFFD0];
	v19 =	vadd.s32 v57, v10;
	[tilespmem:v4+s16+$0x0] =	vst.idx.msk $0xffff, v25  }
0x361: {  	v24 =	vbroadcast v9, $0x0;
	v21 =	vadd.s32 v30, v2;
	v4 =	vshll.u32 v11, v1;
	v20 =	vld [tilespmem:s22+$0xFFFFFE10];
	[tilespmem:v3+s16+$0x0] =	vst.idx.msk $0xffff, v23  }
0x362: {  	v11 =	vadd.s32 v34, v14;
	v4 =	vbroadcast v4, $0x0;
	v3 =	vshll.u32 v13, v1;
	v9 =	vld [tilespmem:s22+$0xFFFFFE50];
	[tilespmem:v6+s16+$0x0] =	vst.idx.msk $0xffff, v12  }
0x363: {  	v13 =	vadd.s32 v38, v24;
	v3 =	vbroadcast v3, $0x0;
	v6 =	vshrl.u32 v7, $0x3;
	v12 =	vld [tilespmem:s22+$0xFFFFFE90];
	[tilespmem:v5+s16+$0x0] =	vst.idx.msk $0xffff, v15  }
0x364: {  	v8 =	vshrl.u32 v8, $0x3;
	v15 =	vadd.s32 v42, v4;
	v5 =	vshll.u32 v6, v1;
	v7 =	vld [tilespmem:s22+$0xFFFFFED0];
	[tilespmem:v18+s16+$0x0] =	vst.idx.msk $0xffff, v17  }
0x365: {  	v18 =	vadd.s32 v46, v3;
	v6 =	vbroadcast v5, $0x0;
	v5 =	vshll.u32 v8, v1;
	v17 =	vld [tilespmem:s22+$0xFFFFFF10];
	[tilespmem:v19+s16+$0x0] =	vst.idx.msk $0xffff, v16  }
0x366: {  	v5 =	vbroadcast v5, $0x0;
	v16 =	vadd.s32 v59, v10;
	[tilespmem:v21+s16+$0x0] =	vst.idx.msk $0xffff, v20;
	v8 =	vld [tilespmem:s22+$0xFFFFFFE0]  }
0x367: {  	[tilespmem:v11+s16+$0x0] =	vst.idx.msk $0xffff, v9;
	v9 =	vld [tilespmem:s22+$0xFFFFFF50];
	v11 =	vadd.s32 v50, v6  }
0x368: {  	[tilespmem:v13+s16+$0x0] =	vst.idx.msk $0xffff, v12;
	v12 =	vld [tilespmem:s22+$0xFFFFFF90];
	v13 =	vadd.s32 v54, v5  }
0x369: {  	v20 =	vadd.s32 v35, v14;
	v19 =	vld [tilespmem:s22+$0xFFFFFE60];
	[tilespmem:v15+s16+$0x0] =	vst.idx.msk $0xffff, v7  }
0x36a: {  	v15 =	vadd.s32 v39, v24;
	v7 =	vld [tilespmem:s22+$0xFFFFFEA0];
	[tilespmem:v18+s16+$0x0] =	vst.idx.msk $0xffff, v17  }
0x36b: {  	v18 =	vadd.s32 v43, v4;
	v17 =	vld [tilespmem:s22+$0xFFFFFEE0];
	[tilespmem:v16+s16+$0x0] =	vst.idx.msk $0xffff, v8  }
0x36c: {  	[tilespmem:v11+s16+$0x0] =	vst.idx.msk $0xffff, v9;
	v8 =	vld [tilespmem:s22+$0xFFFFFFF0];
	v9 =	vadd.s32 v60, v10  }
0x36d: {  	v16 =	vadd.s32 v47, v3;
	v11 =	vld [tilespmem:s22+$0xFFFFFF20];
	[tilespmem:v13+s16+$0x0] =	vst.idx.msk $0xffff, v12  }
0x36e: {  	v13 =	vadd.s32 v51, v6;
	[tilespmem:v20+s16+$0x0] =	vst.idx.msk $0xffff, v19;
	v12 =	vld [tilespmem:s22+$0xFFFFFF60]  }
0x36f: {  	[tilespmem:v15+s16+$0x0] =	vst.idx.msk $0xffff, v7;
	v7 =	vld [tilespmem:s22+$0xFFFFFFA0];
	v15 =	vadd.s32 v55, v5  }
0x370: {  	v20 =	vadd.s32 v31, v2;
	v19 =	vld [tilespmem:s22+$0xFFFFFE20];
	[tilespmem:v18+s16+$0x0] =	vst.idx.msk $0xffff, v17  }
0x371: {  	v18 =	vadd.s32 v36, v14;
	v17 =	vld [tilespmem:s22+$0xFFFFFE70];
	[tilespmem:v9+s16+$0x0] =	vst.idx.msk $0xffff, v8  }
0x372: {  	[tilespmem:v16+s16+$0x0] =	vst.idx.msk $0xffff, v11;
	v8 =	vld [tilespmem:s22+$0x0];
	v16 =	vadd.s32 v61, v10  }
0x373: {  	v25 =	vadd.s32 v40, v24;
	v21 =	vld [tilespmem:s22+$0xFFFFFEB0];
	[tilespmem:v13+s16+$0x0] =	vst.idx.msk $0xffff, v12  }
0x374: {  	v27 =	vadd.s32 v44, v4;
	v26 =	vld [tilespmem:s22+$0xFFFFFEF0];
	[tilespmem:v15+s16+$0x0] =	vst.idx.msk $0xffff, v7  }
0x375: {  	v29 =	vadd.s32 v48, v3;
	[tilespmem:v20+s16+$0x0] =	vst.idx.msk $0xffff, v19;
	v28 =	vld [tilespmem:s22+$0xFFFFFF30]  }
.Ltmp8:
0x376: {  	s25 =	sadd.s32 $0x1, s24;
	v10 =	vadd.s32 v52, v6;
	v7 =	vmov s24;
	[tilespmem:v18+s16+$0x0] =	vst.idx.msk $0xffff, v17;
	v9 =	vld [tilespmem:s22+$0xFFFFFF70];
	(pc) =	sbr.rel @p0 .LBB2_19-.Ltmp8, $4  }
0x377: {  	s26 =	sadd.s32 $0x3, s24;
	v22 =	vmov s25;
	s25 =	sadd.s32 $0x2, s24;
	v12 =	vadd.s32 v56, v5;
	v19 =	vshrl.u32 v7, $0x3;
	v11 =	vld [tilespmem:s22+$0xFFFFFFB0];
	[tilespmem:v16+s16+$0x0] =	vst.idx.msk $0xffff, v8  }
0x378: {  	v23 =	vmov s25;
	s25 =	sadd.s32 $0x4, s24;
	v13 =	vmov s26;
	s26 =	sadd.s32 $0x5, s24;
	v17 =	vadd.s32 v32, v2;
	v15 =	vld [tilespmem:s22+$0xFFFFFE30];
	[tilespmem:v25+s16+$0x0] =	vst.idx.msk $0xffff, v21  }
0x379: {  	v7 =	vmov s26;
	v20 =	vadd.s32 v37, v14;
	v16 =	vmov s25;
	s25 =	sadd.s32 $0x6, s24;
	v18 =	vld [tilespmem:s22+$0xFFFFFE80];
	[tilespmem:v27+s16+$0x0] =	vst.idx.msk $0xffff, v26  }
0x37a: {  	v14 =	vshll.u32 v19, v1;
	v8 =	vmov s25;
	s25 =	sadd.s32 $0x7, s24;
	s24 =	sadd.s32 $0x8, s24;
	v21 =	vadd.s32 v41, v24;
	v19 =	vld [tilespmem:s22+$0xFFFFFEC0];
	[tilespmem:v29+s16+$0x0] =	vst.idx.msk $0xffff, v28  }
0x37b: {  	_ =	sdelay $0x1  }
0x37c: {  	v22 =	vshrl.u32 v22, $0x3;
	v24 =	vmov s25  }
0x37d: {  	v4 =	vadd.s32 v45, v4;
	v63 =	vshrl.u32 v23, $0x3;
	v3 =	vadd.s32 v49, v3  }
0x37e: {  	v25 =	vld [tilespmem:s22+$0xFFFFFF00];
	[tilespmem:v10+s16+$0x0] =	vst.idx.msk $0xffff, v9;
	v6 =	vadd.s32 v53, v6;
	v27 =	vshrl.u32 v16, $0x3;
	v5 =	vadd.s32 v58, v5  }
0x37f: {  	v23 =	vld [tilespmem:s22+$0xFFFFFF40];
	v14 =	vbroadcast v14, $0x0;
	v2 =	vadd.s32 v33, v2;
	v7 =	vshrl.u32 v7, $0x3;
	[tilespmem:v12+s16+$0x0] =	vst.idx.msk $0xffff, v11  }
0x380: {  	v8 =	vshrl.u32 v8, $0x3;
	v24 =	vshrl.u32 v24, $0x3;
	v26 =	vld [tilespmem:s22+$0xFFFFFF80];
	v29 =	vshll.u32 v22, v1;
	[tilespmem:v17+s16+$0x0] =	vst.idx.msk $0xffff, v15  }
0x381: {  	s31 =	sadd.s32 $0x200, s22;
	v11 =	vshrl.u32 v13, $0x3;
	v9 =	vshll.u32 v63, v1;
	v10 =	vshll.u32 v24, v1;
	v28 =	vld [tilespmem:s22+$0xFFFFFFC0];
	[tilespmem:v20+s16+$0x0] =	vst.idx.msk $0xffff, v18  }
0x382: {  	v63 =	vld [tilespmem:s31+$0xFFFFFE10];
	v13 =	vshll.u32 v27, v1;
	v24 =	vadd.s32 v30, v14;
	v10 =	vbroadcast v10, $0x0;
	[tilespmem:v21+s16+$0x0] =	vst.idx.msk $0xffff, v19  }
0x383: {  	v7 =	vshll.u32 v7, v1;
	v8 =	vshll.u32 v8, v1;
	v16 =	vbroadcast v29, $0x0;
	v17 =	vld [tilespmem:s22+$0xFFFFFE40];
	[tilespmem:v4+s16+$0x0] =	vst.idx.msk $0xffff, v25  }
0x384: {  	v9 =	vbroadcast v9, $0x0;
	v11 =	vshll.u32 v11, v1;
	v18 =	vld [tilespmem:s31+$0xFFFFFFD0];
	v62 =	vadd.s32 v57, v10;
	[tilespmem:v3+s16+$0x0] =	vst.idx.msk $0xffff, v23  }
0x385: {  	v13 =	vbroadcast v13, $0x0;
	v11 =	vbroadcast v11, $0x0;
	v3 =	vld [tilespmem:s31+$0xFFFFFE50];
	v25 =	vadd.s32 v34, v16;
	[tilespmem:v6+s16+$0x0] =	vst.idx.msk $0xffff, v26  }
0x386: {  	v7 =	vbroadcast v7, $0x0;
	v27 =	vadd.s32 v38, v9;
	v4 =	vbroadcast v8, $0x0;
	v26 =	vld [tilespmem:s31+$0xFFFFFE90];
	[tilespmem:v5+s16+$0x0] =	vst.idx.msk $0xffff, v28  }
0x387: {  	v30 =	vadd.s32 v46, v13;
	v29 =	vadd.s32 v42, v11;
	v28 =	vld [tilespmem:s31+$0xFFFFFED0];
	[tilespmem:v24+s16+$0x0] =	vst.idx.msk $0xffff, v63  }
0x388: {  	v46 =	vld [tilespmem:s31+$0xFFFFFF90];
	v42 =	vadd.s32 v50, v7;
	v50 =	vadd.s32 v54, v4;
	[tilespmem:v2+s16+$0x0] =	vst.idx.msk $0xffff, v17  }
0x389: {  	v2 =	vld [tilespmem:s31+$0xFFFFFF10];
	[tilespmem:v62+s16+$0x0] =	vst.idx.msk $0xffff, v18  }
0x38a: {  	[tilespmem:v25+s16+$0x0] =	vst.idx.msk $0xffff, v3;
	v3 =	vld [tilespmem:s31+$0xFFFFFF50]  }
0x38b: {  	v38 =	vadd.s32 v59, v10;
	v34 =	vld [tilespmem:s31+$0xFFFFFFE0];
	[tilespmem:v27+s16+$0x0] =	vst.idx.msk $0xffff, v26  }
0x38c: {  	v57 =	vadd.s32 v35, v16;
	v54 =	vld [tilespmem:s31+$0xFFFFFE60];
	[tilespmem:v29+s16+$0x0] =	vst.idx.msk $0xffff, v28  }
0x38d: {  	v62 =	vadd.s32 v39, v9;
	v59 =	vld [tilespmem:s31+$0xFFFFFEA0];
	[tilespmem:v50+s16+$0x0] =	vst.idx.msk $0xffff, v46  }
0x38e: {  	v63 =	vadd.s32 v43, v11;
	[tilespmem:v30+s16+$0x0] =	vst.idx.msk $0xffff, v2;
	v2 =	vld [tilespmem:s31+$0xFFFFFEE0]  }
0x38f: {  	v29 =	vld [tilespmem:s31+$0xFFFFFFA0];
	v30 =	vadd.s32 v55, v4;
	[tilespmem:v42+s16+$0x0] =	vst.idx.msk $0xffff, v3  }
0x390: {  	v26 =	vadd.s32 v47, v13;
	v25 =	vld [tilespmem:s31+$0xFFFFFF20];
	[tilespmem:v38+s16+$0x0] =	vst.idx.msk $0xffff, v34  }
0x391: {  	v24 =	vadd.s32 v60, v10;
	[tilespmem:v57+s16+$0x0] =	vst.idx.msk $0xffff, v54;
	v3 =	vld [tilespmem:s31+$0xFFFFFFF0]  }
0x392: {  	v28 =	vadd.s32 v51, v7;
	v27 =	vld [tilespmem:s31+$0xFFFFFF60];
	[tilespmem:v62+s16+$0x0] =	vst.idx.msk $0xffff, v59  }
0x393: {  	v35 =	vadd.s32 v31, v14;
	v34 =	vld [tilespmem:s31+$0xFFFFFE20];
	[tilespmem:v63+s16+$0x0] =	vst.idx.msk $0xffff, v2  }
0x394: {  	v36 =	vadd.s32 v36, v16;
	v2 =	vld [tilespmem:s31+$0xFFFFFE70];
	[tilespmem:v30+s16+$0x0] =	vst.idx.msk $0xffff, v29  }
0x395: {  	v42 =	vadd.s32 v40, v9;
	v39 =	vld [tilespmem:s31+$0xFFFFFEB0];
	[tilespmem:v26+s16+$0x0] =	vst.idx.msk $0xffff, v25  }
0x396: {  	v46 =	vadd.s32 v44, v11;
	v43 =	vld [tilespmem:s31+$0xFFFFFEF0];
	[tilespmem:v24+s16+$0x0] =	vst.idx.msk $0xffff, v3  }
0x397: {  	v38 =	vadd.s32 v61, v10;
	[tilespmem:v28+s16+$0x0] =	vst.idx.msk $0xffff, v27;
	v3 =	vld [tilespmem:s31+$0x0]  }
0x398: {  	v51 =	vadd.s32 v52, v7;
	v54 =	vadd.s32 v56, v4;
	v52 =	vld [tilespmem:s31+$0xFFFFFFB0];
	[tilespmem:v35+s16+$0x0] =	vst.idx.msk $0xffff, v34  }
0x399: {  	v50 =	vadd.s32 v48, v13;
	v47 =	vld [tilespmem:s31+$0xFFFFFF30];
	[tilespmem:v36+s16+$0x0] =	vst.idx.msk $0xffff, v2  }
0x39a: {  	v2 =	vld [tilespmem:s31+$0xFFFFFF70];
	[tilespmem:v42+s16+$0x0] =	vst.idx.msk $0xffff, v39  }
0x39b: {  	v16 =	vadd.s32 v37, v16;
	v56 =	vld [tilespmem:s31+$0xFFFFFE80];
	[tilespmem:v46+s16+$0x0] =	vst.idx.msk $0xffff, v43  }
0x39c: {  	v55 =	vadd.s32 v32, v14;
	[tilespmem:v38+s16+$0x0] =	vst.idx.msk $0xffff, v3;
	v3 =	vld [tilespmem:s31+$0xFFFFFE30]  }
0x39d: {  	v9 =	vadd.s32 v41, v9;
	v57 =	vld [tilespmem:s31+$0xFFFFFEC0];
	[tilespmem:v54+s16+$0x0] =	vst.idx.msk $0xffff, v52  }
0x39e: {  	v11 =	vadd.s32 v45, v11;
	[tilespmem:v50+s16+$0x0] =	vst.idx.msk $0xffff, v47;
	v59 =	vld [tilespmem:s31+$0xFFFFFF00]  }
0x39f: {  	v4 =	vadd.s32 v58, v4;
	v61 =	vld [tilespmem:s31+$0xFFFFFFC0];
	[tilespmem:v51+s16+$0x0] =	vst.idx.msk $0xffff, v2  }
0x3a0: {  	v60 =	vadd.s32 v49, v13;
	v2 =	vld [tilespmem:s31+$0xFFFFFF40];
	[tilespmem:v16+s16+$0x0] =	vst.idx.msk $0xffff, v56  }
0x3a1: {  	v7 =	vadd.s32 v53, v7;
	[tilespmem:v55+s16+$0x0] =	vst.idx.msk $0xffff, v3;
	v3 =	vld [tilespmem:s31+$0xFFFFFF80]  }
0x3a2: {  	v63 =	vadd.s32 v33, v14;
	[tilespmem:v9+s16+$0x0] =	vst.idx.msk $0xffff, v57;
	v62 =	vld [tilespmem:s31+$0xFFFFFE40]  }
0x3a3: {  	s24 =	sadd.s32 s4, s23;
	[tilespmem:v11+s16+$0x0] =	vst.idx.msk $0xffff, v59  }
0x3a4: {  	s23 =	sshll.u32 s24, $0x7;
	[tilespmem:v4+s16+$0x0] =	vst.idx.msk $0xffff, v61  }
0x3a5: {  	s23 =	sand.u32 $0x3F00, s23;
	s22 =	sshll.u32 s24, $0xA;
	[tilespmem:v60+s16+$0x0] =	vst.idx.msk $0xffff, v2  }
0x3a6: {  	s23 =	sadd.s32 s2, s23;
	s22 =	sand.u32 $0xFFE0000, s22;
	[tilespmem:v7+s16+$0x0] =	vst.idx.msk $0xffff, v3  }
0x3a7: {  	s25 =	simm.s32 $0xC400;
	s23 =	sadd.s32 s22, s23;
	[tilespmem:v63+s16+$0x0] =	vst.idx.msk $0xffff, v62  }
0x3a8: {  	[hbm4b:s23+s3] =	stream.linear.scatter [tilespmem:s25], [sflag:$0x2], $0x80, $0x38;
	[tilespmem:$0x10800] =	vst v63  }
0x3a9: {  	s26 =	simm.s32 $0xC488;
	s24 =	sadd.s32 $0x10, s23  }
0x3aa: {  	[hbm4b:s24+s3] =	stream.linear.scatter [tilespmem:s26], [sflag:$0x2], $0x80, $0x38;
	[tilespmem:$0x10800] =	vst v63  }
0x3ab: {  	s28 =	simm.s32 $0xC510;
	s30 =	simm.s32 $0xC598;
	s29 =	sadd.s32 $0x20, s23  }
0x3ac: {  	[hbm4b:s29+s3] =	stream.linear.scatter [tilespmem:s28], [sflag:$0x2], $0x80, $0x38;
	[tilespmem:$0x10800] =	vst v63  }
0x3ad: {  	s22 =	simm.s32 $0x440;
	s31 =	sadd.s32 $0x30, s23;
	s25 =	simm.s32 $0xC620  }
0x3ae: {  	[hbm4b:s31+s3] =	stream.linear.scatter [tilespmem:s30], [sflag:$0x2], $0x80, $0x38;
	[tilespmem:$0x10800] =	vst v63  }
0x3af: {  	s26 =	sadd.s32 $0x40, s23;
	s24 =	simm.s32 $0x2200;
	s28 =	simm.s32 $0xC6A8  }
0x3b0: {  	[hbm4b:s26+s3] =	stream.linear.scatter [tilespmem:s25], [sflag:$0x2], $0x80, $0x38;
	[tilespmem:$0x10800] =	vst v63  }
0x3b1: {  	s29 =	sadd.s32 $0x50, s23;
	s30 =	simm.s32 $0xC730;
	s31 =	sadd.s32 $0x60, s23  }
0x3b2: {  	v63 =	vld [tilespmem:$0x1FF70];
	[hbm4b:s29+s3] =	stream.linear.scatter [tilespmem:s28], [sflag:$0x2], $0x80, $0x38  }
0x3b3: {  	v58 =	vld [tilespmem:$0x1FF80];
	s25 =	simm.s32 $0xC7B8;
	s26 =	sadd.s32 $0x70, s23;
	s23 =	sadd.s32 $0x4000, s23  }
0x3b4: {  	v0 =	vld [tilespmem:$0x1FF90];
	[hbm4b:s31+s3] =	stream.linear.scatter [tilespmem:s30], [sflag:$0x2], $0x80, $0x38  }
.LBB2_21:
0x3b5: {  	[hbm4b:s26+s3] =	stream.linear.scatter [tilespmem:s25], [sflag:$0x2], $0x80, $0x38;
	[tilespmem:$0x10800] =	vst v63  }
0x3b6: {  	s25 =	smov.u32 s22;
	s22 =	smov.u32 s24  }
0x3b7: {  	s28 =	sadd.s32 $0x1100, s24;
	s22 =	sshra.s32 s22, $0x2;
	s26 =	sadd.s32 $0xC400, s25  }
0x3b8: {  	[hbm4b:s23+s3] =	stream.linear.scatter [tilespmem:s26], [sflag:$0x2], $0x80, $0x38;
	[tilespmem:$0x10800] =	vst v63  }
0x3b9: {  	p0 =	sne.s32 s24, $0x7700;
	s24 =	sadd.s32 $0xC488, s25;
	s26 =	sadd.s32 $0x10, s23  }
0x3ba: {  	[hbm4b:s26+s3] =	stream.linear.scatter [tilespmem:s24], [sflag:$0x2], $0x80, $0x38;
	[tilespmem:$0x10800] =	vst v63  }
0x3bb: {  	s24 =	sadd.s32 $0xC510, s25;
	s26 =	sadd.s32 $0x20, s23  }
0x3bc: {  	[hbm4b:s26+s3] =	stream.linear.scatter [tilespmem:s24], [sflag:$0x2], $0x80, $0x38;
	[tilespmem:$0x10800] =	vst v63  }
0x3bd: {  	s24 =	sadd.s32 $0xC598, s25;
	s26 =	sadd.s32 $0x30, s23  }
0x3be: {  	[hbm4b:s26+s3] =	stream.linear.scatter [tilespmem:s24], [sflag:$0x2], $0x80, $0x38;
	[tilespmem:$0x10800] =	vst v63  }
0x3bf: {  	s24 =	sadd.s32 $0xC620, s25;
	s26 =	sadd.s32 $0x40, s23  }
0x3c0: {  	[hbm4b:s26+s3] =	stream.linear.scatter [tilespmem:s24], [sflag:$0x2], $0x80, $0x38;
	[tilespmem:$0x10800] =	vst v63  }
.Ltmp9:
0x3c1: {  	s24 =	sadd.s32 $0xC6A8, s25;
	s26 =	sadd.s32 $0x50, s23;
	(pc) =	sbr.rel @p0 .LBB2_21-.Ltmp9, $4  }
0x3c2: {  	[hbm4b:s26+s3] =	stream.linear.scatter [tilespmem:s24], [sflag:$0x2], $0x80, $0x38;
	[tilespmem:$0x10800] =	vst v63  }
0x3c3: {  	s24 =	sadd.s32 $0xC730, s25;
	s26 =	sadd.s32 $0x60, s23;
	s25 =	sadd.s32 $0xC7B8, s25  }
0x3c4: {  	[hbm4b:s26+s3] =	stream.linear.scatter [tilespmem:s24], [sflag:$0x2], $0x80, $0x38;
	[tilespmem:$0x10800] =	vst v63  }
0x3c5: {  	s26 =	sadd.s32 $0x70, s23;
	s23 =	sadd.s32 $0x4000, s23;
	s24 =	smov.u32 s28  }
0x3c6: {  	[hbm4b:s26+s3] =	stream.linear.scatter [tilespmem:s25], [sflag:$0x2], $0x80, $0x38;
	[tilespmem:$0x10800] =	vst v63  }
0x3c7: {  	s24 =	sadd.s32 $0xC400, s22  }
0x3c8: {  	[hbm4b:s23+s3] =	stream.linear.scatter [tilespmem:s24], [sflag:$0x2], $0x80, $0x38;
	[tilespmem:$0x10800] =	vst v63  }
0x3c9: {  	s30 =	sadd.s32 $0xC488, s22;
	s31 =	sadd.s32 $0x10, s23  }
0x3ca: {  	[hbm4b:s31+s3] =	stream.linear.scatter [tilespmem:s30], [sflag:$0x2], $0x80, $0x38;
	[tilespmem:$0x10800] =	vst v63  }
0x3cb: {  	s25 =	sadd.s32 $0xC510, s22;
	s26 =	sadd.s32 $0x20, s23  }
0x3cc: {  	[hbm4b:s26+s3] =	stream.linear.scatter [tilespmem:s25], [sflag:$0x2], $0x80, $0x38;
	[tilespmem:$0x10800] =	vst v63  }
0x3cd: {  	s28 =	sadd.s32 $0xC598, s22;
	s29 =	sadd.s32 $0x30, s23  }
0x3ce: {  	[hbm4b:s29+s3] =	stream.linear.scatter [tilespmem:s28], [sflag:$0x2], $0x80, $0x38;
	[tilespmem:$0x10800] =	vst v63  }
0x3cf: {  	s30 =	sadd.s32 $0xC620, s22;
	s31 =	sadd.s32 $0x40, s23  }
0x3d0: {  	[hbm4b:s31+s3] =	stream.linear.scatter [tilespmem:s30], [sflag:$0x2], $0x80, $0x38;
	[tilespmem:$0x10800] =	vst v63  }
0x3d1: {  	s25 =	sadd.s32 $0xC6A8, s22;
	s26 =	sadd.s32 $0x50, s23  }
0x3d2: {  	[hbm4b:s26+s3] =	stream.linear.scatter [tilespmem:s25], [sflag:$0x2], $0x80, $0x38;
	[tilespmem:$0x10800] =	vst v63  }
0x3d3: {  	s28 =	sadd.s32 $0xC730, s22;
	s29 =	sadd.s32 $0x60, s23  }
0x3d4: {  	[hbm4b:s29+s3] =	stream.linear.scatter [tilespmem:s28], [sflag:$0x2], $0x80, $0x38;
	[tilespmem:$0x10800] =	vst v63  }
0x3d5: {  	s30 =	sadd.s32 $0xC7B8, s22;
	s31 =	sadd.s32 $0x70, s23  }
0x3d6: {  	[hbm4b:s31+s3] =	stream.linear.scatter [tilespmem:s30], [sflag:$0x2], $0x80, $0x38;
	[tilespmem:$0x10800] =	vst v63  }
0x3d7: {  	s21 =	sadd.s32 $0x380, s21  }
0x3d8: {  	[tilespmem:s13], [sflag:$0x1] =	stream.indirect.gather [hbm4b:s5+s11], $0x40, s21, s11, $0xb8;
	[tilespmem:$0x10800] =	vst v63  }
0x3d9: {  	_ =	swait.ge [sflag:s15], $0x2000  }
0x3da: {  	[sflag:s15] =	ssyncset.done $0x0  }
0x3db: {  	[sflag:s15] =	ssyncadd.s32 $0xFFFFE000  }
0x3dc: {  	s30 =	simm.s32 $0x7;
	_ =	swait.ge [sflag:s17], $0x2000  }
0x3dd: {  	s24 =	simm.s32 $0x0;
	v7 =	vmov s30;
	v30 =	vld [tilespmem:$0x1FEF0]  }
0x3de: {  	v2 =	vmov s24;
	s25 =	simm.s32 $0x1;
	v7 =	vshrl.u32 v7, $0x3;
	v34 =	vld [tilespmem:$0x1FC60]  }
0x3df: {  	v2 =	vshrl.u32 v2, $0x3;
	v3 =	vmov s25;
	v7 =	vshll.u32 v7, v1;
	v36 =	vld [tilespmem:$0x1FC90]  }
0x3e0: {  	v2 =	vshll.u32 v2, v1;
	s26 =	simm.s32 $0x2;
	v3 =	vshrl.u32 v3, $0x3;
	v7 =	vbroadcast v7, $0x0;
	[sflag:s17] =	ssyncset.done $0x0;
	v35 =	vld [tilespmem:$0x1FCC0]  }
0x3e1: {  	v2 =	vbroadcast v2, $0x0;
	v4 =	vmov s26;
	v3 =	vshll.u32 v3, v1;
	s21 =	simm.s32 $0xA5F0;
	v39 =	vld [tilespmem:$0x1FCF0];
	[sflag:s17] =	ssyncadd.s32 $0xFFFFE000  }
0x3e2: {  	s28 =	simm.s32 $0x3;
	v4 =	vshrl.u32 v4, $0x3;
	v14 =	vbroadcast v3, $0x0;
	v11 =	vadd.s32 v63, v7;
	v10 =	vld [tilespmem:s21+$0xFFFFFFD0]  }
0x3e3: {  	v5 =	vmov s28;
	v3 =	vshll.u32 v4, v1;
	v12 =	vld [tilespmem:s21+$0xFFFFFE10];
	v13 =	vadd.s32 v30, v2  }
0x3e4: {  	s23 =	simm.s32 $0x6;
	s31 =	simm.s32 $0x5;
	v5 =	vshrl.u32 v5, $0x3;
	v21 =	vbroadcast v3, $0x0;
	v15 =	vld [tilespmem:s21+$0xFFFFFE50];
	v16 =	vadd.s32 v34, v14  }
0x3e5: {  	v9 =	vmov s23;
	v8 =	vmov s31;
	v3 =	vshll.u32 v5, v1;
	v17 =	vld [tilespmem:s21+$0xFFFFFE90]  }
0x3e6: {  	s29 =	simm.s32 $0x4;
	v4 =	vbroadcast v3, $0x0;
	v5 =	vshrl.u32 v8, $0x3;
	v8 =	vld [tilespmem:s21+$0xFFFFFED0];
	v18 =	vadd.s32 v36, v21  }
0x3e7: {  	v9 =	vshrl.u32 v9, $0x3;
	v6 =	vmov s29;
	v20 =	vld [tilespmem:s21+$0xFFFFFF10];
	[tilespmem:v11+s16+$0x0] =	vst.idx.msk $0xffff, v10  }
0x3e8: {  	v6 =	vshrl.u32 v6, $0x3;
	v5 =	vshll.u32 v5, v1;
	v19 =	vadd.s32 v35, v4;
	v11 =	vld [tilespmem:s21+$0xFFFFFF50];
	[tilespmem:v13+s16+$0x0] =	vst.idx.msk $0xffff, v12  }
0x3e9: {  	v3 =	vshll.u32 v6, v1;
	v6 =	vbroadcast v5, $0x0;
	v5 =	vshll.u32 v9, v1;
	v9 =	vld [tilespmem:s21+$0xFFFFFFE0];
	[tilespmem:v16+s16+$0x0] =	vst.idx.msk $0xffff, v15  }
0x3ea: {  	v3 =	vbroadcast v3, $0x0;
	v44 =	vld [tilespmem:$0x1FD30]  }
0x3eb: {  	v13 =	vld [tilespmem:s21+$0xFFFFFF90];
	[tilespmem:v18+s16+$0x0] =	vst.idx.msk $0xffff, v17  }
0x3ec: {  	v22 =	vadd.s32 v39, v3;
	v38 =	vld [tilespmem:$0x1FD70]  }
0x3ed: {  	v10 =	vadd.s32 v58, v7;
	v33 =	vld [tilespmem:$0x1FC70];
	[tilespmem:v19+s16+$0x0] =	vst.idx.msk $0xffff, v8  }
0x3ee: {  	v52 =	vld [tilespmem:$0x1FF20]  }
0x3ef: {  	v5 =	vbroadcast v5, $0x0;
	v16 =	vld [tilespmem:s21+$0xFFFFFE60];
	v12 =	vadd.s32 v44, v6  }
0x3f0: {  	v8 =	vld [tilespmem:s21+$0xFFFFFEA0]  }
0x3f1: {  	[tilespmem:v22+s16+$0x0] =	vst.idx.msk $0xffff, v20;
	v19 =	vld [tilespmem:s21+$0xFFFFFEE0];
	v15 =	vadd.s32 v38, v5  }
0x3f2: {  	v37 =	vld [tilespmem:$0x1FCD0];
	[tilespmem:v10+s16+$0x0] =	vst.idx.msk $0xffff, v9;
	v17 =	vadd.s32 v33, v14  }
0x3f3: {  	v9 =	vld [tilespmem:s21+$0xFFFFFFF0];
	v18 =	vadd.s32 v52, v21  }
0x3f4: {  	[tilespmem:v12+s16+$0x0] =	vst.idx.msk $0xffff, v11;
	v11 =	vld [tilespmem:s21+$0xFFFFFF20]  }
0x3f5: {  	v40 =	vld [tilespmem:$0x1FD00]  }
0x3f6: {  	[tilespmem:v15+s16+$0x0] =	vst.idx.msk $0xffff, v13;
	v13 =	vld [tilespmem:s21+$0xFFFFFF60]  }
0x3f7: {  	v20 =	vadd.s32 v37, v4;
	[tilespmem:v17+s16+$0x0] =	vst.idx.msk $0xffff, v16;
	v17 =	vld [tilespmem:s21+$0xFFFFFE20]  }
0x3f8: {  	v45 =	vld [tilespmem:$0x1FD40];
	[tilespmem:v18+s16+$0x0] =	vst.idx.msk $0xffff, v8  }
0x3f9: {  	v50 =	vld [tilespmem:$0x1FF40]  }
0x3fa: {  	v10 =	vadd.s32 v0, v7;
	v31 =	vld [tilespmem:$0x1FC40]  }
0x3fb: {  	v8 =	vld [tilespmem:s21+$0xFFFFFFA0];
	v12 =	vadd.s32 v40, v3  }
0x3fc: {  	[tilespmem:v20+s16+$0x0] =	vst.idx.msk $0xffff, v19;
	v19 =	vld [tilespmem:s21+$0xFFFFFE70]  }
0x3fd: {  	v24 =	vld [tilespmem:s21+$0xFFFFFEB0];
	v15 =	vadd.s32 v45, v6  }
0x3fe: {  	v49 =	vld [tilespmem:$0x1FC80];
	v16 =	vadd.s32 v50, v5  }
0x3ff: {  	[tilespmem:v10+s16+$0x0] =	vst.idx.msk $0xffff, v9;
	v26 =	vld [tilespmem:s21+$0xFFFFFEF0];
	v18 =	vadd.s32 v31, v2  }
0x400: {  	v23 =	vld [tilespmem:s21+$0x0];
	[tilespmem:v12+s16+$0x0] =	vst.idx.msk $0xffff, v11  }
0x401: {  	v57 =	vld [tilespmem:$0x1FC00]  }
0x402: {  	v42 =	vld [tilespmem:$0x1FCA0];
	[tilespmem:v15+s16+$0x0] =	vst.idx.msk $0xffff, v13  }
0x403: {  	v20 =	vadd.s32 v49, v14;
	v53 =	vld [tilespmem:$0x1FCE0];
	[tilespmem:v16+s16+$0x0] =	vst.idx.msk $0xffff, v8  }
0x404: {  	v28 =	vld [tilespmem:s21+$0xFFFFFF30];
	[tilespmem:v18+s16+$0x0] =	vst.idx.msk $0xffff, v17  }
0x405: {  	v41 =	vld [tilespmem:$0x1FD10]  }
0x406: {  	v9 =	vld [tilespmem:s21+$0xFFFFFF70];
	v7 =	vadd.s32 v57, v7  }
0x407: {  	v11 =	vld [tilespmem:s21+$0xFFFFFFB0];
	v25 =	vadd.s32 v42, v21  }
0x408: {  	[tilespmem:v20+s16+$0x0] =	vst.idx.msk $0xffff, v19;
	v15 =	vld [tilespmem:s21+$0xFFFFFE30]  }
0x409: {  	v47 =	vld [tilespmem:$0x1FD50];
	v27 =	vadd.s32 v53, v4  }
0x40a: {  	v54 =	vld [tilespmem:$0x1FF50];
	v29 =	vadd.s32 v41, v3  }
0x40b: {  	v18 =	vld [tilespmem:s21+$0xFFFFFE80];
	[tilespmem:v7+s16+$0x0] =	vst.idx.msk $0xffff, v23  }
0x40c: {  	v51 =	vld [tilespmem:$0x1FC50];
	[tilespmem:v25+s16+$0x0] =	vst.idx.msk $0xffff, v24  }
0x40d: {  	v46 =	vld [tilespmem:$0x1FF10]  }
0x40e: {  	[tilespmem:v27+s16+$0x0] =	vst.idx.msk $0xffff, v26;
	v19 =	vld [tilespmem:s21+$0xFFFFFEC0]  }
0x40f: {  	s25 =	simm.s32 $0x9;
	v32 =	vld [tilespmem:$0x1FCB0];
	[tilespmem:v29+s16+$0x0] =	vst.idx.msk $0xffff, v28  }
0x410: {  	s24 =	simm.s32 $0x8;
	s28 =	simm.s32 $0xB;
	v22 =	vmov s25;
	v10 =	vadd.s32 v47, v6;
	v56 =	vld [tilespmem:$0x1FF30]  }
0x411: {  	s29 =	simm.s32 $0xC;
	v13 =	vmov s28;
	v8 =	vmov s24;
	v12 =	vadd.s32 v54, v5;
	v43 =	vld [tilespmem:$0x1FD20]  }
0x412: {  	s26 =	simm.s32 $0xA;
	s30 =	simm.s32 $0xD;
	v16 =	vmov s29;
	v8 =	vshrl.u32 v8, $0x3;
	v48 =	vld [tilespmem:$0x1FD60];
	v17 =	vadd.s32 v51, v2  }
0x413: {  	s31 =	simm.s32 $0xE;
	v23 =	vmov s26;
	v7 =	vmov s30;
	v55 =	vld [tilespmem:$0x1FF60];
	v20 =	vadd.s32 v46, v14  }
0x414: {  	s22 =	simm.s32 $0x10;
	s23 =	simm.s32 $0xF;
	v60 =	vld [tilespmem:$0x1FF00];
	v14 =	vshll.u32 v8, v1;
	v8 =	vmov s31;
	v21 =	vadd.s32 v32, v21  }
.LBB2_23:
0x415: {  	p0 =	slt.u32 s22, $0x78;
	v22 =	vshrl.u32 v22, $0x3;
	v24 =	vmov s23;
	v25 =	vld [tilespmem:s21+$0xFFFFFF00];
	v4 =	vadd.s32 v56, v4;
	[tilespmem:v10+s16+$0x0] =	vst.idx.msk $0xffff, v9  }
0x416: {  	v9 =	vshrl.u32 v23, $0x3;
	v3 =	vadd.s32 v43, v3;
	v10 =	vshrl.u32 v24, $0x3;
	v23 =	vld [tilespmem:s21+$0xFFFFFF40];
	[tilespmem:v12+s16+$0x0] =	vst.idx.msk $0xffff, v11  }
0x417: {  	v6 =	vadd.s32 v48, v6;
	v11 =	vshrl.u32 v13, $0x3;
	v10 =	vshll.u32 v10, v1;
	[tilespmem:v17+s16+$0x0] =	vst.idx.msk $0xffff, v15;
	v12 =	vld [tilespmem:s21+$0xFFFFFF80]  }
0x418: {  	v5 =	vadd.s32 v55, v5;
	v13 =	vshrl.u32 v16, $0x3;
	v10 =	vbroadcast v10, $0x0;
	[tilespmem:v20+s16+$0x0] =	vst.idx.msk $0xffff, v18;
	v15 =	vld [tilespmem:s21+$0xFFFFFFC0]  }
0x419: {  	v16 =	vshll.u32 v22, v1;
	v18 =	vadd.s32 v60, v2;
	v2 =	vbroadcast v14, $0x0;
	v17 =	vld [tilespmem:s21+$0xFFFFFE40];
	[tilespmem:v21+s16+$0x0] =	vst.idx.msk $0xffff, v19;
	s21 =	sadd.s32 $0x200, s21  }
0x41a: {  	v9 =	vshll.u32 v9, v1;
	v14 =	vbroadcast v16, $0x0;
	v16 =	vld [tilespmem:s21+$0xFFFFFFD0];
	v19 =	vadd.s32 v63, v10;
	[tilespmem:v4+s16+$0x0] =	vst.idx.msk $0xffff, v25  }
0x41b: {  	v24 =	vbroadcast v9, $0x0;
	v21 =	vadd.s32 v30, v2;
	v4 =	vshll.u32 v11, v1;
	v20 =	vld [tilespmem:s21+$0xFFFFFE10];
	[tilespmem:v3+s16+$0x0] =	vst.idx.msk $0xffff, v23  }
0x41c: {  	v11 =	vadd.s32 v34, v14;
	v4 =	vbroadcast v4, $0x0;
	v3 =	vshll.u32 v13, v1;
	v9 =	vld [tilespmem:s21+$0xFFFFFE50];
	[tilespmem:v6+s16+$0x0] =	vst.idx.msk $0xffff, v12  }
0x41d: {  	v13 =	vadd.s32 v36, v24;
	v3 =	vbroadcast v3, $0x0;
	v6 =	vshrl.u32 v7, $0x3;
	v12 =	vld [tilespmem:s21+$0xFFFFFE90];
	[tilespmem:v5+s16+$0x0] =	vst.idx.msk $0xffff, v15  }
0x41e: {  	v8 =	vshrl.u32 v8, $0x3;
	v15 =	vadd.s32 v35, v4;
	v5 =	vshll.u32 v6, v1;
	v7 =	vld [tilespmem:s21+$0xFFFFFED0];
	[tilespmem:v18+s16+$0x0] =	vst.idx.msk $0xffff, v17  }
0x41f: {  	v18 =	vadd.s32 v39, v3;
	v6 =	vbroadcast v5, $0x0;
	v5 =	vshll.u32 v8, v1;
	v17 =	vld [tilespmem:s21+$0xFFFFFF10];
	[tilespmem:v19+s16+$0x0] =	vst.idx.msk $0xffff, v16  }
0x420: {  	v5 =	vbroadcast v5, $0x0;
	v16 =	vadd.s32 v58, v10;
	[tilespmem:v21+s16+$0x0] =	vst.idx.msk $0xffff, v20;
	v8 =	vld [tilespmem:s21+$0xFFFFFFE0]  }
0x421: {  	[tilespmem:v11+s16+$0x0] =	vst.idx.msk $0xffff, v9;
	v9 =	vld [tilespmem:s21+$0xFFFFFF50];
	v11 =	vadd.s32 v44, v6  }
0x422: {  	[tilespmem:v13+s16+$0x0] =	vst.idx.msk $0xffff, v12;
	v12 =	vld [tilespmem:s21+$0xFFFFFF90];
	v13 =	vadd.s32 v38, v5  }
0x423: {  	v20 =	vadd.s32 v33, v14;
	v19 =	vld [tilespmem:s21+$0xFFFFFE60];
	[tilespmem:v15+s16+$0x0] =	vst.idx.msk $0xffff, v7  }
0x424: {  	v15 =	vadd.s32 v52, v24;
	v7 =	vld [tilespmem:s21+$0xFFFFFEA0];
	[tilespmem:v18+s16+$0x0] =	vst.idx.msk $0xffff, v17  }
0x425: {  	v18 =	vadd.s32 v37, v4;
	v17 =	vld [tilespmem:s21+$0xFFFFFEE0];
	[tilespmem:v16+s16+$0x0] =	vst.idx.msk $0xffff, v8  }
0x426: {  	[tilespmem:v11+s16+$0x0] =	vst.idx.msk $0xffff, v9;
	v8 =	vld [tilespmem:s21+$0xFFFFFFF0];
	v9 =	vadd.s32 v0, v10  }
0x427: {  	v16 =	vadd.s32 v40, v3;
	v11 =	vld [tilespmem:s21+$0xFFFFFF20];
	[tilespmem:v13+s16+$0x0] =	vst.idx.msk $0xffff, v12  }
0x428: {  	v13 =	vadd.s32 v45, v6;
	[tilespmem:v20+s16+$0x0] =	vst.idx.msk $0xffff, v19;
	v12 =	vld [tilespmem:s21+$0xFFFFFF60]  }
0x429: {  	[tilespmem:v15+s16+$0x0] =	vst.idx.msk $0xffff, v7;
	v7 =	vld [tilespmem:s21+$0xFFFFFFA0];
	v15 =	vadd.s32 v50, v5  }
0x42a: {  	v20 =	vadd.s32 v31, v2;
	v19 =	vld [tilespmem:s21+$0xFFFFFE20];
	[tilespmem:v18+s16+$0x0] =	vst.idx.msk $0xffff, v17  }
0x42b: {  	v18 =	vadd.s32 v49, v14;
	v17 =	vld [tilespmem:s21+$0xFFFFFE70];
	[tilespmem:v9+s16+$0x0] =	vst.idx.msk $0xffff, v8  }
0x42c: {  	[tilespmem:v16+s16+$0x0] =	vst.idx.msk $0xffff, v11;
	v8 =	vld [tilespmem:s21+$0x0];
	v16 =	vadd.s32 v57, v10  }
0x42d: {  	v25 =	vadd.s32 v42, v24;
	v21 =	vld [tilespmem:s21+$0xFFFFFEB0];
	[tilespmem:v13+s16+$0x0] =	vst.idx.msk $0xffff, v12  }
0x42e: {  	v27 =	vadd.s32 v53, v4;
	v26 =	vld [tilespmem:s21+$0xFFFFFEF0];
	[tilespmem:v15+s16+$0x0] =	vst.idx.msk $0xffff, v7  }
0x42f: {  	v29 =	vadd.s32 v41, v3;
	[tilespmem:v20+s16+$0x0] =	vst.idx.msk $0xffff, v19;
	v28 =	vld [tilespmem:s21+$0xFFFFFF30]  }
.Ltmp10:
0x430: {  	s23 =	sadd.s32 $0x1, s22;
	v10 =	vadd.s32 v47, v6;
	v7 =	vmov s22;
	[tilespmem:v18+s16+$0x0] =	vst.idx.msk $0xffff, v17;
	v9 =	vld [tilespmem:s21+$0xFFFFFF70];
	(pc) =	sbr.rel @p0 .LBB2_23-.Ltmp10, $4  }
0x431: {  	s24 =	sadd.s32 $0x3, s22;
	v22 =	vmov s23;
	s23 =	sadd.s32 $0x2, s22;
	v12 =	vadd.s32 v54, v5;
	v19 =	vshrl.u32 v7, $0x3;
	v11 =	vld [tilespmem:s21+$0xFFFFFFB0];
	[tilespmem:v16+s16+$0x0] =	vst.idx.msk $0xffff, v8  }
0x432: {  	v23 =	vmov s23;
	s23 =	sadd.s32 $0x4, s22;
	v13 =	vmov s24;
	s24 =	sadd.s32 $0x5, s22;
	v17 =	vadd.s32 v51, v2;
	v15 =	vld [tilespmem:s21+$0xFFFFFE30];
	[tilespmem:v25+s16+$0x0] =	vst.idx.msk $0xffff, v21  }
0x433: {  	v7 =	vmov s24;
	v20 =	vadd.s32 v46, v14;
	v16 =	vmov s23;
	s23 =	sadd.s32 $0x6, s22;
	v18 =	vld [tilespmem:s21+$0xFFFFFE80];
	[tilespmem:v27+s16+$0x0] =	vst.idx.msk $0xffff, v26  }
0x434: {  	v14 =	vshll.u32 v19, v1;
	v8 =	vmov s23;
	s23 =	sadd.s32 $0x7, s22;
	s22 =	sadd.s32 $0x8, s22;
	v21 =	vadd.s32 v32, v24;
	v19 =	vld [tilespmem:s21+$0xFFFFFEC0];
	[tilespmem:v29+s16+$0x0] =	vst.idx.msk $0xffff, v28  }
0x435: {  	_ =	sdelay $0x3  }
0x436: {  	v22 =	vshrl.u32 v22, $0x3;
	v25 =	vld [tilespmem:s21+$0xFFFFFF00];
	v4 =	vadd.s32 v56, v4;
	[tilespmem:v10+s16+$0x0] =	vst.idx.msk $0xffff, v9  }
0x437: {  	v24 =	vmov s23;
	v59 =	vshrl.u32 v23, $0x3;
	v23 =	vld [tilespmem:s21+$0xFFFFFF40];
	v3 =	vadd.s32 v43, v3;
	[tilespmem:v12+s16+$0x0] =	vst.idx.msk $0xffff, v11  }
0x438: {  	v6 =	vadd.s32 v48, v6;
	v5 =	vadd.s32 v55, v5;
	v61 =	vshrl.u32 v24, $0x3;
	v12 =	vld [tilespmem:s21+$0xFFFFFF80];
	[tilespmem:v17+s16+$0x0] =	vst.idx.msk $0xffff, v15  }
0x439: {  	v14 =	vbroadcast v14, $0x0;
	v2 =	vadd.s32 v60, v2;
	v10 =	vshll.u32 v61, v1;
	v15 =	vld [tilespmem:s21+$0xFFFFFFC0];
	[tilespmem:v20+s16+$0x0] =	vst.idx.msk $0xffff, v18  }
0x43a: {  	s25 =	sadd.s32 $0x200, s21;
	v11 =	vshrl.u32 v13, $0x3;
	v62 =	vshll.u32 v22, v1;
	v10 =	vbroadcast v10, $0x0;
	v17 =	vld [tilespmem:s21+$0xFFFFFE40];
	[tilespmem:v21+s16+$0x0] =	vst.idx.msk $0xffff, v19  }
0x43b: {  	v13 =	vshrl.u32 v16, $0x3;
	v16 =	vbroadcast v62, $0x0;
	v62 =	vld [tilespmem:s25+$0xFFFFFE10];
	v20 =	vadd.s32 v30, v14;
	[tilespmem:v4+s16+$0x0] =	vst.idx.msk $0xffff, v25  }
0x43c: {  	v9 =	vshll.u32 v59, v1;
	v59 =	vld [tilespmem:s25+$0xFFFFFFD0];
	v61 =	vadd.s32 v63, v10;
	[tilespmem:v3+s16+$0x0] =	vst.idx.msk $0xffff, v23  }
0x43d: {  	v9 =	vbroadcast v9, $0x0;
	v11 =	vshll.u32 v11, v1;
	v21 =	vadd.s32 v34, v16;
	v3 =	vld [tilespmem:s25+$0xFFFFFE50];
	[tilespmem:v6+s16+$0x0] =	vst.idx.msk $0xffff, v12  }
0x43e: {  	v7 =	vshrl.u32 v7, $0x3;
	v13 =	vshll.u32 v13, v1;
	v11 =	vbroadcast v11, $0x0;
	[tilespmem:v5+s16+$0x0] =	vst.idx.msk $0xffff, v15  }
0x43f: {  	v7 =	vshll.u32 v7, v1;
	v13 =	vbroadcast v13, $0x0;
	v34 =	vadd.s32 v36, v9;
	v6 =	vld [tilespmem:s25+$0xFFFFFE90];
	[tilespmem:v2+s16+$0x0] =	vst.idx.msk $0xffff, v17  }
0x440: {  	v8 =	vshrl.u32 v8, $0x3;
	v7 =	vbroadcast v7, $0x0;
	v36 =	vadd.s32 v35, v11;
	v5 =	vld [tilespmem:s25+$0xFFFFFED0];
	[tilespmem:v20+s16+$0x0] =	vst.idx.msk $0xffff, v62  }
0x441: {  	v8 =	vshll.u32 v8, v1;
	v39 =	vadd.s32 v39, v13;
	v2 =	vld [tilespmem:s25+$0xFFFFFF10];
	[tilespmem:v61+s16+$0x0] =	vst.idx.msk $0xffff, v59  }
0x442: {  	v4 =	vbroadcast v8, $0x0;
	v62 =	vadd.s32 v44, v7;
	[tilespmem:v21+s16+$0x0] =	vst.idx.msk $0xffff, v3;
	v3 =	vld [tilespmem:s25+$0xFFFFFF50]  }
0x443: {  	v61 =	vadd.s32 v58, v10;
	v59 =	vld [tilespmem:s25+$0xFFFFFFE0]  }
0x444: {  	v35 =	vadd.s32 v38, v4;
	[tilespmem:v34+s16+$0x0] =	vst.idx.msk $0xffff, v6;
	v34 =	vld [tilespmem:s25+$0xFFFFFF90]  }
0x445: {  	v21 =	vadd.s32 v33, v16;
	v20 =	vld [tilespmem:s25+$0xFFFFFE60];
	[tilespmem:v36+s16+$0x0] =	vst.idx.msk $0xffff, v5  }
0x446: {  	v38 =	vadd.s32 v52, v9;
	v36 =	vld [tilespmem:s25+$0xFFFFFEA0];
	[tilespmem:v39+s16+$0x0] =	vst.idx.msk $0xffff, v2  }
0x447: {  	v2 =	vld [tilespmem:s25+$0xFFFFFEE0];
	v39 =	vadd.s32 v37, v11;
	[tilespmem:v62+s16+$0x0] =	vst.idx.msk $0xffff, v3  }
0x448: {  	v58 =	vld [tilespmem:s25+$0xFFFFFF20];
	[tilespmem:v61+s16+$0x0] =	vst.idx.msk $0xffff, v59;
	v59 =	vadd.s32 v40, v13  }
0x449: {  	v62 =	vadd.s32 v45, v7;
	[tilespmem:v35+s16+$0x0] =	vst.idx.msk $0xffff, v34;
	v61 =	vld [tilespmem:s25+$0xFFFFFF60]  }
0x44a: {  	v44 =	vadd.s32 v0, v10;
	[tilespmem:v21+s16+$0x0] =	vst.idx.msk $0xffff, v20;
	v3 =	vld [tilespmem:s25+$0xFFFFFFF0]  }
0x44b: {  	v20 =	vld [tilespmem:s25+$0xFFFFFE20];
	v21 =	vadd.s32 v31, v14;
	[tilespmem:v38+s16+$0x0] =	vst.idx.msk $0xffff, v36  }
0x44c: {  	v34 =	vadd.s32 v50, v4;
	v33 =	vld [tilespmem:s25+$0xFFFFFFA0];
	[tilespmem:v39+s16+$0x0] =	vst.idx.msk $0xffff, v2  }
0x44d: {  	v35 =	vadd.s32 v49, v16;
	v2 =	vld [tilespmem:s25+$0xFFFFFE70];
	[tilespmem:v59+s16+$0x0] =	vst.idx.msk $0xffff, v58  }
0x44e: {  	v38 =	vadd.s32 v42, v9;
	v37 =	vld [tilespmem:s25+$0xFFFFFEB0];
	[tilespmem:v62+s16+$0x0] =	vst.idx.msk $0xffff, v61  }
0x44f: {  	v40 =	vadd.s32 v53, v11;
	v39 =	vld [tilespmem:s25+$0xFFFFFEF0];
	[tilespmem:v44+s16+$0x0] =	vst.idx.msk $0xffff, v3  }
0x450: {  	v36 =	vadd.s32 v57, v10;
	[tilespmem:v21+s16+$0x0] =	vst.idx.msk $0xffff, v20;
	v3 =	vld [tilespmem:s25+$0x0]  }
0x451: {  	[tilespmem:v34+s16+$0x0] =	vst.idx.msk $0xffff, v33;
	v42 =	vld [tilespmem:s25+$0xFFFFFF30];
	v44 =	vadd.s32 v41, v13  }
0x452: {  	v45 =	vadd.s32 v47, v7;
	[tilespmem:v35+s16+$0x0] =	vst.idx.msk $0xffff, v2;
	v2 =	vld [tilespmem:s25+$0xFFFFFF70]  }
0x453: {  	v20 =	vadd.s32 v54, v4;
	v47 =	vld [tilespmem:s25+$0xFFFFFFB0];
	[tilespmem:v38+s16+$0x0] =	vst.idx.msk $0xffff, v37  }
0x454: {  	v49 =	vadd.s32 v51, v14;
	v16 =	vadd.s32 v46, v16;
	v51 =	vld [tilespmem:s25+$0xFFFFFE80];
	[tilespmem:v40+s16+$0x0] =	vst.idx.msk $0xffff, v39  }
0x455: {  	[tilespmem:v36+s16+$0x0] =	vst.idx.msk $0xffff, v3;
	v3 =	vld [tilespmem:s25+$0xFFFFFE30]  }
0x456: {  	v9 =	vadd.s32 v32, v9;
	v53 =	vld [tilespmem:s25+$0xFFFFFEC0];
	[tilespmem:v44+s16+$0x0] =	vst.idx.msk $0xffff, v42  }
0x457: {  	v11 =	vadd.s32 v56, v11;
	v54 =	vld [tilespmem:s25+$0xFFFFFF00];
	[tilespmem:v45+s16+$0x0] =	vst.idx.msk $0xffff, v2  }
0x458: {  	v58 =	vadd.s32 v43, v13;
	v2 =	vld [tilespmem:s25+$0xFFFFFF40];
	[tilespmem:v20+s16+$0x0] =	vst.idx.msk $0xffff, v47  }
0x459: {  	v4 =	vadd.s32 v55, v4;
	[tilespmem:v16+s16+$0x0] =	vst.idx.msk $0xffff, v51;
	v59 =	vld [tilespmem:s25+$0xFFFFFFC0]  }
0x45a: {  	v7 =	vadd.s32 v48, v7;
	[tilespmem:v49+s16+$0x0] =	vst.idx.msk $0xffff, v3;
	v3 =	vld [tilespmem:s25+$0xFFFFFF80]  }
0x45b: {  	v62 =	vadd.s32 v60, v14;
	[tilespmem:v9+s16+$0x0] =	vst.idx.msk $0xffff, v53;
	v61 =	vld [tilespmem:s25+$0xFFFFFE40]  }
0x45c: {  	[tilespmem:v11+s16+$0x0] =	vst.idx.msk $0xffff, v54  }
0x45d: {  	[tilespmem:v58+s16+$0x0] =	vst.idx.msk $0xffff, v2  }
0x45e: {  	[tilespmem:v4+s16+$0x0] =	vst.idx.msk $0xffff, v59  }
0x45f: {  	[tilespmem:v7+s16+$0x0] =	vst.idx.msk $0xffff, v3  }
0x460: {  	s20 =	sadd.s32 s4, s20;
	[tilespmem:v62+s16+$0x0] =	vst.idx.msk $0xffff, v61  }
0x461: {  	s26 =	sshll.u32 s20, $0x7;
	v61 =	vld [tilespmem:$0x1FD90]  }
0x462: {  	s20 =	sshll.u32 s20, $0xA;
	s21 =	sand.u32 $0x3F80, s26;
	v26 =	vld [tilespmem:$0x1FDB0]  }
0x463: {  	s20 =	sand.u32 $0xFFE0000, s20;
	s21 =	sadd.s32 s2, s21;
	v25 =	vld [tilespmem:$0x1FDD0]  }
0x464: {  	s28 =	simm.s32 $0xE600;
	s21 =	sadd.s32 s20, s21;
	v27 =	vld [tilespmem:$0x1FDF0]  }
0x465: {  	[hbm4b:s21+s3] =	stream.linear.scatter [tilespmem:s28], [sflag:$0x2], $0x80, $0x38;
	v31 =	vld [tilespmem:$0x1FE00]  }
0x466: {  	s29 =	simm.s32 $0xE688;
	s22 =	sadd.s32 $0x10, s21;
	v36 =	vld [tilespmem:$0x1FE10]  }
0x467: {  	v53 =	vld [tilespmem:$0x1FE20];
	[hbm4b:s22+s3] =	stream.linear.scatter [tilespmem:s29], [sflag:$0x2], $0x80, $0x38  }
0x468: {  	s30 =	simm.s32 $0xE710;
	s23 =	simm.s32 $0xE798;
	s31 =	sadd.s32 $0x20, s21;
	v28 =	vld [tilespmem:$0x1FE40]  }
0x469: {  	v49 =	vld [tilespmem:$0x1FE50];
	[hbm4b:s31+s3] =	stream.linear.scatter [tilespmem:s30], [sflag:$0x2], $0x80, $0x38  }
0x46a: {  	s20 =	simm.s32 $0x440;
	s24 =	sadd.s32 $0x30, s21;
	s26 =	sadd.s32 $0x40, s21;
	v51 =	vld [tilespmem:$0x1FE70]  }
0x46b: {  	v59 =	vld [tilespmem:$0x1FE80];
	[hbm4b:s24+s3] =	stream.linear.scatter [tilespmem:s23], [sflag:$0x2], $0x80, $0x38  }
0x46c: {  	s25 =	simm.s32 $0xE820;
	s28 =	simm.s32 $0xE8A8;
	v42 =	vld [tilespmem:$0x1FC20];
	s29 =	sadd.s32 $0x50, s21  }
0x46d: {  	v24 =	vld [tilespmem:$0x1FEA0];
	[hbm4b:s26+s3] =	stream.linear.scatter [tilespmem:s25], [sflag:$0x2], $0x80, $0x38  }
0x46e: {  	v34 =	vld [tilespmem:$0x1FEB0];
	s22 =	simm.s32 $0x2200;
	s30 =	simm.s32 $0xE930;
	s31 =	sadd.s32 $0x60, s21  }
0x46f: {  	v23 =	vld [tilespmem:$0x1FEC0];
	[hbm4b:s29+s3] =	stream.linear.scatter [tilespmem:s28], [sflag:$0x2], $0x80, $0x38  }
0x470: {  	v38 =	vld [tilespmem:$0x1FEE0];
	s23 =	simm.s32 $0xE9B8;
	s24 =	sadd.s32 $0x70, s21;
	s21 =	sadd.s32 $0x4000, s21  }
0x471: {  	v62 =	vld [tilespmem:$0x1FDC0];
	[hbm4b:s31+s3] =	stream.linear.scatter [tilespmem:s30], [sflag:$0x2], $0x80, $0x38  }
.LBB2_25:
0x472: {  	[hbm4b:s24+s3] =	stream.linear.scatter [tilespmem:s23], [sflag:$0x2], $0x80, $0x38;
	[tilespmem:$0x10800] =	vst v63  }
0x473: {  	s23 =	smov.u32 s20;
	s20 =	smov.u32 s22  }
0x474: {  	s25 =	sadd.s32 $0x1100, s22;
	s20 =	sshra.s32 s20, $0x2;
	s24 =	sadd.s32 $0xE600, s23  }
0x475: {  	[hbm4b:s21+s3] =	stream.linear.scatter [tilespmem:s24], [sflag:$0x2], $0x80, $0x38;
	[tilespmem:$0x10800] =	vst v63  }
0x476: {  	p0 =	sne.s32 s22, $0x7700;
	s22 =	sadd.s32 $0xE688, s23;
	s24 =	sadd.s32 $0x10, s21  }
0x477: {  	[hbm4b:s24+s3] =	stream.linear.scatter [tilespmem:s22], [sflag:$0x2], $0x80, $0x38;
	[tilespmem:$0x10800] =	vst v63  }
0x478: {  	s22 =	sadd.s32 $0xE710, s23;
	s24 =	sadd.s32 $0x20, s21  }
0x479: {  	[hbm4b:s24+s3] =	stream.linear.scatter [tilespmem:s22], [sflag:$0x2], $0x80, $0x38;
	[tilespmem:$0x10800] =	vst v63  }
0x47a: {  	s22 =	sadd.s32 $0xE798, s23;
	s24 =	sadd.s32 $0x30, s21  }
0x47b: {  	[hbm4b:s24+s3] =	stream.linear.scatter [tilespmem:s22], [sflag:$0x2], $0x80, $0x38;
	[tilespmem:$0x10800] =	vst v63  }
0x47c: {  	s22 =	sadd.s32 $0xE820, s23;
	s24 =	sadd.s32 $0x40, s21  }
0x47d: {  	[hbm4b:s24+s3] =	stream.linear.scatter [tilespmem:s22], [sflag:$0x2], $0x80, $0x38;
	[tilespmem:$0x10800] =	vst v63  }
.Ltmp11:
0x47e: {  	s22 =	sadd.s32 $0xE8A8, s23;
	s24 =	sadd.s32 $0x50, s21;
	(pc) =	sbr.rel @p0 .LBB2_25-.Ltmp11, $4  }
0x47f: {  	[hbm4b:s24+s3] =	stream.linear.scatter [tilespmem:s22], [sflag:$0x2], $0x80, $0x38;
	[tilespmem:$0x10800] =	vst v63  }
0x480: {  	s22 =	sadd.s32 $0xE930, s23;
	s24 =	sadd.s32 $0x60, s21;
	s23 =	sadd.s32 $0xE9B8, s23  }
0x481: {  	[hbm4b:s24+s3] =	stream.linear.scatter [tilespmem:s22], [sflag:$0x2], $0x80, $0x38;
	[tilespmem:$0x10800] =	vst v63  }
0x482: {  	s24 =	sadd.s32 $0x70, s21;
	s21 =	sadd.s32 $0x4000, s21;
	s22 =	smov.u32 s25  }
0x483: {  	[hbm4b:s24+s3] =	stream.linear.scatter [tilespmem:s23], [sflag:$0x2], $0x80, $0x38;
	[tilespmem:$0x10800] =	vst v63  }
0x484: {  	s22 =	sadd.s32 $0xE600, s20  }
0x485: {  	[hbm4b:s21+s3] =	stream.linear.scatter [tilespmem:s22], [sflag:$0x2], $0x80, $0x38;
	[tilespmem:$0x10800] =	vst v63  }
0x486: {  	s25 =	sadd.s32 $0xE688, s20;
	s26 =	sadd.s32 $0x10, s21  }
0x487: {  	v29 =	vld [tilespmem:$0x1FD80];
	[hbm4b:s26+s3] =	stream.linear.scatter [tilespmem:s25], [sflag:$0x2], $0x80, $0x38  }
0x488: {  	s28 =	sadd.s32 $0xE710, s20;
	s29 =	sadd.s32 $0x20, s21;
	v32 =	vld [tilespmem:$0x1FDE0]  }
0x489: {  	v33 =	vld [tilespmem:$0x1FFC0];
	[hbm4b:s29+s3] =	stream.linear.scatter [tilespmem:s28], [sflag:$0x2], $0x80, $0x38  }
0x48a: {  	s30 =	sadd.s32 $0xE798, s20;
	s31 =	sadd.s32 $0x30, s21;
	v35 =	vld [tilespmem:$0x1FFD0]  }
0x48b: {  	v37 =	vld [tilespmem:$0x1FFE0];
	[hbm4b:s31+s3] =	stream.linear.scatter [tilespmem:s30], [sflag:$0x2], $0x80, $0x38  }
0x48c: {  	s23 =	sadd.s32 $0xE820, s20;
	s24 =	sadd.s32 $0x40, s21;
	s19 =	sadd.s32 $0x1, s19;
	v39 =	vld [tilespmem:$0x1FFF0]  }
0x48d: {  	v40 =	vld [tilespmem:$0x1FFB0];
	[hbm4b:s24+s3] =	stream.linear.scatter [tilespmem:s23], [sflag:$0x2], $0x80, $0x38  }
0x48e: {  	v41 =	vld [tilespmem:$0x1FFA0];
	p0 =	sne.s32 s19, $0x21;
	s25 =	sadd.s32 $0xE8A8, s20;
	s26 =	sadd.s32 $0x50, s21  }
0x48f: {  	v43 =	vld [tilespmem:$0x1FED0];
	[hbm4b:s26+s3] =	stream.linear.scatter [tilespmem:s25], [sflag:$0x2], $0x80, $0x38  }
.Ltmp12:
0x490: {  	v45 =	vld [tilespmem:$0x1FE30];
	(pc) =	sbr.rel @p0 .LBB2_2-.Ltmp12, $4  }
0x491: {  	v47 =	vld [tilespmem:$0x1FE60];
	s28 =	sadd.s32 $0xE930, s20;
	s29 =	sadd.s32 $0x60, s21  }
0x492: {  	v48 =	vld [tilespmem:$0x1FE90];
	[hbm4b:s29+s3] =	stream.linear.scatter [tilespmem:s28], [sflag:$0x2], $0x80, $0x38  }
0x493: {  	v44 =	vld [tilespmem:$0x1FDA0];
	s30 =	sadd.s32 $0xE9B8, s20;
	s31 =	sadd.s32 $0x70, s21  }
0x494: {  	v58 =	vld [tilespmem:$0x1FC10];
	[hbm4b:s31+s3] =	stream.linear.scatter [tilespmem:s30], [sflag:$0x2], $0x80, $0x38  }
0x495: {  	s19 =	simm.s32 $0x0;
	s29 =	simm.s32 $0x1;
	s20 =	simm.s32 $0x2  }
0x496: {  	s30 =	simm.s32 $0x3;
	s31 =	simm.s32 $0x4;
	s21 =	simm.s32 $0x7;
	v2 =	vmov s19;
	v3 =	vmov s29;
	v4 =	vmov s20  }
0x497: {  	_ =	swait.ge [sflag:s15], $0x2000;
	s22 =	simm.s32 $0x5;
	s23 =	simm.s32 $0x6;
	v5 =	vmov s30;
	v6 =	vmov s31;
	v7 =	vmov s21  }
0x498: {  	[sflag:s15] =	ssyncset.done $0x0;
	v8 =	vmov s22;
	v9 =	vmov s23;
	v2 =	vshrl.u32 v2, $0x3  }
0x499: {  	[sflag:s15] =	ssyncadd.s32 $0xFFFFE000;
	v7 =	vshrl.u32 v7, $0x3;
	v3 =	vshrl.u32 v3, $0x3;
	v4 =	vshrl.u32 v4, $0x3  }
0x49a: {  	v5 =	vshrl.u32 v5, $0x3;
	v6 =	vshrl.u32 v6, $0x3;
	_ =	swait.ge [sflag:s17], $0x2000;
	v7 =	vshll.u32 v7, v1  }
0x49b: {  	v2 =	vshll.u32 v2, v1;
	v3 =	vshll.u32 v3, v1;
	[sflag:s17] =	ssyncset.done $0x0;
	v7 =	vbroadcast v7, $0x0  }
0x49c: {  	s19 =	simm.s32 $0x6500;
	v2 =	vbroadcast v2, $0x0;
	v14 =	vbroadcast v3, $0x0;
	v3 =	vshll.u32 v4, v1;
	[sflag:s17] =	ssyncadd.s32 $0xFFFFE000  }
0x49d: {  	v9 =	vshrl.u32 v9, $0x3;
	v21 =	vbroadcast v3, $0x0;
	v10 =	vld [tilespmem:s19+$0xC0];
	v11 =	vadd.s32 v34, v7  }
0x49e: {  	v3 =	vshll.u32 v5, v1;
	v5 =	vshrl.u32 v8, $0x3;
	v12 =	vld [tilespmem:s19+$0xFFFFFF00];
	v13 =	vadd.s32 v29, v2  }
0x49f: {  	v15 =	vld [tilespmem:s19+$0xFFFFFF40];
	v16 =	vadd.s32 v26, v14;
	v4 =	vbroadcast v3, $0x0;
	v3 =	vshll.u32 v6, v1  }
0x4a0: {  	v17 =	vld [tilespmem:s19+$0xFFFFFF80];
	v5 =	vshll.u32 v5, v1;
	v18 =	vadd.s32 v27, v21;
	v3 =	vbroadcast v3, $0x0  }
0x4a1: {  	v8 =	vld [tilespmem:s19+$0xFFFFFFC0];
	v6 =	vbroadcast v5, $0x0;
	v5 =	vshll.u32 v9, v1;
	v19 =	vadd.s32 v36, v4  }
0x4a2: {  	v20 =	vld [tilespmem:s19+$0x0];
	v5 =	vbroadcast v5, $0x0;
	v22 =	vadd.s32 v28, v3;
	[tilespmem:v11+s16+$0x0] =	vst.idx.msk $0xffff, v10  }
0x4a3: {  	[tilespmem:v13+s16+$0x0] =	vst.idx.msk $0xffff, v12;
	v11 =	vld [tilespmem:s19+$0x40];
	v12 =	vadd.s32 v51, v6  }
0x4a4: {  	[tilespmem:v16+s16+$0x0] =	vst.idx.msk $0xffff, v15;
	v13 =	vld [tilespmem:s19+$0x80];
	v15 =	vadd.s32 v42, v5  }
0x4a5: {  	v10 =	vadd.s32 v23, v7;
	v9 =	vld [tilespmem:s19+$0xD0];
	[tilespmem:v18+s16+$0x0] =	vst.idx.msk $0xffff, v17  }
0x4a6: {  	v16 =	vld [tilespmem:s19+$0xFFFFFF50];
	v17 =	vadd.s32 v62, v14;
	[tilespmem:v19+s16+$0x0] =	vst.idx.msk $0xffff, v8  }
0x4a7: {  	v18 =	vadd.s32 v33, v21;
	v8 =	vld [tilespmem:s19+$0xFFFFFF90];
	[tilespmem:v22+s16+$0x0] =	vst.idx.msk $0xffff, v20  }
0x4a8: {  	v19 =	vld [tilespmem:s19+$0xFFFFFFD0];
	v20 =	vadd.s32 v39, v4;
	[tilespmem:v12+s16+$0x0] =	vst.idx.msk $0xffff, v11  }
0x4a9: {  	v11 =	vld [tilespmem:s19+$0x10];
	v12 =	vadd.s32 v37, v3;
	[tilespmem:v15+s16+$0x0] =	vst.idx.msk $0xffff, v13  }
0x4aa: {  	v15 =	vadd.s32 v40, v6;
	[tilespmem:v10+s16+$0x0] =	vst.idx.msk $0xffff, v9;
	v13 =	vld [tilespmem:s19+$0x50]  }
0x4ab: {  	v10 =	vadd.s32 v43, v7;
	[tilespmem:v17+s16+$0x0] =	vst.idx.msk $0xffff, v16;
	v9 =	vld [tilespmem:s19+$0xE0]  }
0x4ac: {  	v16 =	vadd.s32 v41, v5;
	[tilespmem:v18+s16+$0x0] =	vst.idx.msk $0xffff, v8;
	v8 =	vld [tilespmem:s19+$0x90]  }
0x4ad: {  	v17 =	vld [tilespmem:s19+$0xFFFFFF10];
	v18 =	vadd.s32 v58, v2;
	[tilespmem:v20+s16+$0x0] =	vst.idx.msk $0xffff, v19  }
0x4ae: {  	v22 =	vmov v53;
	v19 =	vld [tilespmem:s19+$0xFFFFFF60];
	v20 =	vadd.s32 v25, v14;
	[tilespmem:v12+s16+$0x0] =	vst.idx.msk $0xffff, v11  }
0x4af: {  	v54 =	vadd.s32 v22, v4;
	v7 =	vadd.s32 v38, v7;
	v38 =	vld [tilespmem:s19+$0xFFFFFFE0];
	[tilespmem:v15+s16+$0x0] =	vst.idx.msk $0xffff, v13  }
0x4b0: {  	v25 =	vadd.s32 v31, v21;
	v11 =	vmov v49;
	v12 =	vmov v24;
	v24 =	vld [tilespmem:s19+$0xFFFFFFA0];
	[tilespmem:v10+s16+$0x0] =	vst.idx.msk $0xffff, v9  }
0x4b1: {  	v30 =	vmov v29;
	v58 =	vmov v28;
	v28 =	vld [tilespmem:s19+$0x20];
	v29 =	vadd.s32 v11, v3;
	[tilespmem:v16+s16+$0x0] =	vst.idx.msk $0xffff, v8  }
0x4b2: {  	v53 =	vmov v23;
	[tilespmem:v18+s16+$0x0] =	vst.idx.msk $0xffff, v17;
	v23 =	vld [tilespmem:s19+$0xF0]  }
0x4b3: {  	s25 =	simm.s32 $0x9;
	v9 =	vld [tilespmem:s19+$0x60];
	[tilespmem:v20+s16+$0x0] =	vst.idx.msk $0xffff, v19  }
0x4b4: {  	s24 =	simm.s32 $0x8;
	s28 =	simm.s32 $0xB;
	v22 =	vmov s25;
	v21 =	vadd.s32 v35, v21;
	v10 =	vmov v61;
	v11 =	vld [tilespmem:s19+$0xA0];
	[tilespmem:v54+s16+$0x0] =	vst.idx.msk $0xffff, v38  }
0x4b5: {  	v12 =	vadd.s32 v12, v5;
	v13 =	vmov s28;
	v8 =	vmov s24;
	v16 =	vmovc v10;
	v15 =	vld [tilespmem:s19+$0xFFFFFF20];
	[tilespmem:v25+s16+$0x0] =	vst.idx.msk $0xffff, v24  }
0x4b6: {  	s29 =	simm.s32 $0xC;
	v10 =	vadd.s32 v59, v6;
	v8 =	vshrl.u32 v8, $0x3;
	v20 =	vadd.s32 v32, v14;
	v18 =	vld [tilespmem:s19+$0xFFFFFF70];
	[tilespmem:v29+s16+$0x0] =	vst.idx.msk $0xffff, v28  }
0x4b7: {  	s26 =	simm.s32 $0xA;
	s30 =	simm.s32 $0xD;
	s31 =	simm.s32 $0xE;
	v49 =	vmovc v36;
	v17 =	vadd.s32 v16, v2;
	v16 =	vmov s29;
	v14 =	vshll.u32 v8, v1;
	v19 =	vld [tilespmem:s19+$0xFFFFFFB0];
	[tilespmem:v7+s16+$0x0] =	vst.idx.msk $0xffff, v23  }
0x4b8: {  	s21 =	simm.s32 $0xF;
	s20 =	simm.s32 $0x10;
	v36 =	vmovc v26;
	v61 =	vmovc v27;
	v8 =	vmov s31;
	v23 =	vmov s26;
	v7 =	vmov s30;
	v38 =	vld [tilespmem:$0x1FC30]  }
.LBB2_28:
0x4b9: {  	_ =	sdelay $0x2  }
0x4ba: {  	v24 =	vmov s21;
	v25 =	vld [tilespmem:s19+$0xFFFFFFF0];
	v4 =	vadd.s32 v45, v4;
	v3 =	vadd.s32 v47, v3  }
0x4bb: {  	v6 =	vadd.s32 v48, v6;
	[tilespmem:v10+s16+$0x0] =	vst.idx.msk $0xffff, v9;
	v9 =	vshrl.u32 v23, $0x3;
	v10 =	vshrl.u32 v24, $0x3;
	v23 =	vld [tilespmem:s19+$0x30]  }
0x4bc: {  	v22 =	vshrl.u32 v22, $0x3;
	v5 =	vadd.s32 v38, v5;
	[tilespmem:v12+s16+$0x0] =	vst.idx.msk $0xffff, v11;
	v10 =	vshll.u32 v10, v1;
	v12 =	vld [tilespmem:s19+$0x70]  }
0x4bd: {  	v11 =	vshrl.u32 v13, $0x3;
	[tilespmem:v17+s16+$0x0] =	vst.idx.msk $0xffff, v15;
	v13 =	vshrl.u32 v16, $0x3;
	v15 =	vld [tilespmem:s19+$0xB0];
	v10 =	vbroadcast v10, $0x0  }
0x4be: {  	[tilespmem:v20+s16+$0x0] =	vst.idx.msk $0xffff, v18;
	v16 =	vshll.u32 v22, v1;
	v18 =	vadd.s32 v44, v2;
	v2 =	vbroadcast v14, $0x0;
	v17 =	vld [tilespmem:s19+$0xFFFFFF30];
	s19 =	sadd.s32 $0x200, s19  }
0x4bf: {  	[tilespmem:v21+s16+$0x0] =	vst.idx.msk $0xffff, v19;
	v14 =	vbroadcast v16, $0x0;
	v9 =	vshll.u32 v9, v1;
	v16 =	vld [tilespmem:s19+$0xC0];
	v19 =	vadd.s32 v34, v10  }
0x4c0: {  	[tilespmem:v4+s16+$0x0] =	vst.idx.msk $0xffff, v25;
	v4 =	vshll.u32 v11, v1;
	v24 =	vbroadcast v9, $0x0  }
0x4c1: {  	v9 =	vld [tilespmem:s19+$0xFFFFFF40];
	v4 =	vbroadcast v4, $0x0;
	v11 =	vadd.s32 v36, v14;
	[tilespmem:v3+s16+$0x0] =	vst.idx.msk $0xffff, v23  }
0x4c2: {  	v3 =	vshll.u32 v13, v1;
	v13 =	vadd.s32 v61, v24;
	[tilespmem:v6+s16+$0x0] =	vst.idx.msk $0xffff, v12;
	v12 =	vld [tilespmem:s19+$0xFFFFFF80];
	v6 =	vshrl.u32 v7, $0x3  }
0x4c3: {  	v8 =	vshrl.u32 v8, $0x3;
	[tilespmem:v5+s16+$0x0] =	vst.idx.msk $0xffff, v15;
	v7 =	vld [tilespmem:s19+$0xFFFFFFC0];
	v15 =	vadd.s32 v49, v4;
	v5 =	vshll.u32 v6, v1  }
0x4c4: {  	v20 =	vld [tilespmem:s19+$0xFFFFFF00];
	v21 =	vadd.s32 v30, v2;
	v6 =	vbroadcast v5, $0x0;
	v5 =	vshll.u32 v8, v1;
	[tilespmem:v19+s16+$0x0] =	vst.idx.msk $0xffff, v16  }
0x4c5: {  	[tilespmem:v18+s16+$0x0] =	vst.idx.msk $0xffff, v17;
	v5 =	vbroadcast v5, $0x0;
	v16 =	vadd.s32 v53, v10;
	v8 =	vld [tilespmem:s19+$0xD0]  }
0x4c6: {  	[tilespmem:v11+s16+$0x0] =	vst.idx.msk $0xffff, v9;
	v9 =	vld [tilespmem:s19+$0x40];
	v11 =	vadd.s32 v51, v6  }
0x4c7: {  	[tilespmem:v13+s16+$0x0] =	vst.idx.msk $0xffff, v12;
	v12 =	vld [tilespmem:s19+$0x80];
	v13 =	vadd.s32 v42, v5  }
0x4c8: {  	v3 =	vbroadcast v3, $0x0;
	[tilespmem:v15+s16+$0x0] =	vst.idx.msk $0xffff, v7;
	v15 =	vadd.s32 v33, v24;
	v7 =	vld [tilespmem:s19+$0xFFFFFF90]  }
0x4c9: {  	[tilespmem:v21+s16+$0x0] =	vst.idx.msk $0xffff, v20;
	v20 =	vadd.s32 v62, v14;
	v19 =	vld [tilespmem:s19+$0xFFFFFF50]  }
0x4ca: {  	v17 =	vld [tilespmem:s19+$0x0];
	v18 =	vadd.s32 v58, v3;
	[tilespmem:v16+s16+$0x0] =	vst.idx.msk $0xffff, v8  }
0x4cb: {  	[tilespmem:v11+s16+$0x0] =	vst.idx.msk $0xffff, v9  }
0x4cc: {  	v9 =	vadd.s32 v43, v10;
	v8 =	vld [tilespmem:s19+$0xE0];
	[tilespmem:v13+s16+$0x0] =	vst.idx.msk $0xffff, v12  }
0x4cd: {  	[tilespmem:v15+s16+$0x0] =	vst.idx.msk $0xffff, v7;
	v7 =	vld [tilespmem:s19+$0x90];
	v15 =	vadd.s32 v41, v5  }
0x4ce: {  	[tilespmem:v20+s16+$0x0] =	vst.idx.msk $0xffff, v19;
	v20 =	vld [tilespmem:$0x1FC10]  }
0x4cf: {  	[tilespmem:v18+s16+$0x0] =	vst.idx.msk $0xffff, v17;
	v17 =	vld [tilespmem:s19+$0xFFFFFFD0]  }
0x4d0: {  	v18 =	vadd.s32 v39, v4;
	v11 =	vld [tilespmem:s19+$0x10]  }
0x4d1: {  	[tilespmem:v9+s16+$0x0] =	vst.idx.msk $0xffff, v8;
	v9 =	vld [tilespmem:$0x1FEE0]  }
0x4d2: {  	v16 =	vadd.s32 v37, v3;
	[tilespmem:v15+s16+$0x0] =	vst.idx.msk $0xffff, v7;
	v7 =	vld [tilespmem:$0x1FE50]  }
0x4d3: {  	v19 =	vld [tilespmem:s19+$0xFFFFFF10];
	v20 =	vadd.s32 v20, v2  }
0x4d4: {  	v12 =	vld [tilespmem:s19+$0x50]  }
0x4d5: {  	[tilespmem:v18+s16+$0x0] =	vst.idx.msk $0xffff, v17;
	v18 =	vld [tilespmem:$0x1FDD0]  }
0x4d6: {  	v17 =	vld [tilespmem:s19+$0xFFFFFF60]  }
0x4d7: {  	[tilespmem:v16+s16+$0x0] =	vst.idx.msk $0xffff, v11;
	v16 =	vadd.s32 v9, v10;
	v9 =	vld [tilespmem:$0x1FE20];
	v29 =	vadd.s32 v7, v3;
	v7 =	vmov s20  }
0x4d8: {  	v13 =	vadd.s32 v40, v6;
	[tilespmem:v20+s16+$0x0] =	vst.idx.msk $0xffff, v19;
	v19 =	vshrl.u32 v7, $0x3;
	v7 =	vld [tilespmem:$0x1FEA0]  }
0x4d9: {  	v54 =	vadd.s32 v31, v24;
	v21 =	vld [tilespmem:s19+$0xFFFFFFA0]  }
0x4da: {  	v26 =	vld [tilespmem:s19+$0xFFFFFFE0];
	v18 =	vadd.s32 v18, v14  }
0x4db: {  	v8 =	vld [tilespmem:s19+$0xF0]  }
0x4dc: {  	v28 =	vld [tilespmem:s19+$0x20]  }
0x4dd: {  	p0 =	slt.u32 s20, $0x78;
	[tilespmem:v13+s16+$0x0] =	vst.idx.msk $0xffff, v12;
	v27 =	vadd.s32 v9, v4;
	v12 =	vadd.s32 v7, v5;
	v7 =	vld [tilespmem:$0x1FD90]  }
.Ltmp13:
0x4de: {  	s26 =	sadd.s32 $0x1, s20;
	s28 =	sadd.s32 $0x2, s20;
	v11 =	vld [tilespmem:s19+$0xA0];
	[tilespmem:v54+s16+$0x0] =	vst.idx.msk $0xffff, v21;
	(pc) =	sbr.rel @p0 .LBB2_28-.Ltmp13, $4  }
0x4df: {  	s22 =	sadd.s32 $0x3, s20;
	v22 =	vmov s26;
	v23 =	vmov s28;
	v15 =	vld [tilespmem:s19+$0xFFFFFF20];
	[tilespmem:v18+s16+$0x0] =	vst.idx.msk $0xffff, v17  }
0x4e0: {  	s29 =	sadd.s32 $0x4, s20;
	v13 =	vmov s22;
	v21 =	vadd.s32 v35, v24;
	v20 =	vadd.s32 v32, v14;
	v18 =	vld [tilespmem:s19+$0xFFFFFF70];
	[tilespmem:v16+s16+$0x0] =	vst.idx.msk $0xffff, v8  }
0x4e1: {  	s30 =	sadd.s32 $0x5, s20;
	s31 =	sadd.s32 $0x6, s20;
	v10 =	vadd.s32 v59, v6;
	v14 =	vshll.u32 v19, v1;
	v19 =	vld [tilespmem:s19+$0xFFFFFFB0];
	v16 =	vmov s29;
	[tilespmem:v29+s16+$0x0] =	vst.idx.msk $0xffff, v28  }
0x4e2: {  	s21 =	sadd.s32 $0x7, s20;
	s20 =	sadd.s32 $0x8, s20;
	v9 =	vld [tilespmem:s19+$0x60];
	v8 =	vmov s31;
	[tilespmem:v27+s16+$0x0] =	vst.idx.msk $0xffff, v26;
	v17 =	vadd.s32 v7, v2;
	v7 =	vmov s30  }
0x4e3: {  	_ =	sdelay $0x3  }
0x4e4: {  	v22 =	vshrl.u32 v22, $0x3;
	[tilespmem:v12+s16+$0x0] =	vst.idx.msk $0xffff, v11  }
0x4e5: {  	v24 =	vmov s21;
	v4 =	vadd.s32 v45, v4;
	v5 =	vadd.s32 v38, v5;
	v27 =	vld [tilespmem:s19+$0xB0]  }
0x4e6: {  	v25 =	vld [tilespmem:s19+$0xFFFFFFF0];
	v3 =	vadd.s32 v47, v3;
	v54 =	vshrl.u32 v13, $0x3;
	v6 =	vadd.s32 v48, v6;
	[tilespmem:v17+s16+$0x0] =	vst.idx.msk $0xffff, v15  }
0x4e7: {  	v2 =	vadd.s32 v44, v2;
	v29 =	vshrl.u32 v24, $0x3;
	v11 =	vshll.u32 v54, v1;
	[tilespmem:v20+s16+$0x0] =	vst.idx.msk $0xffff, v18;
	v17 =	vld [tilespmem:s19+$0xFFFFFF30]  }
0x4e8: {  	v11 =	vbroadcast v11, $0x0;
	[tilespmem:v10+s16+$0x0] =	vst.idx.msk $0xffff, v9;
	v9 =	vshrl.u32 v23, $0x3;
	v23 =	vld [tilespmem:s19+$0x30];
	v10 =	vshll.u32 v29, v1  }
0x4e9: {  	v26 =	vshrl.u32 v16, $0x3;
	s29 =	sadd.s32 $0x200, s19;
	v28 =	vshll.u32 v22, v1;
	[tilespmem:v21+s16+$0x0] =	vst.idx.msk $0xffff, v19;
	v24 =	vld [tilespmem:s19+$0x70];
	v10 =	vbroadcast v10, $0x0  }
0x4ea: {  	v14 =	vbroadcast v14, $0x0;
	v13 =	vshll.u32 v26, v1;
	v26 =	vld [tilespmem:s29+$0xFFFFFFC0];
	[tilespmem:v5+s16+$0x0] =	vst.idx.msk $0xffff, v27;
	v27 =	vadd.s32 v49, v11  }
0x4eb: {  	v16 =	vbroadcast v28, $0x0;
	v18 =	vld [tilespmem:s29+$0xC0];
	v9 =	vshll.u32 v9, v1;
	[tilespmem:v4+s16+$0x0] =	vst.idx.msk $0xffff, v25;
	v19 =	vadd.s32 v34, v10  }
0x4ec: {  	v8 =	vshrl.u32 v8, $0x3;
	v29 =	vld [tilespmem:s29+$0xFFFFFF00];
	v9 =	vbroadcast v9, $0x0;
	v34 =	vadd.s32 v30, v14;
	[tilespmem:v2+s16+$0x0] =	vst.idx.msk $0xffff, v17  }
0x4ed: {  	v8 =	vshll.u32 v8, v1;
	v13 =	vbroadcast v13, $0x0;
	v54 =	vadd.s32 v36, v16;
	[tilespmem:v3+s16+$0x0] =	vst.idx.msk $0xffff, v23;
	v3 =	vld [tilespmem:s29+$0xFFFFFF40]  }
0x4ee: {  	v7 =	vshrl.u32 v7, $0x3;
	v4 =	vbroadcast v8, $0x0;
	v25 =	vadd.s32 v61, v9;
	[tilespmem:v6+s16+$0x0] =	vst.idx.msk $0xffff, v24;
	v24 =	vld [tilespmem:s29+$0xFFFFFF80]  }
0x4ef: {  	v7 =	vshll.u32 v7, v1;
	v28 =	vadd.s32 v58, v13;
	v2 =	vld [tilespmem:s29+$0x0];
	[tilespmem:v27+s16+$0x0] =	vst.idx.msk $0xffff, v26  }
0x4f0: {  	v7 =	vbroadcast v7, $0x0;
	v36 =	vld [tilespmem:s29+$0x80];
	v42 =	vadd.s32 v42, v4;
	[tilespmem:v19+s16+$0x0] =	vst.idx.msk $0xffff, v18  }
0x4f1: {  	v30 =	vadd.s32 v53, v10;
	[tilespmem:v34+s16+$0x0] =	vst.idx.msk $0xffff, v29;
	v29 =	vld [tilespmem:s29+$0xD0]  }
0x4f2: {  	v34 =	vadd.s32 v51, v7;
	[tilespmem:v54+s16+$0x0] =	vst.idx.msk $0xffff, v3;
	v3 =	vld [tilespmem:s29+$0x40]  }
0x4f3: {  	v51 =	vadd.s32 v62, v16;
	[tilespmem:v25+s16+$0x0] =	vst.idx.msk $0xffff, v24;
	v49 =	vld [tilespmem:s29+$0xFFFFFF50]  }
0x4f4: {  	[tilespmem:v28+s16+$0x0] =	vst.idx.msk $0xffff, v2;
	v54 =	vadd.s32 v33, v9;
	v53 =	vld [tilespmem:s29+$0xFFFFFF90]  }
0x4f5: {  	v58 =	vadd.s32 v39, v11;
	v2 =	vld [tilespmem:s29+$0xFFFFFFD0];
	[tilespmem:v42+s16+$0x0] =	vst.idx.msk $0xffff, v36  }
0x4f6: {  	v24 =	vld [tilespmem:s29+$0x10];
	v25 =	vadd.s32 v37, v13;
	[tilespmem:v30+s16+$0x0] =	vst.idx.msk $0xffff, v29  }
0x4f7: {  	v61 =	vadd.s32 v43, v10;
	[tilespmem:v34+s16+$0x0] =	vst.idx.msk $0xffff, v3;
	v3 =	vld [tilespmem:s29+$0xE0]  }
0x4f8: {  	[tilespmem:v51+s16+$0x0] =	vst.idx.msk $0xffff, v49  }
0x4f9: {  	[tilespmem:v54+s16+$0x0] =	vst.idx.msk $0xffff, v53  }
0x4fa: {  	v33 =	vld [tilespmem:$0x1FC10];
	[tilespmem:v58+s16+$0x0] =	vst.idx.msk $0xffff, v2  }
0x4fb: {  	v17 =	vld [tilespmem:$0x1FDD0];
	[tilespmem:v25+s16+$0x0] =	vst.idx.msk $0xffff, v24  }
0x4fc: {  	v26 =	vld [tilespmem:s29+$0x50];
	[tilespmem:v61+s16+$0x0] =	vst.idx.msk $0xffff, v3  }
0x4fd: {  	v27 =	vadd.s32 v40, v7;
	v8 =	vld [tilespmem:$0x1FEE0]  }
0x4fe: {  	v28 =	vld [tilespmem:s29+$0x90];
	v29 =	vadd.s32 v41, v4  }
0x4ff: {  	v30 =	vld [tilespmem:s29+$0xFFFFFF10];
	v34 =	vadd.s32 v33, v14  }
0x500: {  	v2 =	vld [tilespmem:s29+$0xFFFFFF60];
	v17 =	vadd.s32 v17, v16;
	_ =	sdelay $0x1  }
0x501: {  	v3 =	vld [tilespmem:s29+$0xF0];
	[tilespmem:v27+s16+$0x0] =	vst.idx.msk $0xffff, v26;
	v53 =	vmov v8;
	v8 =	vadd.s32 v8, v10  }
0x502: {  	v12 =	vld [tilespmem:$0x1FE20];
	[tilespmem:v29+s16+$0x0] =	vst.idx.msk $0xffff, v28  }
0x503: {  	v36 =	vld [tilespmem:s29+$0xFFFFFFA0];
	[tilespmem:v34+s16+$0x0] =	vst.idx.msk $0xffff, v30  }
0x504: {  	v15 =	vld [tilespmem:$0x1FE50];
	[tilespmem:v17+s16+$0x0] =	vst.idx.msk $0xffff, v2  }
0x505: {  	v20 =	vld [tilespmem:$0x1FEA0]  }
0x506: {  	v37 =	vadd.s32 v31, v9;
	v39 =	vld [tilespmem:s29+$0xFFFFFFE0];
	[tilespmem:v8+s16+$0x0] =	vst.idx.msk $0xffff, v3  }
0x507: {  	v12 =	vadd.s32 v12, v11;
	v8 =	vld [tilespmem:$0x1FD90]  }
0x508: {  	v41 =	vadd.s32 v59, v7;
	v2 =	vld [tilespmem:s29+$0x60]  }
0x509: {  	v40 =	vld [tilespmem:s29+$0x20];
	v15 =	vadd.s32 v15, v13  }
0x50a: {  	v42 =	vld [tilespmem:s29+$0xA0];
	v20 =	vadd.s32 v20, v4  }
0x50b: {  	v16 =	vadd.s32 v32, v16;
	v43 =	vld [tilespmem:s29+$0xFFFFFF70];
	[tilespmem:v37+s16+$0x0] =	vst.idx.msk $0xffff, v36  }
0x50c: {  	v3 =	vld [tilespmem:s29+$0xFFFFFF20];
	[tilespmem:v12+s16+$0x0] =	vst.idx.msk $0xffff, v39;
	v8 =	vadd.s32 v8, v14  }
0x50d: {  	v9 =	vadd.s32 v35, v9;
	v49 =	vld [tilespmem:s29+$0xFFFFFFB0];
	[tilespmem:v41+s16+$0x0] =	vst.idx.msk $0xffff, v2  }
0x50e: {  	v11 =	vadd.s32 v45, v11;
	v51 =	vld [tilespmem:s29+$0xFFFFFFF0];
	[tilespmem:v15+s16+$0x0] =	vst.idx.msk $0xffff, v40  }
0x50f: {  	v54 =	vadd.s32 v47, v13;
	v2 =	vld [tilespmem:s29+$0x30];
	[tilespmem:v20+s16+$0x0] =	vst.idx.msk $0xffff, v42  }
0x510: {  	[tilespmem:v16+s16+$0x0] =	vst.idx.msk $0xffff, v43;
	v4 =	vadd.s32 v38, v4;
	v58 =	vld [tilespmem:s29+$0xB0]  }
0x511: {  	v7 =	vadd.s32 v48, v7;
	[tilespmem:v8+s16+$0x0] =	vst.idx.msk $0xffff, v3;
	v3 =	vld [tilespmem:s29+$0x70]  }
0x512: {  	v61 =	vadd.s32 v44, v14;
	[tilespmem:v9+s16+$0x0] =	vst.idx.msk $0xffff, v49;
	v59 =	vld [tilespmem:s29+$0xFFFFFF30]  }
0x513: {  	[tilespmem:v11+s16+$0x0] =	vst.idx.msk $0xffff, v51  }
0x514: {  	[tilespmem:v54+s16+$0x0] =	vst.idx.msk $0xffff, v2  }
0x515: {  	[tilespmem:v4+s16+$0x0] =	vst.idx.msk $0xffff, v58  }
0x516: {  	[tilespmem:v7+s16+$0x0] =	vst.idx.msk $0xffff, v3  }
0x517: {  	s30 =	simm.s32 $0xC400;
	[tilespmem:v61+s16+$0x0] =	vst.idx.msk $0xffff, v59  }
0x518: {  	[hbm4b:s7+s3] =	stream.linear.scatter [tilespmem:s30], [sflag:$0x2], $0x80, $0x38;
	[tilespmem:$0x10800] =	vst v63  }
0x519: {  	s31 =	simm.s32 $0xC488;
	s20 =	sadd.s32 $0x10, s7  }
0x51a: {  	[hbm4b:s20+s3] =	stream.linear.scatter [tilespmem:s31], [sflag:$0x2], $0x80, $0x38;
	[tilespmem:$0x10800] =	vst v63  }
0x51b: {  	s21 =	simm.s32 $0xC510;
	s22 =	sadd.s32 $0x20, s7;
	s23 =	simm.s32 $0xC598  }
0x51c: {  	[hbm4b:s22+s3] =	stream.linear.scatter [tilespmem:s21], [sflag:$0x2], $0x80, $0x38;
	[tilespmem:$0x10800] =	vst v63  }
0x51d: {  	s24 =	sadd.s32 $0x30, s7;
	s25 =	simm.s32 $0xC620;
	s26 =	sadd.s32 $0x40, s7  }
0x51e: {  	[hbm4b:s24+s3] =	stream.linear.scatter [tilespmem:s23], [sflag:$0x2], $0x80, $0x38;
	[tilespmem:$0x10800] =	vst v63  }
0x51f: {  	s28 =	simm.s32 $0xC6A8;
	s19 =	simm.s32 $0x440;
	s29 =	sadd.s32 $0x50, s7  }
0x520: {  	[hbm4b:s26+s3] =	stream.linear.scatter [tilespmem:s25], [sflag:$0x2], $0x80, $0x38;
	[tilespmem:$0x10800] =	vst v63  }
0x521: {  	s30 =	simm.s32 $0xC730;
	s31 =	sadd.s32 $0x60, s7;
	s20 =	sadd.s32 $0x4000, s7  }
0x522: {  	[hbm4b:s29+s3] =	stream.linear.scatter [tilespmem:s28], [sflag:$0x2], $0x80, $0x38;
	[tilespmem:$0x10800] =	vst v63  }
0x523: {  	s21 =	simm.s32 $0x2200;
	s22 =	simm.s32 $0xC7B8;
	s23 =	sadd.s32 $0x70, s7  }
0x524: {  	[hbm4b:s31+s3] =	stream.linear.scatter [tilespmem:s30], [sflag:$0x2], $0x80, $0x38;
	[tilespmem:$0x10800] =	vst v63  }
.LBB2_30:
0x525: {  	[hbm4b:s23+s3] =	stream.linear.scatter [tilespmem:s22], [sflag:$0x2], $0x80, $0x38;
	[tilespmem:$0x10800] =	vst v63  }
0x526: {  	s22 =	smov.u32 s19;
	s19 =	smov.u32 s21  }
0x527: {  	s24 =	sadd.s32 $0x1100, s21;
	s19 =	sshra.s32 s19, $0x2;
	s23 =	sadd.s32 $0xC400, s22  }
0x528: {  	[hbm4b:s20+s3] =	stream.linear.scatter [tilespmem:s23], [sflag:$0x2], $0x80, $0x38;
	[tilespmem:$0x10800] =	vst v63  }
0x529: {  	p0 =	sne.s32 s21, $0x7700;
	s21 =	sadd.s32 $0xC488, s22;
	s23 =	sadd.s32 $0x10, s20  }
0x52a: {  	[hbm4b:s23+s3] =	stream.linear.scatter [tilespmem:s21], [sflag:$0x2], $0x80, $0x38;
	[tilespmem:$0x10800] =	vst v63  }
0x52b: {  	s21 =	sadd.s32 $0xC510, s22;
	s23 =	sadd.s32 $0x20, s20  }
0x52c: {  	[hbm4b:s23+s3] =	stream.linear.scatter [tilespmem:s21], [sflag:$0x2], $0x80, $0x38;
	[tilespmem:$0x10800] =	vst v63  }
0x52d: {  	s21 =	sadd.s32 $0xC598, s22;
	s23 =	sadd.s32 $0x30, s20  }
0x52e: {  	[hbm4b:s23+s3] =	stream.linear.scatter [tilespmem:s21], [sflag:$0x2], $0x80, $0x38;
	[tilespmem:$0x10800] =	vst v63  }
0x52f: {  	s21 =	sadd.s32 $0xC620, s22;
	s23 =	sadd.s32 $0x40, s20  }
0x530: {  	[hbm4b:s23+s3] =	stream.linear.scatter [tilespmem:s21], [sflag:$0x2], $0x80, $0x38;
	[tilespmem:$0x10800] =	vst v63  }
.Ltmp14:
0x531: {  	s21 =	sadd.s32 $0xC6A8, s22;
	s23 =	sadd.s32 $0x50, s20;
	(pc) =	sbr.rel @p0 .LBB2_30-.Ltmp14, $4  }
0x532: {  	[hbm4b:s23+s3] =	stream.linear.scatter [tilespmem:s21], [sflag:$0x2], $0x80, $0x38;
	[tilespmem:$0x10800] =	vst v63  }
0x533: {  	s21 =	sadd.s32 $0xC730, s22;
	s23 =	sadd.s32 $0x60, s20;
	s22 =	sadd.s32 $0xC7B8, s22  }
0x534: {  	[hbm4b:s23+s3] =	stream.linear.scatter [tilespmem:s21], [sflag:$0x2], $0x80, $0x38;
	[tilespmem:$0x10800] =	vst v63  }
0x535: {  	s23 =	sadd.s32 $0x70, s20;
	s20 =	sadd.s32 $0x4000, s20;
	s21 =	smov.u32 s24  }
0x536: {  	[hbm4b:s23+s3] =	stream.linear.scatter [tilespmem:s22], [sflag:$0x2], $0x80, $0x38;
	[tilespmem:$0x10800] =	vst v63  }
0x537: {  	s21 =	sadd.s32 $0xC400, s19  }
0x538: {  	[hbm4b:s20+s3] =	stream.linear.scatter [tilespmem:s21], [sflag:$0x2], $0x80, $0x38;
	[tilespmem:$0x10800] =	vst v63  }
0x539: {  	s28 =	sadd.s32 $0xC488, s19;
	s29 =	sadd.s32 $0x10, s20  }
0x53a: {  	[hbm4b:s29+s3] =	stream.linear.scatter [tilespmem:s28], [sflag:$0x2], $0x80, $0x38;
	[tilespmem:$0x10800] =	vst v63  }
0x53b: {  	s30 =	sadd.s32 $0xC510, s19;
	s31 =	sadd.s32 $0x20, s20  }
0x53c: {  	[hbm4b:s31+s3] =	stream.linear.scatter [tilespmem:s30], [sflag:$0x2], $0x80, $0x38;
	[tilespmem:$0x10800] =	vst v63  }
0x53d: {  	s23 =	sadd.s32 $0xC598, s19;
	s24 =	sadd.s32 $0x30, s20  }
0x53e: {  	[hbm4b:s24+s3] =	stream.linear.scatter [tilespmem:s23], [sflag:$0x2], $0x80, $0x38;
	[tilespmem:$0x10800] =	vst v63  }
0x53f: {  	s25 =	sadd.s32 $0xC620, s19;
	s26 =	sadd.s32 $0x40, s20  }
0x540: {  	[hbm4b:s26+s3] =	stream.linear.scatter [tilespmem:s25], [sflag:$0x2], $0x80, $0x38;
	[tilespmem:$0x10800] =	vst v63  }
0x541: {  	s28 =	sadd.s32 $0xC6A8, s19;
	s29 =	sadd.s32 $0x50, s20  }
0x542: {  	[hbm4b:s29+s3] =	stream.linear.scatter [tilespmem:s28], [sflag:$0x2], $0x80, $0x38;
	[tilespmem:$0x10800] =	vst v63  }
0x543: {  	s30 =	sadd.s32 $0xC730, s19;
	s31 =	sadd.s32 $0x60, s20  }
0x544: {  	[hbm4b:s31+s3] =	stream.linear.scatter [tilespmem:s30], [sflag:$0x2], $0x80, $0x38;
	[tilespmem:$0x10800] =	vst v63  }
0x545: {  	s23 =	sadd.s32 $0xC7B8, s19;
	s24 =	sadd.s32 $0x70, s20  }
0x546: {  	[hbm4b:s24+s3] =	stream.linear.scatter [tilespmem:s23], [sflag:$0x2], $0x80, $0x38;
	[tilespmem:$0x10800] =	vst v63  }
0x547: {  	_ =	swait.ge [sflag:s15], $0x2000  }
0x548: {  	[sflag:s15] =	ssyncset.done $0x0  }
0x549: {  	s31 =	simm.s32 $0x7;
	[sflag:s15] =	ssyncadd.s32 $0xFFFFE000  }
0x54a: {  	s25 =	simm.s32 $0x0;
	s26 =	simm.s32 $0x1;
	v7 =	vmov s31;
	_ =	swait.ge [sflag:s17], $0x2000  }
0x54b: {  	v2 =	vmov s25;
	v3 =	vmov s26;
	v7 =	vshrl.u32 v7, $0x3;
	v51 =	vld [tilespmem:$0x1FEF0]  }
0x54c: {  	s28 =	simm.s32 $0x2;
	v2 =	vshrl.u32 v2, $0x3;
	v3 =	vshrl.u32 v3, $0x3;
	v7 =	vshll.u32 v7, v1;
	v36 =	vld [tilespmem:$0x1FC60]  }
0x54d: {  	v4 =	vmov s28;
	v2 =	vshll.u32 v2, v1;
	v7 =	vbroadcast v7, $0x0;
	[sflag:s17] =	ssyncset.done $0x0;
	v30 =	vld [tilespmem:$0x1FC90]  }
0x54e: {  	s19 =	simm.s32 $0x85F0;
	v3 =	vshll.u32 v3, v1;
	v4 =	vshrl.u32 v4, $0x3;
	v2 =	vbroadcast v2, $0x0;
	[sflag:s17] =	ssyncadd.s32 $0xFFFFE000  }
0x54f: {  	v14 =	vbroadcast v3, $0x0;
	v3 =	vshll.u32 v4, v1;
	v11 =	vadd.s32 v63, v7;
	v10 =	vld [tilespmem:s19+$0xFFFFFFD0]  }
0x550: {  	v21 =	vbroadcast v3, $0x0;
	v12 =	vld [tilespmem:s19+$0xFFFFFE10];
	v13 =	vadd.s32 v51, v2  }
0x551: {  	v15 =	vld [tilespmem:s19+$0xFFFFFE50];
	v16 =	vadd.s32 v36, v14  }
0x552: {  	s29 =	simm.s32 $0x3;
	v17 =	vld [tilespmem:s19+$0xFFFFFE90];
	v18 =	vadd.s32 v30, v21  }
0x553: {  	s22 =	simm.s32 $0x5;
	v5 =	vmov s29;
	v44 =	vld [tilespmem:$0x1FCC0]  }
0x554: {  	v8 =	vmov s22;
	s30 =	simm.s32 $0x4;
	v5 =	vshrl.u32 v5, $0x3;
	v33 =	vld [tilespmem:$0x1FCF0];
	[tilespmem:v11+s16+$0x0] =	vst.idx.msk $0xffff, v10  }
0x555: {  	v6 =	vmov s30;
	v3 =	vshll.u32 v5, v1;
	v5 =	vshrl.u32 v8, $0x3;
	v8 =	vld [tilespmem:s19+$0xFFFFFED0];
	[tilespmem:v13+s16+$0x0] =	vst.idx.msk $0xffff, v12  }
0x556: {  	v6 =	vshrl.u32 v6, $0x3;
	v58 =	vld [tilespmem:$0x1FF80];
	[tilespmem:v16+s16+$0x0] =	vst.idx.msk $0xffff, v15  }
0x557: {  	s23 =	simm.s32 $0x6;
	v4 =	vbroadcast v3, $0x0;
	v3 =	vshll.u32 v6, v1;
	v41 =	vld [tilespmem:$0x1FD30];
	[tilespmem:v18+s16+$0x0] =	vst.idx.msk $0xffff, v17  }
0x558: {  	v9 =	vmov s23;
	v3 =	vbroadcast v3, $0x0;
	v34 =	vld [tilespmem:$0x1FD70]  }
0x559: {  	v5 =	vshll.u32 v5, v1;
	v9 =	vshrl.u32 v9, $0x3;
	v19 =	vadd.s32 v44, v4;
	v40 =	vld [tilespmem:$0x1FC70]  }
0x55a: {  	v6 =	vbroadcast v5, $0x0;
	v5 =	vshll.u32 v9, v1;
	v20 =	vld [tilespmem:s19+$0xFFFFFF10];
	v22 =	vadd.s32 v33, v3  }
0x55b: {  	v5 =	vbroadcast v5, $0x0;
	v9 =	vld [tilespmem:s19+$0xFFFFFFE0];
	v10 =	vadd.s32 v58, v7  }
0x55c: {  	v11 =	vld [tilespmem:s19+$0xFFFFFF50];
	v12 =	vadd.s32 v41, v6  }
0x55d: {  	v13 =	vld [tilespmem:s19+$0xFFFFFF90];
	v15 =	vadd.s32 v34, v5  }
0x55e: {  	v16 =	vld [tilespmem:s19+$0xFFFFFE60];
	[tilespmem:v19+s16+$0x0] =	vst.idx.msk $0xffff, v8;
	v17 =	vadd.s32 v40, v14  }
0x55f: {  	v8 =	vld [tilespmem:s19+$0xFFFFFEA0];
	[tilespmem:v22+s16+$0x0] =	vst.idx.msk $0xffff, v20  }
0x560: {  	v18 =	vadd.s32 v52, v21;
	v48 =	vld [tilespmem:$0x1FCD0];
	[tilespmem:v10+s16+$0x0] =	vst.idx.msk $0xffff, v9  }
0x561: {  	[tilespmem:v12+s16+$0x0] =	vst.idx.msk $0xffff, v11  }
0x562: {  	v35 =	vld [tilespmem:$0x1FD00];
	[tilespmem:v15+s16+$0x0] =	vst.idx.msk $0xffff, v13  }
0x563: {  	v19 =	vld [tilespmem:s19+$0xFFFFFEE0];
	[tilespmem:v17+s16+$0x0] =	vst.idx.msk $0xffff, v16  }
0x564: {  	v43 =	vld [tilespmem:$0x1FD40]  }
0x565: {  	v20 =	vadd.s32 v48, v4;
	v9 =	vld [tilespmem:s19+$0xFFFFFFF0];
	[tilespmem:v18+s16+$0x0] =	vst.idx.msk $0xffff, v8  }
0x566: {  	v31 =	vld [tilespmem:$0x1FC40]  }
0x567: {  	v10 =	vadd.s32 v0, v7;
	v11 =	vld [tilespmem:s19+$0xFFFFFF20]  }
0x568: {  	v13 =	vld [tilespmem:s19+$0xFFFFFF60];
	v12 =	vadd.s32 v35, v3  }
0x569: {  	v17 =	vld [tilespmem:s19+$0xFFFFFE20];
	v15 =	vadd.s32 v43, v6  }
0x56a: {  	v16 =	vadd.s32 v50, v5;
	v8 =	vld [tilespmem:s19+$0xFFFFFFA0];
	[tilespmem:v20+s16+$0x0] =	vst.idx.msk $0xffff, v19  }
0x56b: {  	v61 =	vld [tilespmem:$0x1FC80];
	v18 =	vadd.s32 v31, v2  }
0x56c: {  	[tilespmem:v10+s16+$0x0] =	vst.idx.msk $0xffff, v9  }
0x56d: {  	v19 =	vld [tilespmem:s19+$0xFFFFFE70];
	[tilespmem:v12+s16+$0x0] =	vst.idx.msk $0xffff, v11  }
0x56e: {  	v54 =	vld [tilespmem:$0x1FCA0];
	[tilespmem:v15+s16+$0x0] =	vst.idx.msk $0xffff, v13  }
0x56f: {  	v49 =	vld [tilespmem:$0x1FCE0];
	[tilespmem:v16+s16+$0x0] =	vst.idx.msk $0xffff, v8  }
0x570: {  	v24 =	vld [tilespmem:s19+$0xFFFFFEB0];
	v20 =	vadd.s32 v61, v14;
	[tilespmem:v18+s16+$0x0] =	vst.idx.msk $0xffff, v17  }
0x571: {  	v37 =	vld [tilespmem:$0x1FD10]  }
0x572: {  	v7 =	vadd.s32 v57, v7;
	v23 =	vld [tilespmem:s19+$0x0]  }
0x573: {  	v26 =	vld [tilespmem:s19+$0xFFFFFEF0];
	v25 =	vadd.s32 v54, v21  }
0x574: {  	v28 =	vld [tilespmem:s19+$0xFFFFFF30];
	v27 =	vadd.s32 v49, v4  }
0x575: {  	v9 =	vld [tilespmem:s19+$0xFFFFFF70];
	[tilespmem:v20+s16+$0x0] =	vst.idx.msk $0xffff, v19  }
0x576: {  	v45 =	vld [tilespmem:$0x1FD50];
	v29 =	vadd.s32 v37, v3  }
0x577: {  	v59 =	vld [tilespmem:$0x1FF50];
	[tilespmem:v7+s16+$0x0] =	vst.idx.msk $0xffff, v23  }
0x578: {  	v38 =	vld [tilespmem:$0x1FC50];
	[tilespmem:v25+s16+$0x0] =	vst.idx.msk $0xffff, v24  }
0x579: {  	v11 =	vld [tilespmem:s19+$0xFFFFFFB0];
	[tilespmem:v27+s16+$0x0] =	vst.idx.msk $0xffff, v26  }
0x57a: {  	s25 =	simm.s32 $0x9;
	v32 =	vld [tilespmem:$0x1FCB0]  }
0x57b: {  	s28 =	simm.s32 $0xB;
	s24 =	simm.s32 $0x8;
	v22 =	vmov s25;
	v15 =	vld [tilespmem:s19+$0xFFFFFE30];
	v10 =	vadd.s32 v45, v6;
	[tilespmem:v29+s16+$0x0] =	vst.idx.msk $0xffff, v28  }
0x57c: {  	s29 =	simm.s32 $0xC;
	v13 =	vmov s28;
	v8 =	vmov s24;
	v12 =	vadd.s32 v59, v5;
	v39 =	vld [tilespmem:$0x1FD20]  }
0x57d: {  	s26 =	simm.s32 $0xA;
	s30 =	simm.s32 $0xD;
	v16 =	vmov s29;
	v8 =	vshrl.u32 v8, $0x3;
	v17 =	vadd.s32 v38, v2;
	v47 =	vld [tilespmem:$0x1FD60]  }
0x57e: {  	s31 =	simm.s32 $0xE;
	v20 =	vadd.s32 v46, v14;
	v23 =	vmov s26;
	v7 =	vmov s30;
	v18 =	vld [tilespmem:s19+$0xFFFFFE80]  }
0x57f: {  	s21 =	simm.s32 $0xF;
	s20 =	simm.s32 $0x10;
	v14 =	vshll.u32 v8, v1;
	v8 =	vmov s31;
	v19 =	vld [tilespmem:s19+$0xFFFFFEC0];
	v21 =	vadd.s32 v32, v21  }
.LBB2_32:
0x580: {  	p0 =	slt.u32 s20, $0x78;
	v22 =	vshrl.u32 v22, $0x3;
	v24 =	vmov s21;
	v25 =	vld [tilespmem:s19+$0xFFFFFF00];
	v4 =	vadd.s32 v56, v4;
	[tilespmem:v10+s16+$0x0] =	vst.idx.msk $0xffff, v9  }
0x581: {  	v9 =	vshrl.u32 v23, $0x3;
	v3 =	vadd.s32 v39, v3;
	v10 =	vshrl.u32 v24, $0x3;
	v23 =	vld [tilespmem:s19+$0xFFFFFF40];
	[tilespmem:v12+s16+$0x0] =	vst.idx.msk $0xffff, v11  }
0x582: {  	v6 =	vadd.s32 v47, v6;
	v11 =	vshrl.u32 v13, $0x3;
	v10 =	vshll.u32 v10, v1;
	[tilespmem:v17+s16+$0x0] =	vst.idx.msk $0xffff, v15;
	v12 =	vld [tilespmem:s19+$0xFFFFFF80]  }
0x583: {  	v5 =	vadd.s32 v55, v5;
	v13 =	vshrl.u32 v16, $0x3;
	v10 =	vbroadcast v10, $0x0;
	[tilespmem:v20+s16+$0x0] =	vst.idx.msk $0xffff, v18;
	v15 =	vld [tilespmem:s19+$0xFFFFFFC0]  }
0x584: {  	v16 =	vshll.u32 v22, v1;
	v18 =	vadd.s32 v60, v2;
	v2 =	vbroadcast v14, $0x0;
	v17 =	vld [tilespmem:s19+$0xFFFFFE40];
	[tilespmem:v21+s16+$0x0] =	vst.idx.msk $0xffff, v19;
	s19 =	sadd.s32 $0x200, s19  }
0x585: {  	v9 =	vshll.u32 v9, v1;
	v14 =	vbroadcast v16, $0x0;
	v16 =	vld [tilespmem:s19+$0xFFFFFFD0];
	v19 =	vadd.s32 v63, v10;
	[tilespmem:v4+s16+$0x0] =	vst.idx.msk $0xffff, v25  }
0x586: {  	v24 =	vbroadcast v9, $0x0;
	v21 =	vadd.s32 v51, v2;
	v4 =	vshll.u32 v11, v1;
	v20 =	vld [tilespmem:s19+$0xFFFFFE10];
	[tilespmem:v3+s16+$0x0] =	vst.idx.msk $0xffff, v23  }
0x587: {  	v11 =	vadd.s32 v36, v14;
	v4 =	vbroadcast v4, $0x0;
	v3 =	vshll.u32 v13, v1;
	v9 =	vld [tilespmem:s19+$0xFFFFFE50];
	[tilespmem:v6+s16+$0x0] =	vst.idx.msk $0xffff, v12  }
0x588: {  	v13 =	vadd.s32 v30, v24;
	v3 =	vbroadcast v3, $0x0;
	v6 =	vshrl.u32 v7, $0x3;
	v12 =	vld [tilespmem:s19+$0xFFFFFE90];
	[tilespmem:v5+s16+$0x0] =	vst.idx.msk $0xffff, v15  }
0x589: {  	v8 =	vshrl.u32 v8, $0x3;
	v15 =	vadd.s32 v44, v4;
	v5 =	vshll.u32 v6, v1;
	v7 =	vld [tilespmem:s19+$0xFFFFFED0];
	[tilespmem:v18+s16+$0x0] =	vst.idx.msk $0xffff, v17  }
0x58a: {  	v18 =	vadd.s32 v33, v3;
	v6 =	vbroadcast v5, $0x0;
	v5 =	vshll.u32 v8, v1;
	v17 =	vld [tilespmem:s19+$0xFFFFFF10];
	[tilespmem:v19+s16+$0x0] =	vst.idx.msk $0xffff, v16  }
0x58b: {  	v5 =	vbroadcast v5, $0x0;
	v16 =	vadd.s32 v58, v10;
	[tilespmem:v21+s16+$0x0] =	vst.idx.msk $0xffff, v20;
	v8 =	vld [tilespmem:s19+$0xFFFFFFE0]  }
0x58c: {  	[tilespmem:v11+s16+$0x0] =	vst.idx.msk $0xffff, v9;
	v9 =	vld [tilespmem:s19+$0xFFFFFF50];
	v11 =	vadd.s32 v41, v6  }
0x58d: {  	[tilespmem:v13+s16+$0x0] =	vst.idx.msk $0xffff, v12;
	v12 =	vld [tilespmem:s19+$0xFFFFFF90];
	v13 =	vadd.s32 v34, v5  }
0x58e: {  	v20 =	vadd.s32 v40, v14;
	v19 =	vld [tilespmem:s19+$0xFFFFFE60];
	[tilespmem:v15+s16+$0x0] =	vst.idx.msk $0xffff, v7  }
0x58f: {  	v15 =	vadd.s32 v52, v24;
	v7 =	vld [tilespmem:s19+$0xFFFFFEA0];
	[tilespmem:v18+s16+$0x0] =	vst.idx.msk $0xffff, v17  }
0x590: {  	v18 =	vadd.s32 v48, v4;
	v17 =	vld [tilespmem:s19+$0xFFFFFEE0];
	[tilespmem:v16+s16+$0x0] =	vst.idx.msk $0xffff, v8  }
0x591: {  	[tilespmem:v11+s16+$0x0] =	vst.idx.msk $0xffff, v9;
	v8 =	vld [tilespmem:s19+$0xFFFFFFF0];
	v9 =	vadd.s32 v0, v10  }
0x592: {  	v16 =	vadd.s32 v35, v3;
	v11 =	vld [tilespmem:s19+$0xFFFFFF20];
	[tilespmem:v13+s16+$0x0] =	vst.idx.msk $0xffff, v12  }
0x593: {  	v13 =	vadd.s32 v43, v6;
	[tilespmem:v20+s16+$0x0] =	vst.idx.msk $0xffff, v19;
	v12 =	vld [tilespmem:s19+$0xFFFFFF60]  }
0x594: {  	[tilespmem:v15+s16+$0x0] =	vst.idx.msk $0xffff, v7;
	v7 =	vld [tilespmem:s19+$0xFFFFFFA0];
	v15 =	vadd.s32 v50, v5  }
0x595: {  	v20 =	vadd.s32 v31, v2;
	v19 =	vld [tilespmem:s19+$0xFFFFFE20];
	[tilespmem:v18+s16+$0x0] =	vst.idx.msk $0xffff, v17  }
0x596: {  	v18 =	vadd.s32 v61, v14;
	v17 =	vld [tilespmem:s19+$0xFFFFFE70];
	[tilespmem:v9+s16+$0x0] =	vst.idx.msk $0xffff, v8  }
0x597: {  	[tilespmem:v16+s16+$0x0] =	vst.idx.msk $0xffff, v11;
	v8 =	vld [tilespmem:s19+$0x0];
	v16 =	vadd.s32 v57, v10  }
0x598: {  	v25 =	vadd.s32 v54, v24;
	v21 =	vld [tilespmem:s19+$0xFFFFFEB0];
	[tilespmem:v13+s16+$0x0] =	vst.idx.msk $0xffff, v12  }
0x599: {  	v27 =	vadd.s32 v49, v4;
	v26 =	vld [tilespmem:s19+$0xFFFFFEF0];
	[tilespmem:v15+s16+$0x0] =	vst.idx.msk $0xffff, v7  }
0x59a: {  	v29 =	vadd.s32 v37, v3;
	[tilespmem:v20+s16+$0x0] =	vst.idx.msk $0xffff, v19;
	v28 =	vld [tilespmem:s19+$0xFFFFFF30]  }
.Ltmp15:
0x59b: {  	s21 =	sadd.s32 $0x1, s20;
	v10 =	vadd.s32 v45, v6;
	v7 =	vmov s20;
	[tilespmem:v18+s16+$0x0] =	vst.idx.msk $0xffff, v17;
	v9 =	vld [tilespmem:s19+$0xFFFFFF70];
	(pc) =	sbr.rel @p0 .LBB2_32-.Ltmp15, $4  }
0x59c: {  	s22 =	sadd.s32 $0x3, s20;
	v22 =	vmov s21;
	s21 =	sadd.s32 $0x2, s20;
	v12 =	vadd.s32 v59, v5;
	v19 =	vshrl.u32 v7, $0x3;
	v11 =	vld [tilespmem:s19+$0xFFFFFFB0];
	[tilespmem:v16+s16+$0x0] =	vst.idx.msk $0xffff, v8  }
0x59d: {  	v23 =	vmov s21;
	s21 =	sadd.s32 $0x4, s20;
	v13 =	vmov s22;
	s22 =	sadd.s32 $0x5, s20;
	v17 =	vadd.s32 v38, v2;
	v15 =	vld [tilespmem:s19+$0xFFFFFE30];
	[tilespmem:v25+s16+$0x0] =	vst.idx.msk $0xffff, v21  }
0x59e: {  	v7 =	vmov s22;
	v20 =	vadd.s32 v46, v14;
	v16 =	vmov s21;
	s21 =	sadd.s32 $0x6, s20;
	v18 =	vld [tilespmem:s19+$0xFFFFFE80];
	[tilespmem:v27+s16+$0x0] =	vst.idx.msk $0xffff, v26  }
0x59f: {  	v14 =	vshll.u32 v19, v1;
	v8 =	vmov s21;
	s21 =	sadd.s32 $0x7, s20;
	s20 =	sadd.s32 $0x8, s20;
	v21 =	vadd.s32 v32, v24;
	v19 =	vld [tilespmem:s19+$0xFFFFFEC0];
	[tilespmem:v29+s16+$0x0] =	vst.idx.msk $0xffff, v28  }
0x5a0: {  	_ =	sdelay $0x1  }
0x5a1: {  	v22 =	vshrl.u32 v22, $0x3;
	v24 =	vmov s21  }
0x5a2: {  	v4 =	vadd.s32 v56, v4;
	v29 =	vshrl.u32 v23, $0x3;
	v3 =	vadd.s32 v39, v3  }
0x5a3: {  	v25 =	vld [tilespmem:s19+$0xFFFFFF00];
	[tilespmem:v10+s16+$0x0] =	vst.idx.msk $0xffff, v9;
	v6 =	vadd.s32 v47, v6;
	v26 =	vshrl.u32 v16, $0x3;
	v5 =	vadd.s32 v55, v5  }
0x5a4: {  	v23 =	vld [tilespmem:s19+$0xFFFFFF40];
	v14 =	vbroadcast v14, $0x0;
	v2 =	vadd.s32 v60, v2;
	v7 =	vshrl.u32 v7, $0x3;
	[tilespmem:v12+s16+$0x0] =	vst.idx.msk $0xffff, v11  }
0x5a5: {  	v8 =	vshrl.u32 v8, $0x3;
	v42 =	vshrl.u32 v24, $0x3;
	v24 =	vld [tilespmem:s19+$0xFFFFFF80];
	v28 =	vshll.u32 v22, v1;
	[tilespmem:v17+s16+$0x0] =	vst.idx.msk $0xffff, v15  }
0x5a6: {  	s29 =	sadd.s32 $0x200, s19;
	v11 =	vshrl.u32 v13, $0x3;
	v9 =	vshll.u32 v29, v1;
	v10 =	vshll.u32 v42, v1;
	v27 =	vld [tilespmem:s19+$0xFFFFFFC0];
	[tilespmem:v20+s16+$0x0] =	vst.idx.msk $0xffff, v18  }
0x5a7: {  	v13 =	vshll.u32 v26, v1;
	v42 =	vld [tilespmem:s29+$0xFFFFFE10];
	v51 =	vadd.s32 v51, v14;
	v10 =	vbroadcast v10, $0x0;
	[tilespmem:v21+s16+$0x0] =	vst.idx.msk $0xffff, v19  }
0x5a8: {  	v7 =	vshll.u32 v7, v1;
	v8 =	vshll.u32 v8, v1;
	v16 =	vbroadcast v28, $0x0;
	v17 =	vld [tilespmem:s19+$0xFFFFFE40];
	[tilespmem:v4+s16+$0x0] =	vst.idx.msk $0xffff, v25  }
0x5a9: {  	v9 =	vbroadcast v9, $0x0;
	v11 =	vshll.u32 v11, v1;
	v18 =	vld [tilespmem:s29+$0xFFFFFFD0];
	v29 =	vadd.s32 v63, v10;
	[tilespmem:v3+s16+$0x0] =	vst.idx.msk $0xffff, v23  }
0x5aa: {  	v13 =	vbroadcast v13, $0x0;
	v11 =	vbroadcast v11, $0x0;
	v3 =	vld [tilespmem:s29+$0xFFFFFE50];
	v63 =	vadd.s32 v36, v16;
	[tilespmem:v6+s16+$0x0] =	vst.idx.msk $0xffff, v24  }
0x5ab: {  	v7 =	vbroadcast v7, $0x0;
	v25 =	vadd.s32 v30, v9;
	v4 =	vbroadcast v8, $0x0;
	v24 =	vld [tilespmem:s29+$0xFFFFFE90];
	[tilespmem:v5+s16+$0x0] =	vst.idx.msk $0xffff, v27  }
0x5ac: {  	v26 =	vld [tilespmem:s29+$0xFFFFFED0];
	v28 =	vadd.s32 v33, v13;
	v27 =	vadd.s32 v44, v11;
	[tilespmem:v51+s16+$0x0] =	vst.idx.msk $0xffff, v42  }
0x5ad: {  	v33 =	vadd.s32 v41, v7;
	v36 =	vld [tilespmem:s29+$0xFFFFFF90];
	v41 =	vadd.s32 v34, v4;
	[tilespmem:v2+s16+$0x0] =	vst.idx.msk $0xffff, v17  }
0x5ae: {  	v2 =	vld [tilespmem:s29+$0xFFFFFF10];
	[tilespmem:v29+s16+$0x0] =	vst.idx.msk $0xffff, v18  }
0x5af: {  	[tilespmem:v63+s16+$0x0] =	vst.idx.msk $0xffff, v3;
	v3 =	vld [tilespmem:s29+$0xFFFFFF50]  }
0x5b0: {  	v30 =	vadd.s32 v58, v10;
	v29 =	vld [tilespmem:s29+$0xFFFFFFE0];
	[tilespmem:v25+s16+$0x0] =	vst.idx.msk $0xffff, v24  }
0x5b1: {  	v44 =	vadd.s32 v40, v16;
	v42 =	vld [tilespmem:s29+$0xFFFFFE60];
	[tilespmem:v27+s16+$0x0] =	vst.idx.msk $0xffff, v26  }
0x5b2: {  	v58 =	vadd.s32 v52, v9;
	v51 =	vld [tilespmem:s29+$0xFFFFFEA0];
	[tilespmem:v41+s16+$0x0] =	vst.idx.msk $0xffff, v36  }
0x5b3: {  	v63 =	vadd.s32 v48, v11;
	[tilespmem:v28+s16+$0x0] =	vst.idx.msk $0xffff, v2;
	v2 =	vld [tilespmem:s29+$0xFFFFFEE0]  }
0x5b4: {  	v26 =	vadd.s32 v35, v13;
	v25 =	vld [tilespmem:s29+$0xFFFFFF20];
	[tilespmem:v33+s16+$0x0] =	vst.idx.msk $0xffff, v3  }
0x5b5: {  	v34 =	vadd.s32 v31, v14;
	v33 =	vld [tilespmem:s29+$0xFFFFFE20];
	[tilespmem:v30+s16+$0x0] =	vst.idx.msk $0xffff, v29  }
0x5b6: {  	v24 =	vadd.s32 v0, v10;
	[tilespmem:v44+s16+$0x0] =	vst.idx.msk $0xffff, v42;
	v3 =	vld [tilespmem:s29+$0xFFFFFFF0]  }
0x5b7: {  	v28 =	vadd.s32 v43, v7;
	v27 =	vld [tilespmem:s29+$0xFFFFFF60];
	[tilespmem:v58+s16+$0x0] =	vst.idx.msk $0xffff, v51  }
0x5b8: {  	v29 =	vld [tilespmem:s29+$0xFFFFFFA0];
	v30 =	vadd.s32 v50, v4;
	[tilespmem:v63+s16+$0x0] =	vst.idx.msk $0xffff, v2  }
0x5b9: {  	v35 =	vadd.s32 v61, v16;
	v2 =	vld [tilespmem:s29+$0xFFFFFE70];
	[tilespmem:v26+s16+$0x0] =	vst.idx.msk $0xffff, v25  }
0x5ba: {  	v40 =	vadd.s32 v54, v9;
	v36 =	vld [tilespmem:s29+$0xFFFFFEB0];
	[tilespmem:v34+s16+$0x0] =	vst.idx.msk $0xffff, v33  }
0x5bb: {  	v42 =	vadd.s32 v49, v11;
	v41 =	vld [tilespmem:s29+$0xFFFFFEF0];
	[tilespmem:v24+s16+$0x0] =	vst.idx.msk $0xffff, v3  }
0x5bc: {  	v0 =	vadd.s32 v57, v10;
	[tilespmem:v28+s16+$0x0] =	vst.idx.msk $0xffff, v27;
	v3 =	vld [tilespmem:s29+$0x0]  }
0x5bd: {  	v44 =	vadd.s32 v37, v13;
	v43 =	vld [tilespmem:s29+$0xFFFFFF30];
	[tilespmem:v30+s16+$0x0] =	vst.idx.msk $0xffff, v29  }
0x5be: {  	v50 =	vadd.s32 v59, v4;
	v49 =	vld [tilespmem:s29+$0xFFFFFFB0];
	[tilespmem:v35+s16+$0x0] =	vst.idx.msk $0xffff, v2  }
0x5bf: {  	v48 =	vadd.s32 v45, v7;
	v2 =	vld [tilespmem:s29+$0xFFFFFF70];
	[tilespmem:v40+s16+$0x0] =	vst.idx.msk $0xffff, v36  }
0x5c0: {  	v52 =	vadd.s32 v46, v16;
	v51 =	vld [tilespmem:s29+$0xFFFFFE80];
	[tilespmem:v42+s16+$0x0] =	vst.idx.msk $0xffff, v41  }
0x5c1: {  	[tilespmem:v0+s16+$0x0] =	vst.idx.msk $0xffff, v3;
	v0 =	vld [tilespmem:s29+$0xFFFFFE30];
	v3 =	vadd.s32 v38, v14  }
0x5c2: {  	v9 =	vadd.s32 v32, v9;
	v54 =	vld [tilespmem:s29+$0xFFFFFEC0];
	[tilespmem:v44+s16+$0x0] =	vst.idx.msk $0xffff, v43  }
0x5c3: {  	v11 =	vadd.s32 v56, v11;
	v57 =	vld [tilespmem:s29+$0xFFFFFF00];
	[tilespmem:v50+s16+$0x0] =	vst.idx.msk $0xffff, v49  }
0x5c4: {  	v58 =	vadd.s32 v39, v13;
	[tilespmem:v48+s16+$0x0] =	vst.idx.msk $0xffff, v2;
	v2 =	vld [tilespmem:s29+$0xFFFFFF40]  }
0x5c5: {  	v4 =	vadd.s32 v55, v4;
	v59 =	vld [tilespmem:s29+$0xFFFFFFC0];
	[tilespmem:v52+s16+$0x0] =	vst.idx.msk $0xffff, v51  }
0x5c6: {  	[tilespmem:v3+s16+$0x0] =	vst.idx.msk $0xffff, v0;
	v0 =	vld [tilespmem:s29+$0xFFFFFF80];
	v3 =	vadd.s32 v47, v7  }
0x5c7: {  	v63 =	vadd.s32 v60, v14;
	[tilespmem:v9+s16+$0x0] =	vst.idx.msk $0xffff, v54;
	v61 =	vld [tilespmem:s29+$0xFFFFFE40]  }
0x5c8: {  	[tilespmem:v11+s16+$0x0] =	vst.idx.msk $0xffff, v57  }
0x5c9: {  	[tilespmem:v58+s16+$0x0] =	vst.idx.msk $0xffff, v2  }
0x5ca: {  	[tilespmem:v4+s16+$0x0] =	vst.idx.msk $0xffff, v59  }
0x5cb: {  	[tilespmem:v3+s16+$0x0] =	vst.idx.msk $0xffff, v0  }
0x5cc: {  	s30 =	simm.s32 $0xE600;
	[tilespmem:v63+s16+$0x0] =	vst.idx.msk $0xffff, v61  }
0x5cd: {  	[hbm4b:s8+s3] =	stream.linear.scatter [tilespmem:s30], [sflag:$0x2], $0x80, $0x38;
	[tilespmem:$0x10800] =	vst v63  }
0x5ce: {  	s31 =	simm.s32 $0xE688;
	s20 =	sadd.s32 $0x10, s8  }
0x5cf: {  	[hbm4b:s20+s3] =	stream.linear.scatter [tilespmem:s31], [sflag:$0x2], $0x80, $0x38;
	[tilespmem:$0x10800] =	vst v63  }
0x5d0: {  	s21 =	simm.s32 $0xE710;
	s22 =	sadd.s32 $0x20, s8;
	s23 =	simm.s32 $0xE798  }
0x5d1: {  	[hbm4b:s22+s3] =	stream.linear.scatter [tilespmem:s21], [sflag:$0x2], $0x80, $0x38;
	[tilespmem:$0x10800] =	vst v63  }
0x5d2: {  	s24 =	sadd.s32 $0x30, s8;
	s25 =	simm.s32 $0xE820;
	s26 =	sadd.s32 $0x40, s8  }
0x5d3: {  	[hbm4b:s24+s3] =	stream.linear.scatter [tilespmem:s23], [sflag:$0x2], $0x80, $0x38;
	[tilespmem:$0x10800] =	vst v63  }
0x5d4: {  	s28 =	simm.s32 $0xE8A8;
	s19 =	simm.s32 $0x440;
	s29 =	sadd.s32 $0x50, s8  }
0x5d5: {  	[hbm4b:s26+s3] =	stream.linear.scatter [tilespmem:s25], [sflag:$0x2], $0x80, $0x38;
	[tilespmem:$0x10800] =	vst v63  }
0x5d6: {  	s30 =	simm.s32 $0xE930;
	s31 =	sadd.s32 $0x60, s8;
	s20 =	sadd.s32 $0x4000, s8  }
0x5d7: {  	[hbm4b:s29+s3] =	stream.linear.scatter [tilespmem:s28], [sflag:$0x2], $0x80, $0x38;
	[tilespmem:$0x10800] =	vst v63  }
0x5d8: {  	s21 =	simm.s32 $0x2200;
	s22 =	simm.s32 $0xE9B8;
	s23 =	sadd.s32 $0x70, s8  }
0x5d9: {  	v61 =	vld [tilespmem:$0x1FD90];
	[hbm4b:s31+s3] =	stream.linear.scatter [tilespmem:s30], [sflag:$0x2], $0x80, $0x38  }
.LBB2_34:
0x5da: {  	[hbm4b:s23+s3] =	stream.linear.scatter [tilespmem:s22], [sflag:$0x2], $0x80, $0x38;
	[tilespmem:$0x10800] =	vst v63  }
0x5db: {  	s22 =	smov.u32 s19;
	s19 =	smov.u32 s21  }
0x5dc: {  	s24 =	sadd.s32 $0x1100, s21;
	s19 =	sshra.s32 s19, $0x2;
	s23 =	sadd.s32 $0xE600, s22  }
0x5dd: {  	[hbm4b:s20+s3] =	stream.linear.scatter [tilespmem:s23], [sflag:$0x2], $0x80, $0x38;
	[tilespmem:$0x10800] =	vst v63  }
0x5de: {  	p0 =	sne.s32 s21, $0x7700;
	s21 =	sadd.s32 $0xE688, s22;
	s23 =	sadd.s32 $0x10, s20  }
0x5df: {  	[hbm4b:s23+s3] =	stream.linear.scatter [tilespmem:s21], [sflag:$0x2], $0x80, $0x38;
	[tilespmem:$0x10800] =	vst v63  }
0x5e0: {  	s21 =	sadd.s32 $0xE710, s22;
	s23 =	sadd.s32 $0x20, s20  }
0x5e1: {  	[hbm4b:s23+s3] =	stream.linear.scatter [tilespmem:s21], [sflag:$0x2], $0x80, $0x38;
	[tilespmem:$0x10800] =	vst v63  }
0x5e2: {  	s21 =	sadd.s32 $0xE798, s22;
	s23 =	sadd.s32 $0x30, s20  }
0x5e3: {  	[hbm4b:s23+s3] =	stream.linear.scatter [tilespmem:s21], [sflag:$0x2], $0x80, $0x38;
	[tilespmem:$0x10800] =	vst v63  }
0x5e4: {  	s21 =	sadd.s32 $0xE820, s22;
	s23 =	sadd.s32 $0x40, s20  }
0x5e5: {  	[hbm4b:s23+s3] =	stream.linear.scatter [tilespmem:s21], [sflag:$0x2], $0x80, $0x38;
	[tilespmem:$0x10800] =	vst v63  }
.Ltmp16:
0x5e6: {  	s21 =	sadd.s32 $0xE8A8, s22;
	s23 =	sadd.s32 $0x50, s20;
	(pc) =	sbr.rel @p0 .LBB2_34-.Ltmp16, $4  }
0x5e7: {  	[hbm4b:s23+s3] =	stream.linear.scatter [tilespmem:s21], [sflag:$0x2], $0x80, $0x38;
	[tilespmem:$0x10800] =	vst v63  }
0x5e8: {  	s21 =	sadd.s32 $0xE930, s22;
	s23 =	sadd.s32 $0x60, s20;
	s22 =	sadd.s32 $0xE9B8, s22  }
0x5e9: {  	[hbm4b:s23+s3] =	stream.linear.scatter [tilespmem:s21], [sflag:$0x2], $0x80, $0x38;
	[tilespmem:$0x10800] =	vst v63  }
0x5ea: {  	s23 =	sadd.s32 $0x70, s20;
	s20 =	sadd.s32 $0x4000, s20;
	s21 =	smov.u32 s24  }
0x5eb: {  	[hbm4b:s23+s3] =	stream.linear.scatter [tilespmem:s22], [sflag:$0x2], $0x80, $0x38;
	[tilespmem:$0x10800] =	vst v63  }
0x5ec: {  	s21 =	sadd.s32 $0xE600, s19  }
0x5ed: {  	[hbm4b:s20+s3] =	stream.linear.scatter [tilespmem:s21], [sflag:$0x2], $0x80, $0x38;
	[tilespmem:$0x10800] =	vst v63  }
0x5ee: {  	s25 =	sadd.s32 $0xE688, s19;
	s26 =	sadd.s32 $0x10, s20  }
0x5ef: {  	[hbm4b:s26+s3] =	stream.linear.scatter [tilespmem:s25], [sflag:$0x2], $0x80, $0x38;
	[tilespmem:$0x10800] =	vst v63  }
0x5f0: {  	s28 =	sadd.s32 $0xE710, s19;
	s29 =	sadd.s32 $0x20, s20  }
0x5f1: {  	[hbm4b:s29+s3] =	stream.linear.scatter [tilespmem:s28], [sflag:$0x2], $0x80, $0x38;
	[tilespmem:$0x10800] =	vst v63  }
0x5f2: {  	s30 =	sadd.s32 $0xE798, s19;
	s31 =	sadd.s32 $0x30, s20  }
0x5f3: {  	[hbm4b:s31+s3] =	stream.linear.scatter [tilespmem:s30], [sflag:$0x2], $0x80, $0x38;
	[tilespmem:$0x10800] =	vst v63  }
0x5f4: {  	s23 =	sadd.s32 $0xE820, s19;
	s24 =	sadd.s32 $0x40, s20  }
0x5f5: {  	[hbm4b:s24+s3] =	stream.linear.scatter [tilespmem:s23], [sflag:$0x2], $0x80, $0x38;
	[tilespmem:$0x10800] =	vst v63  }
0x5f6: {  	s25 =	sadd.s32 $0xE8A8, s19;
	s26 =	sadd.s32 $0x50, s20  }
0x5f7: {  	[hbm4b:s26+s3] =	stream.linear.scatter [tilespmem:s25], [sflag:$0x2], $0x80, $0x38;
	[tilespmem:$0x10800] =	vst v63  }
0x5f8: {  	s28 =	sadd.s32 $0xE930, s19;
	s29 =	sadd.s32 $0x60, s20  }
0x5f9: {  	[hbm4b:s29+s3] =	stream.linear.scatter [tilespmem:s28], [sflag:$0x2], $0x80, $0x38;
	[tilespmem:$0x10800] =	vst v63  }
0x5fa: {  	s30 =	sadd.s32 $0xE9B8, s19;
	s31 =	sadd.s32 $0x70, s20  }
0x5fb: {  	[hbm4b:s31+s3] =	stream.linear.scatter [tilespmem:s30], [sflag:$0x2], $0x80, $0x38;
	[tilespmem:$0x10800] =	vst v63  }
0x5fc: {  	_ =	swait.ge [sflag:s17], $0x2000  }
0x5fd: {  	[sflag:s17] =	ssyncset.done $0x0  }
0x5fe: {  	[sflag:s17] =	ssyncadd.s32 $0xFFFFE000  }
0x5ff: {  	_ =	swait.ge [sflag:s17], $0x2000  }
0x600: {  	v29 =	vld [tilespmem:$0x1FD80]  }
0x601: {  	v32 =	vld [tilespmem:$0x1FDE0]  }
0x602: {  	v33 =	vld [tilespmem:$0x1FFC0]  }
0x603: {  	v35 =	vld [tilespmem:$0x1FFD0]  }
0x604: {  	v37 =	vld [tilespmem:$0x1FFE0]  }
0x605: {  	v39 =	vld [tilespmem:$0x1FFF0]  }
0x606: {  	v40 =	vld [tilespmem:$0x1FFB0]  }
0x607: {  	v41 =	vld [tilespmem:$0x1FFA0]  }
0x608: {  	v43 =	vld [tilespmem:$0x1FED0]  }
0x609: {  	v44 =	vld [tilespmem:$0x1FDA0]  }
0x60a: {  	v45 =	vld [tilespmem:$0x1FE30]  }
0x60b: {  	v47 =	vld [tilespmem:$0x1FE60]  }
0x60c: {  	v48 =	vld [tilespmem:$0x1FE90]  }
0x60d: {  	v25 =	vld [tilespmem:$0x1FDD0]  }
0x60e: {  	v26 =	vld [tilespmem:$0x1FDB0]  }
0x60f: {  	v27 =	vld [tilespmem:$0x1FDF0]  }
0x610: {  	v31 =	vld [tilespmem:$0x1FE00]  }
0x611: {  	v28 =	vld [tilespmem:$0x1FE40]  }
0x612: {  	v36 =	vld [tilespmem:$0x1FE10]  }
0x613: {  	s18 =	sadd.s32 $0x1, s18;
	v2 =	vld [tilespmem:$0x1FE20]  }
0x614: {  	p0 =	sne.s32 s18, s9;
	v49 =	vld [tilespmem:$0x1FE50]  }
.Ltmp17:
0x615: {  	v3 =	vld [tilespmem:$0x1FE70];
	(pc) =	sbr.rel @p0 .LBB2_1-.Ltmp17, $4  }
0x616: {  	v59 =	vld [tilespmem:$0x1FE80]  }
0x617: {  	v24 =	vld [tilespmem:$0x1FEA0]  }
0x618: {  	[sflag:s17] =	ssyncset.done $0x0;
	v34 =	vld [tilespmem:$0x1FEB0]  }
0x619: {  	v38 =	vmov v53;
	v23 =	vld [tilespmem:$0x1FEC0];
	[sflag:s17] =	ssyncadd.s32 $0xFFFFE000;
	v53 =	vmov v2  }
0x61a: {  	_ =	sfence.sel $0x180000  }
0x61b: {  	[bflag:$0x0] =	sbarrier.arrive $0xFFFF  }
0x61c: {  	p0 =	sne.s32 s0, $0x0;
	_ =	strace $0x90000047  }
0x61d: {  	s0 =	sadd.s32 @!p0 $0x100000, s1;
	[bflag:$0x2] =	sbarrier.arrive $0xFFFF  }
0x61e: {  	[sflag:s0] =	ssyncadd.tile.s32 @!p0 $0x1;
	_ =	shalt  }
.Lfunc_end2:
_tile_overlayer_lowered:
.L_overlay_start_2:
0x61f: {  	(tag) =	ssettag $0x2  }
0x620: {  	s0 =	rddreg [dreg:$0x0];
	s2 =	stileid.u32  }
0x621: {  	s1 =	rddreg [dreg:$0x1];
	p0 =	sne.s32 s2, $0x0  }
0x622: {  	s3 =	rddreg [dreg:$0x2];
	[bflag:$0x3] =	sbarrier.arrive $0xFFFF;
	s2 =	simm.s32 @!p0 $0x1C03  }
0x623: {  	[timem:s3], [sflag:s2] =	dma.local @!p0 [hbm:s0], s1  }
0x624: {  	s0 =	simm.s32 @!p0 $0x3  }
0x625: {  	_ =	swait.ge @!p0 [sflag:s0], s1  }
0x626: {  	s1 =	ssub.s32 @!p0 $0x0, s1;
	[sflag:s0] =	ssyncset.done @!p0 $0x0  }
0x627: {  	[sflag:s0] =	ssyncadd.s32 @!p0 s1  }
0x628: {  	[bflag:$0x3] =	sbarrier.arrive $0xFFFF  }
0x629: {  	_ =	shalt  }

</sc_bundles>
